<compile_context>
chip_gen: v7x
topology: tpu7x:2x2x1
jax: 0.10.2.dev20260603
libtpu: 0.0.44.dev20260713+nightly
codegen_flags: <defaults>
</compile_context>

<pallas_src>
import functools

import jax
import jax.numpy as jnp
import numpy as np
from jax import lax
from jax.experimental import pallas as pl
from jax.experimental.pallas import tpu as pltpu
from jax.experimental.pallas import tpu_sc as plsc

_RRF_KCONST = 60.0
_EMPTY = np.int32(-1)
_H = 2048
_HSH = np.int32(32 - 11)
_L = 16
_NW = 32
_HASH_MULT = np.int32(-1640531527)


def _bubble5(acc, cs, cd):
    (s0, s1, s2, s3, s4, d0, d1, d2, d3, d4) = acc
    new = []
    for si, di in ((s0, d0), (s1, d1), (s2, d2), (s3, d3), (s4, d4)):
        better = (cs > si) | ((cs == si) & (cd < di))
        ns = jnp.where(better, cs, si)
        nd = jnp.where(better, cd, di)
        cs = jnp.where(better, si, cs)
        cd = jnp.where(better, di, cd)
        new.append((ns, nd))
    return (new[0][0], new[1][0], new[2][0], new[3][0], new[4][0],
            new[0][1], new[1][1], new[2][1], new[3][1], new[4][1])


def _fuse_body(ids_hbm, pos_hbm, sc_hbm, out_hbm,
               blk_rm0, blk_rm1, blk, tid, ts, srec, ovf, cand_s, cand_d,
               sc_v, pos_v, outb0, outb1, sem0, sem1, semo):
    N = sc_hbm.shape[0]
    B = pos_hbm.shape[0]
    rows_per_w = B // _NW
    groups = rows_per_w // _L
    wid = lax.axis_index("s") * 2 + lax.axis_index("c")
    lane = lax.iota(jnp.int32, _L)
    blk_rms = (blk_rm0, blk_rm1)
    outbs = (outb0, outb1)
    sems = (sem0, sem1)

    cps = []
    for g in range(groups):
        base = wid * rows_per_w + g * _L
        cps.append(pltpu.async_copy(
            ids_hbm.at[pl.ds(base * np.int32(N), N * _L)],
            blk_rms[g], sems[g]))

    pltpu.sync_copy(sc_hbm, sc_v)

    @plsc.parallel_loop(0, _H, unroll=8)
    def _clear(h):
        tid[pl.ds(h * _L, _L)] = jnp.full((_L,), _EMPTY, jnp.int32)

    zf = jnp.zeros((_L,), jnp.float32)
    zi = jnp.zeros((_L,), jnp.int32)
    neg1 = jnp.full((_L,), -1.0, jnp.float32)
    emptyv = jnp.full((_L,), _EMPTY, jnp.int32)
    hmask = np.int32(_H - 1)
    out_cp = None

    for g in range(groups):
        base = wid * rows_per_w + g * _L
        blk_rm = blk_rms[g]
        outb = outbs[g]
        cps[g].wait()
        pltpu.sync_copy(pos_hbm.at[pl.ds(base, _L)], pos_v)

        lane_n = lane * np.int32(N)

        @plsc.parallel_loop(0, N, unroll=16)
        def _tr(j):
            rot = (lane + (j & np.int32(_L - 1))) & np.int32(_L - 1)
            jd = (j & np.int32(~(_L - 1))) + rot
            v = plsc.load_gather(blk_rm, [lane_n + jd])
            plsc.store_scatter(blk, [jd * np.int32(_L) + lane], v)

        def build_body(t, ocnt):
            offs = [t * np.int32(4 * _L) + np.int32(u * _L) for u in range(4)]
            jbase = t * np.int32(4)
            vids = [blk[pl.ds(o, _L)] for o in offs]
            sjs = [plsc.load_gather(
                sc_v, [jnp.full((_L,), jbase + np.int32(u), jnp.int32)])
                for u in range(4)]
            s1s, s2s, st1s, st2s = [], [], [], []
            for u in range(4):
                h = lax.shift_right_logical(vids[u] * _HASH_MULT, _HSH)
                s1s.append(h * np.int32(_L) + lane)
                s2s.append((((h + 1) & hmask) * np.int32(_L)) + lane)
            for u in range(4):
                st1s.append(plsc.load_gather(tid, [s1s[u]]))
                st2s.append(plsc.load_gather(tid, [s2s[u]]))

            ms, es, slots, overs = [], [], [], []
            for u in range(4):
                vid = vids[u]
                m1 = st1s[u] == vid
                e1 = st1s[u] == _EMPTY
                m2 = st2s[u] == vid
                e2 = st2s[u] == _EMPTY
                for q in range(u):
                    cl = es[q]
                    e1 = e1 & ~(cl & (s1s[u] == slots[q]))
                    e2 = e2 & ~(cl & (s2s[u] == slots[q]))
                hit1 = m1 | e1
                m_own = m1 | ((~hit1) & m2)
                e_own = e1 | ((~hit1) & e2)
                slot_own = jnp.where(hit1, s1s[u], s2s[u])
                if u == 0:
                    m_u, e_u, slot_u = m_own, e_own, slot_own
                else:
                    same_any = jnp.zeros((_L,), jnp.bool_)
                    follow_hit = jnp.zeros((_L,), jnp.bool_)
                    follow_slot = slot_own
                    for q in range(u):
                        same_q = vid == vids[q]
                        hit_q = ms[q] | es[q]
                        same_any = same_any | same_q
                        follow_slot = jnp.where(same_q & hit_q,
                                                slots[q], follow_slot)
                        follow_hit = follow_hit | (same_q & hit_q)
                    m_u = ((~same_any) & m_own) | follow_hit
                    e_u = (~same_any) & e_own
                    slot_u = jnp.where(follow_hit, follow_slot, slot_own)
                ms.append(m_u)
                es.append(e_u)
                slots.append(slot_u)
                overs.append(~(m_u | e_u))

            for u in range(4):
                plsc.store_scatter(tid, [slots[u]], vids[u], mask=es[u])
                plsc.store_scatter(ts, [slots[u]], sjs[u], mask=es[u])
                plsc.addupdate_scatter(ts, [slots[u]], sjs[u], mask=ms[u])
                srec[pl.ds(offs[u], _L)] = jnp.where(es[u], slots[u], _EMPTY)
            for u in range(4):
                plsc.store_scatter(
                    ovf, [ocnt * np.int32(_L) + lane],
                    jnp.full((_L,), jbase + np.int32(u), jnp.int32),
                    mask=overs[u])
                ocnt = ocnt + jnp.where(overs[u], 1, 0)
            return ocnt

        ocnt = lax.fori_loop(0, N // 4, build_body, zi)

        def ocond(carry):
            k, _h, _f = carry
            return jnp.any(k < ocnt)

        def obody(carry):
            k, h, fresh = carry
            active = k < ocnt
            jv = plsc.load_gather(ovf, [k * np.int32(_L) + lane], mask=active)
            ioff = jv * np.int32(_L) + lane
            vid = plsc.load_gather(blk, [ioff], mask=active)
            sj = plsc.load_gather(sc_v, [jv], mask=active)
            h = jnp.where(fresh,
                          lax.shift_right_logical(vid * _HASH_MULT, _HSH), h)
            slot = h * np.int32(_L) + lane
            stored = plsc.load_gather(tid, [slot], mask=active)
            is_match = active & (stored == vid)
            is_empty = active & (stored == _EMPTY)
            hit = is_match | is_empty
            plsc.store_scatter(tid, [slot], vid, mask=is_empty)
            plsc.store_scatter(ts, [slot], sj, mask=is_empty)
            plsc.addupdate_scatter(ts, [slot], sj, mask=is_match)
            plsc.store_scatter(srec, [ioff], slot, mask=is_empty)
            return (k + jnp.where(hit, 1, 0),
                    jnp.where(hit, h, (h + 1) & hmask),
                    hit)

        lax.while_loop(ocond, obody, (zi, zi, jnp.ones((_L,), jnp.bool_)))

        init = (zf, zf, zf, zf, zf, zi, zi, zi, zi, zi)

        acc0 = init
        k0 = N // 4
        for j in (0, 1, k0, k0 + 1, 2 * k0, 2 * k0 + 1,
                  3 * k0, 3 * k0 + 1):
            if j >= N:
                continue
            off = j * _L
            slot = srec[pl.ds(off, _L)]
            cd = blk[pl.ds(off, _L)]
            first = slot >= 0
            cs = plsc.load_gather(ts, [slot], mask=first)
            cs = jnp.where(first, cs, neg1)
            acc0 = _bubble5(acc0, cs, cd)
        s4 = acc0[4]
        d4 = acc0[9]

        @plsc.parallel_loop(0, N, unroll=4, carry=zi)
        def _filt(j, cnt):
            off = j * np.int32(_L)
            slot = srec[pl.ds(off, _L)]
            cd = blk[pl.ds(off, _L)]
            first = slot >= 0
            cs = plsc.load_gather(ts, [slot], mask=first)
            cs = jnp.where(first, cs, neg1)
            geq = (cs > s4) | ((cs == s4) & (cd <= d4))
            idx = cnt * np.int32(_L) + lane
            plsc.store_scatter(cand_s, [idx], cs, mask=geq)
            plsc.store_scatter(cand_d, [idx], cd, mask=geq)
            return cnt + jnp.where(geq, 1, 0)

        ccnt = _filt
        maxc = lax.reduce_max(ccnt, (0,))

        def fin_body(c, acc):
            cv = jnp.full((_L,), c, jnp.int32)
            active = cv < ccnt
            idx = cv * np.int32(_L) + lane
            s = plsc.load_gather(cand_s, [idx], mask=active)
            d = plsc.load_gather(cand_d, [idx], mask=active)
            s = jnp.where(active, s, neg1)
            return _bubble5(acc, s, d)

        acc_a = lax.fori_loop(0, maxc, fin_body, init)
        d_top = acc_a[5:]

        if g + 1 < groups:
            @plsc.parallel_loop(0, N, unroll=4)
            def _rc(j):
                slot = srec[pl.ds(j * np.int32(_L), _L)]
                plsc.store_scatter(tid, [slot], emptyv, mask=slot >= 0)

        p = pos_v[:]
        res = d_top[0]
        for i in range(1, 5):
            res = jnp.where(p == np.int32(i), d_top[i], res)
        outb[:] = res
        out_cp = pltpu.async_copy(outb, out_hbm.at[pl.ds(base, _L)], semo)
        if g + 1 == groups:
            out_cp.wait()
        else:
            prev_out_cp = out_cp

    if groups > 1:
        prev_out_cp.wait()


def kernel(index_batch, positions, weight):
    B, T, K = index_batch.shape
    N = T * K
    rank = jnp.arange(1, K + 1, dtype=jnp.float32)
    teacher_w = weight[:T][:, None]
    slot_scores = (teacher_w / (_RRF_KCONST + rank[None, :])).reshape(-1)
    ids_flat = index_batch.reshape(B * N)

    run = functools.partial(
        pl.kernel,
        out_type=jax.ShapeDtypeStruct((B,), jnp.int32),
        mesh=plsc.VectorSubcoreMesh(core_axis_name="c", subcore_axis_name="s"),
        compiler_params=pltpu.CompilerParams(needs_layout_passes=False),
        scratch_types=[
            pltpu.VMEM((N * _L,), jnp.int32),
            pltpu.VMEM((N * _L,), jnp.int32),
            pltpu.VMEM((N * _L,), jnp.int32),
            pltpu.VMEM((_H * _L,), jnp.int32),
            pltpu.VMEM((_H * _L,), jnp.float32),
            pltpu.VMEM((N * _L,), jnp.int32),
            pltpu.VMEM((N * _L,), jnp.int32),
            pltpu.VMEM((N * _L,), jnp.float32),
            pltpu.VMEM((N * _L,), jnp.int32),
            pltpu.VMEM((N,), jnp.float32),
            pltpu.VMEM((_L,), jnp.int32),
            pltpu.VMEM((_L,), jnp.int32),
            pltpu.VMEM((_L,), jnp.int32),
            pltpu.SemaphoreType.DMA,
            pltpu.SemaphoreType.DMA,
            pltpu.SemaphoreType.DMA,
        ],
    )(_fuse_body)
    return run(ids_flat, positions, slot_scores)

# --- scband reference (transcript-rebuilt; emitter-appended) ---
"""Pipeline reference for scband-povaryoshka-encoder-teacher-pool-78855599554591 (READ-ONLY COPY).

The authoritative reference and input builder live on the scoring server;
editing this copy changes nothing except your own understanding.
"""

import jax, jax.numpy as jnp
import numpy as np

RRF_K = 60.0
TOP_K = 128
TEACHERS = 4
BATCH = 1024
VOCAB = 1000000


def setup_inputs(seed: int = 0) -> dict:
    key = jax.random.key(seed)
    k1, k2 = jax.random.split(key)
    # per-query, per-teacher ranked doc indices: [B, T, K]
    index_batch = jax.random.randint(k1, (BATCH, TEACHERS, TOP_K), 0, VOCAB, dtype=jnp.int32)
    # positive document position in fused ranking (torch code: randint(0, 5, (B,)))
    positions = jax.random.randint(k2, (BATCH,), 0, 5, dtype=jnp.int32)
    # learned parameter: nn.Parameter(torch.ones(teacher_amount))
    weight = jnp.ones((TEACHERS,), dtype=jnp.float32)
    return {"index_batch": index_batch, "positions": positions, "weight": weight}


def reference(index_batch, positions, weight):
    B, T, K = index_batch.shape
    # ranking tensor arange(1, K+1) expanded over teachers
    rank = jnp.arange(1, K + 1, dtype=jnp.float32)
    teacher_w = weight[:T][:, None]
    rrf_score = (teacher_w / (RRF_K + rank[None, :])).reshape(-1)  # [T*K]

    def fuse_row(doc_ids_row):
        doc_ids = doc_ids_row.reshape(-1)  # [T*K]
        uniq, inv = jnp.unique(doc_ids, return_inverse=True, size=T * K, fill_value=0)
        inv = inv.reshape(-1)
        fused = jnp.zeros((uniq.shape[0],), dtype=rrf_score.dtype).at[inv].add(rrf_score)
        order = jnp.argsort(-fused)  # descending
        return uniq[order][:K]

    fused_ranked_index_batch = jax.vmap(fuse_row)(index_batch)  # [B, K]
    positive_document_index = fused_ranked_index_batch[jnp.arange(B), positions]
    return positive_document_index

if __name__ == "__main__":
    import jax
    _d = setup_inputs()
    print(jax.jit(kernel)(*tuple(_d.values())))

</pallas_src>

<mosaic_0001>
#map = affine_map<(d0, d1) -> (0)>
module attributes {stable_mosaic.version = 14 : i64} {
  func.func @_fuse_body(%arg0: i32, %arg1: i32, %arg2: memref<524288xi32, #tpu.memory_space<hbm>>, %arg3: memref<1024xi32, #tpu.memory_space<hbm>>, %arg4: memref<512xf32, #tpu.memory_space<hbm>>, %arg5: memref<1024xi32, #tpu.memory_space<hbm>>, %arg6: memref<8192xi32, #tpu.memory_space<vmem>>, %arg7: memref<8192xi32, #tpu.memory_space<vmem>>, %arg8: memref<8192xi32, #tpu.memory_space<vmem>>, %arg9: memref<32768xi32, #tpu.memory_space<vmem>>, %arg10: memref<32768xf32, #tpu.memory_space<vmem>>, %arg11: memref<8192xi32, #tpu.memory_space<vmem>>, %arg12: memref<8192xi32, #tpu.memory_space<vmem>>, %arg13: memref<8192xf32, #tpu.memory_space<vmem>>, %arg14: memref<8192xi32, #tpu.memory_space<vmem>>, %arg15: memref<512xf32, #tpu.memory_space<vmem>>, %arg16: memref<16xi32, #tpu.memory_space<vmem>>, %arg17: memref<16xi32, #tpu.memory_space<vmem>>, %arg18: memref<16xi32, #tpu.memory_space<vmem>>, %arg19: memref<!tpu.dma_semaphore, #tpu.memory_space<semaphore_mem>>, %arg20: memref<!tpu.dma_semaphore, #tpu.memory_space<semaphore_mem>>, %arg21: memref<!tpu.dma_semaphore, #tpu.memory_space<semaphore_mem>>) attributes {dimension_semantics = [#tpu.dimension_semantics<core_parallel>, #tpu.dimension_semantics<subcore_parallel>], iteration_bounds = array<i64: 2, 16>, scalar_prefetch = 0 : i64, scratch_operands = 16 : i64, tpu.core_type = #tpu.core_type<sc_vector_subcore>, window_params = [{transform_indices = #map}, {transform_indices = #map}, {transform_indices = #map}, {transform_indices = #map}]} {
    %mul3A = arith.constant 2 : i32
    %mul3A_0 = arith.muli %arg1, %mul3A : i32
    %add3A = arith.addi %mul3A_0, %arg0 : i32
    %iota3A = tpu.iota {dimensions = array<i32: 0>} : vector<16xi32>
    %mul3A_1 = arith.constant 32 : i32
    %mul3A_2 = arith.muli %add3A, %mul3A_1 : i32
    %add3A_3 = arith.constant 0 : i32
    %add3A_4 = arith.addi %mul3A_2, %add3A_3 : i32
    %mul3A_5 = arith.constant 512 : i32
    %mul3A_6 = arith.muli %add3A_4, %mul3A_5 : i32
    %dma_start3A = tpu.memref_slice %arg2[%mul3A_6] : memref<524288xi32, #tpu.memory_space<hbm>> -> memref<8192xi32, #tpu.memory_space<hbm>>
    %dma_start3A_7 = tpu.memref_slice %arg2[%mul3A_6] : memref<524288xi32, #tpu.memory_space<hbm>> -> memref<8192xi32, #tpu.memory_space<hbm>>
    tpu.enqueue_dma source(%dma_start3A_7 : memref<8192xi32, #tpu.memory_space<hbm>>) target(%arg6 : memref<8192xi32, #tpu.memory_space<vmem>>) target_semaphore(%arg19 : memref<!tpu.dma_semaphore, #tpu.memory_space<semaphore_mem>>)
    %mul3A_8 = arith.constant 32 : i32
    %mul3A_9 = arith.muli %add3A, %mul3A_8 : i32
    %add3A_10 = arith.constant 16 : i32
    %add3A_11 = arith.addi %mul3A_9, %add3A_10 : i32
    %mul3A_12 = arith.constant 512 : i32
    %mul3A_13 = arith.muli %add3A_11, %mul3A_12 : i32
    %dma_start3A_14 = tpu.memref_slice %arg2[%mul3A_13] : memref<524288xi32, #tpu.memory_space<hbm>> -> memref<8192xi32, #tpu.memory_space<hbm>>
    %dma_start3A_15 = tpu.memref_slice %arg2[%mul3A_13] : memref<524288xi32, #tpu.memory_space<hbm>> -> memref<8192xi32, #tpu.memory_space<hbm>>
    tpu.enqueue_dma source(%dma_start3A_15 : memref<8192xi32, #tpu.memory_space<hbm>>) target(%arg7 : memref<8192xi32, #tpu.memory_space<vmem>>) target_semaphore(%arg20 : memref<!tpu.dma_semaphore, #tpu.memory_space<semaphore_mem>>)
    "tpu.region"() ({
      %run_scoped3A = tpu.sem_alloc : memref<!tpu.dma_semaphore, #tpu.memory_space<semaphore_mem>>
      tpu.enqueue_dma source(%arg4 : memref<512xf32, #tpu.memory_space<hbm>>) target(%arg15 : memref<512xf32, #tpu.memory_space<vmem>>) target_semaphore(%run_scoped3A : memref<!tpu.dma_semaphore, #tpu.memory_space<semaphore_mem>>)
      tpu.wait_dma2 semaphore(%run_scoped3A : memref<!tpu.dma_semaphore, #tpu.memory_space<semaphore_mem>>) src(%arg4 : memref<512xf32, #tpu.memory_space<hbm>>) dst(%arg15 : memref<512xf32, #tpu.memory_space<vmem>>)
      tpu.yield
    }) : () -> ()
    %parallel_loop3A = arith.constant 0 : i32
    %parallel_loop3A_16 = arith.constant 2048 : i32
    %parallel_loop3A_17 = arith.constant 1 : i32
    scf.for %parallel_loop3A_1014 = %parallel_loop3A to %parallel_loop3A_16 step %parallel_loop3A_17  : i32 {
      %parallel_loop3A_1015 = arith.constant -1 : i32
      %parallel_loop3A_1016 = vector.broadcast %parallel_loop3A_1015 : i32 to vector<16xi32>
      %parallel_loop3A_1017 = arith.constant 16 : i32
      %parallel_loop3A_1018 = arith.muli %parallel_loop3A_1014, %parallel_loop3A_1017 : i32
      %parallel_loop3A_1019 = arith.index_cast %parallel_loop3A_1018 : i32 to index
      %parallel_loop3A_1020 = tpu.vector_load %arg9[%parallel_loop3A_1019] {strides = array<i32>} : memref<32768xi32, #tpu.memory_space<vmem>>, vector<16xi32>,
      tpu.vector_store %arg9[%parallel_loop3A_1019], %parallel_loop3A_1016 {strides = array<i32>} : memref<32768xi32, #tpu.memory_space<vmem>>, vector<16xi32>,
    } {sc.loop_unroll_factor = 8 : i64, sc.parallel_access}
    %broadcast_in_dim3A = arith.constant 0.000000e+00 : f32
    %broadcast_in_dim3A_18 = vector.broadcast %broadcast_in_dim3A : f32 to vector<16xf32>
    %broadcast_in_dim3A_19 = arith.constant 0 : i32
    %broadcast_in_dim3A_20 = vector.broadcast %broadcast_in_dim3A_19 : i32 to vector<16xi32>
    %broadcast_in_dim3A_21 = arith.constant -1.000000e+00 : f32
    %broadcast_in_dim3A_22 = vector.broadcast %broadcast_in_dim3A_21 : f32 to vector<16xf32>
    %broadcast_in_dim3A_23 = arith.constant -1 : i32
    %broadcast_in_dim3A_24 = vector.broadcast %broadcast_in_dim3A_23 : i32 to vector<16xi32>
    %mul3A_25 = arith.constant 32 : i32
    %mul3A_26 = arith.muli %add3A, %mul3A_25 : i32
    %add3A_27 = arith.constant 0 : i32
    %add3A_28 = arith.addi %mul3A_26, %add3A_27 : i32
    %dma_wait3A = tpu.memref_slice %arg2[%mul3A_6] : memref<524288xi32, #tpu.memory_space<hbm>> -> memref<8192xi32, #tpu.memory_space<hbm>>
    %dma_wait3A_29 = tpu.memref_slice %arg2[%mul3A_6] : memref<524288xi32, #tpu.memory_space<hbm>> -> memref<8192xi32, #tpu.memory_space<hbm>>
    tpu.wait_dma2 semaphore(%arg19 : memref<!tpu.dma_semaphore, #tpu.memory_space<semaphore_mem>>) src(%dma_wait3A_29 : memref<8192xi32, #tpu.memory_space<hbm>>) dst(%arg6 : memref<8192xi32, #tpu.memory_space<vmem>>)
    "tpu.region"() ({
      %run_scoped3A = tpu.sem_alloc : memref<!tpu.dma_semaphore, #tpu.memory_space<semaphore_mem>>
      %dma_start3A_1014 = tpu.memref_slice %arg3[%add3A_28] : memref<1024xi32, #tpu.memory_space<hbm>> -> memref<16xi32, #tpu.memory_space<hbm>>
      %dma_start3A_1015 = tpu.memref_slice %arg3[%add3A_28] : memref<1024xi32, #tpu.memory_space<hbm>> -> memref<16xi32, #tpu.memory_space<hbm>>
      tpu.enqueue_dma source(%dma_start3A_1015 : memref<16xi32, #tpu.memory_space<hbm>>) target(%arg16 : memref<16xi32, #tpu.memory_space<vmem>>) target_semaphore(%run_scoped3A : memref<!tpu.dma_semaphore, #tpu.memory_space<semaphore_mem>>)
      %dma_wait3A_1016 = tpu.memref_slice %arg3[%add3A_28] : memref<1024xi32, #tpu.memory_space<hbm>> -> memref<16xi32, #tpu.memory_space<hbm>>
      %dma_wait3A_1017 = tpu.memref_slice %arg3[%add3A_28] : memref<1024xi32, #tpu.memory_space<hbm>> -> memref<16xi32, #tpu.memory_space<hbm>>
      tpu.wait_dma2 semaphore(%run_scoped3A : memref<!tpu.dma_semaphore, #tpu.memory_space<semaphore_mem>>) src(%dma_wait3A_1017 : memref<16xi32, #tpu.memory_space<hbm>>) dst(%arg16 : memref<16xi32, #tpu.memory_space<vmem>>)
      tpu.yield
    }) : () -> ()
    %mul3A_30 = arith.constant 512 : i32
    %mul3A_31 = vector.broadcast %mul3A_30 : i32 to vector<16xi32>
    %mul3A_32 = arith.muli %iota3A, %mul3A_31 : vector<16xi32>
    %parallel_loop3A_33 = arith.constant 0 : i32
    %parallel_loop3A_34 = arith.constant 512 : i32
    %parallel_loop3A_35 = arith.constant 1 : i32
    scf.for %parallel_loop3A_1014 = %parallel_loop3A_33 to %parallel_loop3A_34 step %parallel_loop3A_35  : i32 {
      %parallel_loop3A_1015 = arith.constant 15 : i32
      %parallel_loop3A_1016 = arith.andi %parallel_loop3A_1014, %parallel_loop3A_1015 : i32
      %parallel_loop3A_1017 = vector.broadcast %parallel_loop3A_1016 : i32 to vector<16xi32>
      %parallel_loop3A_1018 = arith.addi %iota3A, %parallel_loop3A_1017 : vector<16xi32>
      %parallel_loop3A_1019 = arith.constant 15 : i32
      %parallel_loop3A_1020 = vector.broadcast %parallel_loop3A_1019 : i32 to vector<16xi32>
      %parallel_loop3A_1021 = arith.andi %parallel_loop3A_1018, %parallel_loop3A_1020 : vector<16xi32>
      %parallel_loop3A_1022 = arith.constant -16 : i32
      %parallel_loop3A_1023 = arith.andi %parallel_loop3A_1014, %parallel_loop3A_1022 : i32
      %parallel_loop3A_1024 = vector.broadcast %parallel_loop3A_1023 : i32 to vector<16xi32>
      %parallel_loop3A_1025 = arith.addi %parallel_loop3A_1024, %parallel_loop3A_1021 : vector<16xi32>
      %parallel_loop3A_1026 = arith.addi %mul3A_32, %parallel_loop3A_1025 : vector<16xi32>
      %parallel_loop3A_1027 = tpu.vector_load_idx %arg6[%parallel_loop3A_1026] : memref<8192xi32, #tpu.memory_space<vmem>>[vector<16xi32>], vector<16xi32>,
      %parallel_loop3A_1028 = arith.constant 16 : i32
      %parallel_loop3A_1029 = vector.broadcast %parallel_loop3A_1028 : i32 to vector<16xi32>
      %parallel_loop3A_1030 = arith.muli %parallel_loop3A_1025, %parallel_loop3A_1029 : vector<16xi32>
      %parallel_loop3A_1031 = arith.addi %parallel_loop3A_1030, %iota3A : vector<16xi32>
      tpu.vector_store_idx %arg8[%parallel_loop3A_1031], %parallel_loop3A_1027 : memref<8192xi32, #tpu.memory_space<vmem>>[vector<16xi32>], vector<16xi32>,
    } {sc.loop_unroll_factor = 16 : i64, sc.parallel_access}
    %scan3A = arith.constant 0 : i32
    %scan3A_36 = arith.constant 128 : i32
    %scan3A_37 = arith.addi %scan3A, %scan3A_36 : i32
    %scan3A_38 = arith.constant 1 : i32
    %scan3A_39 = scf.for %scan3A_1014 = %scan3A to %scan3A_37 step %scan3A_38 iter_args(%scan3A_1015 = %broadcast_in_dim3A_20) -> (vector<16xi32>)  : i32 {
      %mul3A_1016 = arith.constant 64 : i32
      %mul3A_1017 = arith.muli %scan3A_1014, %mul3A_1016 : i32
      %add3A_1018 = arith.constant 0 : i32
      %add3A_1019 = arith.addi %mul3A_1017, %add3A_1018 : i32
      %mul3A_1020 = arith.constant 64 : i32
      %mul3A_1021 = arith.muli %scan3A_1014, %mul3A_1020 : i32
      %add3A_1022 = arith.constant 16 : i32
      %add3A_1023 = arith.addi %mul3A_1021, %add3A_1022 : i32
      %mul3A_1024 = arith.constant 64 : i32
      %mul3A_1025 = arith.muli %scan3A_1014, %mul3A_1024 : i32
      %add3A_1026 = arith.constant 32 : i32
      %add3A_1027 = arith.addi %mul3A_1025, %add3A_1026 : i32
      %mul3A_1028 = arith.constant 64 : i32
      %mul3A_1029 = arith.muli %scan3A_1014, %mul3A_1028 : i32
      %add3A_1030 = arith.constant 48 : i32
      %add3A_1031 = arith.addi %mul3A_1029, %add3A_1030 : i32
      %mul3A_1032 = arith.constant 4 : i32
      %mul3A_1033 = arith.muli %scan3A_1014, %mul3A_1032 : i32
      %get3A_1034 = arith.index_cast %add3A_1019 : i32 to index
      %get3A_1035 = tpu.vector_load %arg8[%get3A_1034] {strides = array<i32>} : memref<8192xi32, #tpu.memory_space<vmem>>, vector<16xi32>,
      %get3A_1036 = arith.index_cast %add3A_1023 : i32 to index
      %get3A_1037 = tpu.vector_load %arg8[%get3A_1036] {strides = array<i32>} : memref<8192xi32, #tpu.memory_space<vmem>>, vector<16xi32>,
      %get3A_1038 = arith.index_cast %add3A_1027 : i32 to index
      %get3A_1039 = tpu.vector_load %arg8[%get3A_1038] {strides = array<i32>} : memref<8192xi32, #tpu.memory_space<vmem>>, vector<16xi32>,
      %get3A_1040 = arith.index_cast %add3A_1031 : i32 to index
      %get3A_1041 = tpu.vector_load %arg8[%get3A_1040] {strides = array<i32>} : memref<8192xi32, #tpu.memory_space<vmem>>, vector<16xi32>,
      %add3A_1042 = arith.constant 0 : i32
      %add3A_1043 = arith.addi %mul3A_1033, %add3A_1042 : i32
      %broadcast_in_dim3A_1044 = vector.broadcast %add3A_1043 : i32 to vector<16xi32>
      %gather3A_1045 = tpu.vector_load_idx %arg15[%broadcast_in_dim3A_1044] : memref<512xf32, #tpu.memory_space<vmem>>[vector<16xi32>], vector<16xf32>,
      %add3A_1046 = arith.constant 1 : i32
      %add3A_1047 = arith.addi %mul3A_1033, %add3A_1046 : i32
      %broadcast_in_dim3A_1048 = vector.broadcast %add3A_1047 : i32 to vector<16xi32>
      %gather3A_1049 = tpu.vector_load_idx %arg15[%broadcast_in_dim3A_1048] : memref<512xf32, #tpu.memory_space<vmem>>[vector<16xi32>], vector<16xf32>,
      %add3A_1050 = arith.constant 2 : i32
      %add3A_1051 = arith.addi %mul3A_1033, %add3A_1050 : i32
      %broadcast_in_dim3A_1052 = vector.broadcast %add3A_1051 : i32 to vector<16xi32>
      %gather3A_1053 = tpu.vector_load_idx %arg15[%broadcast_in_dim3A_1052] : memref<512xf32, #tpu.memory_space<vmem>>[vector<16xi32>], vector<16xf32>,
      %add3A_1054 = arith.constant 3 : i32
      %add3A_1055 = arith.addi %mul3A_1033, %add3A_1054 : i32
      %broadcast_in_dim3A_1056 = vector.broadcast %add3A_1055 : i32 to vector<16xi32>
      %gather3A_1057 = tpu.vector_load_idx %arg15[%broadcast_in_dim3A_1056] : memref<512xf32, #tpu.memory_space<vmem>>[vector<16xi32>], vector<16xf32>,
      %mul3A_1058 = arith.constant -1640531527 : i32
      %mul3A_1059 = vector.broadcast %mul3A_1058 : i32 to vector<16xi32>
      %mul3A_1060 = arith.muli %get3A_1035, %mul3A_1059 : vector<16xi32>
      %shift_right_logical3A = arith.constant 21 : i32
      %shift_right_logical3A_1061 = vector.broadcast %shift_right_logical3A : i32 to vector<16xi32>
      %shift_right_logical3A_1062 = arith.shrui %mul3A_1060, %shift_right_logical3A_1061 : vector<16xi32>
      %mul3A_1063 = arith.constant 16 : i32
      %mul3A_1064 = vector.broadcast %mul3A_1063 : i32 to vector<16xi32>
      %mul3A_1065 = arith.muli %shift_right_logical3A_1062, %mul3A_1064 : vector<16xi32>
      %add3A_1066 = arith.addi %mul3A_1065, %iota3A : vector<16xi32>
      %add3A_1067 = arith.constant 1 : i32
      %add3A_1068 = vector.broadcast %add3A_1067 : i32 to vector<16xi32>
      %add3A_1069 = arith.addi %shift_right_logical3A_1062, %add3A_1068 : vector<16xi32>
      %and3A_1070 = arith.constant 2047 : i32
      %and3A_1071 = vector.broadcast %and3A_1070 : i32 to vector<16xi32>
      %and3A_1072 = arith.andi %add3A_1069, %and3A_1071 : vector<16xi32>
      %mul3A_1073 = arith.constant 16 : i32
      %mul3A_1074 = vector.broadcast %mul3A_1073 : i32 to vector<16xi32>
      %mul3A_1075 = arith.muli %and3A_1072, %mul3A_1074 : vector<16xi32>
      %add3A_1076 = arith.addi %mul3A_1075, %iota3A : vector<16xi32>
      %mul3A_1077 = arith.constant -1640531527 : i32
      %mul3A_1078 = vector.broadcast %mul3A_1077 : i32 to vector<16xi32>
      %mul3A_1079 = arith.muli %get3A_1037, %mul3A_1078 : vector<16xi32>
      %shift_right_logical3A_1080 = arith.constant 21 : i32
      %shift_right_logical3A_1081 = vector.broadcast %shift_right_logical3A_1080 : i32 to vector<16xi32>
      %shift_right_logical3A_1082 = arith.shrui %mul3A_1079, %shift_right_logical3A_1081 : vector<16xi32>
      %mul3A_1083 = arith.constant 16 : i32
      %mul3A_1084 = vector.broadcast %mul3A_1083 : i32 to vector<16xi32>
      %mul3A_1085 = arith.muli %shift_right_logical3A_1082, %mul3A_1084 : vector<16xi32>
      %add3A_1086 = arith.addi %mul3A_1085, %iota3A : vector<16xi32>
      %add3A_1087 = arith.constant 1 : i32
      %add3A_1088 = vector.broadcast %add3A_1087 : i32 to vector<16xi32>
      %add3A_1089 = arith.addi %shift_right_logical3A_1082, %add3A_1088 : vector<16xi32>
      %and3A_1090 = arith.constant 2047 : i32
      %and3A_1091 = vector.broadcast %and3A_1090 : i32 to vector<16xi32>
      %and3A_1092 = arith.andi %add3A_1089, %and3A_1091 : vector<16xi32>
      %mul3A_1093 = arith.constant 16 : i32
      %mul3A_1094 = vector.broadcast %mul3A_1093 : i32 to vector<16xi32>
      %mul3A_1095 = arith.muli %and3A_1092, %mul3A_1094 : vector<16xi32>
      %add3A_1096 = arith.addi %mul3A_1095, %iota3A : vector<16xi32>
      %mul3A_1097 = arith.constant -1640531527 : i32
      %mul3A_1098 = vector.broadcast %mul3A_1097 : i32 to vector<16xi32>
      %mul3A_1099 = arith.muli %get3A_1039, %mul3A_1098 : vector<16xi32>
      %shift_right_logical3A_1100 = arith.constant 21 : i32
      %shift_right_logical3A_1101 = vector.broadcast %shift_right_logical3A_1100 : i32 to vector<16xi32>
      %shift_right_logical3A_1102 = arith.shrui %mul3A_1099, %shift_right_logical3A_1101 : vector<16xi32>
      %mul3A_1103 = arith.constant 16 : i32
      %mul3A_1104 = vector.broadcast %mul3A_1103 : i32 to vector<16xi32>
      %mul3A_1105 = arith.muli %shift_right_logical3A_1102, %mul3A_1104 : vector<16xi32>
      %add3A_1106 = arith.addi %mul3A_1105, %iota3A : vector<16xi32>
      %add3A_1107 = arith.constant 1 : i32
      %add3A_1108 = vector.broadcast %add3A_1107 : i32 to vector<16xi32>
      %add3A_1109 = arith.addi %shift_right_logical3A_1102, %add3A_1108 : vector<16xi32>
      %and3A_1110 = arith.constant 2047 : i32
      %and3A_1111 = vector.broadcast %and3A_1110 : i32 to vector<16xi32>
      %and3A_1112 = arith.andi %add3A_1109, %and3A_1111 : vector<16xi32>
      %mul3A_1113 = arith.constant 16 : i32
      %mul3A_1114 = vector.broadcast %mul3A_1113 : i32 to vector<16xi32>
      %mul3A_1115 = arith.muli %and3A_1112, %mul3A_1114 : vector<16xi32>
      %add3A_1116 = arith.addi %mul3A_1115, %iota3A : vector<16xi32>
      %mul3A_1117 = arith.constant -1640531527 : i32
      %mul3A_1118 = vector.broadcast %mul3A_1117 : i32 to vector<16xi32>
      %mul3A_1119 = arith.muli %get3A_1041, %mul3A_1118 : vector<16xi32>
      %shift_right_logical3A_1120 = arith.constant 21 : i32
      %shift_right_logical3A_1121 = vector.broadcast %shift_right_logical3A_1120 : i32 to vector<16xi32>
      %shift_right_logical3A_1122 = arith.shrui %mul3A_1119, %shift_right_logical3A_1121 : vector<16xi32>
      %mul3A_1123 = arith.constant 16 : i32
      %mul3A_1124 = vector.broadcast %mul3A_1123 : i32 to vector<16xi32>
      %mul3A_1125 = arith.muli %shift_right_logical3A_1122, %mul3A_1124 : vector<16xi32>
      %add3A_1126 = arith.addi %mul3A_1125, %iota3A : vector<16xi32>
      %add3A_1127 = arith.constant 1 : i32
      %add3A_1128 = vector.broadcast %add3A_1127 : i32 to vector<16xi32>
      %add3A_1129 = arith.addi %shift_right_logical3A_1122, %add3A_1128 : vector<16xi32>
      %and3A_1130 = arith.constant 2047 : i32
      %and3A_1131 = vector.broadcast %and3A_1130 : i32 to vector<16xi32>
      %and3A_1132 = arith.andi %add3A_1129, %and3A_1131 : vector<16xi32>
      %mul3A_1133 = arith.constant 16 : i32
      %mul3A_1134 = vector.broadcast %mul3A_1133 : i32 to vector<16xi32>
      %mul3A_1135 = arith.muli %and3A_1132, %mul3A_1134 : vector<16xi32>
      %add3A_1136 = arith.addi %mul3A_1135, %iota3A : vector<16xi32>
      %gather3A_1137 = tpu.vector_load_idx %arg9[%add3A_1066] : memref<32768xi32, #tpu.memory_space<vmem>>[vector<16xi32>], vector<16xi32>,
      %gather3A_1138 = tpu.vector_load_idx %arg9[%add3A_1076] : memref<32768xi32, #tpu.memory_space<vmem>>[vector<16xi32>], vector<16xi32>,
      %gather3A_1139 = tpu.vector_load_idx %arg9[%add3A_1086] : memref<32768xi32, #tpu.memory_space<vmem>>[vector<16xi32>], vector<16xi32>,
      %gather3A_1140 = tpu.vector_load_idx %arg9[%add3A_1096] : memref<32768xi32, #tpu.memory_space<vmem>>[vector<16xi32>], vector<16xi32>,
      %gather3A_1141 = tpu.vector_load_idx %arg9[%add3A_1106] : memref<32768xi32, #tpu.memory_space<vmem>>[vector<16xi32>], vector<16xi32>,
      %gather3A_1142 = tpu.vector_load_idx %arg9[%add3A_1116] : memref<32768xi32, #tpu.memory_space<vmem>>[vector<16xi32>], vector<16xi32>,
      %gather3A_1143 = tpu.vector_load_idx %arg9[%add3A_1126] : memref<32768xi32, #tpu.memory_space<vmem>>[vector<16xi32>], vector<16xi32>,
      %gather3A_1144 = tpu.vector_load_idx %arg9[%add3A_1136] : memref<32768xi32, #tpu.memory_space<vmem>>[vector<16xi32>], vector<16xi32>,
      %eq3A_1145 = arith.cmpi eq, %gather3A_1137, %get3A_1035 : vector<16xi32>
      %eq3A_1146 = arith.constant -1 : i32
      %eq3A_1147 = vector.broadcast %eq3A_1146 : i32 to vector<16xi32>
      %eq3A_1148 = arith.cmpi eq, %gather3A_1137, %eq3A_1147 : vector<16xi32>
      %eq3A_1149 = arith.cmpi eq, %gather3A_1138, %get3A_1035 : vector<16xi32>
      %eq3A_1150 = arith.constant -1 : i32
      %eq3A_1151 = vector.broadcast %eq3A_1150 : i32 to vector<16xi32>
      %eq3A_1152 = arith.cmpi eq, %gather3A_1138, %eq3A_1151 : vector<16xi32>
      %or3A_1153 = arith.ori %eq3A_1145, %eq3A_1148 : vector<16xi1>
      %not3A = arith.constant dense<true> : vector<16xi1>
      %not3A_1154 = arith.xori %or3A_1153, %not3A : vector<16xi1>
      %and3A_1155 = arith.andi %not3A_1154, %eq3A_1149 : vector<16xi1>
      %or3A_1156 = arith.ori %eq3A_1145, %and3A_1155 : vector<16xi1>
      %not3A_1157 = arith.constant dense<true> : vector<16xi1>
      %not3A_1158 = arith.xori %or3A_1153, %not3A_1157 : vector<16xi1>
      %and3A_1159 = arith.andi %not3A_1158, %eq3A_1152 : vector<16xi1>
      %or3A_1160 = arith.ori %eq3A_1148, %and3A_1159 : vector<16xi1>
      %select_n3A_1161 = arith.select %or3A_1153, %add3A_1066, %add3A_1076 : vector<16xi1>, vector<16xi32>
      %or3A_1162 = arith.ori %or3A_1156, %or3A_1160 : vector<16xi1>
      %not3A_1163 = arith.constant dense<true> : vector<16xi1>
      %not3A_1164 = arith.xori %or3A_1162, %not3A_1163 : vector<16xi1>
      %eq3A_1165 = arith.cmpi eq, %gather3A_1139, %get3A_1037 : vector<16xi32>
      %eq3A_1166 = arith.constant -1 : i32
      %eq3A_1167 = vector.broadcast %eq3A_1166 : i32 to vector<16xi32>
      %eq3A_1168 = arith.cmpi eq, %gather3A_1139, %eq3A_1167 : vector<16xi32>
      %eq3A_1169 = arith.cmpi eq, %gather3A_1140, %get3A_1037 : vector<16xi32>
      %eq3A_1170 = arith.constant -1 : i32
      %eq3A_1171 = vector.broadcast %eq3A_1170 : i32 to vector<16xi32>
      %eq3A_1172 = arith.cmpi eq, %gather3A_1140, %eq3A_1171 : vector<16xi32>
      %eq3A_1173 = arith.cmpi eq, %add3A_1086, %select_n3A_1161 : vector<16xi32>
      %and3A_1174 = arith.andi %or3A_1160, %eq3A_1173 : vector<16xi1>
      %not3A_1175 = arith.constant dense<true> : vector<16xi1>
      %not3A_1176 = arith.xori %and3A_1174, %not3A_1175 : vector<16xi1>
      %and3A_1177 = arith.andi %eq3A_1168, %not3A_1176 : vector<16xi1>
      %eq3A_1178 = arith.cmpi eq, %add3A_1096, %select_n3A_1161 : vector<16xi32>
      %and3A_1179 = arith.andi %or3A_1160, %eq3A_1178 : vector<16xi1>
      %not3A_1180 = arith.constant dense<true> : vector<16xi1>
      %not3A_1181 = arith.xori %and3A_1179, %not3A_1180 : vector<16xi1>
      %and3A_1182 = arith.andi %eq3A_1172, %not3A_1181 : vector<16xi1>
      %or3A_1183 = arith.ori %eq3A_1165, %and3A_1177 : vector<16xi1>
      %not3A_1184 = arith.constant dense<true> : vector<16xi1>
      %not3A_1185 = arith.xori %or3A_1183, %not3A_1184 : vector<16xi1>
      %and3A_1186 = arith.andi %not3A_1185, %eq3A_1169 : vector<16xi1>
      %or3A_1187 = arith.ori %eq3A_1165, %and3A_1186 : vector<16xi1>
      %not3A_1188 = arith.constant dense<true> : vector<16xi1>
      %not3A_1189 = arith.xori %or3A_1183, %not3A_1188 : vector<16xi1>
      %and3A_1190 = arith.andi %not3A_1189, %and3A_1182 : vector<16xi1>
      %or3A_1191 = arith.ori %and3A_1177, %and3A_1190 : vector<16xi1>
      %select_n3A_1192 = arith.select %or3A_1183, %add3A_1086, %add3A_1096 : vector<16xi1>, vector<16xi32>
      %broadcast_in_dim3A_1193 = arith.constant false
      %broadcast_in_dim3A_1194 = vector.broadcast %broadcast_in_dim3A_1193 : i1 to vector<16xi1>
      %broadcast_in_dim3A_1195 = arith.constant false
      %broadcast_in_dim3A_1196 = vector.broadcast %broadcast_in_dim3A_1195 : i1 to vector<16xi1>
      %eq3A_1197 = arith.cmpi eq, %get3A_1037, %get3A_1035 : vector<16xi32>
      %or3A_1198 = arith.ori %or3A_1156, %or3A_1160 : vector<16xi1>
      %or3A_1199 = arith.ori %broadcast_in_dim3A_1194, %eq3A_1197 : vector<16xi1>
      %and3A_1200 = arith.andi %eq3A_1197, %or3A_1198 : vector<16xi1>
      %select_n3A_1201 = arith.select %and3A_1200, %select_n3A_1161, %select_n3A_1192 : vector<16xi1>, vector<16xi32>
      %and3A_1202 = arith.andi %eq3A_1197, %or3A_1198 : vector<16xi1>
      %or3A_1203 = arith.ori %broadcast_in_dim3A_1196, %and3A_1202 : vector<16xi1>
      %not3A_1204 = arith.constant dense<true> : vector<16xi1>
      %not3A_1205 = arith.xori %or3A_1199, %not3A_1204 : vector<16xi1>
      %and3A_1206 = arith.andi %not3A_1205, %or3A_1187 : vector<16xi1>
      %or3A_1207 = arith.ori %and3A_1206, %or3A_1203 : vector<16xi1>
      %not3A_1208 = arith.constant dense<true> : vector<16xi1>
      %not3A_1209 = arith.xori %or3A_1199, %not3A_1208 : vector<16xi1>
      %and3A_1210 = arith.andi %not3A_1209, %or3A_1191 : vector<16xi1>
      %select_n3A_1211 = arith.select %or3A_1203, %select_n3A_1201, %select_n3A_1192 : vector<16xi1>, vector<16xi32>
      %or3A_1212 = arith.ori %or3A_1207, %and3A_1210 : vector<16xi1>
      %not3A_1213 = arith.constant dense<true> : vector<16xi1>
      %not3A_1214 = arith.xori %or3A_1212, %not3A_1213 : vector<16xi1>
      %eq3A_1215 = arith.cmpi eq, %gather3A_1141, %get3A_1039 : vector<16xi32>
      %eq3A_1216 = arith.constant -1 : i32
      %eq3A_1217 = vector.broadcast %eq3A_1216 : i32 to vector<16xi32>
      %eq3A_1218 = arith.cmpi eq, %gather3A_1141, %eq3A_1217 : vector<16xi32>
      %eq3A_1219 = arith.cmpi eq, %gather3A_1142, %get3A_1039 : vector<16xi32>
      %eq3A_1220 = arith.constant -1 : i32
      %eq3A_1221 = vector.broadcast %eq3A_1220 : i32 to vector<16xi32>
      %eq3A_1222 = arith.cmpi eq, %gather3A_1142, %eq3A_1221 : vector<16xi32>
      %eq3A_1223 = arith.cmpi eq, %add3A_1106, %select_n3A_1161 : vector<16xi32>
      %and3A_1224 = arith.andi %or3A_1160, %eq3A_1223 : vector<16xi1>
      %not3A_1225 = arith.constant dense<true> : vector<16xi1>
      %not3A_1226 = arith.xori %and3A_1224, %not3A_1225 : vector<16xi1>
      %and3A_1227 = arith.andi %eq3A_1218, %not3A_1226 : vector<16xi1>
      %eq3A_1228 = arith.cmpi eq, %add3A_1116, %select_n3A_1161 : vector<16xi32>
      %and3A_1229 = arith.andi %or3A_1160, %eq3A_1228 : vector<16xi1>
      %not3A_1230 = arith.constant dense<true> : vector<16xi1>
      %not3A_1231 = arith.xori %and3A_1229, %not3A_1230 : vector<16xi1>
      %and3A_1232 = arith.andi %eq3A_1222, %not3A_1231 : vector<16xi1>
      %eq3A_1233 = arith.cmpi eq, %add3A_1106, %select_n3A_1211 : vector<16xi32>
      %and3A_1234 = arith.andi %and3A_1210, %eq3A_1233 : vector<16xi1>
      %not3A_1235 = arith.constant dense<true> : vector<16xi1>
      %not3A_1236 = arith.xori %and3A_1234, %not3A_1235 : vector<16xi1>
      %and3A_1237 = arith.andi %and3A_1227, %not3A_1236 : vector<16xi1>
      %eq3A_1238 = arith.cmpi eq, %add3A_1116, %select_n3A_1211 : vector<16xi32>
      %and3A_1239 = arith.andi %and3A_1210, %eq3A_1238 : vector<16xi1>
      %not3A_1240 = arith.constant dense<true> : vector<16xi1>
      %not3A_1241 = arith.xori %and3A_1239, %not3A_1240 : vector<16xi1>
      %and3A_1242 = arith.andi %and3A_1232, %not3A_1241 : vector<16xi1>
      %or3A_1243 = arith.ori %eq3A_1215, %and3A_1237 : vector<16xi1>
      %not3A_1244 = arith.constant dense<true> : vector<16xi1>
      %not3A_1245 = arith.xori %or3A_1243, %not3A_1244 : vector<16xi1>
      %and3A_1246 = arith.andi %not3A_1245, %eq3A_1219 : vector<16xi1>
      %or3A_1247 = arith.ori %eq3A_1215, %and3A_1246 : vector<16xi1>
      %not3A_1248 = arith.constant dense<true> : vector<16xi1>
      %not3A_1249 = arith.xori %or3A_1243, %not3A_1248 : vector<16xi1>
      %and3A_1250 = arith.andi %not3A_1249, %and3A_1242 : vector<16xi1>
      %or3A_1251 = arith.ori %and3A_1237, %and3A_1250 : vector<16xi1>
      %select_n3A_1252 = arith.select %or3A_1243, %add3A_1106, %add3A_1116 : vector<16xi1>, vector<16xi32>
      %broadcast_in_dim3A_1253 = arith.constant false
      %broadcast_in_dim3A_1254 = vector.broadcast %broadcast_in_dim3A_1253 : i1 to vector<16xi1>
      %broadcast_in_dim3A_1255 = arith.constant false
      %broadcast_in_dim3A_1256 = vector.broadcast %broadcast_in_dim3A_1255 : i1 to vector<16xi1>
      %eq3A_1257 = arith.cmpi eq, %get3A_1039, %get3A_1035 : vector<16xi32>
      %or3A_1258 = arith.ori %or3A_1156, %or3A_1160 : vector<16xi1>
      %or3A_1259 = arith.ori %broadcast_in_dim3A_1254, %eq3A_1257 : vector<16xi1>
      %and3A_1260 = arith.andi %eq3A_1257, %or3A_1258 : vector<16xi1>
      %select_n3A_1261 = arith.select %and3A_1260, %select_n3A_1161, %select_n3A_1252 : vector<16xi1>, vector<16xi32>
      %and3A_1262 = arith.andi %eq3A_1257, %or3A_1258 : vector<16xi1>
      %or3A_1263 = arith.ori %broadcast_in_dim3A_1256, %and3A_1262 : vector<16xi1>
      %eq3A_1264 = arith.cmpi eq, %get3A_1039, %get3A_1037 : vector<16xi32>
      %or3A_1265 = arith.ori %or3A_1207, %and3A_1210 : vector<16xi1>
      %or3A_1266 = arith.ori %or3A_1259, %eq3A_1264 : vector<16xi1>
      %and3A_1267 = arith.andi %eq3A_1264, %or3A_1265 : vector<16xi1>
      %select_n3A_1268 = arith.select %and3A_1267, %select_n3A_1211, %select_n3A_1261 : vector<16xi1>, vector<16xi32>
      %and3A_1269 = arith.andi %eq3A_1264, %or3A_1265 : vector<16xi1>
      %or3A_1270 = arith.ori %or3A_1263, %and3A_1269 : vector<16xi1>
      %not3A_1271 = arith.constant dense<true> : vector<16xi1>
      %not3A_1272 = arith.xori %or3A_1266, %not3A_1271 : vector<16xi1>
      %and3A_1273 = arith.andi %not3A_1272, %or3A_1247 : vector<16xi1>
      %or3A_1274 = arith.ori %and3A_1273, %or3A_1270 : vector<16xi1>
      %not3A_1275 = arith.constant dense<true> : vector<16xi1>
      %not3A_1276 = arith.xori %or3A_1266, %not3A_1275 : vector<16xi1>
      %and3A_1277 = arith.andi %not3A_1276, %or3A_1251 : vector<16xi1>
      %select_n3A_1278 = arith.select %or3A_1270, %select_n3A_1268, %select_n3A_1252 : vector<16xi1>, vector<16xi32>
      %or3A_1279 = arith.ori %or3A_1274, %and3A_1277 : vector<16xi1>
      %not3A_1280 = arith.constant dense<true> : vector<16xi1>
      %not3A_1281 = arith.xori %or3A_1279, %not3A_1280 : vector<16xi1>
      %eq3A_1282 = arith.cmpi eq, %gather3A_1143, %get3A_1041 : vector<16xi32>
      %eq3A_1283 = arith.constant -1 : i32
      %eq3A_1284 = vector.broadcast %eq3A_1283 : i32 to vector<16xi32>
      %eq3A_1285 = arith.cmpi eq, %gather3A_1143, %eq3A_1284 : vector<16xi32>
      %eq3A_1286 = arith.cmpi eq, %gather3A_1144, %get3A_1041 : vector<16xi32>
      %eq3A_1287 = arith.constant -1 : i32
      %eq3A_1288 = vector.broadcast %eq3A_1287 : i32 to vector<16xi32>
      %eq3A_1289 = arith.cmpi eq, %gather3A_1144, %eq3A_1288 : vector<16xi32>
      %eq3A_1290 = arith.cmpi eq, %add3A_1126, %select_n3A_1161 : vector<16xi32>
      %and3A_1291 = arith.andi %or3A_1160, %eq3A_1290 : vector<16xi1>
      %not3A_1292 = arith.constant dense<true> : vector<16xi1>
      %not3A_1293 = arith.xori %and3A_1291, %not3A_1292 : vector<16xi1>
      %and3A_1294 = arith.andi %eq3A_1285, %not3A_1293 : vector<16xi1>
      %eq3A_1295 = arith.cmpi eq, %add3A_1136, %select_n3A_1161 : vector<16xi32>
      %and3A_1296 = arith.andi %or3A_1160, %eq3A_1295 : vector<16xi1>
      %not3A_1297 = arith.constant dense<true> : vector<16xi1>
      %not3A_1298 = arith.xori %and3A_1296, %not3A_1297 : vector<16xi1>
      %and3A_1299 = arith.andi %eq3A_1289, %not3A_1298 : vector<16xi1>
      %eq3A_1300 = arith.cmpi eq, %add3A_1126, %select_n3A_1211 : vector<16xi32>
      %and3A_1301 = arith.andi %and3A_1210, %eq3A_1300 : vector<16xi1>
      %not3A_1302 = arith.constant dense<true> : vector<16xi1>
      %not3A_1303 = arith.xori %and3A_1301, %not3A_1302 : vector<16xi1>
      %and3A_1304 = arith.andi %and3A_1294, %not3A_1303 : vector<16xi1>
      %eq3A_1305 = arith.cmpi eq, %add3A_1136, %select_n3A_1211 : vector<16xi32>
      %and3A_1306 = arith.andi %and3A_1210, %eq3A_1305 : vector<16xi1>
      %not3A_1307 = arith.constant dense<true> : vector<16xi1>
      %not3A_1308 = arith.xori %and3A_1306, %not3A_1307 : vector<16xi1>
      %and3A_1309 = arith.andi %and3A_1299, %not3A_1308 : vector<16xi1>
      %eq3A_1310 = arith.cmpi eq, %add3A_1126, %select_n3A_1278 : vector<16xi32>
      %and3A_1311 = arith.andi %and3A_1277, %eq3A_1310 : vector<16xi1>
      %not3A_1312 = arith.constant dense<true> : vector<16xi1>
      %not3A_1313 = arith.xori %and3A_1311, %not3A_1312 : vector<16xi1>
      %and3A_1314 = arith.andi %and3A_1304, %not3A_1313 : vector<16xi1>
      %eq3A_1315 = arith.cmpi eq, %add3A_1136, %select_n3A_1278 : vector<16xi32>
      %and3A_1316 = arith.andi %and3A_1277, %eq3A_1315 : vector<16xi1>
      %not3A_1317 = arith.constant dense<true> : vector<16xi1>
      %not3A_1318 = arith.xori %and3A_1316, %not3A_1317 : vector<16xi1>
      %and3A_1319 = arith.andi %and3A_1309, %not3A_1318 : vector<16xi1>
      %or3A_1320 = arith.ori %eq3A_1282, %and3A_1314 : vector<16xi1>
      %not3A_1321 = arith.constant dense<true> : vector<16xi1>
      %not3A_1322 = arith.xori %or3A_1320, %not3A_1321 : vector<16xi1>
      %and3A_1323 = arith.andi %not3A_1322, %eq3A_1286 : vector<16xi1>
      %or3A_1324 = arith.ori %eq3A_1282, %and3A_1323 : vector<16xi1>
      %not3A_1325 = arith.constant dense<true> : vector<16xi1>
      %not3A_1326 = arith.xori %or3A_1320, %not3A_1325 : vector<16xi1>
      %and3A_1327 = arith.andi %not3A_1326, %and3A_1319 : vector<16xi1>
      %or3A_1328 = arith.ori %and3A_1314, %and3A_1327 : vector<16xi1>
      %select_n3A_1329 = arith.select %or3A_1320, %add3A_1126, %add3A_1136 : vector<16xi1>, vector<16xi32>
      %broadcast_in_dim3A_1330 = arith.constant false
      %broadcast_in_dim3A_1331 = vector.broadcast %broadcast_in_dim3A_1330 : i1 to vector<16xi1>
      %broadcast_in_dim3A_1332 = arith.constant false
      %broadcast_in_dim3A_1333 = vector.broadcast %broadcast_in_dim3A_1332 : i1 to vector<16xi1>
      %eq3A_1334 = arith.cmpi eq, %get3A_1041, %get3A_1035 : vector<16xi32>
      %or3A_1335 = arith.ori %or3A_1156, %or3A_1160 : vector<16xi1>
      %or3A_1336 = arith.ori %broadcast_in_dim3A_1331, %eq3A_1334 : vector<16xi1>
      %and3A_1337 = arith.andi %eq3A_1334, %or3A_1335 : vector<16xi1>
      %select_n3A_1338 = arith.select %and3A_1337, %select_n3A_1161, %select_n3A_1329 : vector<16xi1>, vector<16xi32>
      %and3A_1339 = arith.andi %eq3A_1334, %or3A_1335 : vector<16xi1>
      %or3A_1340 = arith.ori %broadcast_in_dim3A_1333, %and3A_1339 : vector<16xi1>
      %eq3A_1341 = arith.cmpi eq, %get3A_1041, %get3A_1037 : vector<16xi32>
      %or3A_1342 = arith.ori %or3A_1207, %and3A_1210 : vector<16xi1>
      %or3A_1343 = arith.ori %or3A_1336, %eq3A_1341 : vector<16xi1>
      %and3A_1344 = arith.andi %eq3A_1341, %or3A_1342 : vector<16xi1>
      %select_n3A_1345 = arith.select %and3A_1344, %select_n3A_1211, %select_n3A_1338 : vector<16xi1>, vector<16xi32>
      %and3A_1346 = arith.andi %eq3A_1341, %or3A_1342 : vector<16xi1>
      %or3A_1347 = arith.ori %or3A_1340, %and3A_1346 : vector<16xi1>
      %eq3A_1348 = arith.cmpi eq, %get3A_1041, %get3A_1039 : vector<16xi32>
      %or3A_1349 = arith.ori %or3A_1274, %and3A_1277 : vector<16xi1>
      %or3A_1350 = arith.ori %or3A_1343, %eq3A_1348 : vector<16xi1>
      %and3A_1351 = arith.andi %eq3A_1348, %or3A_1349 : vector<16xi1>
      %select_n3A_1352 = arith.select %and3A_1351, %select_n3A_1278, %select_n3A_1345 : vector<16xi1>, vector<16xi32>
      %and3A_1353 = arith.andi %eq3A_1348, %or3A_1349 : vector<16xi1>
      %or3A_1354 = arith.ori %or3A_1347, %and3A_1353 : vector<16xi1>
      %not3A_1355 = arith.constant dense<true> : vector<16xi1>
      %not3A_1356 = arith.xori %or3A_1350, %not3A_1355 : vector<16xi1>
      %and3A_1357 = arith.andi %not3A_1356, %or3A_1324 : vector<16xi1>
      %or3A_1358 = arith.ori %and3A_1357, %or3A_1354 : vector<16xi1>
      %not3A_1359 = arith.constant dense<true> : vector<16xi1>
      %not3A_1360 = arith.xori %or3A_1350, %not3A_1359 : vector<16xi1>
      %and3A_1361 = arith.andi %not3A_1360, %or3A_1328 : vector<16xi1>
      %select_n3A_1362 = arith.select %or3A_1354, %select_n3A_1352, %select_n3A_1329 : vector<16xi1>, vector<16xi32>
      %or3A_1363 = arith.ori %or3A_1358, %and3A_1361 : vector<16xi1>
      %not3A_1364 = arith.constant dense<true> : vector<16xi1>
      %not3A_1365 = arith.xori %or3A_1363, %not3A_1364 : vector<16xi1>
      tpu.vector_store_idx %arg9[%select_n3A_1161], %get3A_1035 masked %or3A_1160 : memref<32768xi32, #tpu.memory_space<vmem>>[vector<16xi32>], vector<16xi32>, vector<16xi1>
      tpu.vector_store_idx %arg10[%select_n3A_1161], %gather3A_1045 masked %or3A_1160 : memref<32768xf32, #tpu.memory_space<vmem>>[vector<16xi32>], vector<16xf32>, vector<16xi1>
      tpu.vector_store_idx %arg10[%select_n3A_1161], %gather3A_1045 masked %or3A_1156 {add = true} : memref<32768xf32, #tpu.memory_space<vmem>>[vector<16xi32>], vector<16xf32>, vector<16xi1>
      %jit3A = arith.constant -1 : i32
      %broadcast_in_dim3A_1366 = vector.broadcast %jit3A : i32 to vector<16xi32>
      %select_n3A_1367 = arith.select %or3A_1160, %select_n3A_1161, %broadcast_in_dim3A_1366 : vector<16xi1>, vector<16xi32>
      %swap3A_1368 = arith.index_cast %add3A_1019 : i32 to index
      %swap3A_1369 = tpu.vector_load %arg11[%swap3A_1368] {strides = array<i32>} : memref<8192xi32, #tpu.memory_space<vmem>>, vector<16xi32>,
      tpu.vector_store %arg11[%swap3A_1368], %select_n3A_1367 {strides = array<i32>} : memref<8192xi32, #tpu.memory_space<vmem>>, vector<16xi32>,
      tpu.vector_store_idx %arg9[%select_n3A_1211], %get3A_1037 masked %and3A_1210 : memref<32768xi32, #tpu.memory_space<vmem>>[vector<16xi32>], vector<16xi32>, vector<16xi1>
      tpu.vector_store_idx %arg10[%select_n3A_1211], %gather3A_1049 masked %and3A_1210 : memref<32768xf32, #tpu.memory_space<vmem>>[vector<16xi32>], vector<16xf32>, vector<16xi1>
      tpu.vector_store_idx %arg10[%select_n3A_1211], %gather3A_1049 masked %or3A_1207 {add = true} : memref<32768xf32, #tpu.memory_space<vmem>>[vector<16xi32>], vector<16xf32>, vector<16xi1>
      %jit3A_1370 = arith.constant -1 : i32
      %broadcast_in_dim3A_1371 = vector.broadcast %jit3A_1370 : i32 to vector<16xi32>
      %select_n3A_1372 = arith.select %and3A_1210, %select_n3A_1211, %broadcast_in_dim3A_1371 : vector<16xi1>, vector<16xi32>
      %swap3A_1373 = arith.index_cast %add3A_1023 : i32 to index
      %swap3A_1374 = tpu.vector_load %arg11[%swap3A_1373] {strides = array<i32>} : memref<8192xi32, #tpu.memory_space<vmem>>, vector<16xi32>,
      tpu.vector_store %arg11[%swap3A_1373], %select_n3A_1372 {strides = array<i32>} : memref<8192xi32, #tpu.memory_space<vmem>>, vector<16xi32>,
      tpu.vector_store_idx %arg9[%select_n3A_1278], %get3A_1039 masked %and3A_1277 : memref<32768xi32, #tpu.memory_space<vmem>>[vector<16xi32>], vector<16xi32>, vector<16xi1>
      tpu.vector_store_idx %arg10[%select_n3A_1278], %gather3A_1053 masked %and3A_1277 : memref<32768xf32, #tpu.memory_space<vmem>>[vector<16xi32>], vector<16xf32>, vector<16xi1>
      tpu.vector_store_idx %arg10[%select_n3A_1278], %gather3A_1053 masked %or3A_1274 {add = true} : memref<32768xf32, #tpu.memory_space<vmem>>[vector<16xi32>], vector<16xf32>, vector<16xi1>
      %jit3A_1375 = arith.constant -1 : i32
      %broadcast_in_dim3A_1376 = vector.broadcast %jit3A_1375 : i32 to vector<16xi32>
      %select_n3A_1377 = arith.select %and3A_1277, %select_n3A_1278, %broadcast_in_dim3A_1376 : vector<16xi1>, vector<16xi32>
      %swap3A_1378 = arith.index_cast %add3A_1027 : i32 to index
      %swap3A_1379 = tpu.vector_load %arg11[%swap3A_1378] {strides = array<i32>} : memref<8192xi32, #tpu.memory_space<vmem>>, vector<16xi32>,
      tpu.vector_store %arg11[%swap3A_1378], %select_n3A_1377 {strides = array<i32>} : memref<8192xi32, #tpu.memory_space<vmem>>, vector<16xi32>,
      tpu.vector_store_idx %arg9[%select_n3A_1362], %get3A_1041 masked %and3A_1361 : memref<32768xi32, #tpu.memory_space<vmem>>[vector<16xi32>], vector<16xi32>, vector<16xi1>
      tpu.vector_store_idx %arg10[%select_n3A_1362], %gather3A_1057 masked %and3A_1361 : memref<32768xf32, #tpu.memory_space<vmem>>[vector<16xi32>], vector<16xf32>, vector<16xi1>
      tpu.vector_store_idx %arg10[%select_n3A_1362], %gather3A_1057 masked %or3A_1358 {add = true} : memref<32768xf32, #tpu.memory_space<vmem>>[vector<16xi32>], vector<16xf32>, vector<16xi1>
      %jit3A_1380 = arith.constant -1 : i32
      %broadcast_in_dim3A_1381 = vector.broadcast %jit3A_1380 : i32 to vector<16xi32>
      %select_n3A_1382 = arith.select %and3A_1361, %select_n3A_1362, %broadcast_in_dim3A_1381 : vector<16xi1>, vector<16xi32>
      %swap3A_1383 = arith.index_cast %add3A_1031 : i32 to index
      %swap3A_1384 = tpu.vector_load %arg11[%swap3A_1383] {strides = array<i32>} : memref<8192xi32, #tpu.memory_space<vmem>>, vector<16xi32>,
      tpu.vector_store %arg11[%swap3A_1383], %select_n3A_1382 {strides = array<i32>} : memref<8192xi32, #tpu.memory_space<vmem>>, vector<16xi32>,
      %mul3A_1385 = arith.constant 16 : i32
      %mul3A_1386 = vector.broadcast %mul3A_1385 : i32 to vector<16xi32>
      %mul3A_1387 = arith.muli %scan3A_1015, %mul3A_1386 : vector<16xi32>
      %add3A_1388 = arith.addi %mul3A_1387, %iota3A : vector<16xi32>
      %add3A_1389 = arith.constant 0 : i32
      %add3A_1390 = arith.addi %mul3A_1033, %add3A_1389 : i32
      %broadcast_in_dim3A_1391 = vector.broadcast %add3A_1390 : i32 to vector<16xi32>
      tpu.vector_store_idx %arg12[%add3A_1388], %broadcast_in_dim3A_1391 masked %not3A_1164 : memref<8192xi32, #tpu.memory_space<vmem>>[vector<16xi32>], vector<16xi32>, vector<16xi1>
      %jit3A_1392 = arith.constant 1 : i32
      %jit3A_1393 = arith.constant 0 : i32
      %broadcast_in_dim3A_1394 = vector.broadcast %jit3A_1392 : i32 to vector<16xi32>
      %broadcast_in_dim3A_1395 = vector.broadcast %jit3A_1393 : i32 to vector<16xi32>
      %select_n3A_1396 = arith.select %not3A_1164, %broadcast_in_dim3A_1394, %broadcast_in_dim3A_1395 : vector<16xi1>, vector<16xi32>
      %add3A_1397 = arith.addi %scan3A_1015, %select_n3A_1396 : vector<16xi32>
      %mul3A_1398 = arith.constant 16 : i32
      %mul3A_1399 = vector.broadcast %mul3A_1398 : i32 to vector<16xi32>
      %mul3A_1400 = arith.muli %add3A_1397, %mul3A_1399 : vector<16xi32>
      %add3A_1401 = arith.addi %mul3A_1400, %iota3A : vector<16xi32>
      %add3A_1402 = arith.constant 1 : i32
      %add3A_1403 = arith.addi %mul3A_1033, %add3A_1402 : i32
      %broadcast_in_dim3A_1404 = vector.broadcast %add3A_1403 : i32 to vector<16xi32>
      tpu.vector_store_idx %arg12[%add3A_1401], %broadcast_in_dim3A_1404 masked %not3A_1214 : memref<8192xi32, #tpu.memory_space<vmem>>[vector<16xi32>], vector<16xi32>, vector<16xi1>
      %jit3A_1405 = arith.constant 1 : i32
      %jit3A_1406 = arith.constant 0 : i32
      %broadcast_in_dim3A_1407 = vector.broadcast %jit3A_1405 : i32 to vector<16xi32>
      %broadcast_in_dim3A_1408 = vector.broadcast %jit3A_1406 : i32 to vector<16xi32>
      %select_n3A_1409 = arith.select %not3A_1214, %broadcast_in_dim3A_1407, %broadcast_in_dim3A_1408 : vector<16xi1>, vector<16xi32>
      %add3A_1410 = arith.addi %add3A_1397, %select_n3A_1409 : vector<16xi32>
      %mul3A_1411 = arith.constant 16 : i32
      %mul3A_1412 = vector.broadcast %mul3A_1411 : i32 to vector<16xi32>
      %mul3A_1413 = arith.muli %add3A_1410, %mul3A_1412 : vector<16xi32>
      %add3A_1414 = arith.addi %mul3A_1413, %iota3A : vector<16xi32>
      %add3A_1415 = arith.constant 2 : i32
      %add3A_1416 = arith.addi %mul3A_1033, %add3A_1415 : i32
      %broadcast_in_dim3A_1417 = vector.broadcast %add3A_1416 : i32 to vector<16xi32>
      tpu.vector_store_idx %arg12[%add3A_1414], %broadcast_in_dim3A_1417 masked %not3A_1281 : memref<8192xi32, #tpu.memory_space<vmem>>[vector<16xi32>], vector<16xi32>, vector<16xi1>
      %jit3A_1418 = arith.constant 1 : i32
      %jit3A_1419 = arith.constant 0 : i32
      %broadcast_in_dim3A_1420 = vector.broadcast %jit3A_1418 : i32 to vector<16xi32>
      %broadcast_in_dim3A_1421 = vector.broadcast %jit3A_1419 : i32 to vector<16xi32>
      %select_n3A_1422 = arith.select %not3A_1281, %broadcast_in_dim3A_1420, %broadcast_in_dim3A_1421 : vector<16xi1>, vector<16xi32>
      %add3A_1423 = arith.addi %add3A_1410, %select_n3A_1422 : vector<16xi32>
      %mul3A_1424 = arith.constant 16 : i32
      %mul3A_1425 = vector.broadcast %mul3A_1424 : i32 to vector<16xi32>
      %mul3A_1426 = arith.muli %add3A_1423, %mul3A_1425 : vector<16xi32>
      %add3A_1427 = arith.addi %mul3A_1426, %iota3A : vector<16xi32>
      %add3A_1428 = arith.constant 3 : i32
      %add3A_1429 = arith.addi %mul3A_1033, %add3A_1428 : i32
      %broadcast_in_dim3A_1430 = vector.broadcast %add3A_1429 : i32 to vector<16xi32>
      tpu.vector_store_idx %arg12[%add3A_1427], %broadcast_in_dim3A_1430 masked %not3A_1365 : memref<8192xi32, #tpu.memory_space<vmem>>[vector<16xi32>], vector<16xi32>, vector<16xi1>
      %jit3A_1431 = arith.constant 1 : i32
      %jit3A_1432 = arith.constant 0 : i32
      %broadcast_in_dim3A_1433 = vector.broadcast %jit3A_1431 : i32 to vector<16xi32>
      %broadcast_in_dim3A_1434 = vector.broadcast %jit3A_1432 : i32 to vector<16xi32>
      %select_n3A_1435 = arith.select %not3A_1365, %broadcast_in_dim3A_1433, %broadcast_in_dim3A_1434 : vector<16xi1>, vector<16xi32>
      %add3A_1436 = arith.addi %add3A_1423, %select_n3A_1435 : vector<16xi32>
      scf.yield %add3A_1436 : vector<16xi32>
    }
    %scan3A_40 = arith.constant 128 : i32
    %broadcast_in_dim3A_41 = arith.constant true
    %broadcast_in_dim3A_42 = vector.broadcast %broadcast_in_dim3A_41 : i1 to vector<16xi1>
    %while3A:3 = scf.while (%while3A_1014 = %broadcast_in_dim3A_20, %while3A_1015 = %broadcast_in_dim3A_20, %while3A_1016 = %broadcast_in_dim3A_42) : (vector<16xi32>, vector<16xi32>, vector<16xi1>) -> (vector<16xi32>, vector<16xi32>, vector<16xi1>) {
      %lt3A_1017 = arith.cmpi slt, %while3A_1014, %scan3A_39 : vector<16xi32>
      %reduce_or3A = arith.constant 1.000000e+00 : f32
      %reduce_or3A_1018 = arith.constant 0.000000e+00 : f32
      %reduce_or3A_1019 = vector.broadcast %reduce_or3A : f32 to vector<16xf32>
      %reduce_or3A_1020 = vector.broadcast %reduce_or3A_1018 : f32 to vector<16xf32>
      %reduce_or3A_1021 = arith.select %lt3A_1017, %reduce_or3A_1019, %reduce_or3A_1020 : vector<16xi1>, vector<16xf32>
      %reduce_or3A_1022 = arith.constant true
      %reduce_or3A_1023 = vector.broadcast %reduce_or3A_1022 : i1 to vector<16xi1>
      %reduce_or3A_1024 = tpu.scan <max>, %reduce_or3A_1021 masked %reduce_or3A_1023 : vector<16xf32>, vector<16xi1> -> vector<16xf32>
      %reduce_or3A_1025 = vector.extract %reduce_or3A_1024[15] : f32 from vector<16xf32>
      %reduce_or3A_1026 = arith.constant 0.000000e+00 : f32
      %reduce_or3A_1027 = arith.cmpf ogt, %reduce_or3A_1025, %reduce_or3A_1026 : f32
      scf.condition(%reduce_or3A_1027) %while3A_1014, %while3A_1015, %while3A_1016 : vector<16xi32>, vector<16xi32>, vector<16xi1>
    } do {
    ^bb0(%while3A_1014: vector<16xi32>, %while3A_1015: vector<16xi32>, %while3A_1016: vector<16xi1>):
      %lt3A_1017 = arith.cmpi slt, %while3A_1014, %scan3A_39 : vector<16xi32>
      %mul3A_1018 = arith.constant 16 : i32
      %mul3A_1019 = vector.broadcast %mul3A_1018 : i32 to vector<16xi32>
      %mul3A_1020 = arith.muli %while3A_1014, %mul3A_1019 : vector<16xi32>
      %add3A_1021 = arith.addi %mul3A_1020, %iota3A : vector<16xi32>
      %gather3A_1022 = tpu.vector_load_idx %arg12[%add3A_1021] masked %lt3A_1017 : memref<8192xi32, #tpu.memory_space<vmem>>[vector<16xi32>], vector<16xi32>, vector<16xi1>
      %mul3A_1023 = arith.constant 16 : i32
      %mul3A_1024 = vector.broadcast %mul3A_1023 : i32 to vector<16xi32>
      %mul3A_1025 = arith.muli %gather3A_1022, %mul3A_1024 : vector<16xi32>
      %add3A_1026 = arith.addi %mul3A_1025, %iota3A : vector<16xi32>
      %gather3A_1027 = tpu.vector_load_idx %arg8[%add3A_1026] masked %lt3A_1017 : memref<8192xi32, #tpu.memory_space<vmem>>[vector<16xi32>], vector<16xi32>, vector<16xi1>
      %gather3A_1028 = tpu.vector_load_idx %arg15[%gather3A_1022] masked %lt3A_1017 : memref<512xf32, #tpu.memory_space<vmem>>[vector<16xi32>], vector<16xf32>, vector<16xi1>
      %mul3A_1029 = arith.constant -1640531527 : i32
      %mul3A_1030 = vector.broadcast %mul3A_1029 : i32 to vector<16xi32>
      %mul3A_1031 = arith.muli %gather3A_1027, %mul3A_1030 : vector<16xi32>
      %shift_right_logical3A = arith.constant 21 : i32
      %shift_right_logical3A_1032 = vector.broadcast %shift_right_logical3A : i32 to vector<16xi32>
      %shift_right_logical3A_1033 = arith.shrui %mul3A_1031, %shift_right_logical3A_1032 : vector<16xi32>
      %select_n3A_1034 = arith.select %while3A_1016, %shift_right_logical3A_1033, %while3A_1015 : vector<16xi1>, vector<16xi32>
      %mul3A_1035 = arith.constant 16 : i32
      %mul3A_1036 = vector.broadcast %mul3A_1035 : i32 to vector<16xi32>
      %mul3A_1037 = arith.muli %select_n3A_1034, %mul3A_1036 : vector<16xi32>
      %add3A_1038 = arith.addi %mul3A_1037, %iota3A : vector<16xi32>
      %gather3A_1039 = tpu.vector_load_idx %arg9[%add3A_1038] masked %lt3A_1017 : memref<32768xi32, #tpu.memory_space<vmem>>[vector<16xi32>], vector<16xi32>, vector<16xi1>
      %eq3A_1040 = arith.cmpi eq, %gather3A_1039, %gather3A_1027 : vector<16xi32>
      %and3A_1041 = arith.andi %lt3A_1017, %eq3A_1040 : vector<16xi1>
      %eq3A_1042 = arith.constant -1 : i32
      %eq3A_1043 = vector.broadcast %eq3A_1042 : i32 to vector<16xi32>
      %eq3A_1044 = arith.cmpi eq, %gather3A_1039, %eq3A_1043 : vector<16xi32>
      %and3A_1045 = arith.andi %lt3A_1017, %eq3A_1044 : vector<16xi1>
      %or3A_1046 = arith.ori %and3A_1041, %and3A_1045 : vector<16xi1>
      tpu.vector_store_idx %arg9[%add3A_1038], %gather3A_1027 masked %and3A_1045 : memref<32768xi32, #tpu.memory_space<vmem>>[vector<16xi32>], vector<16xi32>, vector<16xi1>
      tpu.vector_store_idx %arg10[%add3A_1038], %gather3A_1028 masked %and3A_1045 : memref<32768xf32, #tpu.memory_space<vmem>>[vector<16xi32>], vector<16xf32>, vector<16xi1>
      tpu.vector_store_idx %arg10[%add3A_1038], %gather3A_1028 masked %and3A_1041 {add = true} : memref<32768xf32, #tpu.memory_space<vmem>>[vector<16xi32>], vector<16xf32>, vector<16xi1>
      tpu.vector_store_idx %arg11[%add3A_1026], %add3A_1038 masked %and3A_1045 : memref<8192xi32, #tpu.memory_space<vmem>>[vector<16xi32>], vector<16xi32>, vector<16xi1>
      %jit3A = arith.constant 1 : i32
      %jit3A_1047 = arith.constant 0 : i32
      %broadcast_in_dim3A_1048 = vector.broadcast %jit3A : i32 to vector<16xi32>
      %broadcast_in_dim3A_1049 = vector.broadcast %jit3A_1047 : i32 to vector<16xi32>
      %select_n3A_1050 = arith.select %or3A_1046, %broadcast_in_dim3A_1048, %broadcast_in_dim3A_1049 : vector<16xi1>, vector<16xi32>
      %add3A_1051 = arith.addi %while3A_1014, %select_n3A_1050 : vector<16xi32>
      %add3A_1052 = arith.constant 1 : i32
      %add3A_1053 = vector.broadcast %add3A_1052 : i32 to vector<16xi32>
      %add3A_1054 = arith.addi %select_n3A_1034, %add3A_1053 : vector<16xi32>
      %and3A_1055 = arith.constant 2047 : i32
      %and3A_1056 = vector.broadcast %and3A_1055 : i32 to vector<16xi32>
      %and3A_1057 = arith.andi %add3A_1054, %and3A_1056 : vector<16xi32>
      %select_n3A_1058 = arith.select %or3A_1046, %select_n3A_1034, %and3A_1057 : vector<16xi1>, vector<16xi32>
      scf.yield %add3A_1051, %select_n3A_1058, %or3A_1046 : vector<16xi32>, vector<16xi32>, vector<16xi1>
    }
    %get3A = arith.constant 0 : index
    %get3A_43 = tpu.vector_load %arg11[%get3A] {strides = array<i32>} : memref<8192xi32, #tpu.memory_space<vmem>>, vector<16xi32>,
    %get3A_44 = arith.constant 0 : index
    %get3A_45 = tpu.vector_load %arg8[%get3A_44] {strides = array<i32>} : memref<8192xi32, #tpu.memory_space<vmem>>, vector<16xi32>,
    %ge3A = arith.constant 0 : i32
    %ge3A_46 = vector.broadcast %ge3A : i32 to vector<16xi32>
    %ge3A_47 = arith.cmpi sge, %get3A_43, %ge3A_46 : vector<16xi32>
    %gather3A = tpu.vector_load_idx %arg10[%get3A_43] masked %ge3A_47 : memref<32768xf32, #tpu.memory_space<vmem>>[vector<16xi32>], vector<16xf32>, vector<16xi1>
    %select_n3A = arith.select %ge3A_47, %gather3A, %broadcast_in_dim3A_22 : vector<16xi1>, vector<16xf32>
    %gt3A = arith.cmpf ogt, %select_n3A, %broadcast_in_dim3A_18 : vector<16xf32>
    %eq3A = arith.cmpf oeq, %select_n3A, %broadcast_in_dim3A_18 : vector<16xf32>
    %lt3A = arith.cmpi slt, %get3A_45, %broadcast_in_dim3A_20 : vector<16xi32>
    %and3A = arith.andi %eq3A, %lt3A : vector<16xi1>
    %or3A = arith.ori %gt3A, %and3A : vector<16xi1>
    %select_n3A_48 = arith.select %or3A, %select_n3A, %broadcast_in_dim3A_18 : vector<16xi1>, vector<16xf32>
    %select_n3A_49 = arith.select %or3A, %get3A_45, %broadcast_in_dim3A_20 : vector<16xi1>, vector<16xi32>
    %select_n3A_50 = arith.select %or3A, %broadcast_in_dim3A_18, %select_n3A : vector<16xi1>, vector<16xf32>
    %select_n3A_51 = arith.select %or3A, %broadcast_in_dim3A_20, %get3A_45 : vector<16xi1>, vector<16xi32>
    %gt3A_52 = arith.cmpf ogt, %select_n3A_50, %broadcast_in_dim3A_18 : vector<16xf32>
    %eq3A_53 = arith.cmpf oeq, %select_n3A_50, %broadcast_in_dim3A_18 : vector<16xf32>
    %lt3A_54 = arith.cmpi slt, %select_n3A_51, %broadcast_in_dim3A_20 : vector<16xi32>
    %and3A_55 = arith.andi %eq3A_53, %lt3A_54 : vector<16xi1>
    %or3A_56 = arith.ori %gt3A_52, %and3A_55 : vector<16xi1>
    %select_n3A_57 = arith.select %or3A_56, %select_n3A_50, %broadcast_in_dim3A_18 : vector<16xi1>, vector<16xf32>
    %select_n3A_58 = arith.select %or3A_56, %select_n3A_51, %broadcast_in_dim3A_20 : vector<16xi1>, vector<16xi32>
    %select_n3A_59 = arith.select %or3A_56, %broadcast_in_dim3A_18, %select_n3A_50 : vector<16xi1>, vector<16xf32>
    %select_n3A_60 = arith.select %or3A_56, %broadcast_in_dim3A_20, %select_n3A_51 : vector<16xi1>, vector<16xi32>
    %gt3A_61 = arith.cmpf ogt, %select_n3A_59, %broadcast_in_dim3A_18 : vector<16xf32>
    %eq3A_62 = arith.cmpf oeq, %select_n3A_59, %broadcast_in_dim3A_18 : vector<16xf32>
    %lt3A_63 = arith.cmpi slt, %select_n3A_60, %broadcast_in_dim3A_20 : vector<16xi32>
    %and3A_64 = arith.andi %eq3A_62, %lt3A_63 : vector<16xi1>
    %or3A_65 = arith.ori %gt3A_61, %and3A_64 : vector<16xi1>
    %select_n3A_66 = arith.select %or3A_65, %select_n3A_59, %broadcast_in_dim3A_18 : vector<16xi1>, vector<16xf32>
    %select_n3A_67 = arith.select %or3A_65, %select_n3A_60, %broadcast_in_dim3A_20 : vector<16xi1>, vector<16xi32>
    %select_n3A_68 = arith.select %or3A_65, %broadcast_in_dim3A_18, %select_n3A_59 : vector<16xi1>, vector<16xf32>
    %select_n3A_69 = arith.select %or3A_65, %broadcast_in_dim3A_20, %select_n3A_60 : vector<16xi1>, vector<16xi32>
    %gt3A_70 = arith.cmpf ogt, %select_n3A_68, %broadcast_in_dim3A_18 : vector<16xf32>
    %eq3A_71 = arith.cmpf oeq, %select_n3A_68, %broadcast_in_dim3A_18 : vector<16xf32>
    %lt3A_72 = arith.cmpi slt, %select_n3A_69, %broadcast_in_dim3A_20 : vector<16xi32>
    %and3A_73 = arith.andi %eq3A_71, %lt3A_72 : vector<16xi1>
    %or3A_74 = arith.ori %gt3A_70, %and3A_73 : vector<16xi1>
    %select_n3A_75 = arith.select %or3A_74, %select_n3A_68, %broadcast_in_dim3A_18 : vector<16xi1>, vector<16xf32>
    %select_n3A_76 = arith.select %or3A_74, %select_n3A_69, %broadcast_in_dim3A_20 : vector<16xi1>, vector<16xi32>
    %select_n3A_77 = arith.select %or3A_74, %broadcast_in_dim3A_18, %select_n3A_68 : vector<16xi1>, vector<16xf32>
    %select_n3A_78 = arith.select %or3A_74, %broadcast_in_dim3A_20, %select_n3A_69 : vector<16xi1>, vector<16xi32>
    %gt3A_79 = arith.cmpf ogt, %select_n3A_77, %broadcast_in_dim3A_18 : vector<16xf32>
    %eq3A_80 = arith.cmpf oeq, %select_n3A_77, %broadcast_in_dim3A_18 : vector<16xf32>
    %lt3A_81 = arith.cmpi slt, %select_n3A_78, %broadcast_in_dim3A_20 : vector<16xi32>
    %and3A_82 = arith.andi %eq3A_80, %lt3A_81 : vector<16xi1>
    %or3A_83 = arith.ori %gt3A_79, %and3A_82 : vector<16xi1>
    %select_n3A_84 = arith.select %or3A_83, %select_n3A_77, %broadcast_in_dim3A_18 : vector<16xi1>, vector<16xf32>
    %select_n3A_85 = arith.select %or3A_83, %select_n3A_78, %broadcast_in_dim3A_20 : vector<16xi1>, vector<16xi32>
    %select_n3A_86 = arith.select %or3A_83, %broadcast_in_dim3A_18, %select_n3A_77 : vector<16xi1>, vector<16xf32>
    %select_n3A_87 = arith.select %or3A_83, %broadcast_in_dim3A_20, %select_n3A_78 : vector<16xi1>, vector<16xi32>
    %get3A_88 = arith.constant 16 : index
    %get3A_89 = tpu.vector_load %arg11[%get3A_88] {strides = array<i32>} : memref<8192xi32, #tpu.memory_space<vmem>>, vector<16xi32>,
    %get3A_90 = arith.constant 16 : index
    %get3A_91 = tpu.vector_load %arg8[%get3A_90] {strides = array<i32>} : memref<8192xi32, #tpu.memory_space<vmem>>, vector<16xi32>,
    %ge3A_92 = arith.constant 0 : i32
    %ge3A_93 = vector.broadcast %ge3A_92 : i32 to vector<16xi32>
    %ge3A_94 = arith.cmpi sge, %get3A_89, %ge3A_93 : vector<16xi32>
    %gather3A_95 = tpu.vector_load_idx %arg10[%get3A_89] masked %ge3A_94 : memref<32768xf32, #tpu.memory_space<vmem>>[vector<16xi32>], vector<16xf32>, vector<16xi1>
    %select_n3A_96 = arith.select %ge3A_94, %gather3A_95, %broadcast_in_dim3A_22 : vector<16xi1>, vector<16xf32>
    %gt3A_97 = arith.cmpf ogt, %select_n3A_96, %select_n3A_48 : vector<16xf32>
    %eq3A_98 = arith.cmpf oeq, %select_n3A_96, %select_n3A_48 : vector<16xf32>
    %lt3A_99 = arith.cmpi slt, %get3A_91, %select_n3A_49 : vector<16xi32>
    %and3A_100 = arith.andi %eq3A_98, %lt3A_99 : vector<16xi1>
    %or3A_101 = arith.ori %gt3A_97, %and3A_100 : vector<16xi1>
    %select_n3A_102 = arith.select %or3A_101, %select_n3A_96, %select_n3A_48 : vector<16xi1>, vector<16xf32>
    %select_n3A_103 = arith.select %or3A_101, %get3A_91, %select_n3A_49 : vector<16xi1>, vector<16xi32>
    %select_n3A_104 = arith.select %or3A_101, %select_n3A_48, %select_n3A_96 : vector<16xi1>, vector<16xf32>
    %select_n3A_105 = arith.select %or3A_101, %select_n3A_49, %get3A_91 : vector<16xi1>, vector<16xi32>
    %gt3A_106 = arith.cmpf ogt, %select_n3A_104, %select_n3A_57 : vector<16xf32>
    %eq3A_107 = arith.cmpf oeq, %select_n3A_104, %select_n3A_57 : vector<16xf32>
    %lt3A_108 = arith.cmpi slt, %select_n3A_105, %select_n3A_58 : vector<16xi32>
    %and3A_109 = arith.andi %eq3A_107, %lt3A_108 : vector<16xi1>
    %or3A_110 = arith.ori %gt3A_106, %and3A_109 : vector<16xi1>
    %select_n3A_111 = arith.select %or3A_110, %select_n3A_104, %select_n3A_57 : vector<16xi1>, vector<16xf32>
    %select_n3A_112 = arith.select %or3A_110, %select_n3A_105, %select_n3A_58 : vector<16xi1>, vector<16xi32>
    %select_n3A_113 = arith.select %or3A_110, %select_n3A_57, %select_n3A_104 : vector<16xi1>, vector<16xf32>
    %select_n3A_114 = arith.select %or3A_110, %select_n3A_58, %select_n3A_105 : vector<16xi1>, vector<16xi32>
    %gt3A_115 = arith.cmpf ogt, %select_n3A_113, %select_n3A_66 : vector<16xf32>
    %eq3A_116 = arith.cmpf oeq, %select_n3A_113, %select_n3A_66 : vector<16xf32>
    %lt3A_117 = arith.cmpi slt, %select_n3A_114, %select_n3A_67 : vector<16xi32>
    %and3A_118 = arith.andi %eq3A_116, %lt3A_117 : vector<16xi1>
    %or3A_119 = arith.ori %gt3A_115, %and3A_118 : vector<16xi1>
    %select_n3A_120 = arith.select %or3A_119, %select_n3A_113, %select_n3A_66 : vector<16xi1>, vector<16xf32>
    %select_n3A_121 = arith.select %or3A_119, %select_n3A_114, %select_n3A_67 : vector<16xi1>, vector<16xi32>
    %select_n3A_122 = arith.select %or3A_119, %select_n3A_66, %select_n3A_113 : vector<16xi1>, vector<16xf32>
    %select_n3A_123 = arith.select %or3A_119, %select_n3A_67, %select_n3A_114 : vector<16xi1>, vector<16xi32>
    %gt3A_124 = arith.cmpf ogt, %select_n3A_122, %select_n3A_75 : vector<16xf32>
    %eq3A_125 = arith.cmpf oeq, %select_n3A_122, %select_n3A_75 : vector<16xf32>
    %lt3A_126 = arith.cmpi slt, %select_n3A_123, %select_n3A_76 : vector<16xi32>
    %and3A_127 = arith.andi %eq3A_125, %lt3A_126 : vector<16xi1>
    %or3A_128 = arith.ori %gt3A_124, %and3A_127 : vector<16xi1>
    %select_n3A_129 = arith.select %or3A_128, %select_n3A_122, %select_n3A_75 : vector<16xi1>, vector<16xf32>
    %select_n3A_130 = arith.select %or3A_128, %select_n3A_123, %select_n3A_76 : vector<16xi1>, vector<16xi32>
    %select_n3A_131 = arith.select %or3A_128, %select_n3A_75, %select_n3A_122 : vector<16xi1>, vector<16xf32>
    %select_n3A_132 = arith.select %or3A_128, %select_n3A_76, %select_n3A_123 : vector<16xi1>, vector<16xi32>
    %gt3A_133 = arith.cmpf ogt, %select_n3A_131, %select_n3A_84 : vector<16xf32>
    %eq3A_134 = arith.cmpf oeq, %select_n3A_131, %select_n3A_84 : vector<16xf32>
    %lt3A_135 = arith.cmpi slt, %select_n3A_132, %select_n3A_85 : vector<16xi32>
    %and3A_136 = arith.andi %eq3A_134, %lt3A_135 : vector<16xi1>
    %or3A_137 = arith.ori %gt3A_133, %and3A_136 : vector<16xi1>
    %select_n3A_138 = arith.select %or3A_137, %select_n3A_131, %select_n3A_84 : vector<16xi1>, vector<16xf32>
    %select_n3A_139 = arith.select %or3A_137, %select_n3A_132, %select_n3A_85 : vector<16xi1>, vector<16xi32>
    %select_n3A_140 = arith.select %or3A_137, %select_n3A_84, %select_n3A_131 : vector<16xi1>, vector<16xf32>
    %select_n3A_141 = arith.select %or3A_137, %select_n3A_85, %select_n3A_132 : vector<16xi1>, vector<16xi32>
    %get3A_142 = arith.constant 2048 : index
    %get3A_143 = tpu.vector_load %arg11[%get3A_142] {strides = array<i32>} : memref<8192xi32, #tpu.memory_space<vmem>>, vector<16xi32>,
    %get3A_144 = arith.constant 2048 : index
    %get3A_145 = tpu.vector_load %arg8[%get3A_144] {strides = array<i32>} : memref<8192xi32, #tpu.memory_space<vmem>>, vector<16xi32>,
    %ge3A_146 = arith.constant 0 : i32
    %ge3A_147 = vector.broadcast %ge3A_146 : i32 to vector<16xi32>
    %ge3A_148 = arith.cmpi sge, %get3A_143, %ge3A_147 : vector<16xi32>
    %gather3A_149 = tpu.vector_load_idx %arg10[%get3A_143] masked %ge3A_148 : memref<32768xf32, #tpu.memory_space<vmem>>[vector<16xi32>], vector<16xf32>, vector<16xi1>
    %select_n3A_150 = arith.select %ge3A_148, %gather3A_149, %broadcast_in_dim3A_22 : vector<16xi1>, vector<16xf32>
    %gt3A_151 = arith.cmpf ogt, %select_n3A_150, %select_n3A_102 : vector<16xf32>
    %eq3A_152 = arith.cmpf oeq, %select_n3A_150, %select_n3A_102 : vector<16xf32>
    %lt3A_153 = arith.cmpi slt, %get3A_145, %select_n3A_103 : vector<16xi32>
    %and3A_154 = arith.andi %eq3A_152, %lt3A_153 : vector<16xi1>
    %or3A_155 = arith.ori %gt3A_151, %and3A_154 : vector<16xi1>
    %select_n3A_156 = arith.select %or3A_155, %select_n3A_150, %select_n3A_102 : vector<16xi1>, vector<16xf32>
    %select_n3A_157 = arith.select %or3A_155, %get3A_145, %select_n3A_103 : vector<16xi1>, vector<16xi32>
    %select_n3A_158 = arith.select %or3A_155, %select_n3A_102, %select_n3A_150 : vector<16xi1>, vector<16xf32>
    %select_n3A_159 = arith.select %or3A_155, %select_n3A_103, %get3A_145 : vector<16xi1>, vector<16xi32>
    %gt3A_160 = arith.cmpf ogt, %select_n3A_158, %select_n3A_111 : vector<16xf32>
    %eq3A_161 = arith.cmpf oeq, %select_n3A_158, %select_n3A_111 : vector<16xf32>
    %lt3A_162 = arith.cmpi slt, %select_n3A_159, %select_n3A_112 : vector<16xi32>
    %and3A_163 = arith.andi %eq3A_161, %lt3A_162 : vector<16xi1>
    %or3A_164 = arith.ori %gt3A_160, %and3A_163 : vector<16xi1>
    %select_n3A_165 = arith.select %or3A_164, %select_n3A_158, %select_n3A_111 : vector<16xi1>, vector<16xf32>
    %select_n3A_166 = arith.select %or3A_164, %select_n3A_159, %select_n3A_112 : vector<16xi1>, vector<16xi32>
    %select_n3A_167 = arith.select %or3A_164, %select_n3A_111, %select_n3A_158 : vector<16xi1>, vector<16xf32>
    %select_n3A_168 = arith.select %or3A_164, %select_n3A_112, %select_n3A_159 : vector<16xi1>, vector<16xi32>
    %gt3A_169 = arith.cmpf ogt, %select_n3A_167, %select_n3A_120 : vector<16xf32>
    %eq3A_170 = arith.cmpf oeq, %select_n3A_167, %select_n3A_120 : vector<16xf32>
    %lt3A_171 = arith.cmpi slt, %select_n3A_168, %select_n3A_121 : vector<16xi32>
    %and3A_172 = arith.andi %eq3A_170, %lt3A_171 : vector<16xi1>
    %or3A_173 = arith.ori %gt3A_169, %and3A_172 : vector<16xi1>
    %select_n3A_174 = arith.select %or3A_173, %select_n3A_167, %select_n3A_120 : vector<16xi1>, vector<16xf32>
    %select_n3A_175 = arith.select %or3A_173, %select_n3A_168, %select_n3A_121 : vector<16xi1>, vector<16xi32>
    %select_n3A_176 = arith.select %or3A_173, %select_n3A_120, %select_n3A_167 : vector<16xi1>, vector<16xf32>
    %select_n3A_177 = arith.select %or3A_173, %select_n3A_121, %select_n3A_168 : vector<16xi1>, vector<16xi32>
    %gt3A_178 = arith.cmpf ogt, %select_n3A_176, %select_n3A_129 : vector<16xf32>
    %eq3A_179 = arith.cmpf oeq, %select_n3A_176, %select_n3A_129 : vector<16xf32>
    %lt3A_180 = arith.cmpi slt, %select_n3A_177, %select_n3A_130 : vector<16xi32>
    %and3A_181 = arith.andi %eq3A_179, %lt3A_180 : vector<16xi1>
    %or3A_182 = arith.ori %gt3A_178, %and3A_181 : vector<16xi1>
    %select_n3A_183 = arith.select %or3A_182, %select_n3A_176, %select_n3A_129 : vector<16xi1>, vector<16xf32>
    %select_n3A_184 = arith.select %or3A_182, %select_n3A_177, %select_n3A_130 : vector<16xi1>, vector<16xi32>
    %select_n3A_185 = arith.select %or3A_182, %select_n3A_129, %select_n3A_176 : vector<16xi1>, vector<16xf32>
    %select_n3A_186 = arith.select %or3A_182, %select_n3A_130, %select_n3A_177 : vector<16xi1>, vector<16xi32>
    %gt3A_187 = arith.cmpf ogt, %select_n3A_185, %select_n3A_138 : vector<16xf32>
    %eq3A_188 = arith.cmpf oeq, %select_n3A_185, %select_n3A_138 : vector<16xf32>
    %lt3A_189 = arith.cmpi slt, %select_n3A_186, %select_n3A_139 : vector<16xi32>
    %and3A_190 = arith.andi %eq3A_188, %lt3A_189 : vector<16xi1>
    %or3A_191 = arith.ori %gt3A_187, %and3A_190 : vector<16xi1>
    %select_n3A_192 = arith.select %or3A_191, %select_n3A_185, %select_n3A_138 : vector<16xi1>, vector<16xf32>
    %select_n3A_193 = arith.select %or3A_191, %select_n3A_186, %select_n3A_139 : vector<16xi1>, vector<16xi32>
    %select_n3A_194 = arith.select %or3A_191, %select_n3A_138, %select_n3A_185 : vector<16xi1>, vector<16xf32>
    %select_n3A_195 = arith.select %or3A_191, %select_n3A_139, %select_n3A_186 : vector<16xi1>, vector<16xi32>
    %get3A_196 = arith.constant 2064 : index
    %get3A_197 = tpu.vector_load %arg11[%get3A_196] {strides = array<i32>} : memref<8192xi32, #tpu.memory_space<vmem>>, vector<16xi32>,
    %get3A_198 = arith.constant 2064 : index
    %get3A_199 = tpu.vector_load %arg8[%get3A_198] {strides = array<i32>} : memref<8192xi32, #tpu.memory_space<vmem>>, vector<16xi32>,
    %ge3A_200 = arith.constant 0 : i32
    %ge3A_201 = vector.broadcast %ge3A_200 : i32 to vector<16xi32>
    %ge3A_202 = arith.cmpi sge, %get3A_197, %ge3A_201 : vector<16xi32>
    %gather3A_203 = tpu.vector_load_idx %arg10[%get3A_197] masked %ge3A_202 : memref<32768xf32, #tpu.memory_space<vmem>>[vector<16xi32>], vector<16xf32>, vector<16xi1>
    %select_n3A_204 = arith.select %ge3A_202, %gather3A_203, %broadcast_in_dim3A_22 : vector<16xi1>, vector<16xf32>
    %gt3A_205 = arith.cmpf ogt, %select_n3A_204, %select_n3A_156 : vector<16xf32>
    %eq3A_206 = arith.cmpf oeq, %select_n3A_204, %select_n3A_156 : vector<16xf32>
    %lt3A_207 = arith.cmpi slt, %get3A_199, %select_n3A_157 : vector<16xi32>
    %and3A_208 = arith.andi %eq3A_206, %lt3A_207 : vector<16xi1>
    %or3A_209 = arith.ori %gt3A_205, %and3A_208 : vector<16xi1>
    %select_n3A_210 = arith.select %or3A_209, %select_n3A_204, %select_n3A_156 : vector<16xi1>, vector<16xf32>
    %select_n3A_211 = arith.select %or3A_209, %get3A_199, %select_n3A_157 : vector<16xi1>, vector<16xi32>
    %select_n3A_212 = arith.select %or3A_209, %select_n3A_156, %select_n3A_204 : vector<16xi1>, vector<16xf32>
    %select_n3A_213 = arith.select %or3A_209, %select_n3A_157, %get3A_199 : vector<16xi1>, vector<16xi32>
    %gt3A_214 = arith.cmpf ogt, %select_n3A_212, %select_n3A_165 : vector<16xf32>
    %eq3A_215 = arith.cmpf oeq, %select_n3A_212, %select_n3A_165 : vector<16xf32>
    %lt3A_216 = arith.cmpi slt, %select_n3A_213, %select_n3A_166 : vector<16xi32>
    %and3A_217 = arith.andi %eq3A_215, %lt3A_216 : vector<16xi1>
    %or3A_218 = arith.ori %gt3A_214, %and3A_217 : vector<16xi1>
    %select_n3A_219 = arith.select %or3A_218, %select_n3A_212, %select_n3A_165 : vector<16xi1>, vector<16xf32>
    %select_n3A_220 = arith.select %or3A_218, %select_n3A_213, %select_n3A_166 : vector<16xi1>, vector<16xi32>
    %select_n3A_221 = arith.select %or3A_218, %select_n3A_165, %select_n3A_212 : vector<16xi1>, vector<16xf32>
    %select_n3A_222 = arith.select %or3A_218, %select_n3A_166, %select_n3A_213 : vector<16xi1>, vector<16xi32>
    %gt3A_223 = arith.cmpf ogt, %select_n3A_221, %select_n3A_174 : vector<16xf32>
    %eq3A_224 = arith.cmpf oeq, %select_n3A_221, %select_n3A_174 : vector<16xf32>
    %lt3A_225 = arith.cmpi slt, %select_n3A_222, %select_n3A_175 : vector<16xi32>
    %and3A_226 = arith.andi %eq3A_224, %lt3A_225 : vector<16xi1>
    %or3A_227 = arith.ori %gt3A_223, %and3A_226 : vector<16xi1>
    %select_n3A_228 = arith.select %or3A_227, %select_n3A_221, %select_n3A_174 : vector<16xi1>, vector<16xf32>
    %select_n3A_229 = arith.select %or3A_227, %select_n3A_222, %select_n3A_175 : vector<16xi1>, vector<16xi32>
    %select_n3A_230 = arith.select %or3A_227, %select_n3A_174, %select_n3A_221 : vector<16xi1>, vector<16xf32>
    %select_n3A_231 = arith.select %or3A_227, %select_n3A_175, %select_n3A_222 : vector<16xi1>, vector<16xi32>
    %gt3A_232 = arith.cmpf ogt, %select_n3A_230, %select_n3A_183 : vector<16xf32>
    %eq3A_233 = arith.cmpf oeq, %select_n3A_230, %select_n3A_183 : vector<16xf32>
    %lt3A_234 = arith.cmpi slt, %select_n3A_231, %select_n3A_184 : vector<16xi32>
    %and3A_235 = arith.andi %eq3A_233, %lt3A_234 : vector<16xi1>
    %or3A_236 = arith.ori %gt3A_232, %and3A_235 : vector<16xi1>
    %select_n3A_237 = arith.select %or3A_236, %select_n3A_230, %select_n3A_183 : vector<16xi1>, vector<16xf32>
    %select_n3A_238 = arith.select %or3A_236, %select_n3A_231, %select_n3A_184 : vector<16xi1>, vector<16xi32>
    %select_n3A_239 = arith.select %or3A_236, %select_n3A_183, %select_n3A_230 : vector<16xi1>, vector<16xf32>
    %select_n3A_240 = arith.select %or3A_236, %select_n3A_184, %select_n3A_231 : vector<16xi1>, vector<16xi32>
    %gt3A_241 = arith.cmpf ogt, %select_n3A_239, %select_n3A_192 : vector<16xf32>
    %eq3A_242 = arith.cmpf oeq, %select_n3A_239, %select_n3A_192 : vector<16xf32>
    %lt3A_243 = arith.cmpi slt, %select_n3A_240, %select_n3A_193 : vector<16xi32>
    %and3A_244 = arith.andi %eq3A_242, %lt3A_243 : vector<16xi1>
    %or3A_245 = arith.ori %gt3A_241, %and3A_244 : vector<16xi1>
    %select_n3A_246 = arith.select %or3A_245, %select_n3A_239, %select_n3A_192 : vector<16xi1>, vector<16xf32>
    %select_n3A_247 = arith.select %or3A_245, %select_n3A_240, %select_n3A_193 : vector<16xi1>, vector<16xi32>
    %select_n3A_248 = arith.select %or3A_245, %select_n3A_192, %select_n3A_239 : vector<16xi1>, vector<16xf32>
    %select_n3A_249 = arith.select %or3A_245, %select_n3A_193, %select_n3A_240 : vector<16xi1>, vector<16xi32>
    %get3A_250 = arith.constant 4096 : index
    %get3A_251 = tpu.vector_load %arg11[%get3A_250] {strides = array<i32>} : memref<8192xi32, #tpu.memory_space<vmem>>, vector<16xi32>,
    %get3A_252 = arith.constant 4096 : index
    %get3A_253 = tpu.vector_load %arg8[%get3A_252] {strides = array<i32>} : memref<8192xi32, #tpu.memory_space<vmem>>, vector<16xi32>,
    %ge3A_254 = arith.constant 0 : i32
    %ge3A_255 = vector.broadcast %ge3A_254 : i32 to vector<16xi32>
    %ge3A_256 = arith.cmpi sge, %get3A_251, %ge3A_255 : vector<16xi32>
    %gather3A_257 = tpu.vector_load_idx %arg10[%get3A_251] masked %ge3A_256 : memref<32768xf32, #tpu.memory_space<vmem>>[vector<16xi32>], vector<16xf32>, vector<16xi1>
    %select_n3A_258 = arith.select %ge3A_256, %gather3A_257, %broadcast_in_dim3A_22 : vector<16xi1>, vector<16xf32>
    %gt3A_259 = arith.cmpf ogt, %select_n3A_258, %select_n3A_210 : vector<16xf32>
    %eq3A_260 = arith.cmpf oeq, %select_n3A_258, %select_n3A_210 : vector<16xf32>
    %lt3A_261 = arith.cmpi slt, %get3A_253, %select_n3A_211 : vector<16xi32>
    %and3A_262 = arith.andi %eq3A_260, %lt3A_261 : vector<16xi1>
    %or3A_263 = arith.ori %gt3A_259, %and3A_262 : vector<16xi1>
    %select_n3A_264 = arith.select %or3A_263, %select_n3A_258, %select_n3A_210 : vector<16xi1>, vector<16xf32>
    %select_n3A_265 = arith.select %or3A_263, %get3A_253, %select_n3A_211 : vector<16xi1>, vector<16xi32>
    %select_n3A_266 = arith.select %or3A_263, %select_n3A_210, %select_n3A_258 : vector<16xi1>, vector<16xf32>
    %select_n3A_267 = arith.select %or3A_263, %select_n3A_211, %get3A_253 : vector<16xi1>, vector<16xi32>
    %gt3A_268 = arith.cmpf ogt, %select_n3A_266, %select_n3A_219 : vector<16xf32>
    %eq3A_269 = arith.cmpf oeq, %select_n3A_266, %select_n3A_219 : vector<16xf32>
    %lt3A_270 = arith.cmpi slt, %select_n3A_267, %select_n3A_220 : vector<16xi32>
    %and3A_271 = arith.andi %eq3A_269, %lt3A_270 : vector<16xi1>
    %or3A_272 = arith.ori %gt3A_268, %and3A_271 : vector<16xi1>
    %select_n3A_273 = arith.select %or3A_272, %select_n3A_266, %select_n3A_219 : vector<16xi1>, vector<16xf32>
    %select_n3A_274 = arith.select %or3A_272, %select_n3A_267, %select_n3A_220 : vector<16xi1>, vector<16xi32>
    %select_n3A_275 = arith.select %or3A_272, %select_n3A_219, %select_n3A_266 : vector<16xi1>, vector<16xf32>
    %select_n3A_276 = arith.select %or3A_272, %select_n3A_220, %select_n3A_267 : vector<16xi1>, vector<16xi32>
    %gt3A_277 = arith.cmpf ogt, %select_n3A_275, %select_n3A_228 : vector<16xf32>
    %eq3A_278 = arith.cmpf oeq, %select_n3A_275, %select_n3A_228 : vector<16xf32>
    %lt3A_279 = arith.cmpi slt, %select_n3A_276, %select_n3A_229 : vector<16xi32>
    %and3A_280 = arith.andi %eq3A_278, %lt3A_279 : vector<16xi1>
    %or3A_281 = arith.ori %gt3A_277, %and3A_280 : vector<16xi1>
    %select_n3A_282 = arith.select %or3A_281, %select_n3A_275, %select_n3A_228 : vector<16xi1>, vector<16xf32>
    %select_n3A_283 = arith.select %or3A_281, %select_n3A_276, %select_n3A_229 : vector<16xi1>, vector<16xi32>
    %select_n3A_284 = arith.select %or3A_281, %select_n3A_228, %select_n3A_275 : vector<16xi1>, vector<16xf32>
    %select_n3A_285 = arith.select %or3A_281, %select_n3A_229, %select_n3A_276 : vector<16xi1>, vector<16xi32>
    %gt3A_286 = arith.cmpf ogt, %select_n3A_284, %select_n3A_237 : vector<16xf32>
    %eq3A_287 = arith.cmpf oeq, %select_n3A_284, %select_n3A_237 : vector<16xf32>
    %lt3A_288 = arith.cmpi slt, %select_n3A_285, %select_n3A_238 : vector<16xi32>
    %and3A_289 = arith.andi %eq3A_287, %lt3A_288 : vector<16xi1>
    %or3A_290 = arith.ori %gt3A_286, %and3A_289 : vector<16xi1>
    %select_n3A_291 = arith.select %or3A_290, %select_n3A_284, %select_n3A_237 : vector<16xi1>, vector<16xf32>
    %select_n3A_292 = arith.select %or3A_290, %select_n3A_285, %select_n3A_238 : vector<16xi1>, vector<16xi32>
    %select_n3A_293 = arith.select %or3A_290, %select_n3A_237, %select_n3A_284 : vector<16xi1>, vector<16xf32>
    %select_n3A_294 = arith.select %or3A_290, %select_n3A_238, %select_n3A_285 : vector<16xi1>, vector<16xi32>
    %gt3A_295 = arith.cmpf ogt, %select_n3A_293, %select_n3A_246 : vector<16xf32>
    %eq3A_296 = arith.cmpf oeq, %select_n3A_293, %select_n3A_246 : vector<16xf32>
    %lt3A_297 = arith.cmpi slt, %select_n3A_294, %select_n3A_247 : vector<16xi32>
    %and3A_298 = arith.andi %eq3A_296, %lt3A_297 : vector<16xi1>
    %or3A_299 = arith.ori %gt3A_295, %and3A_298 : vector<16xi1>
    %select_n3A_300 = arith.select %or3A_299, %select_n3A_293, %select_n3A_246 : vector<16xi1>, vector<16xf32>
    %select_n3A_301 = arith.select %or3A_299, %select_n3A_294, %select_n3A_247 : vector<16xi1>, vector<16xi32>
    %select_n3A_302 = arith.select %or3A_299, %select_n3A_246, %select_n3A_293 : vector<16xi1>, vector<16xf32>
    %select_n3A_303 = arith.select %or3A_299, %select_n3A_247, %select_n3A_294 : vector<16xi1>, vector<16xi32>
    %get3A_304 = arith.constant 4112 : index
    %get3A_305 = tpu.vector_load %arg11[%get3A_304] {strides = array<i32>} : memref<8192xi32, #tpu.memory_space<vmem>>, vector<16xi32>,
    %get3A_306 = arith.constant 4112 : index
    %get3A_307 = tpu.vector_load %arg8[%get3A_306] {strides = array<i32>} : memref<8192xi32, #tpu.memory_space<vmem>>, vector<16xi32>,
    %ge3A_308 = arith.constant 0 : i32
    %ge3A_309 = vector.broadcast %ge3A_308 : i32 to vector<16xi32>
    %ge3A_310 = arith.cmpi sge, %get3A_305, %ge3A_309 : vector<16xi32>
    %gather3A_311 = tpu.vector_load_idx %arg10[%get3A_305] masked %ge3A_310 : memref<32768xf32, #tpu.memory_space<vmem>>[vector<16xi32>], vector<16xf32>, vector<16xi1>
    %select_n3A_312 = arith.select %ge3A_310, %gather3A_311, %broadcast_in_dim3A_22 : vector<16xi1>, vector<16xf32>
    %gt3A_313 = arith.cmpf ogt, %select_n3A_312, %select_n3A_264 : vector<16xf32>
    %eq3A_314 = arith.cmpf oeq, %select_n3A_312, %select_n3A_264 : vector<16xf32>
    %lt3A_315 = arith.cmpi slt, %get3A_307, %select_n3A_265 : vector<16xi32>
    %and3A_316 = arith.andi %eq3A_314, %lt3A_315 : vector<16xi1>
    %or3A_317 = arith.ori %gt3A_313, %and3A_316 : vector<16xi1>
    %select_n3A_318 = arith.select %or3A_317, %select_n3A_312, %select_n3A_264 : vector<16xi1>, vector<16xf32>
    %select_n3A_319 = arith.select %or3A_317, %get3A_307, %select_n3A_265 : vector<16xi1>, vector<16xi32>
    %select_n3A_320 = arith.select %or3A_317, %select_n3A_264, %select_n3A_312 : vector<16xi1>, vector<16xf32>
    %select_n3A_321 = arith.select %or3A_317, %select_n3A_265, %get3A_307 : vector<16xi1>, vector<16xi32>
    %gt3A_322 = arith.cmpf ogt, %select_n3A_320, %select_n3A_273 : vector<16xf32>
    %eq3A_323 = arith.cmpf oeq, %select_n3A_320, %select_n3A_273 : vector<16xf32>
    %lt3A_324 = arith.cmpi slt, %select_n3A_321, %select_n3A_274 : vector<16xi32>
    %and3A_325 = arith.andi %eq3A_323, %lt3A_324 : vector<16xi1>
    %or3A_326 = arith.ori %gt3A_322, %and3A_325 : vector<16xi1>
    %select_n3A_327 = arith.select %or3A_326, %select_n3A_320, %select_n3A_273 : vector<16xi1>, vector<16xf32>
    %select_n3A_328 = arith.select %or3A_326, %select_n3A_321, %select_n3A_274 : vector<16xi1>, vector<16xi32>
    %select_n3A_329 = arith.select %or3A_326, %select_n3A_273, %select_n3A_320 : vector<16xi1>, vector<16xf32>
    %select_n3A_330 = arith.select %or3A_326, %select_n3A_274, %select_n3A_321 : vector<16xi1>, vector<16xi32>
    %gt3A_331 = arith.cmpf ogt, %select_n3A_329, %select_n3A_282 : vector<16xf32>
    %eq3A_332 = arith.cmpf oeq, %select_n3A_329, %select_n3A_282 : vector<16xf32>
    %lt3A_333 = arith.cmpi slt, %select_n3A_330, %select_n3A_283 : vector<16xi32>
    %and3A_334 = arith.andi %eq3A_332, %lt3A_333 : vector<16xi1>
    %or3A_335 = arith.ori %gt3A_331, %and3A_334 : vector<16xi1>
    %select_n3A_336 = arith.select %or3A_335, %select_n3A_329, %select_n3A_282 : vector<16xi1>, vector<16xf32>
    %select_n3A_337 = arith.select %or3A_335, %select_n3A_330, %select_n3A_283 : vector<16xi1>, vector<16xi32>
    %select_n3A_338 = arith.select %or3A_335, %select_n3A_282, %select_n3A_329 : vector<16xi1>, vector<16xf32>
    %select_n3A_339 = arith.select %or3A_335, %select_n3A_283, %select_n3A_330 : vector<16xi1>, vector<16xi32>
    %gt3A_340 = arith.cmpf ogt, %select_n3A_338, %select_n3A_291 : vector<16xf32>
    %eq3A_341 = arith.cmpf oeq, %select_n3A_338, %select_n3A_291 : vector<16xf32>
    %lt3A_342 = arith.cmpi slt, %select_n3A_339, %select_n3A_292 : vector<16xi32>
    %and3A_343 = arith.andi %eq3A_341, %lt3A_342 : vector<16xi1>
    %or3A_344 = arith.ori %gt3A_340, %and3A_343 : vector<16xi1>
    %select_n3A_345 = arith.select %or3A_344, %select_n3A_338, %select_n3A_291 : vector<16xi1>, vector<16xf32>
    %select_n3A_346 = arith.select %or3A_344, %select_n3A_339, %select_n3A_292 : vector<16xi1>, vector<16xi32>
    %select_n3A_347 = arith.select %or3A_344, %select_n3A_291, %select_n3A_338 : vector<16xi1>, vector<16xf32>
    %select_n3A_348 = arith.select %or3A_344, %select_n3A_292, %select_n3A_339 : vector<16xi1>, vector<16xi32>
    %gt3A_349 = arith.cmpf ogt, %select_n3A_347, %select_n3A_300 : vector<16xf32>
    %eq3A_350 = arith.cmpf oeq, %select_n3A_347, %select_n3A_300 : vector<16xf32>
    %lt3A_351 = arith.cmpi slt, %select_n3A_348, %select_n3A_301 : vector<16xi32>
    %and3A_352 = arith.andi %eq3A_350, %lt3A_351 : vector<16xi1>
    %or3A_353 = arith.ori %gt3A_349, %and3A_352 : vector<16xi1>
    %select_n3A_354 = arith.select %or3A_353, %select_n3A_347, %select_n3A_300 : vector<16xi1>, vector<16xf32>
    %select_n3A_355 = arith.select %or3A_353, %select_n3A_348, %select_n3A_301 : vector<16xi1>, vector<16xi32>
    %select_n3A_356 = arith.select %or3A_353, %select_n3A_300, %select_n3A_347 : vector<16xi1>, vector<16xf32>
    %select_n3A_357 = arith.select %or3A_353, %select_n3A_301, %select_n3A_348 : vector<16xi1>, vector<16xi32>
    %get3A_358 = arith.constant 6144 : index
    %get3A_359 = tpu.vector_load %arg11[%get3A_358] {strides = array<i32>} : memref<8192xi32, #tpu.memory_space<vmem>>, vector<16xi32>,
    %get3A_360 = arith.constant 6144 : index
    %get3A_361 = tpu.vector_load %arg8[%get3A_360] {strides = array<i32>} : memref<8192xi32, #tpu.memory_space<vmem>>, vector<16xi32>,
    %ge3A_362 = arith.constant 0 : i32
    %ge3A_363 = vector.broadcast %ge3A_362 : i32 to vector<16xi32>
    %ge3A_364 = arith.cmpi sge, %get3A_359, %ge3A_363 : vector<16xi32>
    %gather3A_365 = tpu.vector_load_idx %arg10[%get3A_359] masked %ge3A_364 : memref<32768xf32, #tpu.memory_space<vmem>>[vector<16xi32>], vector<16xf32>, vector<16xi1>
    %select_n3A_366 = arith.select %ge3A_364, %gather3A_365, %broadcast_in_dim3A_22 : vector<16xi1>, vector<16xf32>
    %gt3A_367 = arith.cmpf ogt, %select_n3A_366, %select_n3A_318 : vector<16xf32>
    %eq3A_368 = arith.cmpf oeq, %select_n3A_366, %select_n3A_318 : vector<16xf32>
    %lt3A_369 = arith.cmpi slt, %get3A_361, %select_n3A_319 : vector<16xi32>
    %and3A_370 = arith.andi %eq3A_368, %lt3A_369 : vector<16xi1>
    %or3A_371 = arith.ori %gt3A_367, %and3A_370 : vector<16xi1>
    %select_n3A_372 = arith.select %or3A_371, %select_n3A_366, %select_n3A_318 : vector<16xi1>, vector<16xf32>
    %select_n3A_373 = arith.select %or3A_371, %get3A_361, %select_n3A_319 : vector<16xi1>, vector<16xi32>
    %select_n3A_374 = arith.select %or3A_371, %select_n3A_318, %select_n3A_366 : vector<16xi1>, vector<16xf32>
    %select_n3A_375 = arith.select %or3A_371, %select_n3A_319, %get3A_361 : vector<16xi1>, vector<16xi32>
    %gt3A_376 = arith.cmpf ogt, %select_n3A_374, %select_n3A_327 : vector<16xf32>
    %eq3A_377 = arith.cmpf oeq, %select_n3A_374, %select_n3A_327 : vector<16xf32>
    %lt3A_378 = arith.cmpi slt, %select_n3A_375, %select_n3A_328 : vector<16xi32>
    %and3A_379 = arith.andi %eq3A_377, %lt3A_378 : vector<16xi1>
    %or3A_380 = arith.ori %gt3A_376, %and3A_379 : vector<16xi1>
    %select_n3A_381 = arith.select %or3A_380, %select_n3A_374, %select_n3A_327 : vector<16xi1>, vector<16xf32>
    %select_n3A_382 = arith.select %or3A_380, %select_n3A_375, %select_n3A_328 : vector<16xi1>, vector<16xi32>
    %select_n3A_383 = arith.select %or3A_380, %select_n3A_327, %select_n3A_374 : vector<16xi1>, vector<16xf32>
    %select_n3A_384 = arith.select %or3A_380, %select_n3A_328, %select_n3A_375 : vector<16xi1>, vector<16xi32>
    %gt3A_385 = arith.cmpf ogt, %select_n3A_383, %select_n3A_336 : vector<16xf32>
    %eq3A_386 = arith.cmpf oeq, %select_n3A_383, %select_n3A_336 : vector<16xf32>
    %lt3A_387 = arith.cmpi slt, %select_n3A_384, %select_n3A_337 : vector<16xi32>
    %and3A_388 = arith.andi %eq3A_386, %lt3A_387 : vector<16xi1>
    %or3A_389 = arith.ori %gt3A_385, %and3A_388 : vector<16xi1>
    %select_n3A_390 = arith.select %or3A_389, %select_n3A_383, %select_n3A_336 : vector<16xi1>, vector<16xf32>
    %select_n3A_391 = arith.select %or3A_389, %select_n3A_384, %select_n3A_337 : vector<16xi1>, vector<16xi32>
    %select_n3A_392 = arith.select %or3A_389, %select_n3A_336, %select_n3A_383 : vector<16xi1>, vector<16xf32>
    %select_n3A_393 = arith.select %or3A_389, %select_n3A_337, %select_n3A_384 : vector<16xi1>, vector<16xi32>
    %gt3A_394 = arith.cmpf ogt, %select_n3A_392, %select_n3A_345 : vector<16xf32>
    %eq3A_395 = arith.cmpf oeq, %select_n3A_392, %select_n3A_345 : vector<16xf32>
    %lt3A_396 = arith.cmpi slt, %select_n3A_393, %select_n3A_346 : vector<16xi32>
    %and3A_397 = arith.andi %eq3A_395, %lt3A_396 : vector<16xi1>
    %or3A_398 = arith.ori %gt3A_394, %and3A_397 : vector<16xi1>
    %select_n3A_399 = arith.select %or3A_398, %select_n3A_392, %select_n3A_345 : vector<16xi1>, vector<16xf32>
    %select_n3A_400 = arith.select %or3A_398, %select_n3A_393, %select_n3A_346 : vector<16xi1>, vector<16xi32>
    %select_n3A_401 = arith.select %or3A_398, %select_n3A_345, %select_n3A_392 : vector<16xi1>, vector<16xf32>
    %select_n3A_402 = arith.select %or3A_398, %select_n3A_346, %select_n3A_393 : vector<16xi1>, vector<16xi32>
    %gt3A_403 = arith.cmpf ogt, %select_n3A_401, %select_n3A_354 : vector<16xf32>
    %eq3A_404 = arith.cmpf oeq, %select_n3A_401, %select_n3A_354 : vector<16xf32>
    %lt3A_405 = arith.cmpi slt, %select_n3A_402, %select_n3A_355 : vector<16xi32>
    %and3A_406 = arith.andi %eq3A_404, %lt3A_405 : vector<16xi1>
    %or3A_407 = arith.ori %gt3A_403, %and3A_406 : vector<16xi1>
    %select_n3A_408 = arith.select %or3A_407, %select_n3A_401, %select_n3A_354 : vector<16xi1>, vector<16xf32>
    %select_n3A_409 = arith.select %or3A_407, %select_n3A_402, %select_n3A_355 : vector<16xi1>, vector<16xi32>
    %select_n3A_410 = arith.select %or3A_407, %select_n3A_354, %select_n3A_401 : vector<16xi1>, vector<16xf32>
    %select_n3A_411 = arith.select %or3A_407, %select_n3A_355, %select_n3A_402 : vector<16xi1>, vector<16xi32>
    %get3A_412 = arith.constant 6160 : index
    %get3A_413 = tpu.vector_load %arg11[%get3A_412] {strides = array<i32>} : memref<8192xi32, #tpu.memory_space<vmem>>, vector<16xi32>,
    %get3A_414 = arith.constant 6160 : index
    %get3A_415 = tpu.vector_load %arg8[%get3A_414] {strides = array<i32>} : memref<8192xi32, #tpu.memory_space<vmem>>, vector<16xi32>,
    %ge3A_416 = arith.constant 0 : i32
    %ge3A_417 = vector.broadcast %ge3A_416 : i32 to vector<16xi32>
    %ge3A_418 = arith.cmpi sge, %get3A_413, %ge3A_417 : vector<16xi32>
    %gather3A_419 = tpu.vector_load_idx %arg10[%get3A_413] masked %ge3A_418 : memref<32768xf32, #tpu.memory_space<vmem>>[vector<16xi32>], vector<16xf32>, vector<16xi1>
    %select_n3A_420 = arith.select %ge3A_418, %gather3A_419, %broadcast_in_dim3A_22 : vector<16xi1>, vector<16xf32>
    %gt3A_421 = arith.cmpf ogt, %select_n3A_420, %select_n3A_372 : vector<16xf32>
    %eq3A_422 = arith.cmpf oeq, %select_n3A_420, %select_n3A_372 : vector<16xf32>
    %lt3A_423 = arith.cmpi slt, %get3A_415, %select_n3A_373 : vector<16xi32>
    %and3A_424 = arith.andi %eq3A_422, %lt3A_423 : vector<16xi1>
    %or3A_425 = arith.ori %gt3A_421, %and3A_424 : vector<16xi1>
    %select_n3A_426 = arith.select %or3A_425, %select_n3A_420, %select_n3A_372 : vector<16xi1>, vector<16xf32>
    %select_n3A_427 = arith.select %or3A_425, %get3A_415, %select_n3A_373 : vector<16xi1>, vector<16xi32>
    %select_n3A_428 = arith.select %or3A_425, %select_n3A_372, %select_n3A_420 : vector<16xi1>, vector<16xf32>
    %select_n3A_429 = arith.select %or3A_425, %select_n3A_373, %get3A_415 : vector<16xi1>, vector<16xi32>
    %gt3A_430 = arith.cmpf ogt, %select_n3A_428, %select_n3A_381 : vector<16xf32>
    %eq3A_431 = arith.cmpf oeq, %select_n3A_428, %select_n3A_381 : vector<16xf32>
    %lt3A_432 = arith.cmpi slt, %select_n3A_429, %select_n3A_382 : vector<16xi32>
    %and3A_433 = arith.andi %eq3A_431, %lt3A_432 : vector<16xi1>
    %or3A_434 = arith.ori %gt3A_430, %and3A_433 : vector<16xi1>
    %select_n3A_435 = arith.select %or3A_434, %select_n3A_428, %select_n3A_381 : vector<16xi1>, vector<16xf32>
    %select_n3A_436 = arith.select %or3A_434, %select_n3A_429, %select_n3A_382 : vector<16xi1>, vector<16xi32>
    %select_n3A_437 = arith.select %or3A_434, %select_n3A_381, %select_n3A_428 : vector<16xi1>, vector<16xf32>
    %select_n3A_438 = arith.select %or3A_434, %select_n3A_382, %select_n3A_429 : vector<16xi1>, vector<16xi32>
    %gt3A_439 = arith.cmpf ogt, %select_n3A_437, %select_n3A_390 : vector<16xf32>
    %eq3A_440 = arith.cmpf oeq, %select_n3A_437, %select_n3A_390 : vector<16xf32>
    %lt3A_441 = arith.cmpi slt, %select_n3A_438, %select_n3A_391 : vector<16xi32>
    %and3A_442 = arith.andi %eq3A_440, %lt3A_441 : vector<16xi1>
    %or3A_443 = arith.ori %gt3A_439, %and3A_442 : vector<16xi1>
    %select_n3A_444 = arith.select %or3A_443, %select_n3A_437, %select_n3A_390 : vector<16xi1>, vector<16xf32>
    %select_n3A_445 = arith.select %or3A_443, %select_n3A_438, %select_n3A_391 : vector<16xi1>, vector<16xi32>
    %select_n3A_446 = arith.select %or3A_443, %select_n3A_390, %select_n3A_437 : vector<16xi1>, vector<16xf32>
    %select_n3A_447 = arith.select %or3A_443, %select_n3A_391, %select_n3A_438 : vector<16xi1>, vector<16xi32>
    %gt3A_448 = arith.cmpf ogt, %select_n3A_446, %select_n3A_399 : vector<16xf32>
    %eq3A_449 = arith.cmpf oeq, %select_n3A_446, %select_n3A_399 : vector<16xf32>
    %lt3A_450 = arith.cmpi slt, %select_n3A_447, %select_n3A_400 : vector<16xi32>
    %and3A_451 = arith.andi %eq3A_449, %lt3A_450 : vector<16xi1>
    %or3A_452 = arith.ori %gt3A_448, %and3A_451 : vector<16xi1>
    %select_n3A_453 = arith.select %or3A_452, %select_n3A_446, %select_n3A_399 : vector<16xi1>, vector<16xf32>
    %select_n3A_454 = arith.select %or3A_452, %select_n3A_447, %select_n3A_400 : vector<16xi1>, vector<16xi32>
    %select_n3A_455 = arith.select %or3A_452, %select_n3A_399, %select_n3A_446 : vector<16xi1>, vector<16xf32>
    %select_n3A_456 = arith.select %or3A_452, %select_n3A_400, %select_n3A_447 : vector<16xi1>, vector<16xi32>
    %gt3A_457 = arith.cmpf ogt, %select_n3A_455, %select_n3A_408 : vector<16xf32>
    %eq3A_458 = arith.cmpf oeq, %select_n3A_455, %select_n3A_408 : vector<16xf32>
    %lt3A_459 = arith.cmpi slt, %select_n3A_456, %select_n3A_409 : vector<16xi32>
    %and3A_460 = arith.andi %eq3A_458, %lt3A_459 : vector<16xi1>
    %or3A_461 = arith.ori %gt3A_457, %and3A_460 : vector<16xi1>
    %select_n3A_462 = arith.select %or3A_461, %select_n3A_455, %select_n3A_408 : vector<16xi1>, vector<16xf32>
    %select_n3A_463 = arith.select %or3A_461, %select_n3A_456, %select_n3A_409 : vector<16xi1>, vector<16xi32>
    %select_n3A_464 = arith.select %or3A_461, %select_n3A_408, %select_n3A_455 : vector<16xi1>, vector<16xf32>
    %select_n3A_465 = arith.select %or3A_461, %select_n3A_409, %select_n3A_456 : vector<16xi1>, vector<16xi32>
    %parallel_loop3A_466 = arith.constant 0 : i32
    %parallel_loop3A_467 = arith.constant 512 : i32
    %parallel_loop3A_468 = arith.constant 1 : i32
    %parallel_loop3A_469 = scf.for %parallel_loop3A_1014 = %parallel_loop3A_466 to %parallel_loop3A_467 step %parallel_loop3A_468 iter_args(%parallel_loop3A_1015 = %broadcast_in_dim3A_20) -> (vector<16xi32>)  : i32 {
      %parallel_loop3A_1016 = arith.constant 16 : i32
      %parallel_loop3A_1017 = arith.muli %parallel_loop3A_1014, %parallel_loop3A_1016 : i32
      %parallel_loop3A_1018 = arith.index_cast %parallel_loop3A_1017 : i32 to index
      %parallel_loop3A_1019 = tpu.vector_load %arg11[%parallel_loop3A_1018] {strides = array<i32>} : memref<8192xi32, #tpu.memory_space<vmem>>, vector<16xi32>,
      %parallel_loop3A_1020 = arith.index_cast %parallel_loop3A_1017 : i32 to index
      %parallel_loop3A_1021 = tpu.vector_load %arg8[%parallel_loop3A_1020] {strides = array<i32>} : memref<8192xi32, #tpu.memory_space<vmem>>, vector<16xi32>,
      %parallel_loop3A_1022 = arith.constant 0 : i32
      %parallel_loop3A_1023 = vector.broadcast %parallel_loop3A_1022 : i32 to vector<16xi32>
      %parallel_loop3A_1024 = arith.cmpi sge, %parallel_loop3A_1019, %parallel_loop3A_1023 : vector<16xi32>
      %parallel_loop3A_1025 = tpu.vector_load_idx %arg10[%parallel_loop3A_1019] masked %parallel_loop3A_1024 : memref<32768xf32, #tpu.memory_space<vmem>>[vector<16xi32>], vector<16xf32>, vector<16xi1>
      %parallel_loop3A_1026 = arith.select %parallel_loop3A_1024, %parallel_loop3A_1025, %broadcast_in_dim3A_22 : vector<16xi1>, vector<16xf32>
      %parallel_loop3A_1027 = arith.cmpf ogt, %parallel_loop3A_1026, %select_n3A_462 : vector<16xf32>
      %parallel_loop3A_1028 = arith.cmpf oeq, %parallel_loop3A_1026, %select_n3A_462 : vector<16xf32>
      %parallel_loop3A_1029 = arith.cmpi sle, %parallel_loop3A_1021, %select_n3A_463 : vector<16xi32>
      %parallel_loop3A_1030 = arith.andi %parallel_loop3A_1028, %parallel_loop3A_1029 : vector<16xi1>
      %parallel_loop3A_1031 = arith.ori %parallel_loop3A_1027, %parallel_loop3A_1030 : vector<16xi1>
      %parallel_loop3A_1032 = arith.constant 16 : i32
      %parallel_loop3A_1033 = vector.broadcast %parallel_loop3A_1032 : i32 to vector<16xi32>
      %parallel_loop3A_1034 = arith.muli %parallel_loop3A_1015, %parallel_loop3A_1033 : vector<16xi32>
      %parallel_loop3A_1035 = arith.addi %parallel_loop3A_1034, %iota3A : vector<16xi32>
      tpu.vector_store_idx %arg13[%parallel_loop3A_1035], %parallel_loop3A_1026 masked %parallel_loop3A_1031 : memref<8192xf32, #tpu.memory_space<vmem>>[vector<16xi32>], vector<16xf32>, vector<16xi1>
      tpu.vector_store_idx %arg14[%parallel_loop3A_1035], %parallel_loop3A_1021 masked %parallel_loop3A_1031 : memref<8192xi32, #tpu.memory_space<vmem>>[vector<16xi32>], vector<16xi32>, vector<16xi1>
      %parallel_loop3A_1036 = arith.constant 1 : i32
      %parallel_loop3A_1037 = arith.constant 0 : i32
      %parallel_loop3A_1038 = vector.broadcast %parallel_loop3A_1036 : i32 to vector<16xi32>
      %parallel_loop3A_1039 = vector.broadcast %parallel_loop3A_1037 : i32 to vector<16xi32>
      %parallel_loop3A_1040 = arith.select %parallel_loop3A_1031, %parallel_loop3A_1038, %parallel_loop3A_1039 : vector<16xi1>, vector<16xi32>
      %parallel_loop3A_1041 = arith.addi %parallel_loop3A_1015, %parallel_loop3A_1040 : vector<16xi32>
      scf.yield %parallel_loop3A_1041 : vector<16xi32>
    } {sc.loop_unroll_factor = 4 : i64, sc.parallel_access}
    %reduce_max3A = arith.constant true
    %reduce_max3A_470 = vector.broadcast %reduce_max3A : i1 to vector<16xi1>
    %reduce_max3A_471 = arith.constant -2147483648 : i32
    %reduce_max3A_472 = vector.broadcast %reduce_max3A_471 : i32 to vector<16xi32>
    %reduce_max3A_473 = arith.xori %parallel_loop3A_469, %reduce_max3A_472 : vector<16xi32>
    %reduce_max3A_474 = tpu.scan <max>, %reduce_max3A_473 masked %reduce_max3A_470 : vector<16xi32>, vector<16xi1> -> vector<16xi32>
    %reduce_max3A_475 = arith.xori %reduce_max3A_474, %reduce_max3A_472 : vector<16xi32>
    %reduce_max3A_476 = vector.extract %reduce_max3A_475[15] : i32 from vector<16xi32>
    %while3A_477 = arith.constant 0 : i32
    %while3A_478 = arith.subi %reduce_max3A_476, %while3A_477 : i32
    %while3A_479 = arith.addi %while3A_477, %while3A_478 : i32
    %while3A_480 = arith.constant 1 : i32
    %while3A_481 = arith.divsi %while3A_478, %while3A_480 : i32
    %while3A_482 = arith.muli %while3A_481, %while3A_480 : i32
    %while3A_483 = arith.addi %while3A_477, %while3A_482 : i32
    %while3A_484 = arith.constant 1 : i32
    %while3A_485:10 = scf.for %while3A_1014 = %while3A_477 to %while3A_483 step %while3A_484 iter_args(%while3A_1015 = %broadcast_in_dim3A_18, %while3A_1016 = %broadcast_in_dim3A_18, %while3A_1017 = %broadcast_in_dim3A_18, %while3A_1018 = %broadcast_in_dim3A_18, %while3A_1019 = %broadcast_in_dim3A_18, %while3A_1020 = %broadcast_in_dim3A_20, %while3A_1021 = %broadcast_in_dim3A_20, %while3A_1022 = %broadcast_in_dim3A_20, %while3A_1023 = %broadcast_in_dim3A_20, %while3A_1024 = %broadcast_in_dim3A_20) -> (vector<16xf32>, vector<16xf32>, vector<16xf32>, vector<16xf32>, vector<16xf32>, vector<16xi32>, vector<16xi32>, vector<16xi32>, vector<16xi32>, vector<16xi32>)  : i32 {
      %broadcast_in_dim3A_1025 = vector.broadcast %while3A_1014 : i32 to vector<16xi32>
      %lt3A_1026 = arith.cmpi slt, %broadcast_in_dim3A_1025, %parallel_loop3A_469 : vector<16xi32>
      %mul3A_1027 = arith.constant 16 : i32
      %mul3A_1028 = vector.broadcast %mul3A_1027 : i32 to vector<16xi32>
      %mul3A_1029 = arith.muli %broadcast_in_dim3A_1025, %mul3A_1028 : vector<16xi32>
      %add3A_1030 = arith.addi %mul3A_1029, %iota3A : vector<16xi32>
      %gather3A_1031 = tpu.vector_load_idx %arg13[%add3A_1030] masked %lt3A_1026 : memref<8192xf32, #tpu.memory_space<vmem>>[vector<16xi32>], vector<16xf32>, vector<16xi1>
      %gather3A_1032 = tpu.vector_load_idx %arg14[%add3A_1030] masked %lt3A_1026 : memref<8192xi32, #tpu.memory_space<vmem>>[vector<16xi32>], vector<16xi32>, vector<16xi1>
      %select_n3A_1033 = arith.select %lt3A_1026, %gather3A_1031, %broadcast_in_dim3A_22 : vector<16xi1>, vector<16xf32>
      %gt3A_1034 = arith.cmpf ogt, %select_n3A_1033, %while3A_1015 : vector<16xf32>
      %eq3A_1035 = arith.cmpf oeq, %select_n3A_1033, %while3A_1015 : vector<16xf32>
      %lt3A_1036 = arith.cmpi slt, %gather3A_1032, %while3A_1020 : vector<16xi32>
      %and3A_1037 = arith.andi %eq3A_1035, %lt3A_1036 : vector<16xi1>
      %or3A_1038 = arith.ori %gt3A_1034, %and3A_1037 : vector<16xi1>
      %select_n3A_1039 = arith.select %or3A_1038, %select_n3A_1033, %while3A_1015 : vector<16xi1>, vector<16xf32>
      %select_n3A_1040 = arith.select %or3A_1038, %gather3A_1032, %while3A_1020 : vector<16xi1>, vector<16xi32>
      %select_n3A_1041 = arith.select %or3A_1038, %while3A_1015, %select_n3A_1033 : vector<16xi1>, vector<16xf32>
      %select_n3A_1042 = arith.select %or3A_1038, %while3A_1020, %gather3A_1032 : vector<16xi1>, vector<16xi32>
      %gt3A_1043 = arith.cmpf ogt, %select_n3A_1041, %while3A_1016 : vector<16xf32>
      %eq3A_1044 = arith.cmpf oeq, %select_n3A_1041, %while3A_1016 : vector<16xf32>
      %lt3A_1045 = arith.cmpi slt, %select_n3A_1042, %while3A_1021 : vector<16xi32>
      %and3A_1046 = arith.andi %eq3A_1044, %lt3A_1045 : vector<16xi1>
      %or3A_1047 = arith.ori %gt3A_1043, %and3A_1046 : vector<16xi1>
      %select_n3A_1048 = arith.select %or3A_1047, %select_n3A_1041, %while3A_1016 : vector<16xi1>, vector<16xf32>
      %select_n3A_1049 = arith.select %or3A_1047, %select_n3A_1042, %while3A_1021 : vector<16xi1>, vector<16xi32>
      %select_n3A_1050 = arith.select %or3A_1047, %while3A_1016, %select_n3A_1041 : vector<16xi1>, vector<16xf32>
      %select_n3A_1051 = arith.select %or3A_1047, %while3A_1021, %select_n3A_1042 : vector<16xi1>, vector<16xi32>
      %gt3A_1052 = arith.cmpf ogt, %select_n3A_1050, %while3A_1017 : vector<16xf32>
      %eq3A_1053 = arith.cmpf oeq, %select_n3A_1050, %while3A_1017 : vector<16xf32>
      %lt3A_1054 = arith.cmpi slt, %select_n3A_1051, %while3A_1022 : vector<16xi32>
      %and3A_1055 = arith.andi %eq3A_1053, %lt3A_1054 : vector<16xi1>
      %or3A_1056 = arith.ori %gt3A_1052, %and3A_1055 : vector<16xi1>
      %select_n3A_1057 = arith.select %or3A_1056, %select_n3A_1050, %while3A_1017 : vector<16xi1>, vector<16xf32>
      %select_n3A_1058 = arith.select %or3A_1056, %select_n3A_1051, %while3A_1022 : vector<16xi1>, vector<16xi32>
      %select_n3A_1059 = arith.select %or3A_1056, %while3A_1017, %select_n3A_1050 : vector<16xi1>, vector<16xf32>
      %select_n3A_1060 = arith.select %or3A_1056, %while3A_1022, %select_n3A_1051 : vector<16xi1>, vector<16xi32>
      %gt3A_1061 = arith.cmpf ogt, %select_n3A_1059, %while3A_1018 : vector<16xf32>
      %eq3A_1062 = arith.cmpf oeq, %select_n3A_1059, %while3A_1018 : vector<16xf32>
      %lt3A_1063 = arith.cmpi slt, %select_n3A_1060, %while3A_1023 : vector<16xi32>
      %and3A_1064 = arith.andi %eq3A_1062, %lt3A_1063 : vector<16xi1>
      %or3A_1065 = arith.ori %gt3A_1061, %and3A_1064 : vector<16xi1>
      %select_n3A_1066 = arith.select %or3A_1065, %select_n3A_1059, %while3A_1018 : vector<16xi1>, vector<16xf32>
      %select_n3A_1067 = arith.select %or3A_1065, %select_n3A_1060, %while3A_1023 : vector<16xi1>, vector<16xi32>
      %select_n3A_1068 = arith.select %or3A_1065, %while3A_1018, %select_n3A_1059 : vector<16xi1>, vector<16xf32>
      %select_n3A_1069 = arith.select %or3A_1065, %while3A_1023, %select_n3A_1060 : vector<16xi1>, vector<16xi32>
      %gt3A_1070 = arith.cmpf ogt, %select_n3A_1068, %while3A_1019 : vector<16xf32>
      %eq3A_1071 = arith.cmpf oeq, %select_n3A_1068, %while3A_1019 : vector<16xf32>
      %lt3A_1072 = arith.cmpi slt, %select_n3A_1069, %while3A_1024 : vector<16xi32>
      %and3A_1073 = arith.andi %eq3A_1071, %lt3A_1072 : vector<16xi1>
      %or3A_1074 = arith.ori %gt3A_1070, %and3A_1073 : vector<16xi1>
      %select_n3A_1075 = arith.select %or3A_1074, %select_n3A_1068, %while3A_1019 : vector<16xi1>, vector<16xf32>
      %select_n3A_1076 = arith.select %or3A_1074, %select_n3A_1069, %while3A_1024 : vector<16xi1>, vector<16xi32>
      %select_n3A_1077 = arith.select %or3A_1074, %while3A_1019, %select_n3A_1068 : vector<16xi1>, vector<16xf32>
      %select_n3A_1078 = arith.select %or3A_1074, %while3A_1024, %select_n3A_1069 : vector<16xi1>, vector<16xi32>
      scf.yield %select_n3A_1039, %select_n3A_1048, %select_n3A_1057, %select_n3A_1066, %select_n3A_1075, %select_n3A_1040, %select_n3A_1049, %select_n3A_1058, %select_n3A_1067, %select_n3A_1076 : vector<16xf32>, vector<16xf32>, vector<16xf32>, vector<16xf32>, vector<16xf32>, vector<16xi32>, vector<16xi32>, vector<16xi32>, vector<16xi32>, vector<16xi32>
    }
    %while3A_486 = arith.constant 1 : i32
    %while3A_487:10 = scf.for %while3A_1014 = %while3A_483 to %while3A_479 step %while3A_486 iter_args(%while3A_1015 = %while3A_485#0, %while3A_1016 = %while3A_485#1, %while3A_1017 = %while3A_485#2, %while3A_1018 = %while3A_485#3, %while3A_1019 = %while3A_485#4, %while3A_1020 = %while3A_485#5, %while3A_1021 = %while3A_485#6, %while3A_1022 = %while3A_485#7, %while3A_1023 = %while3A_485#8, %while3A_1024 = %while3A_485#9) -> (vector<16xf32>, vector<16xf32>, vector<16xf32>, vector<16xf32>, vector<16xf32>, vector<16xi32>, vector<16xi32>, vector<16xi32>, vector<16xi32>, vector<16xi32>)  : i32 {
      %broadcast_in_dim3A_1025 = vector.broadcast %while3A_1014 : i32 to vector<16xi32>
      %lt3A_1026 = arith.cmpi slt, %broadcast_in_dim3A_1025, %parallel_loop3A_469 : vector<16xi32>
      %mul3A_1027 = arith.constant 16 : i32
      %mul3A_1028 = vector.broadcast %mul3A_1027 : i32 to vector<16xi32>
      %mul3A_1029 = arith.muli %broadcast_in_dim3A_1025, %mul3A_1028 : vector<16xi32>
      %add3A_1030 = arith.addi %mul3A_1029, %iota3A : vector<16xi32>
      %gather3A_1031 = tpu.vector_load_idx %arg13[%add3A_1030] masked %lt3A_1026 : memref<8192xf32, #tpu.memory_space<vmem>>[vector<16xi32>], vector<16xf32>, vector<16xi1>
      %gather3A_1032 = tpu.vector_load_idx %arg14[%add3A_1030] masked %lt3A_1026 : memref<8192xi32, #tpu.memory_space<vmem>>[vector<16xi32>], vector<16xi32>, vector<16xi1>
      %select_n3A_1033 = arith.select %lt3A_1026, %gather3A_1031, %broadcast_in_dim3A_22 : vector<16xi1>, vector<16xf32>
      %gt3A_1034 = arith.cmpf ogt, %select_n3A_1033, %while3A_1015 : vector<16xf32>
      %eq3A_1035 = arith.cmpf oeq, %select_n3A_1033, %while3A_1015 : vector<16xf32>
      %lt3A_1036 = arith.cmpi slt, %gather3A_1032, %while3A_1020 : vector<16xi32>
      %and3A_1037 = arith.andi %eq3A_1035, %lt3A_1036 : vector<16xi1>
      %or3A_1038 = arith.ori %gt3A_1034, %and3A_1037 : vector<16xi1>
      %select_n3A_1039 = arith.select %or3A_1038, %select_n3A_1033, %while3A_1015 : vector<16xi1>, vector<16xf32>
      %select_n3A_1040 = arith.select %or3A_1038, %gather3A_1032, %while3A_1020 : vector<16xi1>, vector<16xi32>
      %select_n3A_1041 = arith.select %or3A_1038, %while3A_1015, %select_n3A_1033 : vector<16xi1>, vector<16xf32>
      %select_n3A_1042 = arith.select %or3A_1038, %while3A_1020, %gather3A_1032 : vector<16xi1>, vector<16xi32>
      %gt3A_1043 = arith.cmpf ogt, %select_n3A_1041, %while3A_1016 : vector<16xf32>
      %eq3A_1044 = arith.cmpf oeq, %select_n3A_1041, %while3A_1016 : vector<16xf32>
      %lt3A_1045 = arith.cmpi slt, %select_n3A_1042, %while3A_1021 : vector<16xi32>
      %and3A_1046 = arith.andi %eq3A_1044, %lt3A_1045 : vector<16xi1>
      %or3A_1047 = arith.ori %gt3A_1043, %and3A_1046 : vector<16xi1>
      %select_n3A_1048 = arith.select %or3A_1047, %select_n3A_1041, %while3A_1016 : vector<16xi1>, vector<16xf32>
      %select_n3A_1049 = arith.select %or3A_1047, %select_n3A_1042, %while3A_1021 : vector<16xi1>, vector<16xi32>
      %select_n3A_1050 = arith.select %or3A_1047, %while3A_1016, %select_n3A_1041 : vector<16xi1>, vector<16xf32>
      %select_n3A_1051 = arith.select %or3A_1047, %while3A_1021, %select_n3A_1042 : vector<16xi1>, vector<16xi32>
      %gt3A_1052 = arith.cmpf ogt, %select_n3A_1050, %while3A_1017 : vector<16xf32>
      %eq3A_1053 = arith.cmpf oeq, %select_n3A_1050, %while3A_1017 : vector<16xf32>
      %lt3A_1054 = arith.cmpi slt, %select_n3A_1051, %while3A_1022 : vector<16xi32>
      %and3A_1055 = arith.andi %eq3A_1053, %lt3A_1054 : vector<16xi1>
      %or3A_1056 = arith.ori %gt3A_1052, %and3A_1055 : vector<16xi1>
      %select_n3A_1057 = arith.select %or3A_1056, %select_n3A_1050, %while3A_1017 : vector<16xi1>, vector<16xf32>
      %select_n3A_1058 = arith.select %or3A_1056, %select_n3A_1051, %while3A_1022 : vector<16xi1>, vector<16xi32>
      %select_n3A_1059 = arith.select %or3A_1056, %while3A_1017, %select_n3A_1050 : vector<16xi1>, vector<16xf32>
      %select_n3A_1060 = arith.select %or3A_1056, %while3A_1022, %select_n3A_1051 : vector<16xi1>, vector<16xi32>
      %gt3A_1061 = arith.cmpf ogt, %select_n3A_1059, %while3A_1018 : vector<16xf32>
      %eq3A_1062 = arith.cmpf oeq, %select_n3A_1059, %while3A_1018 : vector<16xf32>
      %lt3A_1063 = arith.cmpi slt, %select_n3A_1060, %while3A_1023 : vector<16xi32>
      %and3A_1064 = arith.andi %eq3A_1062, %lt3A_1063 : vector<16xi1>
      %or3A_1065 = arith.ori %gt3A_1061, %and3A_1064 : vector<16xi1>
      %select_n3A_1066 = arith.select %or3A_1065, %select_n3A_1059, %while3A_1018 : vector<16xi1>, vector<16xf32>
      %select_n3A_1067 = arith.select %or3A_1065, %select_n3A_1060, %while3A_1023 : vector<16xi1>, vector<16xi32>
      %select_n3A_1068 = arith.select %or3A_1065, %while3A_1018, %select_n3A_1059 : vector<16xi1>, vector<16xf32>
      %select_n3A_1069 = arith.select %or3A_1065, %while3A_1023, %select_n3A_1060 : vector<16xi1>, vector<16xi32>
      %gt3A_1070 = arith.cmpf ogt, %select_n3A_1068, %while3A_1019 : vector<16xf32>
      %eq3A_1071 = arith.cmpf oeq, %select_n3A_1068, %while3A_1019 : vector<16xf32>
      %lt3A_1072 = arith.cmpi slt, %select_n3A_1069, %while3A_1024 : vector<16xi32>
      %and3A_1073 = arith.andi %eq3A_1071, %lt3A_1072 : vector<16xi1>
      %or3A_1074 = arith.ori %gt3A_1070, %and3A_1073 : vector<16xi1>
      %select_n3A_1075 = arith.select %or3A_1074, %select_n3A_1068, %while3A_1019 : vector<16xi1>, vector<16xf32>
      %select_n3A_1076 = arith.select %or3A_1074, %select_n3A_1069, %while3A_1024 : vector<16xi1>, vector<16xi32>
      %select_n3A_1077 = arith.select %or3A_1074, %while3A_1019, %select_n3A_1068 : vector<16xi1>, vector<16xf32>
      %select_n3A_1078 = arith.select %or3A_1074, %while3A_1024, %select_n3A_1069 : vector<16xi1>, vector<16xi32>
      scf.yield %select_n3A_1039, %select_n3A_1048, %select_n3A_1057, %select_n3A_1066, %select_n3A_1075, %select_n3A_1040, %select_n3A_1049, %select_n3A_1058, %select_n3A_1067, %select_n3A_1076 : vector<16xf32>, vector<16xf32>, vector<16xf32>, vector<16xf32>, vector<16xf32>, vector<16xi32>, vector<16xi32>, vector<16xi32>, vector<16xi32>, vector<16xi32>
    }
    %parallel_loop3A_488 = arith.constant 0 : i32
    %parallel_loop3A_489 = arith.constant 512 : i32
    %parallel_loop3A_490 = arith.constant 1 : i32
    scf.for %parallel_loop3A_1014 = %parallel_loop3A_488 to %parallel_loop3A_489 step %parallel_loop3A_490  : i32 {
      %parallel_loop3A_1015 = arith.constant 16 : i32
      %parallel_loop3A_1016 = arith.muli %parallel_loop3A_1014, %parallel_loop3A_1015 : i32
      %parallel_loop3A_1017 = arith.index_cast %parallel_loop3A_1016 : i32 to index
      %parallel_loop3A_1018 = tpu.vector_load %arg11[%parallel_loop3A_1017] {strides = array<i32>} : memref<8192xi32, #tpu.memory_space<vmem>>, vector<16xi32>,
      %parallel_loop3A_1019 = arith.constant 0 : i32
      %parallel_loop3A_1020 = vector.broadcast %parallel_loop3A_1019 : i32 to vector<16xi32>
      %parallel_loop3A_1021 = arith.cmpi sge, %parallel_loop3A_1018, %parallel_loop3A_1020 : vector<16xi32>
      tpu.vector_store_idx %arg9[%parallel_loop3A_1018], %broadcast_in_dim3A_24 masked %parallel_loop3A_1021 : memref<32768xi32, #tpu.memory_space<vmem>>[vector<16xi32>], vector<16xi32>, vector<16xi1>
    } {sc.loop_unroll_factor = 4 : i64, sc.parallel_access}
    %get3A_491 = arith.constant 0 : index
    %get3A_492 = tpu.vector_load %arg16[%get3A_491] {strides = array<i32>} : memref<16xi32, #tpu.memory_space<vmem>>, vector<16xi32>,
    %eq3A_493 = arith.constant 1 : i32
    %eq3A_494 = vector.broadcast %eq3A_493 : i32 to vector<16xi32>
    %eq3A_495 = arith.cmpi eq, %get3A_492, %eq3A_494 : vector<16xi32>
    %select_n3A_496 = arith.select %eq3A_495, %while3A_487#6, %while3A_487#5 : vector<16xi1>, vector<16xi32>
    %eq3A_497 = arith.constant 2 : i32
    %eq3A_498 = vector.broadcast %eq3A_497 : i32 to vector<16xi32>
    %eq3A_499 = arith.cmpi eq, %get3A_492, %eq3A_498 : vector<16xi32>
    %select_n3A_500 = arith.select %eq3A_499, %while3A_487#7, %select_n3A_496 : vector<16xi1>, vector<16xi32>
    %eq3A_501 = arith.constant 3 : i32
    %eq3A_502 = vector.broadcast %eq3A_501 : i32 to vector<16xi32>
    %eq3A_503 = arith.cmpi eq, %get3A_492, %eq3A_502 : vector<16xi32>
    %select_n3A_504 = arith.select %eq3A_503, %while3A_487#8, %select_n3A_500 : vector<16xi1>, vector<16xi32>
    %eq3A_505 = arith.constant 4 : i32
    %eq3A_506 = vector.broadcast %eq3A_505 : i32 to vector<16xi32>
    %eq3A_507 = arith.cmpi eq, %get3A_492, %eq3A_506 : vector<16xi32>
    %select_n3A_508 = arith.select %eq3A_507, %while3A_487#9, %select_n3A_504 : vector<16xi1>, vector<16xi32>
    %swap3A = arith.constant 0 : index
    %swap3A_509 = tpu.vector_load %arg17[%swap3A] {strides = array<i32>} : memref<16xi32, #tpu.memory_space<vmem>>, vector<16xi32>,
    tpu.vector_store %arg17[%swap3A], %select_n3A_508 {strides = array<i32>} : memref<16xi32, #tpu.memory_space<vmem>>, vector<16xi32>,
    %dma_start3A_510 = tpu.memref_slice %arg5[%add3A_28] : memref<1024xi32, #tpu.memory_space<hbm>> -> memref<16xi32, #tpu.memory_space<hbm>>
    %dma_start3A_511 = tpu.memref_slice %arg5[%add3A_28] : memref<1024xi32, #tpu.memory_space<hbm>> -> memref<16xi32, #tpu.memory_space<hbm>>
    tpu.enqueue_dma source(%arg17 : memref<16xi32, #tpu.memory_space<vmem>>) target(%dma_start3A_511 : memref<16xi32, #tpu.memory_space<hbm>>) target_semaphore(%arg21 : memref<!tpu.dma_semaphore, #tpu.memory_space<semaphore_mem>>)
    %mul3A_512 = arith.constant 32 : i32
    %mul3A_513 = arith.muli %add3A, %mul3A_512 : i32
    %add3A_514 = arith.constant 16 : i32
    %add3A_515 = arith.addi %mul3A_513, %add3A_514 : i32
    %dma_wait3A_516 = tpu.memref_slice %arg2[%mul3A_13] : memref<524288xi32, #tpu.memory_space<hbm>> -> memref<8192xi32, #tpu.memory_space<hbm>>
    %dma_wait3A_517 = tpu.memref_slice %arg2[%mul3A_13] : memref<524288xi32, #tpu.memory_space<hbm>> -> memref<8192xi32, #tpu.memory_space<hbm>>
    tpu.wait_dma2 semaphore(%arg20 : memref<!tpu.dma_semaphore, #tpu.memory_space<semaphore_mem>>) src(%dma_wait3A_517 : memref<8192xi32, #tpu.memory_space<hbm>>) dst(%arg7 : memref<8192xi32, #tpu.memory_space<vmem>>)
    "tpu.region"() ({
      %run_scoped3A = tpu.sem_alloc : memref<!tpu.dma_semaphore, #tpu.memory_space<semaphore_mem>>
      %dma_start3A_1014 = tpu.memref_slice %arg3[%add3A_515] : memref<1024xi32, #tpu.memory_space<hbm>> -> memref<16xi32, #tpu.memory_space<hbm>>
      %dma_start3A_1015 = tpu.memref_slice %arg3[%add3A_515] : memref<1024xi32, #tpu.memory_space<hbm>> -> memref<16xi32, #tpu.memory_space<hbm>>
      tpu.enqueue_dma source(%dma_start3A_1015 : memref<16xi32, #tpu.memory_space<hbm>>) target(%arg16 : memref<16xi32, #tpu.memory_space<vmem>>) target_semaphore(%run_scoped3A : memref<!tpu.dma_semaphore, #tpu.memory_space<semaphore_mem>>)
      %dma_wait3A_1016 = tpu.memref_slice %arg3[%add3A_515] : memref<1024xi32, #tpu.memory_space<hbm>> -> memref<16xi32, #tpu.memory_space<hbm>>
      %dma_wait3A_1017 = tpu.memref_slice %arg3[%add3A_515] : memref<1024xi32, #tpu.memory_space<hbm>> -> memref<16xi32, #tpu.memory_space<hbm>>
      tpu.wait_dma2 semaphore(%run_scoped3A : memref<!tpu.dma_semaphore, #tpu.memory_space<semaphore_mem>>) src(%dma_wait3A_1017 : memref<16xi32, #tpu.memory_space<hbm>>) dst(%arg16 : memref<16xi32, #tpu.memory_space<vmem>>)
      tpu.yield
    }) : () -> ()
    %mul3A_518 = arith.constant 512 : i32
    %mul3A_519 = vector.broadcast %mul3A_518 : i32 to vector<16xi32>
    %mul3A_520 = arith.muli %iota3A, %mul3A_519 : vector<16xi32>
    %parallel_loop3A_521 = arith.constant 0 : i32
    %parallel_loop3A_522 = arith.constant 512 : i32
    %parallel_loop3A_523 = arith.constant 1 : i32
    scf.for %parallel_loop3A_1014 = %parallel_loop3A_521 to %parallel_loop3A_522 step %parallel_loop3A_523  : i32 {
      %parallel_loop3A_1015 = arith.constant 15 : i32
      %parallel_loop3A_1016 = arith.andi %parallel_loop3A_1014, %parallel_loop3A_1015 : i32
      %parallel_loop3A_1017 = vector.broadcast %parallel_loop3A_1016 : i32 to vector<16xi32>
      %parallel_loop3A_1018 = arith.addi %iota3A, %parallel_loop3A_1017 : vector<16xi32>
      %parallel_loop3A_1019 = arith.constant 15 : i32
      %parallel_loop3A_1020 = vector.broadcast %parallel_loop3A_1019 : i32 to vector<16xi32>
      %parallel_loop3A_1021 = arith.andi %parallel_loop3A_1018, %parallel_loop3A_1020 : vector<16xi32>
      %parallel_loop3A_1022 = arith.constant -16 : i32
      %parallel_loop3A_1023 = arith.andi %parallel_loop3A_1014, %parallel_loop3A_1022 : i32
      %parallel_loop3A_1024 = vector.broadcast %parallel_loop3A_1023 : i32 to vector<16xi32>
      %parallel_loop3A_1025 = arith.addi %parallel_loop3A_1024, %parallel_loop3A_1021 : vector<16xi32>
      %parallel_loop3A_1026 = arith.addi %mul3A_520, %parallel_loop3A_1025 : vector<16xi32>
      %parallel_loop3A_1027 = tpu.vector_load_idx %arg7[%parallel_loop3A_1026] : memref<8192xi32, #tpu.memory_space<vmem>>[vector<16xi32>], vector<16xi32>,
      %parallel_loop3A_1028 = arith.constant 16 : i32
      %parallel_loop3A_1029 = vector.broadcast %parallel_loop3A_1028 : i32 to vector<16xi32>
      %parallel_loop3A_1030 = arith.muli %parallel_loop3A_1025, %parallel_loop3A_1029 : vector<16xi32>
      %parallel_loop3A_1031 = arith.addi %parallel_loop3A_1030, %iota3A : vector<16xi32>
      tpu.vector_store_idx %arg8[%parallel_loop3A_1031], %parallel_loop3A_1027 : memref<8192xi32, #tpu.memory_space<vmem>>[vector<16xi32>], vector<16xi32>,
    } {sc.loop_unroll_factor = 16 : i64, sc.parallel_access}
    %scan3A_524 = arith.constant 0 : i32
    %scan3A_525 = arith.constant 128 : i32
    %scan3A_526 = arith.addi %scan3A_524, %scan3A_525 : i32
    %scan3A_527 = arith.constant 1 : i32
    %scan3A_528 = scf.for %scan3A_1014 = %scan3A_524 to %scan3A_526 step %scan3A_527 iter_args(%scan3A_1015 = %broadcast_in_dim3A_20) -> (vector<16xi32>)  : i32 {
      %mul3A_1016 = arith.constant 64 : i32
      %mul3A_1017 = arith.muli %scan3A_1014, %mul3A_1016 : i32
      %add3A_1018 = arith.constant 0 : i32
      %add3A_1019 = arith.addi %mul3A_1017, %add3A_1018 : i32
      %mul3A_1020 = arith.constant 64 : i32
      %mul3A_1021 = arith.muli %scan3A_1014, %mul3A_1020 : i32
      %add3A_1022 = arith.constant 16 : i32
      %add3A_1023 = arith.addi %mul3A_1021, %add3A_1022 : i32
      %mul3A_1024 = arith.constant 64 : i32
      %mul3A_1025 = arith.muli %scan3A_1014, %mul3A_1024 : i32
      %add3A_1026 = arith.constant 32 : i32
      %add3A_1027 = arith.addi %mul3A_1025, %add3A_1026 : i32
      %mul3A_1028 = arith.constant 64 : i32
      %mul3A_1029 = arith.muli %scan3A_1014, %mul3A_1028 : i32
      %add3A_1030 = arith.constant 48 : i32
      %add3A_1031 = arith.addi %mul3A_1029, %add3A_1030 : i32
      %mul3A_1032 = arith.constant 4 : i32
      %mul3A_1033 = arith.muli %scan3A_1014, %mul3A_1032 : i32
      %get3A_1034 = arith.index_cast %add3A_1019 : i32 to index
      %get3A_1035 = tpu.vector_load %arg8[%get3A_1034] {strides = array<i32>} : memref<8192xi32, #tpu.memory_space<vmem>>, vector<16xi32>,
      %get3A_1036 = arith.index_cast %add3A_1023 : i32 to index
      %get3A_1037 = tpu.vector_load %arg8[%get3A_1036] {strides = array<i32>} : memref<8192xi32, #tpu.memory_space<vmem>>, vector<16xi32>,
      %get3A_1038 = arith.index_cast %add3A_1027 : i32 to index
      %get3A_1039 = tpu.vector_load %arg8[%get3A_1038] {strides = array<i32>} : memref<8192xi32, #tpu.memory_space<vmem>>, vector<16xi32>,
      %get3A_1040 = arith.index_cast %add3A_1031 : i32 to index
      %get3A_1041 = tpu.vector_load %arg8[%get3A_1040] {strides = array<i32>} : memref<8192xi32, #tpu.memory_space<vmem>>, vector<16xi32>,
      %add3A_1042 = arith.constant 0 : i32
      %add3A_1043 = arith.addi %mul3A_1033, %add3A_1042 : i32
      %broadcast_in_dim3A_1044 = vector.broadcast %add3A_1043 : i32 to vector<16xi32>
      %gather3A_1045 = tpu.vector_load_idx %arg15[%broadcast_in_dim3A_1044] : memref<512xf32, #tpu.memory_space<vmem>>[vector<16xi32>], vector<16xf32>,
      %add3A_1046 = arith.constant 1 : i32
      %add3A_1047 = arith.addi %mul3A_1033, %add3A_1046 : i32
      %broadcast_in_dim3A_1048 = vector.broadcast %add3A_1047 : i32 to vector<16xi32>
      %gather3A_1049 = tpu.vector_load_idx %arg15[%broadcast_in_dim3A_1048] : memref<512xf32, #tpu.memory_space<vmem>>[vector<16xi32>], vector<16xf32>,
      %add3A_1050 = arith.constant 2 : i32
      %add3A_1051 = arith.addi %mul3A_1033, %add3A_1050 : i32
      %broadcast_in_dim3A_1052 = vector.broadcast %add3A_1051 : i32 to vector<16xi32>
      %gather3A_1053 = tpu.vector_load_idx %arg15[%broadcast_in_dim3A_1052] : memref<512xf32, #tpu.memory_space<vmem>>[vector<16xi32>], vector<16xf32>,
      %add3A_1054 = arith.constant 3 : i32
      %add3A_1055 = arith.addi %mul3A_1033, %add3A_1054 : i32
      %broadcast_in_dim3A_1056 = vector.broadcast %add3A_1055 : i32 to vector<16xi32>
      %gather3A_1057 = tpu.vector_load_idx %arg15[%broadcast_in_dim3A_1056] : memref<512xf32, #tpu.memory_space<vmem>>[vector<16xi32>], vector<16xf32>,
      %mul3A_1058 = arith.constant -1640531527 : i32
      %mul3A_1059 = vector.broadcast %mul3A_1058 : i32 to vector<16xi32>
      %mul3A_1060 = arith.muli %get3A_1035, %mul3A_1059 : vector<16xi32>
      %shift_right_logical3A = arith.constant 21 : i32
      %shift_right_logical3A_1061 = vector.broadcast %shift_right_logical3A : i32 to vector<16xi32>
      %shift_right_logical3A_1062 = arith.shrui %mul3A_1060, %shift_right_logical3A_1061 : vector<16xi32>
      %mul3A_1063 = arith.constant 16 : i32
      %mul3A_1064 = vector.broadcast %mul3A_1063 : i32 to vector<16xi32>
      %mul3A_1065 = arith.muli %shift_right_logical3A_1062, %mul3A_1064 : vector<16xi32>
      %add3A_1066 = arith.addi %mul3A_1065, %iota3A : vector<16xi32>
      %add3A_1067 = arith.constant 1 : i32
      %add3A_1068 = vector.broadcast %add3A_1067 : i32 to vector<16xi32>
      %add3A_1069 = arith.addi %shift_right_logical3A_1062, %add3A_1068 : vector<16xi32>
      %and3A_1070 = arith.constant 2047 : i32
      %and3A_1071 = vector.broadcast %and3A_1070 : i32 to vector<16xi32>
      %and3A_1072 = arith.andi %add3A_1069, %and3A_1071 : vector<16xi32>
      %mul3A_1073 = arith.constant 16 : i32
      %mul3A_1074 = vector.broadcast %mul3A_1073 : i32 to vector<16xi32>
      %mul3A_1075 = arith.muli %and3A_1072, %mul3A_1074 : vector<16xi32>
      %add3A_1076 = arith.addi %mul3A_1075, %iota3A : vector<16xi32>
      %mul3A_1077 = arith.constant -1640531527 : i32
      %mul3A_1078 = vector.broadcast %mul3A_1077 : i32 to vector<16xi32>
      %mul3A_1079 = arith.muli %get3A_1037, %mul3A_1078 : vector<16xi32>
      %shift_right_logical3A_1080 = arith.constant 21 : i32
      %shift_right_logical3A_1081 = vector.broadcast %shift_right_logical3A_1080 : i32 to vector<16xi32>
      %shift_right_logical3A_1082 = arith.shrui %mul3A_1079, %shift_right_logical3A_1081 : vector<16xi32>
      %mul3A_1083 = arith.constant 16 : i32
      %mul3A_1084 = vector.broadcast %mul3A_1083 : i32 to vector<16xi32>
      %mul3A_1085 = arith.muli %shift_right_logical3A_1082, %mul3A_1084 : vector<16xi32>
      %add3A_1086 = arith.addi %mul3A_1085, %iota3A : vector<16xi32>
      %add3A_1087 = arith.constant 1 : i32
      %add3A_1088 = vector.broadcast %add3A_1087 : i32 to vector<16xi32>
      %add3A_1089 = arith.addi %shift_right_logical3A_1082, %add3A_1088 : vector<16xi32>
      %and3A_1090 = arith.constant 2047 : i32
      %and3A_1091 = vector.broadcast %and3A_1090 : i32 to vector<16xi32>
      %and3A_1092 = arith.andi %add3A_1089, %and3A_1091 : vector<16xi32>
      %mul3A_1093 = arith.constant 16 : i32
      %mul3A_1094 = vector.broadcast %mul3A_1093 : i32 to vector<16xi32>
      %mul3A_1095 = arith.muli %and3A_1092, %mul3A_1094 : vector<16xi32>
      %add3A_1096 = arith.addi %mul3A_1095, %iota3A : vector<16xi32>
      %mul3A_1097 = arith.constant -1640531527 : i32
      %mul3A_1098 = vector.broadcast %mul3A_1097 : i32 to vector<16xi32>
      %mul3A_1099 = arith.muli %get3A_1039, %mul3A_1098 : vector<16xi32>
      %shift_right_logical3A_1100 = arith.constant 21 : i32
      %shift_right_logical3A_1101 = vector.broadcast %shift_right_logical3A_1100 : i32 to vector<16xi32>
      %shift_right_logical3A_1102 = arith.shrui %mul3A_1099, %shift_right_logical3A_1101 : vector<16xi32>
      %mul3A_1103 = arith.constant 16 : i32
      %mul3A_1104 = vector.broadcast %mul3A_1103 : i32 to vector<16xi32>
      %mul3A_1105 = arith.muli %shift_right_logical3A_1102, %mul3A_1104 : vector<16xi32>
      %add3A_1106 = arith.addi %mul3A_1105, %iota3A : vector<16xi32>
      %add3A_1107 = arith.constant 1 : i32
      %add3A_1108 = vector.broadcast %add3A_1107 : i32 to vector<16xi32>
      %add3A_1109 = arith.addi %shift_right_logical3A_1102, %add3A_1108 : vector<16xi32>
      %and3A_1110 = arith.constant 2047 : i32
      %and3A_1111 = vector.broadcast %and3A_1110 : i32 to vector<16xi32>
      %and3A_1112 = arith.andi %add3A_1109, %and3A_1111 : vector<16xi32>
      %mul3A_1113 = arith.constant 16 : i32
      %mul3A_1114 = vector.broadcast %mul3A_1113 : i32 to vector<16xi32>
      %mul3A_1115 = arith.muli %and3A_1112, %mul3A_1114 : vector<16xi32>
      %add3A_1116 = arith.addi %mul3A_1115, %iota3A : vector<16xi32>
      %mul3A_1117 = arith.constant -1640531527 : i32
      %mul3A_1118 = vector.broadcast %mul3A_1117 : i32 to vector<16xi32>
      %mul3A_1119 = arith.muli %get3A_1041, %mul3A_1118 : vector<16xi32>
      %shift_right_logical3A_1120 = arith.constant 21 : i32
      %shift_right_logical3A_1121 = vector.broadcast %shift_right_logical3A_1120 : i32 to vector<16xi32>
      %shift_right_logical3A_1122 = arith.shrui %mul3A_1119, %shift_right_logical3A_1121 : vector<16xi32>
      %mul3A_1123 = arith.constant 16 : i32
      %mul3A_1124 = vector.broadcast %mul3A_1123 : i32 to vector<16xi32>
      %mul3A_1125 = arith.muli %shift_right_logical3A_1122, %mul3A_1124 : vector<16xi32>
      %add3A_1126 = arith.addi %mul3A_1125, %iota3A : vector<16xi32>
      %add3A_1127 = arith.constant 1 : i32
      %add3A_1128 = vector.broadcast %add3A_1127 : i32 to vector<16xi32>
      %add3A_1129 = arith.addi %shift_right_logical3A_1122, %add3A_1128 : vector<16xi32>
      %and3A_1130 = arith.constant 2047 : i32
      %and3A_1131 = vector.broadcast %and3A_1130 : i32 to vector<16xi32>
      %and3A_1132 = arith.andi %add3A_1129, %and3A_1131 : vector<16xi32>
      %mul3A_1133 = arith.constant 16 : i32
      %mul3A_1134 = vector.broadcast %mul3A_1133 : i32 to vector<16xi32>
      %mul3A_1135 = arith.muli %and3A_1132, %mul3A_1134 : vector<16xi32>
      %add3A_1136 = arith.addi %mul3A_1135, %iota3A : vector<16xi32>
      %gather3A_1137 = tpu.vector_load_idx %arg9[%add3A_1066] : memref<32768xi32, #tpu.memory_space<vmem>>[vector<16xi32>], vector<16xi32>,
      %gather3A_1138 = tpu.vector_load_idx %arg9[%add3A_1076] : memref<32768xi32, #tpu.memory_space<vmem>>[vector<16xi32>], vector<16xi32>,
      %gather3A_1139 = tpu.vector_load_idx %arg9[%add3A_1086] : memref<32768xi32, #tpu.memory_space<vmem>>[vector<16xi32>], vector<16xi32>,
      %gather3A_1140 = tpu.vector_load_idx %arg9[%add3A_1096] : memref<32768xi32, #tpu.memory_space<vmem>>[vector<16xi32>], vector<16xi32>,
      %gather3A_1141 = tpu.vector_load_idx %arg9[%add3A_1106] : memref<32768xi32, #tpu.memory_space<vmem>>[vector<16xi32>], vector<16xi32>,
      %gather3A_1142 = tpu.vector_load_idx %arg9[%add3A_1116] : memref<32768xi32, #tpu.memory_space<vmem>>[vector<16xi32>], vector<16xi32>,
      %gather3A_1143 = tpu.vector_load_idx %arg9[%add3A_1126] : memref<32768xi32, #tpu.memory_space<vmem>>[vector<16xi32>], vector<16xi32>,
      %gather3A_1144 = tpu.vector_load_idx %arg9[%add3A_1136] : memref<32768xi32, #tpu.memory_space<vmem>>[vector<16xi32>], vector<16xi32>,
      %eq3A_1145 = arith.cmpi eq, %gather3A_1137, %get3A_1035 : vector<16xi32>
      %eq3A_1146 = arith.constant -1 : i32
      %eq3A_1147 = vector.broadcast %eq3A_1146 : i32 to vector<16xi32>
      %eq3A_1148 = arith.cmpi eq, %gather3A_1137, %eq3A_1147 : vector<16xi32>
      %eq3A_1149 = arith.cmpi eq, %gather3A_1138, %get3A_1035 : vector<16xi32>
      %eq3A_1150 = arith.constant -1 : i32
      %eq3A_1151 = vector.broadcast %eq3A_1150 : i32 to vector<16xi32>
      %eq3A_1152 = arith.cmpi eq, %gather3A_1138, %eq3A_1151 : vector<16xi32>
      %or3A_1153 = arith.ori %eq3A_1145, %eq3A_1148 : vector<16xi1>
      %not3A = arith.constant dense<true> : vector<16xi1>
      %not3A_1154 = arith.xori %or3A_1153, %not3A : vector<16xi1>
      %and3A_1155 = arith.andi %not3A_1154, %eq3A_1149 : vector<16xi1>
      %or3A_1156 = arith.ori %eq3A_1145, %and3A_1155 : vector<16xi1>
      %not3A_1157 = arith.constant dense<true> : vector<16xi1>
      %not3A_1158 = arith.xori %or3A_1153, %not3A_1157 : vector<16xi1>
      %and3A_1159 = arith.andi %not3A_1158, %eq3A_1152 : vector<16xi1>
      %or3A_1160 = arith.ori %eq3A_1148, %and3A_1159 : vector<16xi1>
      %select_n3A_1161 = arith.select %or3A_1153, %add3A_1066, %add3A_1076 : vector<16xi1>, vector<16xi32>
      %or3A_1162 = arith.ori %or3A_1156, %or3A_1160 : vector<16xi1>
      %not3A_1163 = arith.constant dense<true> : vector<16xi1>
      %not3A_1164 = arith.xori %or3A_1162, %not3A_1163 : vector<16xi1>
      %eq3A_1165 = arith.cmpi eq, %gather3A_1139, %get3A_1037 : vector<16xi32>
      %eq3A_1166 = arith.constant -1 : i32
      %eq3A_1167 = vector.broadcast %eq3A_1166 : i32 to vector<16xi32>
      %eq3A_1168 = arith.cmpi eq, %gather3A_1139, %eq3A_1167 : vector<16xi32>
      %eq3A_1169 = arith.cmpi eq, %gather3A_1140, %get3A_1037 : vector<16xi32>
      %eq3A_1170 = arith.constant -1 : i32
      %eq3A_1171 = vector.broadcast %eq3A_1170 : i32 to vector<16xi32>
      %eq3A_1172 = arith.cmpi eq, %gather3A_1140, %eq3A_1171 : vector<16xi32>
      %eq3A_1173 = arith.cmpi eq, %add3A_1086, %select_n3A_1161 : vector<16xi32>
      %and3A_1174 = arith.andi %or3A_1160, %eq3A_1173 : vector<16xi1>
      %not3A_1175 = arith.constant dense<true> : vector<16xi1>
      %not3A_1176 = arith.xori %and3A_1174, %not3A_1175 : vector<16xi1>
      %and3A_1177 = arith.andi %eq3A_1168, %not3A_1176 : vector<16xi1>
      %eq3A_1178 = arith.cmpi eq, %add3A_1096, %select_n3A_1161 : vector<16xi32>
      %and3A_1179 = arith.andi %or3A_1160, %eq3A_1178 : vector<16xi1>
      %not3A_1180 = arith.constant dense<true> : vector<16xi1>
      %not3A_1181 = arith.xori %and3A_1179, %not3A_1180 : vector<16xi1>
      %and3A_1182 = arith.andi %eq3A_1172, %not3A_1181 : vector<16xi1>
      %or3A_1183 = arith.ori %eq3A_1165, %and3A_1177 : vector<16xi1>
      %not3A_1184 = arith.constant dense<true> : vector<16xi1>
      %not3A_1185 = arith.xori %or3A_1183, %not3A_1184 : vector<16xi1>
      %and3A_1186 = arith.andi %not3A_1185, %eq3A_1169 : vector<16xi1>
      %or3A_1187 = arith.ori %eq3A_1165, %and3A_1186 : vector<16xi1>
      %not3A_1188 = arith.constant dense<true> : vector<16xi1>
      %not3A_1189 = arith.xori %or3A_1183, %not3A_1188 : vector<16xi1>
      %and3A_1190 = arith.andi %not3A_1189, %and3A_1182 : vector<16xi1>
      %or3A_1191 = arith.ori %and3A_1177, %and3A_1190 : vector<16xi1>
      %select_n3A_1192 = arith.select %or3A_1183, %add3A_1086, %add3A_1096 : vector<16xi1>, vector<16xi32>
      %broadcast_in_dim3A_1193 = arith.constant false
      %broadcast_in_dim3A_1194 = vector.broadcast %broadcast_in_dim3A_1193 : i1 to vector<16xi1>
      %broadcast_in_dim3A_1195 = arith.constant false
      %broadcast_in_dim3A_1196 = vector.broadcast %broadcast_in_dim3A_1195 : i1 to vector<16xi1>
      %eq3A_1197 = arith.cmpi eq, %get3A_1037, %get3A_1035 : vector<16xi32>
      %or3A_1198 = arith.ori %or3A_1156, %or3A_1160 : vector<16xi1>
      %or3A_1199 = arith.ori %broadcast_in_dim3A_1194, %eq3A_1197 : vector<16xi1>
      %and3A_1200 = arith.andi %eq3A_1197, %or3A_1198 : vector<16xi1>
      %select_n3A_1201 = arith.select %and3A_1200, %select_n3A_1161, %select_n3A_1192 : vector<16xi1>, vector<16xi32>
      %and3A_1202 = arith.andi %eq3A_1197, %or3A_1198 : vector<16xi1>
      %or3A_1203 = arith.ori %broadcast_in_dim3A_1196, %and3A_1202 : vector<16xi1>
      %not3A_1204 = arith.constant dense<true> : vector<16xi1>
      %not3A_1205 = arith.xori %or3A_1199, %not3A_1204 : vector<16xi1>
      %and3A_1206 = arith.andi %not3A_1205, %or3A_1187 : vector<16xi1>
      %or3A_1207 = arith.ori %and3A_1206, %or3A_1203 : vector<16xi1>
      %not3A_1208 = arith.constant dense<true> : vector<16xi1>
      %not3A_1209 = arith.xori %or3A_1199, %not3A_1208 : vector<16xi1>
      %and3A_1210 = arith.andi %not3A_1209, %or3A_1191 : vector<16xi1>
      %select_n3A_1211 = arith.select %or3A_1203, %select_n3A_1201, %select_n3A_1192 : vector<16xi1>, vector<16xi32>
      %or3A_1212 = arith.ori %or3A_1207, %and3A_1210 : vector<16xi1>
      %not3A_1213 = arith.constant dense<true> : vector<16xi1>
      %not3A_1214 = arith.xori %or3A_1212, %not3A_1213 : vector<16xi1>
      %eq3A_1215 = arith.cmpi eq, %gather3A_1141, %get3A_1039 : vector<16xi32>
      %eq3A_1216 = arith.constant -1 : i32
      %eq3A_1217 = vector.broadcast %eq3A_1216 : i32 to vector<16xi32>
      %eq3A_1218 = arith.cmpi eq, %gather3A_1141, %eq3A_1217 : vector<16xi32>
      %eq3A_1219 = arith.cmpi eq, %gather3A_1142, %get3A_1039 : vector<16xi32>
      %eq3A_1220 = arith.constant -1 : i32
      %eq3A_1221 = vector.broadcast %eq3A_1220 : i32 to vector<16xi32>
      %eq3A_1222 = arith.cmpi eq, %gather3A_1142, %eq3A_1221 : vector<16xi32>
      %eq3A_1223 = arith.cmpi eq, %add3A_1106, %select_n3A_1161 : vector<16xi32>
      %and3A_1224 = arith.andi %or3A_1160, %eq3A_1223 : vector<16xi1>
      %not3A_1225 = arith.constant dense<true> : vector<16xi1>
      %not3A_1226 = arith.xori %and3A_1224, %not3A_1225 : vector<16xi1>
      %and3A_1227 = arith.andi %eq3A_1218, %not3A_1226 : vector<16xi1>
      %eq3A_1228 = arith.cmpi eq, %add3A_1116, %select_n3A_1161 : vector<16xi32>
      %and3A_1229 = arith.andi %or3A_1160, %eq3A_1228 : vector<16xi1>
      %not3A_1230 = arith.constant dense<true> : vector<16xi1>
      %not3A_1231 = arith.xori %and3A_1229, %not3A_1230 : vector<16xi1>
      %and3A_1232 = arith.andi %eq3A_1222, %not3A_1231 : vector<16xi1>
      %eq3A_1233 = arith.cmpi eq, %add3A_1106, %select_n3A_1211 : vector<16xi32>
      %and3A_1234 = arith.andi %and3A_1210, %eq3A_1233 : vector<16xi1>
      %not3A_1235 = arith.constant dense<true> : vector<16xi1>
      %not3A_1236 = arith.xori %and3A_1234, %not3A_1235 : vector<16xi1>
      %and3A_1237 = arith.andi %and3A_1227, %not3A_1236 : vector<16xi1>
      %eq3A_1238 = arith.cmpi eq, %add3A_1116, %select_n3A_1211 : vector<16xi32>
      %and3A_1239 = arith.andi %and3A_1210, %eq3A_1238 : vector<16xi1>
      %not3A_1240 = arith.constant dense<true> : vector<16xi1>
      %not3A_1241 = arith.xori %and3A_1239, %not3A_1240 : vector<16xi1>
      %and3A_1242 = arith.andi %and3A_1232, %not3A_1241 : vector<16xi1>
      %or3A_1243 = arith.ori %eq3A_1215, %and3A_1237 : vector<16xi1>
      %not3A_1244 = arith.constant dense<true> : vector<16xi1>
      %not3A_1245 = arith.xori %or3A_1243, %not3A_1244 : vector<16xi1>
      %and3A_1246 = arith.andi %not3A_1245, %eq3A_1219 : vector<16xi1>
      %or3A_1247 = arith.ori %eq3A_1215, %and3A_1246 : vector<16xi1>
      %not3A_1248 = arith.constant dense<true> : vector<16xi1>
      %not3A_1249 = arith.xori %or3A_1243, %not3A_1248 : vector<16xi1>
      %and3A_1250 = arith.andi %not3A_1249, %and3A_1242 : vector<16xi1>
      %or3A_1251 = arith.ori %and3A_1237, %and3A_1250 : vector<16xi1>
      %select_n3A_1252 = arith.select %or3A_1243, %add3A_1106, %add3A_1116 : vector<16xi1>, vector<16xi32>
      %broadcast_in_dim3A_1253 = arith.constant false
      %broadcast_in_dim3A_1254 = vector.broadcast %broadcast_in_dim3A_1253 : i1 to vector<16xi1>
      %broadcast_in_dim3A_1255 = arith.constant false
      %broadcast_in_dim3A_1256 = vector.broadcast %broadcast_in_dim3A_1255 : i1 to vector<16xi1>
      %eq3A_1257 = arith.cmpi eq, %get3A_1039, %get3A_1035 : vector<16xi32>
      %or3A_1258 = arith.ori %or3A_1156, %or3A_1160 : vector<16xi1>
      %or3A_1259 = arith.ori %broadcast_in_dim3A_1254, %eq3A_1257 : vector<16xi1>
      %and3A_1260 = arith.andi %eq3A_1257, %or3A_1258 : vector<16xi1>
      %select_n3A_1261 = arith.select %and3A_1260, %select_n3A_1161, %select_n3A_1252 : vector<16xi1>, vector<16xi32>
      %and3A_1262 = arith.andi %eq3A_1257, %or3A_1258 : vector<16xi1>
      %or3A_1263 = arith.ori %broadcast_in_dim3A_1256, %and3A_1262 : vector<16xi1>
      %eq3A_1264 = arith.cmpi eq, %get3A_1039, %get3A_1037 : vector<16xi32>
      %or3A_1265 = arith.ori %or3A_1207, %and3A_1210 : vector<16xi1>
      %or3A_1266 = arith.ori %or3A_1259, %eq3A_1264 : vector<16xi1>
      %and3A_1267 = arith.andi %eq3A_1264, %or3A_1265 : vector<16xi1>
      %select_n3A_1268 = arith.select %and3A_1267, %select_n3A_1211, %select_n3A_1261 : vector<16xi1>, vector<16xi32>
      %and3A_1269 = arith.andi %eq3A_1264, %or3A_1265 : vector<16xi1>
      %or3A_1270 = arith.ori %or3A_1263, %and3A_1269 : vector<16xi1>
      %not3A_1271 = arith.constant dense<true> : vector<16xi1>
      %not3A_1272 = arith.xori %or3A_1266, %not3A_1271 : vector<16xi1>
      %and3A_1273 = arith.andi %not3A_1272, %or3A_1247 : vector<16xi1>
      %or3A_1274 = arith.ori %and3A_1273, %or3A_1270 : vector<16xi1>
      %not3A_1275 = arith.constant dense<true> : vector<16xi1>
      %not3A_1276 = arith.xori %or3A_1266, %not3A_1275 : vector<16xi1>
      %and3A_1277 = arith.andi %not3A_1276, %or3A_1251 : vector<16xi1>
      %select_n3A_1278 = arith.select %or3A_1270, %select_n3A_1268, %select_n3A_1252 : vector<16xi1>, vector<16xi32>
      %or3A_1279 = arith.ori %or3A_1274, %and3A_1277 : vector<16xi1>
      %not3A_1280 = arith.constant dense<true> : vector<16xi1>
      %not3A_1281 = arith.xori %or3A_1279, %not3A_1280 : vector<16xi1>
      %eq3A_1282 = arith.cmpi eq, %gather3A_1143, %get3A_1041 : vector<16xi32>
      %eq3A_1283 = arith.constant -1 : i32
      %eq3A_1284 = vector.broadcast %eq3A_1283 : i32 to vector<16xi32>
      %eq3A_1285 = arith.cmpi eq, %gather3A_1143, %eq3A_1284 : vector<16xi32>
      %eq3A_1286 = arith.cmpi eq, %gather3A_1144, %get3A_1041 : vector<16xi32>
      %eq3A_1287 = arith.constant -1 : i32
      %eq3A_1288 = vector.broadcast %eq3A_1287 : i32 to vector<16xi32>
      %eq3A_1289 = arith.cmpi eq, %gather3A_1144, %eq3A_1288 : vector<16xi32>
      %eq3A_1290 = arith.cmpi eq, %add3A_1126, %select_n3A_1161 : vector<16xi32>
      %and3A_1291 = arith.andi %or3A_1160, %eq3A_1290 : vector<16xi1>
      %not3A_1292 = arith.constant dense<true> : vector<16xi1>
      %not3A_1293 = arith.xori %and3A_1291, %not3A_1292 : vector<16xi1>
      %and3A_1294 = arith.andi %eq3A_1285, %not3A_1293 : vector<16xi1>
      %eq3A_1295 = arith.cmpi eq, %add3A_1136, %select_n3A_1161 : vector<16xi32>
      %and3A_1296 = arith.andi %or3A_1160, %eq3A_1295 : vector<16xi1>
      %not3A_1297 = arith.constant dense<true> : vector<16xi1>
      %not3A_1298 = arith.xori %and3A_1296, %not3A_1297 : vector<16xi1>
      %and3A_1299 = arith.andi %eq3A_1289, %not3A_1298 : vector<16xi1>
      %eq3A_1300 = arith.cmpi eq, %add3A_1126, %select_n3A_1211 : vector<16xi32>
      %and3A_1301 = arith.andi %and3A_1210, %eq3A_1300 : vector<16xi1>
      %not3A_1302 = arith.constant dense<true> : vector<16xi1>
      %not3A_1303 = arith.xori %and3A_1301, %not3A_1302 : vector<16xi1>
      %and3A_1304 = arith.andi %and3A_1294, %not3A_1303 : vector<16xi1>
      %eq3A_1305 = arith.cmpi eq, %add3A_1136, %select_n3A_1211 : vector<16xi32>
      %and3A_1306 = arith.andi %and3A_1210, %eq3A_1305 : vector<16xi1>
      %not3A_1307 = arith.constant dense<true> : vector<16xi1>
      %not3A_1308 = arith.xori %and3A_1306, %not3A_1307 : vector<16xi1>
      %and3A_1309 = arith.andi %and3A_1299, %not3A_1308 : vector<16xi1>
      %eq3A_1310 = arith.cmpi eq, %add3A_1126, %select_n3A_1278 : vector<16xi32>
      %and3A_1311 = arith.andi %and3A_1277, %eq3A_1310 : vector<16xi1>
      %not3A_1312 = arith.constant dense<true> : vector<16xi1>
      %not3A_1313 = arith.xori %and3A_1311, %not3A_1312 : vector<16xi1>
      %and3A_1314 = arith.andi %and3A_1304, %not3A_1313 : vector<16xi1>
      %eq3A_1315 = arith.cmpi eq, %add3A_1136, %select_n3A_1278 : vector<16xi32>
      %and3A_1316 = arith.andi %and3A_1277, %eq3A_1315 : vector<16xi1>
      %not3A_1317 = arith.constant dense<true> : vector<16xi1>
      %not3A_1318 = arith.xori %and3A_1316, %not3A_1317 : vector<16xi1>
      %and3A_1319 = arith.andi %and3A_1309, %not3A_1318 : vector<16xi1>
      %or3A_1320 = arith.ori %eq3A_1282, %and3A_1314 : vector<16xi1>
      %not3A_1321 = arith.constant dense<true> : vector<16xi1>
      %not3A_1322 = arith.xori %or3A_1320, %not3A_1321 : vector<16xi1>
      %and3A_1323 = arith.andi %not3A_1322, %eq3A_1286 : vector<16xi1>
      %or3A_1324 = arith.ori %eq3A_1282, %and3A_1323 : vector<16xi1>
      %not3A_1325 = arith.constant dense<true> : vector<16xi1>
      %not3A_1326 = arith.xori %or3A_1320, %not3A_1325 : vector<16xi1>
      %and3A_1327 = arith.andi %not3A_1326, %and3A_1319 : vector<16xi1>
      %or3A_1328 = arith.ori %and3A_1314, %and3A_1327 : vector<16xi1>
      %select_n3A_1329 = arith.select %or3A_1320, %add3A_1126, %add3A_1136 : vector<16xi1>, vector<16xi32>
      %broadcast_in_dim3A_1330 = arith.constant false
      %broadcast_in_dim3A_1331 = vector.broadcast %broadcast_in_dim3A_1330 : i1 to vector<16xi1>
      %broadcast_in_dim3A_1332 = arith.constant false
      %broadcast_in_dim3A_1333 = vector.broadcast %broadcast_in_dim3A_1332 : i1 to vector<16xi1>
      %eq3A_1334 = arith.cmpi eq, %get3A_1041, %get3A_1035 : vector<16xi32>
      %or3A_1335 = arith.ori %or3A_1156, %or3A_1160 : vector<16xi1>
      %or3A_1336 = arith.ori %broadcast_in_dim3A_1331, %eq3A_1334 : vector<16xi1>
      %and3A_1337 = arith.andi %eq3A_1334, %or3A_1335 : vector<16xi1>
      %select_n3A_1338 = arith.select %and3A_1337, %select_n3A_1161, %select_n3A_1329 : vector<16xi1>, vector<16xi32>
      %and3A_1339 = arith.andi %eq3A_1334, %or3A_1335 : vector<16xi1>
      %or3A_1340 = arith.ori %broadcast_in_dim3A_1333, %and3A_1339 : vector<16xi1>
      %eq3A_1341 = arith.cmpi eq, %get3A_1041, %get3A_1037 : vector<16xi32>
      %or3A_1342 = arith.ori %or3A_1207, %and3A_1210 : vector<16xi1>
      %or3A_1343 = arith.ori %or3A_1336, %eq3A_1341 : vector<16xi1>
      %and3A_1344 = arith.andi %eq3A_1341, %or3A_1342 : vector<16xi1>
      %select_n3A_1345 = arith.select %and3A_1344, %select_n3A_1211, %select_n3A_1338 : vector<16xi1>, vector<16xi32>
      %and3A_1346 = arith.andi %eq3A_1341, %or3A_1342 : vector<16xi1>
      %or3A_1347 = arith.ori %or3A_1340, %and3A_1346 : vector<16xi1>
      %eq3A_1348 = arith.cmpi eq, %get3A_1041, %get3A_1039 : vector<16xi32>
      %or3A_1349 = arith.ori %or3A_1274, %and3A_1277 : vector<16xi1>
      %or3A_1350 = arith.ori %or3A_1343, %eq3A_1348 : vector<16xi1>
      %and3A_1351 = arith.andi %eq3A_1348, %or3A_1349 : vector<16xi1>
      %select_n3A_1352 = arith.select %and3A_1351, %select_n3A_1278, %select_n3A_1345 : vector<16xi1>, vector<16xi32>
      %and3A_1353 = arith.andi %eq3A_1348, %or3A_1349 : vector<16xi1>
      %or3A_1354 = arith.ori %or3A_1347, %and3A_1353 : vector<16xi1>
      %not3A_1355 = arith.constant dense<true> : vector<16xi1>
      %not3A_1356 = arith.xori %or3A_1350, %not3A_1355 : vector<16xi1>
      %and3A_1357 = arith.andi %not3A_1356, %or3A_1324 : vector<16xi1>
      %or3A_1358 = arith.ori %and3A_1357, %or3A_1354 : vector<16xi1>
      %not3A_1359 = arith.constant dense<true> : vector<16xi1>
      %not3A_1360 = arith.xori %or3A_1350, %not3A_1359 : vector<16xi1>
      %and3A_1361 = arith.andi %not3A_1360, %or3A_1328 : vector<16xi1>
      %select_n3A_1362 = arith.select %or3A_1354, %select_n3A_1352, %select_n3A_1329 : vector<16xi1>, vector<16xi32>
      %or3A_1363 = arith.ori %or3A_1358, %and3A_1361 : vector<16xi1>
      %not3A_1364 = arith.constant dense<true> : vector<16xi1>
      %not3A_1365 = arith.xori %or3A_1363, %not3A_1364 : vector<16xi1>
      tpu.vector_store_idx %arg9[%select_n3A_1161], %get3A_1035 masked %or3A_1160 : memref<32768xi32, #tpu.memory_space<vmem>>[vector<16xi32>], vector<16xi32>, vector<16xi1>
      tpu.vector_store_idx %arg10[%select_n3A_1161], %gather3A_1045 masked %or3A_1160 : memref<32768xf32, #tpu.memory_space<vmem>>[vector<16xi32>], vector<16xf32>, vector<16xi1>
      tpu.vector_store_idx %arg10[%select_n3A_1161], %gather3A_1045 masked %or3A_1156 {add = true} : memref<32768xf32, #tpu.memory_space<vmem>>[vector<16xi32>], vector<16xf32>, vector<16xi1>
      %jit3A = arith.constant -1 : i32
      %broadcast_in_dim3A_1366 = vector.broadcast %jit3A : i32 to vector<16xi32>
      %select_n3A_1367 = arith.select %or3A_1160, %select_n3A_1161, %broadcast_in_dim3A_1366 : vector<16xi1>, vector<16xi32>
      %swap3A_1368 = arith.index_cast %add3A_1019 : i32 to index
      %swap3A_1369 = tpu.vector_load %arg11[%swap3A_1368] {strides = array<i32>} : memref<8192xi32, #tpu.memory_space<vmem>>, vector<16xi32>,
      tpu.vector_store %arg11[%swap3A_1368], %select_n3A_1367 {strides = array<i32>} : memref<8192xi32, #tpu.memory_space<vmem>>, vector<16xi32>,
      tpu.vector_store_idx %arg9[%select_n3A_1211], %get3A_1037 masked %and3A_1210 : memref<32768xi32, #tpu.memory_space<vmem>>[vector<16xi32>], vector<16xi32>, vector<16xi1>
      tpu.vector_store_idx %arg10[%select_n3A_1211], %gather3A_1049 masked %and3A_1210 : memref<32768xf32, #tpu.memory_space<vmem>>[vector<16xi32>], vector<16xf32>, vector<16xi1>
      tpu.vector_store_idx %arg10[%select_n3A_1211], %gather3A_1049 masked %or3A_1207 {add = true} : memref<32768xf32, #tpu.memory_space<vmem>>[vector<16xi32>], vector<16xf32>, vector<16xi1>
      %jit3A_1370 = arith.constant -1 : i32
      %broadcast_in_dim3A_1371 = vector.broadcast %jit3A_1370 : i32 to vector<16xi32>
      %select_n3A_1372 = arith.select %and3A_1210, %select_n3A_1211, %broadcast_in_dim3A_1371 : vector<16xi1>, vector<16xi32>
      %swap3A_1373 = arith.index_cast %add3A_1023 : i32 to index
      %swap3A_1374 = tpu.vector_load %arg11[%swap3A_1373] {strides = array<i32>} : memref<8192xi32, #tpu.memory_space<vmem>>, vector<16xi32>,
      tpu.vector_store %arg11[%swap3A_1373], %select_n3A_1372 {strides = array<i32>} : memref<8192xi32, #tpu.memory_space<vmem>>, vector<16xi32>,
      tpu.vector_store_idx %arg9[%select_n3A_1278], %get3A_1039 masked %and3A_1277 : memref<32768xi32, #tpu.memory_space<vmem>>[vector<16xi32>], vector<16xi32>, vector<16xi1>
      tpu.vector_store_idx %arg10[%select_n3A_1278], %gather3A_1053 masked %and3A_1277 : memref<32768xf32, #tpu.memory_space<vmem>>[vector<16xi32>], vector<16xf32>, vector<16xi1>
      tpu.vector_store_idx %arg10[%select_n3A_1278], %gather3A_1053 masked %or3A_1274 {add = true} : memref<32768xf32, #tpu.memory_space<vmem>>[vector<16xi32>], vector<16xf32>, vector<16xi1>
      %jit3A_1375 = arith.constant -1 : i32
      %broadcast_in_dim3A_1376 = vector.broadcast %jit3A_1375 : i32 to vector<16xi32>
      %select_n3A_1377 = arith.select %and3A_1277, %select_n3A_1278, %broadcast_in_dim3A_1376 : vector<16xi1>, vector<16xi32>
      %swap3A_1378 = arith.index_cast %add3A_1027 : i32 to index
      %swap3A_1379 = tpu.vector_load %arg11[%swap3A_1378] {strides = array<i32>} : memref<8192xi32, #tpu.memory_space<vmem>>, vector<16xi32>,
      tpu.vector_store %arg11[%swap3A_1378], %select_n3A_1377 {strides = array<i32>} : memref<8192xi32, #tpu.memory_space<vmem>>, vector<16xi32>,
      tpu.vector_store_idx %arg9[%select_n3A_1362], %get3A_1041 masked %and3A_1361 : memref<32768xi32, #tpu.memory_space<vmem>>[vector<16xi32>], vector<16xi32>, vector<16xi1>
      tpu.vector_store_idx %arg10[%select_n3A_1362], %gather3A_1057 masked %and3A_1361 : memref<32768xf32, #tpu.memory_space<vmem>>[vector<16xi32>], vector<16xf32>, vector<16xi1>
      tpu.vector_store_idx %arg10[%select_n3A_1362], %gather3A_1057 masked %or3A_1358 {add = true} : memref<32768xf32, #tpu.memory_space<vmem>>[vector<16xi32>], vector<16xf32>, vector<16xi1>
      %jit3A_1380 = arith.constant -1 : i32
      %broadcast_in_dim3A_1381 = vector.broadcast %jit3A_1380 : i32 to vector<16xi32>
      %select_n3A_1382 = arith.select %and3A_1361, %select_n3A_1362, %broadcast_in_dim3A_1381 : vector<16xi1>, vector<16xi32>
      %swap3A_1383 = arith.index_cast %add3A_1031 : i32 to index
      %swap3A_1384 = tpu.vector_load %arg11[%swap3A_1383] {strides = array<i32>} : memref<8192xi32, #tpu.memory_space<vmem>>, vector<16xi32>,
      tpu.vector_store %arg11[%swap3A_1383], %select_n3A_1382 {strides = array<i32>} : memref<8192xi32, #tpu.memory_space<vmem>>, vector<16xi32>,
      %mul3A_1385 = arith.constant 16 : i32
      %mul3A_1386 = vector.broadcast %mul3A_1385 : i32 to vector<16xi32>
      %mul3A_1387 = arith.muli %scan3A_1015, %mul3A_1386 : vector<16xi32>
      %add3A_1388 = arith.addi %mul3A_1387, %iota3A : vector<16xi32>
      %add3A_1389 = arith.constant 0 : i32
      %add3A_1390 = arith.addi %mul3A_1033, %add3A_1389 : i32
      %broadcast_in_dim3A_1391 = vector.broadcast %add3A_1390 : i32 to vector<16xi32>
      tpu.vector_store_idx %arg12[%add3A_1388], %broadcast_in_dim3A_1391 masked %not3A_1164 : memref<8192xi32, #tpu.memory_space<vmem>>[vector<16xi32>], vector<16xi32>, vector<16xi1>
      %jit3A_1392 = arith.constant 1 : i32
      %jit3A_1393 = arith.constant 0 : i32
      %broadcast_in_dim3A_1394 = vector.broadcast %jit3A_1392 : i32 to vector<16xi32>
      %broadcast_in_dim3A_1395 = vector.broadcast %jit3A_1393 : i32 to vector<16xi32>
      %select_n3A_1396 = arith.select %not3A_1164, %broadcast_in_dim3A_1394, %broadcast_in_dim3A_1395 : vector<16xi1>, vector<16xi32>
      %add3A_1397 = arith.addi %scan3A_1015, %select_n3A_1396 : vector<16xi32>
      %mul3A_1398 = arith.constant 16 : i32
      %mul3A_1399 = vector.broadcast %mul3A_1398 : i32 to vector<16xi32>
      %mul3A_1400 = arith.muli %add3A_1397, %mul3A_1399 : vector<16xi32>
      %add3A_1401 = arith.addi %mul3A_1400, %iota3A : vector<16xi32>
      %add3A_1402 = arith.constant 1 : i32
      %add3A_1403 = arith.addi %mul3A_1033, %add3A_1402 : i32
      %broadcast_in_dim3A_1404 = vector.broadcast %add3A_1403 : i32 to vector<16xi32>
      tpu.vector_store_idx %arg12[%add3A_1401], %broadcast_in_dim3A_1404 masked %not3A_1214 : memref<8192xi32, #tpu.memory_space<vmem>>[vector<16xi32>], vector<16xi32>, vector<16xi1>
      %jit3A_1405 = arith.constant 1 : i32
      %jit3A_1406 = arith.constant 0 : i32
      %broadcast_in_dim3A_1407 = vector.broadcast %jit3A_1405 : i32 to vector<16xi32>
      %broadcast_in_dim3A_1408 = vector.broadcast %jit3A_1406 : i32 to vector<16xi32>
      %select_n3A_1409 = arith.select %not3A_1214, %broadcast_in_dim3A_1407, %broadcast_in_dim3A_1408 : vector<16xi1>, vector<16xi32>
      %add3A_1410 = arith.addi %add3A_1397, %select_n3A_1409 : vector<16xi32>
      %mul3A_1411 = arith.constant 16 : i32
      %mul3A_1412 = vector.broadcast %mul3A_1411 : i32 to vector<16xi32>
      %mul3A_1413 = arith.muli %add3A_1410, %mul3A_1412 : vector<16xi32>
      %add3A_1414 = arith.addi %mul3A_1413, %iota3A : vector<16xi32>
      %add3A_1415 = arith.constant 2 : i32
      %add3A_1416 = arith.addi %mul3A_1033, %add3A_1415 : i32
      %broadcast_in_dim3A_1417 = vector.broadcast %add3A_1416 : i32 to vector<16xi32>
      tpu.vector_store_idx %arg12[%add3A_1414], %broadcast_in_dim3A_1417 masked %not3A_1281 : memref<8192xi32, #tpu.memory_space<vmem>>[vector<16xi32>], vector<16xi32>, vector<16xi1>
      %jit3A_1418 = arith.constant 1 : i32
      %jit3A_1419 = arith.constant 0 : i32
      %broadcast_in_dim3A_1420 = vector.broadcast %jit3A_1418 : i32 to vector<16xi32>
      %broadcast_in_dim3A_1421 = vector.broadcast %jit3A_1419 : i32 to vector<16xi32>
      %select_n3A_1422 = arith.select %not3A_1281, %broadcast_in_dim3A_1420, %broadcast_in_dim3A_1421 : vector<16xi1>, vector<16xi32>
      %add3A_1423 = arith.addi %add3A_1410, %select_n3A_1422 : vector<16xi32>
      %mul3A_1424 = arith.constant 16 : i32
      %mul3A_1425 = vector.broadcast %mul3A_1424 : i32 to vector<16xi32>
      %mul3A_1426 = arith.muli %add3A_1423, %mul3A_1425 : vector<16xi32>
      %add3A_1427 = arith.addi %mul3A_1426, %iota3A : vector<16xi32>
      %add3A_1428 = arith.constant 3 : i32
      %add3A_1429 = arith.addi %mul3A_1033, %add3A_1428 : i32
      %broadcast_in_dim3A_1430 = vector.broadcast %add3A_1429 : i32 to vector<16xi32>
      tpu.vector_store_idx %arg12[%add3A_1427], %broadcast_in_dim3A_1430 masked %not3A_1365 : memref<8192xi32, #tpu.memory_space<vmem>>[vector<16xi32>], vector<16xi32>, vector<16xi1>
      %jit3A_1431 = arith.constant 1 : i32
      %jit3A_1432 = arith.constant 0 : i32
      %broadcast_in_dim3A_1433 = vector.broadcast %jit3A_1431 : i32 to vector<16xi32>
      %broadcast_in_dim3A_1434 = vector.broadcast %jit3A_1432 : i32 to vector<16xi32>
      %select_n3A_1435 = arith.select %not3A_1365, %broadcast_in_dim3A_1433, %broadcast_in_dim3A_1434 : vector<16xi1>, vector<16xi32>
      %add3A_1436 = arith.addi %add3A_1423, %select_n3A_1435 : vector<16xi32>
      scf.yield %add3A_1436 : vector<16xi32>
    }
    %scan3A_529 = arith.constant 128 : i32
    %broadcast_in_dim3A_530 = arith.constant true
    %broadcast_in_dim3A_531 = vector.broadcast %broadcast_in_dim3A_530 : i1 to vector<16xi1>
    %while3A_532:3 = scf.while (%while3A_1014 = %broadcast_in_dim3A_20, %while3A_1015 = %broadcast_in_dim3A_20, %while3A_1016 = %broadcast_in_dim3A_531) : (vector<16xi32>, vector<16xi32>, vector<16xi1>) -> (vector<16xi32>, vector<16xi32>, vector<16xi1>) {
      %lt3A_1017 = arith.cmpi slt, %while3A_1014, %scan3A_528 : vector<16xi32>
      %reduce_or3A = arith.constant 1.000000e+00 : f32
      %reduce_or3A_1018 = arith.constant 0.000000e+00 : f32
      %reduce_or3A_1019 = vector.broadcast %reduce_or3A : f32 to vector<16xf32>
      %reduce_or3A_1020 = vector.broadcast %reduce_or3A_1018 : f32 to vector<16xf32>
      %reduce_or3A_1021 = arith.select %lt3A_1017, %reduce_or3A_1019, %reduce_or3A_1020 : vector<16xi1>, vector<16xf32>
      %reduce_or3A_1022 = arith.constant true
      %reduce_or3A_1023 = vector.broadcast %reduce_or3A_1022 : i1 to vector<16xi1>
      %reduce_or3A_1024 = tpu.scan <max>, %reduce_or3A_1021 masked %reduce_or3A_1023 : vector<16xf32>, vector<16xi1> -> vector<16xf32>
      %reduce_or3A_1025 = vector.extract %reduce_or3A_1024[15] : f32 from vector<16xf32>
      %reduce_or3A_1026 = arith.constant 0.000000e+00 : f32
      %reduce_or3A_1027 = arith.cmpf ogt, %reduce_or3A_1025, %reduce_or3A_1026 : f32
      scf.condition(%reduce_or3A_1027) %while3A_1014, %while3A_1015, %while3A_1016 : vector<16xi32>, vector<16xi32>, vector<16xi1>
    } do {
    ^bb0(%while3A_1014: vector<16xi32>, %while3A_1015: vector<16xi32>, %while3A_1016: vector<16xi1>):
      %lt3A_1017 = arith.cmpi slt, %while3A_1014, %scan3A_528 : vector<16xi32>
      %mul3A_1018 = arith.constant 16 : i32
      %mul3A_1019 = vector.broadcast %mul3A_1018 : i32 to vector<16xi32>
      %mul3A_1020 = arith.muli %while3A_1014, %mul3A_1019 : vector<16xi32>
      %add3A_1021 = arith.addi %mul3A_1020, %iota3A : vector<16xi32>
      %gather3A_1022 = tpu.vector_load_idx %arg12[%add3A_1021] masked %lt3A_1017 : memref<8192xi32, #tpu.memory_space<vmem>>[vector<16xi32>], vector<16xi32>, vector<16xi1>
      %mul3A_1023 = arith.constant 16 : i32
      %mul3A_1024 = vector.broadcast %mul3A_1023 : i32 to vector<16xi32>
      %mul3A_1025 = arith.muli %gather3A_1022, %mul3A_1024 : vector<16xi32>
      %add3A_1026 = arith.addi %mul3A_1025, %iota3A : vector<16xi32>
      %gather3A_1027 = tpu.vector_load_idx %arg8[%add3A_1026] masked %lt3A_1017 : memref<8192xi32, #tpu.memory_space<vmem>>[vector<16xi32>], vector<16xi32>, vector<16xi1>
      %gather3A_1028 = tpu.vector_load_idx %arg15[%gather3A_1022] masked %lt3A_1017 : memref<512xf32, #tpu.memory_space<vmem>>[vector<16xi32>], vector<16xf32>, vector<16xi1>
      %mul3A_1029 = arith.constant -1640531527 : i32
      %mul3A_1030 = vector.broadcast %mul3A_1029 : i32 to vector<16xi32>
      %mul3A_1031 = arith.muli %gather3A_1027, %mul3A_1030 : vector<16xi32>
      %shift_right_logical3A = arith.constant 21 : i32
      %shift_right_logical3A_1032 = vector.broadcast %shift_right_logical3A : i32 to vector<16xi32>
      %shift_right_logical3A_1033 = arith.shrui %mul3A_1031, %shift_right_logical3A_1032 : vector<16xi32>
      %select_n3A_1034 = arith.select %while3A_1016, %shift_right_logical3A_1033, %while3A_1015 : vector<16xi1>, vector<16xi32>
      %mul3A_1035 = arith.constant 16 : i32
      %mul3A_1036 = vector.broadcast %mul3A_1035 : i32 to vector<16xi32>
      %mul3A_1037 = arith.muli %select_n3A_1034, %mul3A_1036 : vector<16xi32>
      %add3A_1038 = arith.addi %mul3A_1037, %iota3A : vector<16xi32>
      %gather3A_1039 = tpu.vector_load_idx %arg9[%add3A_1038] masked %lt3A_1017 : memref<32768xi32, #tpu.memory_space<vmem>>[vector<16xi32>], vector<16xi32>, vector<16xi1>
      %eq3A_1040 = arith.cmpi eq, %gather3A_1039, %gather3A_1027 : vector<16xi32>
      %and3A_1041 = arith.andi %lt3A_1017, %eq3A_1040 : vector<16xi1>
      %eq3A_1042 = arith.constant -1 : i32
      %eq3A_1043 = vector.broadcast %eq3A_1042 : i32 to vector<16xi32>
      %eq3A_1044 = arith.cmpi eq, %gather3A_1039, %eq3A_1043 : vector<16xi32>
      %and3A_1045 = arith.andi %lt3A_1017, %eq3A_1044 : vector<16xi1>
      %or3A_1046 = arith.ori %and3A_1041, %and3A_1045 : vector<16xi1>
      tpu.vector_store_idx %arg9[%add3A_1038], %gather3A_1027 masked %and3A_1045 : memref<32768xi32, #tpu.memory_space<vmem>>[vector<16xi32>], vector<16xi32>, vector<16xi1>
      tpu.vector_store_idx %arg10[%add3A_1038], %gather3A_1028 masked %and3A_1045 : memref<32768xf32, #tpu.memory_space<vmem>>[vector<16xi32>], vector<16xf32>, vector<16xi1>
      tpu.vector_store_idx %arg10[%add3A_1038], %gather3A_1028 masked %and3A_1041 {add = true} : memref<32768xf32, #tpu.memory_space<vmem>>[vector<16xi32>], vector<16xf32>, vector<16xi1>
      tpu.vector_store_idx %arg11[%add3A_1026], %add3A_1038 masked %and3A_1045 : memref<8192xi32, #tpu.memory_space<vmem>>[vector<16xi32>], vector<16xi32>, vector<16xi1>
      %jit3A = arith.constant 1 : i32
      %jit3A_1047 = arith.constant 0 : i32
      %broadcast_in_dim3A_1048 = vector.broadcast %jit3A : i32 to vector<16xi32>
      %broadcast_in_dim3A_1049 = vector.broadcast %jit3A_1047 : i32 to vector<16xi32>
      %select_n3A_1050 = arith.select %or3A_1046, %broadcast_in_dim3A_1048, %broadcast_in_dim3A_1049 : vector<16xi1>, vector<16xi32>
      %add3A_1051 = arith.addi %while3A_1014, %select_n3A_1050 : vector<16xi32>
      %add3A_1052 = arith.constant 1 : i32
      %add3A_1053 = vector.broadcast %add3A_1052 : i32 to vector<16xi32>
      %add3A_1054 = arith.addi %select_n3A_1034, %add3A_1053 : vector<16xi32>
      %and3A_1055 = arith.constant 2047 : i32
      %and3A_1056 = vector.broadcast %and3A_1055 : i32 to vector<16xi32>
      %and3A_1057 = arith.andi %add3A_1054, %and3A_1056 : vector<16xi32>
      %select_n3A_1058 = arith.select %or3A_1046, %select_n3A_1034, %and3A_1057 : vector<16xi1>, vector<16xi32>
      scf.yield %add3A_1051, %select_n3A_1058, %or3A_1046 : vector<16xi32>, vector<16xi32>, vector<16xi1>
    }
    %get3A_533 = arith.constant 0 : index
    %get3A_534 = tpu.vector_load %arg11[%get3A_533] {strides = array<i32>} : memref<8192xi32, #tpu.memory_space<vmem>>, vector<16xi32>,
    %get3A_535 = arith.constant 0 : index
    %get3A_536 = tpu.vector_load %arg8[%get3A_535] {strides = array<i32>} : memref<8192xi32, #tpu.memory_space<vmem>>, vector<16xi32>,
    %ge3A_537 = arith.constant 0 : i32
    %ge3A_538 = vector.broadcast %ge3A_537 : i32 to vector<16xi32>
    %ge3A_539 = arith.cmpi sge, %get3A_534, %ge3A_538 : vector<16xi32>
    %gather3A_540 = tpu.vector_load_idx %arg10[%get3A_534] masked %ge3A_539 : memref<32768xf32, #tpu.memory_space<vmem>>[vector<16xi32>], vector<16xf32>, vector<16xi1>
    %select_n3A_541 = arith.select %ge3A_539, %gather3A_540, %broadcast_in_dim3A_22 : vector<16xi1>, vector<16xf32>
    %gt3A_542 = arith.cmpf ogt, %select_n3A_541, %broadcast_in_dim3A_18 : vector<16xf32>
    %eq3A_543 = arith.cmpf oeq, %select_n3A_541, %broadcast_in_dim3A_18 : vector<16xf32>
    %lt3A_544 = arith.cmpi slt, %get3A_536, %broadcast_in_dim3A_20 : vector<16xi32>
    %and3A_545 = arith.andi %eq3A_543, %lt3A_544 : vector<16xi1>
    %or3A_546 = arith.ori %gt3A_542, %and3A_545 : vector<16xi1>
    %select_n3A_547 = arith.select %or3A_546, %select_n3A_541, %broadcast_in_dim3A_18 : vector<16xi1>, vector<16xf32>
    %select_n3A_548 = arith.select %or3A_546, %get3A_536, %broadcast_in_dim3A_20 : vector<16xi1>, vector<16xi32>
    %select_n3A_549 = arith.select %or3A_546, %broadcast_in_dim3A_18, %select_n3A_541 : vector<16xi1>, vector<16xf32>
    %select_n3A_550 = arith.select %or3A_546, %broadcast_in_dim3A_20, %get3A_536 : vector<16xi1>, vector<16xi32>
    %gt3A_551 = arith.cmpf ogt, %select_n3A_549, %broadcast_in_dim3A_18 : vector<16xf32>
    %eq3A_552 = arith.cmpf oeq, %select_n3A_549, %broadcast_in_dim3A_18 : vector<16xf32>
    %lt3A_553 = arith.cmpi slt, %select_n3A_550, %broadcast_in_dim3A_20 : vector<16xi32>
    %and3A_554 = arith.andi %eq3A_552, %lt3A_553 : vector<16xi1>
    %or3A_555 = arith.ori %gt3A_551, %and3A_554 : vector<16xi1>
    %select_n3A_556 = arith.select %or3A_555, %select_n3A_549, %broadcast_in_dim3A_18 : vector<16xi1>, vector<16xf32>
    %select_n3A_557 = arith.select %or3A_555, %select_n3A_550, %broadcast_in_dim3A_20 : vector<16xi1>, vector<16xi32>
    %select_n3A_558 = arith.select %or3A_555, %broadcast_in_dim3A_18, %select_n3A_549 : vector<16xi1>, vector<16xf32>
    %select_n3A_559 = arith.select %or3A_555, %broadcast_in_dim3A_20, %select_n3A_550 : vector<16xi1>, vector<16xi32>
    %gt3A_560 = arith.cmpf ogt, %select_n3A_558, %broadcast_in_dim3A_18 : vector<16xf32>
    %eq3A_561 = arith.cmpf oeq, %select_n3A_558, %broadcast_in_dim3A_18 : vector<16xf32>
    %lt3A_562 = arith.cmpi slt, %select_n3A_559, %broadcast_in_dim3A_20 : vector<16xi32>
    %and3A_563 = arith.andi %eq3A_561, %lt3A_562 : vector<16xi1>
    %or3A_564 = arith.ori %gt3A_560, %and3A_563 : vector<16xi1>
    %select_n3A_565 = arith.select %or3A_564, %select_n3A_558, %broadcast_in_dim3A_18 : vector<16xi1>, vector<16xf32>
    %select_n3A_566 = arith.select %or3A_564, %select_n3A_559, %broadcast_in_dim3A_20 : vector<16xi1>, vector<16xi32>
    %select_n3A_567 = arith.select %or3A_564, %broadcast_in_dim3A_18, %select_n3A_558 : vector<16xi1>, vector<16xf32>
    %select_n3A_568 = arith.select %or3A_564, %broadcast_in_dim3A_20, %select_n3A_559 : vector<16xi1>, vector<16xi32>
    %gt3A_569 = arith.cmpf ogt, %select_n3A_567, %broadcast_in_dim3A_18 : vector<16xf32>
    %eq3A_570 = arith.cmpf oeq, %select_n3A_567, %broadcast_in_dim3A_18 : vector<16xf32>
    %lt3A_571 = arith.cmpi slt, %select_n3A_568, %broadcast_in_dim3A_20 : vector<16xi32>
    %and3A_572 = arith.andi %eq3A_570, %lt3A_571 : vector<16xi1>
    %or3A_573 = arith.ori %gt3A_569, %and3A_572 : vector<16xi1>
    %select_n3A_574 = arith.select %or3A_573, %select_n3A_567, %broadcast_in_dim3A_18 : vector<16xi1>, vector<16xf32>
    %select_n3A_575 = arith.select %or3A_573, %select_n3A_568, %broadcast_in_dim3A_20 : vector<16xi1>, vector<16xi32>
    %select_n3A_576 = arith.select %or3A_573, %broadcast_in_dim3A_18, %select_n3A_567 : vector<16xi1>, vector<16xf32>
    %select_n3A_577 = arith.select %or3A_573, %broadcast_in_dim3A_20, %select_n3A_568 : vector<16xi1>, vector<16xi32>
    %gt3A_578 = arith.cmpf ogt, %select_n3A_576, %broadcast_in_dim3A_18 : vector<16xf32>
    %eq3A_579 = arith.cmpf oeq, %select_n3A_576, %broadcast_in_dim3A_18 : vector<16xf32>
    %lt3A_580 = arith.cmpi slt, %select_n3A_577, %broadcast_in_dim3A_20 : vector<16xi32>
    %and3A_581 = arith.andi %eq3A_579, %lt3A_580 : vector<16xi1>
    %or3A_582 = arith.ori %gt3A_578, %and3A_581 : vector<16xi1>
    %select_n3A_583 = arith.select %or3A_582, %select_n3A_576, %broadcast_in_dim3A_18 : vector<16xi1>, vector<16xf32>
    %select_n3A_584 = arith.select %or3A_582, %select_n3A_577, %broadcast_in_dim3A_20 : vector<16xi1>, vector<16xi32>
    %select_n3A_585 = arith.select %or3A_582, %broadcast_in_dim3A_18, %select_n3A_576 : vector<16xi1>, vector<16xf32>
    %select_n3A_586 = arith.select %or3A_582, %broadcast_in_dim3A_20, %select_n3A_577 : vector<16xi1>, vector<16xi32>
    %get3A_587 = arith.constant 16 : index
    %get3A_588 = tpu.vector_load %arg11[%get3A_587] {strides = array<i32>} : memref<8192xi32, #tpu.memory_space<vmem>>, vector<16xi32>,
    %get3A_589 = arith.constant 16 : index
    %get3A_590 = tpu.vector_load %arg8[%get3A_589] {strides = array<i32>} : memref<8192xi32, #tpu.memory_space<vmem>>, vector<16xi32>,
    %ge3A_591 = arith.constant 0 : i32
    %ge3A_592 = vector.broadcast %ge3A_591 : i32 to vector<16xi32>
    %ge3A_593 = arith.cmpi sge, %get3A_588, %ge3A_592 : vector<16xi32>
    %gather3A_594 = tpu.vector_load_idx %arg10[%get3A_588] masked %ge3A_593 : memref<32768xf32, #tpu.memory_space<vmem>>[vector<16xi32>], vector<16xf32>, vector<16xi1>
    %select_n3A_595 = arith.select %ge3A_593, %gather3A_594, %broadcast_in_dim3A_22 : vector<16xi1>, vector<16xf32>
    %gt3A_596 = arith.cmpf ogt, %select_n3A_595, %select_n3A_547 : vector<16xf32>
    %eq3A_597 = arith.cmpf oeq, %select_n3A_595, %select_n3A_547 : vector<16xf32>
    %lt3A_598 = arith.cmpi slt, %get3A_590, %select_n3A_548 : vector<16xi32>
    %and3A_599 = arith.andi %eq3A_597, %lt3A_598 : vector<16xi1>
    %or3A_600 = arith.ori %gt3A_596, %and3A_599 : vector<16xi1>
    %select_n3A_601 = arith.select %or3A_600, %select_n3A_595, %select_n3A_547 : vector<16xi1>, vector<16xf32>
    %select_n3A_602 = arith.select %or3A_600, %get3A_590, %select_n3A_548 : vector<16xi1>, vector<16xi32>
    %select_n3A_603 = arith.select %or3A_600, %select_n3A_547, %select_n3A_595 : vector<16xi1>, vector<16xf32>
    %select_n3A_604 = arith.select %or3A_600, %select_n3A_548, %get3A_590 : vector<16xi1>, vector<16xi32>
    %gt3A_605 = arith.cmpf ogt, %select_n3A_603, %select_n3A_556 : vector<16xf32>
    %eq3A_606 = arith.cmpf oeq, %select_n3A_603, %select_n3A_556 : vector<16xf32>
    %lt3A_607 = arith.cmpi slt, %select_n3A_604, %select_n3A_557 : vector<16xi32>
    %and3A_608 = arith.andi %eq3A_606, %lt3A_607 : vector<16xi1>
    %or3A_609 = arith.ori %gt3A_605, %and3A_608 : vector<16xi1>
    %select_n3A_610 = arith.select %or3A_609, %select_n3A_603, %select_n3A_556 : vector<16xi1>, vector<16xf32>
    %select_n3A_611 = arith.select %or3A_609, %select_n3A_604, %select_n3A_557 : vector<16xi1>, vector<16xi32>
    %select_n3A_612 = arith.select %or3A_609, %select_n3A_556, %select_n3A_603 : vector<16xi1>, vector<16xf32>
    %select_n3A_613 = arith.select %or3A_609, %select_n3A_557, %select_n3A_604 : vector<16xi1>, vector<16xi32>
    %gt3A_614 = arith.cmpf ogt, %select_n3A_612, %select_n3A_565 : vector<16xf32>
    %eq3A_615 = arith.cmpf oeq, %select_n3A_612, %select_n3A_565 : vector<16xf32>
    %lt3A_616 = arith.cmpi slt, %select_n3A_613, %select_n3A_566 : vector<16xi32>
    %and3A_617 = arith.andi %eq3A_615, %lt3A_616 : vector<16xi1>
    %or3A_618 = arith.ori %gt3A_614, %and3A_617 : vector<16xi1>
    %select_n3A_619 = arith.select %or3A_618, %select_n3A_612, %select_n3A_565 : vector<16xi1>, vector<16xf32>
    %select_n3A_620 = arith.select %or3A_618, %select_n3A_613, %select_n3A_566 : vector<16xi1>, vector<16xi32>
    %select_n3A_621 = arith.select %or3A_618, %select_n3A_565, %select_n3A_612 : vector<16xi1>, vector<16xf32>
    %select_n3A_622 = arith.select %or3A_618, %select_n3A_566, %select_n3A_613 : vector<16xi1>, vector<16xi32>
    %gt3A_623 = arith.cmpf ogt, %select_n3A_621, %select_n3A_574 : vector<16xf32>
    %eq3A_624 = arith.cmpf oeq, %select_n3A_621, %select_n3A_574 : vector<16xf32>
    %lt3A_625 = arith.cmpi slt, %select_n3A_622, %select_n3A_575 : vector<16xi32>
    %and3A_626 = arith.andi %eq3A_624, %lt3A_625 : vector<16xi1>
    %or3A_627 = arith.ori %gt3A_623, %and3A_626 : vector<16xi1>
    %select_n3A_628 = arith.select %or3A_627, %select_n3A_621, %select_n3A_574 : vector<16xi1>, vector<16xf32>
    %select_n3A_629 = arith.select %or3A_627, %select_n3A_622, %select_n3A_575 : vector<16xi1>, vector<16xi32>
    %select_n3A_630 = arith.select %or3A_627, %select_n3A_574, %select_n3A_621 : vector<16xi1>, vector<16xf32>
    %select_n3A_631 = arith.select %or3A_627, %select_n3A_575, %select_n3A_622 : vector<16xi1>, vector<16xi32>
    %gt3A_632 = arith.cmpf ogt, %select_n3A_630, %select_n3A_583 : vector<16xf32>
    %eq3A_633 = arith.cmpf oeq, %select_n3A_630, %select_n3A_583 : vector<16xf32>
    %lt3A_634 = arith.cmpi slt, %select_n3A_631, %select_n3A_584 : vector<16xi32>
    %and3A_635 = arith.andi %eq3A_633, %lt3A_634 : vector<16xi1>
    %or3A_636 = arith.ori %gt3A_632, %and3A_635 : vector<16xi1>
    %select_n3A_637 = arith.select %or3A_636, %select_n3A_630, %select_n3A_583 : vector<16xi1>, vector<16xf32>
    %select_n3A_638 = arith.select %or3A_636, %select_n3A_631, %select_n3A_584 : vector<16xi1>, vector<16xi32>
    %select_n3A_639 = arith.select %or3A_636, %select_n3A_583, %select_n3A_630 : vector<16xi1>, vector<16xf32>
    %select_n3A_640 = arith.select %or3A_636, %select_n3A_584, %select_n3A_631 : vector<16xi1>, vector<16xi32>
    %get3A_641 = arith.constant 2048 : index
    %get3A_642 = tpu.vector_load %arg11[%get3A_641] {strides = array<i32>} : memref<8192xi32, #tpu.memory_space<vmem>>, vector<16xi32>,
    %get3A_643 = arith.constant 2048 : index
    %get3A_644 = tpu.vector_load %arg8[%get3A_643] {strides = array<i32>} : memref<8192xi32, #tpu.memory_space<vmem>>, vector<16xi32>,
    %ge3A_645 = arith.constant 0 : i32
    %ge3A_646 = vector.broadcast %ge3A_645 : i32 to vector<16xi32>
    %ge3A_647 = arith.cmpi sge, %get3A_642, %ge3A_646 : vector<16xi32>
    %gather3A_648 = tpu.vector_load_idx %arg10[%get3A_642] masked %ge3A_647 : memref<32768xf32, #tpu.memory_space<vmem>>[vector<16xi32>], vector<16xf32>, vector<16xi1>
    %select_n3A_649 = arith.select %ge3A_647, %gather3A_648, %broadcast_in_dim3A_22 : vector<16xi1>, vector<16xf32>
    %gt3A_650 = arith.cmpf ogt, %select_n3A_649, %select_n3A_601 : vector<16xf32>
    %eq3A_651 = arith.cmpf oeq, %select_n3A_649, %select_n3A_601 : vector<16xf32>
    %lt3A_652 = arith.cmpi slt, %get3A_644, %select_n3A_602 : vector<16xi32>
    %and3A_653 = arith.andi %eq3A_651, %lt3A_652 : vector<16xi1>
    %or3A_654 = arith.ori %gt3A_650, %and3A_653 : vector<16xi1>
    %select_n3A_655 = arith.select %or3A_654, %select_n3A_649, %select_n3A_601 : vector<16xi1>, vector<16xf32>
    %select_n3A_656 = arith.select %or3A_654, %get3A_644, %select_n3A_602 : vector<16xi1>, vector<16xi32>
    %select_n3A_657 = arith.select %or3A_654, %select_n3A_601, %select_n3A_649 : vector<16xi1>, vector<16xf32>
    %select_n3A_658 = arith.select %or3A_654, %select_n3A_602, %get3A_644 : vector<16xi1>, vector<16xi32>
    %gt3A_659 = arith.cmpf ogt, %select_n3A_657, %select_n3A_610 : vector<16xf32>
    %eq3A_660 = arith.cmpf oeq, %select_n3A_657, %select_n3A_610 : vector<16xf32>
    %lt3A_661 = arith.cmpi slt, %select_n3A_658, %select_n3A_611 : vector<16xi32>
    %and3A_662 = arith.andi %eq3A_660, %lt3A_661 : vector<16xi1>
    %or3A_663 = arith.ori %gt3A_659, %and3A_662 : vector<16xi1>
    %select_n3A_664 = arith.select %or3A_663, %select_n3A_657, %select_n3A_610 : vector<16xi1>, vector<16xf32>
    %select_n3A_665 = arith.select %or3A_663, %select_n3A_658, %select_n3A_611 : vector<16xi1>, vector<16xi32>
    %select_n3A_666 = arith.select %or3A_663, %select_n3A_610, %select_n3A_657 : vector<16xi1>, vector<16xf32>
    %select_n3A_667 = arith.select %or3A_663, %select_n3A_611, %select_n3A_658 : vector<16xi1>, vector<16xi32>
    %gt3A_668 = arith.cmpf ogt, %select_n3A_666, %select_n3A_619 : vector<16xf32>
    %eq3A_669 = arith.cmpf oeq, %select_n3A_666, %select_n3A_619 : vector<16xf32>
    %lt3A_670 = arith.cmpi slt, %select_n3A_667, %select_n3A_620 : vector<16xi32>
    %and3A_671 = arith.andi %eq3A_669, %lt3A_670 : vector<16xi1>
    %or3A_672 = arith.ori %gt3A_668, %and3A_671 : vector<16xi1>
    %select_n3A_673 = arith.select %or3A_672, %select_n3A_666, %select_n3A_619 : vector<16xi1>, vector<16xf32>
    %select_n3A_674 = arith.select %or3A_672, %select_n3A_667, %select_n3A_620 : vector<16xi1>, vector<16xi32>
    %select_n3A_675 = arith.select %or3A_672, %select_n3A_619, %select_n3A_666 : vector<16xi1>, vector<16xf32>
    %select_n3A_676 = arith.select %or3A_672, %select_n3A_620, %select_n3A_667 : vector<16xi1>, vector<16xi32>
    %gt3A_677 = arith.cmpf ogt, %select_n3A_675, %select_n3A_628 : vector<16xf32>
    %eq3A_678 = arith.cmpf oeq, %select_n3A_675, %select_n3A_628 : vector<16xf32>
    %lt3A_679 = arith.cmpi slt, %select_n3A_676, %select_n3A_629 : vector<16xi32>
    %and3A_680 = arith.andi %eq3A_678, %lt3A_679 : vector<16xi1>
    %or3A_681 = arith.ori %gt3A_677, %and3A_680 : vector<16xi1>
    %select_n3A_682 = arith.select %or3A_681, %select_n3A_675, %select_n3A_628 : vector<16xi1>, vector<16xf32>
    %select_n3A_683 = arith.select %or3A_681, %select_n3A_676, %select_n3A_629 : vector<16xi1>, vector<16xi32>
    %select_n3A_684 = arith.select %or3A_681, %select_n3A_628, %select_n3A_675 : vector<16xi1>, vector<16xf32>
    %select_n3A_685 = arith.select %or3A_681, %select_n3A_629, %select_n3A_676 : vector<16xi1>, vector<16xi32>
    %gt3A_686 = arith.cmpf ogt, %select_n3A_684, %select_n3A_637 : vector<16xf32>
    %eq3A_687 = arith.cmpf oeq, %select_n3A_684, %select_n3A_637 : vector<16xf32>
    %lt3A_688 = arith.cmpi slt, %select_n3A_685, %select_n3A_638 : vector<16xi32>
    %and3A_689 = arith.andi %eq3A_687, %lt3A_688 : vector<16xi1>
    %or3A_690 = arith.ori %gt3A_686, %and3A_689 : vector<16xi1>
    %select_n3A_691 = arith.select %or3A_690, %select_n3A_684, %select_n3A_637 : vector<16xi1>, vector<16xf32>
    %select_n3A_692 = arith.select %or3A_690, %select_n3A_685, %select_n3A_638 : vector<16xi1>, vector<16xi32>
    %select_n3A_693 = arith.select %or3A_690, %select_n3A_637, %select_n3A_684 : vector<16xi1>, vector<16xf32>
    %select_n3A_694 = arith.select %or3A_690, %select_n3A_638, %select_n3A_685 : vector<16xi1>, vector<16xi32>
    %get3A_695 = arith.constant 2064 : index
    %get3A_696 = tpu.vector_load %arg11[%get3A_695] {strides = array<i32>} : memref<8192xi32, #tpu.memory_space<vmem>>, vector<16xi32>,
    %get3A_697 = arith.constant 2064 : index
    %get3A_698 = tpu.vector_load %arg8[%get3A_697] {strides = array<i32>} : memref<8192xi32, #tpu.memory_space<vmem>>, vector<16xi32>,
    %ge3A_699 = arith.constant 0 : i32
    %ge3A_700 = vector.broadcast %ge3A_699 : i32 to vector<16xi32>
    %ge3A_701 = arith.cmpi sge, %get3A_696, %ge3A_700 : vector<16xi32>
    %gather3A_702 = tpu.vector_load_idx %arg10[%get3A_696] masked %ge3A_701 : memref<32768xf32, #tpu.memory_space<vmem>>[vector<16xi32>], vector<16xf32>, vector<16xi1>
    %select_n3A_703 = arith.select %ge3A_701, %gather3A_702, %broadcast_in_dim3A_22 : vector<16xi1>, vector<16xf32>
    %gt3A_704 = arith.cmpf ogt, %select_n3A_703, %select_n3A_655 : vector<16xf32>
    %eq3A_705 = arith.cmpf oeq, %select_n3A_703, %select_n3A_655 : vector<16xf32>
    %lt3A_706 = arith.cmpi slt, %get3A_698, %select_n3A_656 : vector<16xi32>
    %and3A_707 = arith.andi %eq3A_705, %lt3A_706 : vector<16xi1>
    %or3A_708 = arith.ori %gt3A_704, %and3A_707 : vector<16xi1>
    %select_n3A_709 = arith.select %or3A_708, %select_n3A_703, %select_n3A_655 : vector<16xi1>, vector<16xf32>
    %select_n3A_710 = arith.select %or3A_708, %get3A_698, %select_n3A_656 : vector<16xi1>, vector<16xi32>
    %select_n3A_711 = arith.select %or3A_708, %select_n3A_655, %select_n3A_703 : vector<16xi1>, vector<16xf32>
    %select_n3A_712 = arith.select %or3A_708, %select_n3A_656, %get3A_698 : vector<16xi1>, vector<16xi32>
    %gt3A_713 = arith.cmpf ogt, %select_n3A_711, %select_n3A_664 : vector<16xf32>
    %eq3A_714 = arith.cmpf oeq, %select_n3A_711, %select_n3A_664 : vector<16xf32>
    %lt3A_715 = arith.cmpi slt, %select_n3A_712, %select_n3A_665 : vector<16xi32>
    %and3A_716 = arith.andi %eq3A_714, %lt3A_715 : vector<16xi1>
    %or3A_717 = arith.ori %gt3A_713, %and3A_716 : vector<16xi1>
    %select_n3A_718 = arith.select %or3A_717, %select_n3A_711, %select_n3A_664 : vector<16xi1>, vector<16xf32>
    %select_n3A_719 = arith.select %or3A_717, %select_n3A_712, %select_n3A_665 : vector<16xi1>, vector<16xi32>
    %select_n3A_720 = arith.select %or3A_717, %select_n3A_664, %select_n3A_711 : vector<16xi1>, vector<16xf32>
    %select_n3A_721 = arith.select %or3A_717, %select_n3A_665, %select_n3A_712 : vector<16xi1>, vector<16xi32>
    %gt3A_722 = arith.cmpf ogt, %select_n3A_720, %select_n3A_673 : vector<16xf32>
    %eq3A_723 = arith.cmpf oeq, %select_n3A_720, %select_n3A_673 : vector<16xf32>
    %lt3A_724 = arith.cmpi slt, %select_n3A_721, %select_n3A_674 : vector<16xi32>
    %and3A_725 = arith.andi %eq3A_723, %lt3A_724 : vector<16xi1>
    %or3A_726 = arith.ori %gt3A_722, %and3A_725 : vector<16xi1>
    %select_n3A_727 = arith.select %or3A_726, %select_n3A_720, %select_n3A_673 : vector<16xi1>, vector<16xf32>
    %select_n3A_728 = arith.select %or3A_726, %select_n3A_721, %select_n3A_674 : vector<16xi1>, vector<16xi32>
    %select_n3A_729 = arith.select %or3A_726, %select_n3A_673, %select_n3A_720 : vector<16xi1>, vector<16xf32>
    %select_n3A_730 = arith.select %or3A_726, %select_n3A_674, %select_n3A_721 : vector<16xi1>, vector<16xi32>
    %gt3A_731 = arith.cmpf ogt, %select_n3A_729, %select_n3A_682 : vector<16xf32>
    %eq3A_732 = arith.cmpf oeq, %select_n3A_729, %select_n3A_682 : vector<16xf32>
    %lt3A_733 = arith.cmpi slt, %select_n3A_730, %select_n3A_683 : vector<16xi32>
    %and3A_734 = arith.andi %eq3A_732, %lt3A_733 : vector<16xi1>
    %or3A_735 = arith.ori %gt3A_731, %and3A_734 : vector<16xi1>
    %select_n3A_736 = arith.select %or3A_735, %select_n3A_729, %select_n3A_682 : vector<16xi1>, vector<16xf32>
    %select_n3A_737 = arith.select %or3A_735, %select_n3A_730, %select_n3A_683 : vector<16xi1>, vector<16xi32>
    %select_n3A_738 = arith.select %or3A_735, %select_n3A_682, %select_n3A_729 : vector<16xi1>, vector<16xf32>
    %select_n3A_739 = arith.select %or3A_735, %select_n3A_683, %select_n3A_730 : vector<16xi1>, vector<16xi32>
    %gt3A_740 = arith.cmpf ogt, %select_n3A_738, %select_n3A_691 : vector<16xf32>
    %eq3A_741 = arith.cmpf oeq, %select_n3A_738, %select_n3A_691 : vector<16xf32>
    %lt3A_742 = arith.cmpi slt, %select_n3A_739, %select_n3A_692 : vector<16xi32>
    %and3A_743 = arith.andi %eq3A_741, %lt3A_742 : vector<16xi1>
    %or3A_744 = arith.ori %gt3A_740, %and3A_743 : vector<16xi1>
    %select_n3A_745 = arith.select %or3A_744, %select_n3A_738, %select_n3A_691 : vector<16xi1>, vector<16xf32>
    %select_n3A_746 = arith.select %or3A_744, %select_n3A_739, %select_n3A_692 : vector<16xi1>, vector<16xi32>
    %select_n3A_747 = arith.select %or3A_744, %select_n3A_691, %select_n3A_738 : vector<16xi1>, vector<16xf32>
    %select_n3A_748 = arith.select %or3A_744, %select_n3A_692, %select_n3A_739 : vector<16xi1>, vector<16xi32>
    %get3A_749 = arith.constant 4096 : index
    %get3A_750 = tpu.vector_load %arg11[%get3A_749] {strides = array<i32>} : memref<8192xi32, #tpu.memory_space<vmem>>, vector<16xi32>,
    %get3A_751 = arith.constant 4096 : index
    %get3A_752 = tpu.vector_load %arg8[%get3A_751] {strides = array<i32>} : memref<8192xi32, #tpu.memory_space<vmem>>, vector<16xi32>,
    %ge3A_753 = arith.constant 0 : i32
    %ge3A_754 = vector.broadcast %ge3A_753 : i32 to vector<16xi32>
    %ge3A_755 = arith.cmpi sge, %get3A_750, %ge3A_754 : vector<16xi32>
    %gather3A_756 = tpu.vector_load_idx %arg10[%get3A_750] masked %ge3A_755 : memref<32768xf32, #tpu.memory_space<vmem>>[vector<16xi32>], vector<16xf32>, vector<16xi1>
    %select_n3A_757 = arith.select %ge3A_755, %gather3A_756, %broadcast_in_dim3A_22 : vector<16xi1>, vector<16xf32>
    %gt3A_758 = arith.cmpf ogt, %select_n3A_757, %select_n3A_709 : vector<16xf32>
    %eq3A_759 = arith.cmpf oeq, %select_n3A_757, %select_n3A_709 : vector<16xf32>
    %lt3A_760 = arith.cmpi slt, %get3A_752, %select_n3A_710 : vector<16xi32>
    %and3A_761 = arith.andi %eq3A_759, %lt3A_760 : vector<16xi1>
    %or3A_762 = arith.ori %gt3A_758, %and3A_761 : vector<16xi1>
    %select_n3A_763 = arith.select %or3A_762, %select_n3A_757, %select_n3A_709 : vector<16xi1>, vector<16xf32>
    %select_n3A_764 = arith.select %or3A_762, %get3A_752, %select_n3A_710 : vector<16xi1>, vector<16xi32>
    %select_n3A_765 = arith.select %or3A_762, %select_n3A_709, %select_n3A_757 : vector<16xi1>, vector<16xf32>
    %select_n3A_766 = arith.select %or3A_762, %select_n3A_710, %get3A_752 : vector<16xi1>, vector<16xi32>
    %gt3A_767 = arith.cmpf ogt, %select_n3A_765, %select_n3A_718 : vector<16xf32>
    %eq3A_768 = arith.cmpf oeq, %select_n3A_765, %select_n3A_718 : vector<16xf32>
    %lt3A_769 = arith.cmpi slt, %select_n3A_766, %select_n3A_719 : vector<16xi32>
    %and3A_770 = arith.andi %eq3A_768, %lt3A_769 : vector<16xi1>
    %or3A_771 = arith.ori %gt3A_767, %and3A_770 : vector<16xi1>
    %select_n3A_772 = arith.select %or3A_771, %select_n3A_765, %select_n3A_718 : vector<16xi1>, vector<16xf32>
    %select_n3A_773 = arith.select %or3A_771, %select_n3A_766, %select_n3A_719 : vector<16xi1>, vector<16xi32>
    %select_n3A_774 = arith.select %or3A_771, %select_n3A_718, %select_n3A_765 : vector<16xi1>, vector<16xf32>
    %select_n3A_775 = arith.select %or3A_771, %select_n3A_719, %select_n3A_766 : vector<16xi1>, vector<16xi32>
    %gt3A_776 = arith.cmpf ogt, %select_n3A_774, %select_n3A_727 : vector<16xf32>
    %eq3A_777 = arith.cmpf oeq, %select_n3A_774, %select_n3A_727 : vector<16xf32>
    %lt3A_778 = arith.cmpi slt, %select_n3A_775, %select_n3A_728 : vector<16xi32>
    %and3A_779 = arith.andi %eq3A_777, %lt3A_778 : vector<16xi1>
    %or3A_780 = arith.ori %gt3A_776, %and3A_779 : vector<16xi1>
    %select_n3A_781 = arith.select %or3A_780, %select_n3A_774, %select_n3A_727 : vector<16xi1>, vector<16xf32>
    %select_n3A_782 = arith.select %or3A_780, %select_n3A_775, %select_n3A_728 : vector<16xi1>, vector<16xi32>
    %select_n3A_783 = arith.select %or3A_780, %select_n3A_727, %select_n3A_774 : vector<16xi1>, vector<16xf32>
    %select_n3A_784 = arith.select %or3A_780, %select_n3A_728, %select_n3A_775 : vector<16xi1>, vector<16xi32>
    %gt3A_785 = arith.cmpf ogt, %select_n3A_783, %select_n3A_736 : vector<16xf32>
    %eq3A_786 = arith.cmpf oeq, %select_n3A_783, %select_n3A_736 : vector<16xf32>
    %lt3A_787 = arith.cmpi slt, %select_n3A_784, %select_n3A_737 : vector<16xi32>
    %and3A_788 = arith.andi %eq3A_786, %lt3A_787 : vector<16xi1>
    %or3A_789 = arith.ori %gt3A_785, %and3A_788 : vector<16xi1>
    %select_n3A_790 = arith.select %or3A_789, %select_n3A_783, %select_n3A_736 : vector<16xi1>, vector<16xf32>
    %select_n3A_791 = arith.select %or3A_789, %select_n3A_784, %select_n3A_737 : vector<16xi1>, vector<16xi32>
    %select_n3A_792 = arith.select %or3A_789, %select_n3A_736, %select_n3A_783 : vector<16xi1>, vector<16xf32>
    %select_n3A_793 = arith.select %or3A_789, %select_n3A_737, %select_n3A_784 : vector<16xi1>, vector<16xi32>
    %gt3A_794 = arith.cmpf ogt, %select_n3A_792, %select_n3A_745 : vector<16xf32>
    %eq3A_795 = arith.cmpf oeq, %select_n3A_792, %select_n3A_745 : vector<16xf32>
    %lt3A_796 = arith.cmpi slt, %select_n3A_793, %select_n3A_746 : vector<16xi32>
    %and3A_797 = arith.andi %eq3A_795, %lt3A_796 : vector<16xi1>
    %or3A_798 = arith.ori %gt3A_794, %and3A_797 : vector<16xi1>
    %select_n3A_799 = arith.select %or3A_798, %select_n3A_792, %select_n3A_745 : vector<16xi1>, vector<16xf32>
    %select_n3A_800 = arith.select %or3A_798, %select_n3A_793, %select_n3A_746 : vector<16xi1>, vector<16xi32>
    %select_n3A_801 = arith.select %or3A_798, %select_n3A_745, %select_n3A_792 : vector<16xi1>, vector<16xf32>
    %select_n3A_802 = arith.select %or3A_798, %select_n3A_746, %select_n3A_793 : vector<16xi1>, vector<16xi32>
    %get3A_803 = arith.constant 4112 : index
    %get3A_804 = tpu.vector_load %arg11[%get3A_803] {strides = array<i32>} : memref<8192xi32, #tpu.memory_space<vmem>>, vector<16xi32>,
    %get3A_805 = arith.constant 4112 : index
    %get3A_806 = tpu.vector_load %arg8[%get3A_805] {strides = array<i32>} : memref<8192xi32, #tpu.memory_space<vmem>>, vector<16xi32>,
    %ge3A_807 = arith.constant 0 : i32
    %ge3A_808 = vector.broadcast %ge3A_807 : i32 to vector<16xi32>
    %ge3A_809 = arith.cmpi sge, %get3A_804, %ge3A_808 : vector<16xi32>
    %gather3A_810 = tpu.vector_load_idx %arg10[%get3A_804] masked %ge3A_809 : memref<32768xf32, #tpu.memory_space<vmem>>[vector<16xi32>], vector<16xf32>, vector<16xi1>
    %select_n3A_811 = arith.select %ge3A_809, %gather3A_810, %broadcast_in_dim3A_22 : vector<16xi1>, vector<16xf32>
    %gt3A_812 = arith.cmpf ogt, %select_n3A_811, %select_n3A_763 : vector<16xf32>
    %eq3A_813 = arith.cmpf oeq, %select_n3A_811, %select_n3A_763 : vector<16xf32>
    %lt3A_814 = arith.cmpi slt, %get3A_806, %select_n3A_764 : vector<16xi32>
    %and3A_815 = arith.andi %eq3A_813, %lt3A_814 : vector<16xi1>
    %or3A_816 = arith.ori %gt3A_812, %and3A_815 : vector<16xi1>
    %select_n3A_817 = arith.select %or3A_816, %select_n3A_811, %select_n3A_763 : vector<16xi1>, vector<16xf32>
    %select_n3A_818 = arith.select %or3A_816, %get3A_806, %select_n3A_764 : vector<16xi1>, vector<16xi32>
    %select_n3A_819 = arith.select %or3A_816, %select_n3A_763, %select_n3A_811 : vector<16xi1>, vector<16xf32>
    %select_n3A_820 = arith.select %or3A_816, %select_n3A_764, %get3A_806 : vector<16xi1>, vector<16xi32>
    %gt3A_821 = arith.cmpf ogt, %select_n3A_819, %select_n3A_772 : vector<16xf32>
    %eq3A_822 = arith.cmpf oeq, %select_n3A_819, %select_n3A_772 : vector<16xf32>
    %lt3A_823 = arith.cmpi slt, %select_n3A_820, %select_n3A_773 : vector<16xi32>
    %and3A_824 = arith.andi %eq3A_822, %lt3A_823 : vector<16xi1>
    %or3A_825 = arith.ori %gt3A_821, %and3A_824 : vector<16xi1>
    %select_n3A_826 = arith.select %or3A_825, %select_n3A_819, %select_n3A_772 : vector<16xi1>, vector<16xf32>
    %select_n3A_827 = arith.select %or3A_825, %select_n3A_820, %select_n3A_773 : vector<16xi1>, vector<16xi32>
    %select_n3A_828 = arith.select %or3A_825, %select_n3A_772, %select_n3A_819 : vector<16xi1>, vector<16xf32>
    %select_n3A_829 = arith.select %or3A_825, %select_n3A_773, %select_n3A_820 : vector<16xi1>, vector<16xi32>
    %gt3A_830 = arith.cmpf ogt, %select_n3A_828, %select_n3A_781 : vector<16xf32>
    %eq3A_831 = arith.cmpf oeq, %select_n3A_828, %select_n3A_781 : vector<16xf32>
    %lt3A_832 = arith.cmpi slt, %select_n3A_829, %select_n3A_782 : vector<16xi32>
    %and3A_833 = arith.andi %eq3A_831, %lt3A_832 : vector<16xi1>
    %or3A_834 = arith.ori %gt3A_830, %and3A_833 : vector<16xi1>
    %select_n3A_835 = arith.select %or3A_834, %select_n3A_828, %select_n3A_781 : vector<16xi1>, vector<16xf32>
    %select_n3A_836 = arith.select %or3A_834, %select_n3A_829, %select_n3A_782 : vector<16xi1>, vector<16xi32>
    %select_n3A_837 = arith.select %or3A_834, %select_n3A_781, %select_n3A_828 : vector<16xi1>, vector<16xf32>
    %select_n3A_838 = arith.select %or3A_834, %select_n3A_782, %select_n3A_829 : vector<16xi1>, vector<16xi32>
    %gt3A_839 = arith.cmpf ogt, %select_n3A_837, %select_n3A_790 : vector<16xf32>
    %eq3A_840 = arith.cmpf oeq, %select_n3A_837, %select_n3A_790 : vector<16xf32>
    %lt3A_841 = arith.cmpi slt, %select_n3A_838, %select_n3A_791 : vector<16xi32>
    %and3A_842 = arith.andi %eq3A_840, %lt3A_841 : vector<16xi1>
    %or3A_843 = arith.ori %gt3A_839, %and3A_842 : vector<16xi1>
    %select_n3A_844 = arith.select %or3A_843, %select_n3A_837, %select_n3A_790 : vector<16xi1>, vector<16xf32>
    %select_n3A_845 = arith.select %or3A_843, %select_n3A_838, %select_n3A_791 : vector<16xi1>, vector<16xi32>
    %select_n3A_846 = arith.select %or3A_843, %select_n3A_790, %select_n3A_837 : vector<16xi1>, vector<16xf32>
    %select_n3A_847 = arith.select %or3A_843, %select_n3A_791, %select_n3A_838 : vector<16xi1>, vector<16xi32>
    %gt3A_848 = arith.cmpf ogt, %select_n3A_846, %select_n3A_799 : vector<16xf32>
    %eq3A_849 = arith.cmpf oeq, %select_n3A_846, %select_n3A_799 : vector<16xf32>
    %lt3A_850 = arith.cmpi slt, %select_n3A_847, %select_n3A_800 : vector<16xi32>
    %and3A_851 = arith.andi %eq3A_849, %lt3A_850 : vector<16xi1>
    %or3A_852 = arith.ori %gt3A_848, %and3A_851 : vector<16xi1>
    %select_n3A_853 = arith.select %or3A_852, %select_n3A_846, %select_n3A_799 : vector<16xi1>, vector<16xf32>
    %select_n3A_854 = arith.select %or3A_852, %select_n3A_847, %select_n3A_800 : vector<16xi1>, vector<16xi32>
    %select_n3A_855 = arith.select %or3A_852, %select_n3A_799, %select_n3A_846 : vector<16xi1>, vector<16xf32>
    %select_n3A_856 = arith.select %or3A_852, %select_n3A_800, %select_n3A_847 : vector<16xi1>, vector<16xi32>
    %get3A_857 = arith.constant 6144 : index
    %get3A_858 = tpu.vector_load %arg11[%get3A_857] {strides = array<i32>} : memref<8192xi32, #tpu.memory_space<vmem>>, vector<16xi32>,
    %get3A_859 = arith.constant 6144 : index
    %get3A_860 = tpu.vector_load %arg8[%get3A_859] {strides = array<i32>} : memref<8192xi32, #tpu.memory_space<vmem>>, vector<16xi32>,
    %ge3A_861 = arith.constant 0 : i32
    %ge3A_862 = vector.broadcast %ge3A_861 : i32 to vector<16xi32>
    %ge3A_863 = arith.cmpi sge, %get3A_858, %ge3A_862 : vector<16xi32>
    %gather3A_864 = tpu.vector_load_idx %arg10[%get3A_858] masked %ge3A_863 : memref<32768xf32, #tpu.memory_space<vmem>>[vector<16xi32>], vector<16xf32>, vector<16xi1>
    %select_n3A_865 = arith.select %ge3A_863, %gather3A_864, %broadcast_in_dim3A_22 : vector<16xi1>, vector<16xf32>
    %gt3A_866 = arith.cmpf ogt, %select_n3A_865, %select_n3A_817 : vector<16xf32>
    %eq3A_867 = arith.cmpf oeq, %select_n3A_865, %select_n3A_817 : vector<16xf32>
    %lt3A_868 = arith.cmpi slt, %get3A_860, %select_n3A_818 : vector<16xi32>
    %and3A_869 = arith.andi %eq3A_867, %lt3A_868 : vector<16xi1>
    %or3A_870 = arith.ori %gt3A_866, %and3A_869 : vector<16xi1>
    %select_n3A_871 = arith.select %or3A_870, %select_n3A_865, %select_n3A_817 : vector<16xi1>, vector<16xf32>
    %select_n3A_872 = arith.select %or3A_870, %get3A_860, %select_n3A_818 : vector<16xi1>, vector<16xi32>
    %select_n3A_873 = arith.select %or3A_870, %select_n3A_817, %select_n3A_865 : vector<16xi1>, vector<16xf32>
    %select_n3A_874 = arith.select %or3A_870, %select_n3A_818, %get3A_860 : vector<16xi1>, vector<16xi32>
    %gt3A_875 = arith.cmpf ogt, %select_n3A_873, %select_n3A_826 : vector<16xf32>
    %eq3A_876 = arith.cmpf oeq, %select_n3A_873, %select_n3A_826 : vector<16xf32>
    %lt3A_877 = arith.cmpi slt, %select_n3A_874, %select_n3A_827 : vector<16xi32>
    %and3A_878 = arith.andi %eq3A_876, %lt3A_877 : vector<16xi1>
    %or3A_879 = arith.ori %gt3A_875, %and3A_878 : vector<16xi1>
    %select_n3A_880 = arith.select %or3A_879, %select_n3A_873, %select_n3A_826 : vector<16xi1>, vector<16xf32>
    %select_n3A_881 = arith.select %or3A_879, %select_n3A_874, %select_n3A_827 : vector<16xi1>, vector<16xi32>
    %select_n3A_882 = arith.select %or3A_879, %select_n3A_826, %select_n3A_873 : vector<16xi1>, vector<16xf32>
    %select_n3A_883 = arith.select %or3A_879, %select_n3A_827, %select_n3A_874 : vector<16xi1>, vector<16xi32>
    %gt3A_884 = arith.cmpf ogt, %select_n3A_882, %select_n3A_835 : vector<16xf32>
    %eq3A_885 = arith.cmpf oeq, %select_n3A_882, %select_n3A_835 : vector<16xf32>
    %lt3A_886 = arith.cmpi slt, %select_n3A_883, %select_n3A_836 : vector<16xi32>
    %and3A_887 = arith.andi %eq3A_885, %lt3A_886 : vector<16xi1>
    %or3A_888 = arith.ori %gt3A_884, %and3A_887 : vector<16xi1>
    %select_n3A_889 = arith.select %or3A_888, %select_n3A_882, %select_n3A_835 : vector<16xi1>, vector<16xf32>
    %select_n3A_890 = arith.select %or3A_888, %select_n3A_883, %select_n3A_836 : vector<16xi1>, vector<16xi32>
    %select_n3A_891 = arith.select %or3A_888, %select_n3A_835, %select_n3A_882 : vector<16xi1>, vector<16xf32>
    %select_n3A_892 = arith.select %or3A_888, %select_n3A_836, %select_n3A_883 : vector<16xi1>, vector<16xi32>
    %gt3A_893 = arith.cmpf ogt, %select_n3A_891, %select_n3A_844 : vector<16xf32>
    %eq3A_894 = arith.cmpf oeq, %select_n3A_891, %select_n3A_844 : vector<16xf32>
    %lt3A_895 = arith.cmpi slt, %select_n3A_892, %select_n3A_845 : vector<16xi32>
    %and3A_896 = arith.andi %eq3A_894, %lt3A_895 : vector<16xi1>
    %or3A_897 = arith.ori %gt3A_893, %and3A_896 : vector<16xi1>
    %select_n3A_898 = arith.select %or3A_897, %select_n3A_891, %select_n3A_844 : vector<16xi1>, vector<16xf32>
    %select_n3A_899 = arith.select %or3A_897, %select_n3A_892, %select_n3A_845 : vector<16xi1>, vector<16xi32>
    %select_n3A_900 = arith.select %or3A_897, %select_n3A_844, %select_n3A_891 : vector<16xi1>, vector<16xf32>
    %select_n3A_901 = arith.select %or3A_897, %select_n3A_845, %select_n3A_892 : vector<16xi1>, vector<16xi32>
    %gt3A_902 = arith.cmpf ogt, %select_n3A_900, %select_n3A_853 : vector<16xf32>
    %eq3A_903 = arith.cmpf oeq, %select_n3A_900, %select_n3A_853 : vector<16xf32>
    %lt3A_904 = arith.cmpi slt, %select_n3A_901, %select_n3A_854 : vector<16xi32>
    %and3A_905 = arith.andi %eq3A_903, %lt3A_904 : vector<16xi1>
    %or3A_906 = arith.ori %gt3A_902, %and3A_905 : vector<16xi1>
    %select_n3A_907 = arith.select %or3A_906, %select_n3A_900, %select_n3A_853 : vector<16xi1>, vector<16xf32>
    %select_n3A_908 = arith.select %or3A_906, %select_n3A_901, %select_n3A_854 : vector<16xi1>, vector<16xi32>
    %select_n3A_909 = arith.select %or3A_906, %select_n3A_853, %select_n3A_900 : vector<16xi1>, vector<16xf32>
    %select_n3A_910 = arith.select %or3A_906, %select_n3A_854, %select_n3A_901 : vector<16xi1>, vector<16xi32>
    %get3A_911 = arith.constant 6160 : index
    %get3A_912 = tpu.vector_load %arg11[%get3A_911] {strides = array<i32>} : memref<8192xi32, #tpu.memory_space<vmem>>, vector<16xi32>,
    %get3A_913 = arith.constant 6160 : index
    %get3A_914 = tpu.vector_load %arg8[%get3A_913] {strides = array<i32>} : memref<8192xi32, #tpu.memory_space<vmem>>, vector<16xi32>,
    %ge3A_915 = arith.constant 0 : i32
    %ge3A_916 = vector.broadcast %ge3A_915 : i32 to vector<16xi32>
    %ge3A_917 = arith.cmpi sge, %get3A_912, %ge3A_916 : vector<16xi32>
    %gather3A_918 = tpu.vector_load_idx %arg10[%get3A_912] masked %ge3A_917 : memref<32768xf32, #tpu.memory_space<vmem>>[vector<16xi32>], vector<16xf32>, vector<16xi1>
    %select_n3A_919 = arith.select %ge3A_917, %gather3A_918, %broadcast_in_dim3A_22 : vector<16xi1>, vector<16xf32>
    %gt3A_920 = arith.cmpf ogt, %select_n3A_919, %select_n3A_871 : vector<16xf32>
    %eq3A_921 = arith.cmpf oeq, %select_n3A_919, %select_n3A_871 : vector<16xf32>
    %lt3A_922 = arith.cmpi slt, %get3A_914, %select_n3A_872 : vector<16xi32>
    %and3A_923 = arith.andi %eq3A_921, %lt3A_922 : vector<16xi1>
    %or3A_924 = arith.ori %gt3A_920, %and3A_923 : vector<16xi1>
    %select_n3A_925 = arith.select %or3A_924, %select_n3A_919, %select_n3A_871 : vector<16xi1>, vector<16xf32>
    %select_n3A_926 = arith.select %or3A_924, %get3A_914, %select_n3A_872 : vector<16xi1>, vector<16xi32>
    %select_n3A_927 = arith.select %or3A_924, %select_n3A_871, %select_n3A_919 : vector<16xi1>, vector<16xf32>
    %select_n3A_928 = arith.select %or3A_924, %select_n3A_872, %get3A_914 : vector<16xi1>, vector<16xi32>
    %gt3A_929 = arith.cmpf ogt, %select_n3A_927, %select_n3A_880 : vector<16xf32>
    %eq3A_930 = arith.cmpf oeq, %select_n3A_927, %select_n3A_880 : vector<16xf32>
    %lt3A_931 = arith.cmpi slt, %select_n3A_928, %select_n3A_881 : vector<16xi32>
    %and3A_932 = arith.andi %eq3A_930, %lt3A_931 : vector<16xi1>
    %or3A_933 = arith.ori %gt3A_929, %and3A_932 : vector<16xi1>
    %select_n3A_934 = arith.select %or3A_933, %select_n3A_927, %select_n3A_880 : vector<16xi1>, vector<16xf32>
    %select_n3A_935 = arith.select %or3A_933, %select_n3A_928, %select_n3A_881 : vector<16xi1>, vector<16xi32>
    %select_n3A_936 = arith.select %or3A_933, %select_n3A_880, %select_n3A_927 : vector<16xi1>, vector<16xf32>
    %select_n3A_937 = arith.select %or3A_933, %select_n3A_881, %select_n3A_928 : vector<16xi1>, vector<16xi32>
    %gt3A_938 = arith.cmpf ogt, %select_n3A_936, %select_n3A_889 : vector<16xf32>
    %eq3A_939 = arith.cmpf oeq, %select_n3A_936, %select_n3A_889 : vector<16xf32>
    %lt3A_940 = arith.cmpi slt, %select_n3A_937, %select_n3A_890 : vector<16xi32>
    %and3A_941 = arith.andi %eq3A_939, %lt3A_940 : vector<16xi1>
    %or3A_942 = arith.ori %gt3A_938, %and3A_941 : vector<16xi1>
    %select_n3A_943 = arith.select %or3A_942, %select_n3A_936, %select_n3A_889 : vector<16xi1>, vector<16xf32>
    %select_n3A_944 = arith.select %or3A_942, %select_n3A_937, %select_n3A_890 : vector<16xi1>, vector<16xi32>
    %select_n3A_945 = arith.select %or3A_942, %select_n3A_889, %select_n3A_936 : vector<16xi1>, vector<16xf32>
    %select_n3A_946 = arith.select %or3A_942, %select_n3A_890, %select_n3A_937 : vector<16xi1>, vector<16xi32>
    %gt3A_947 = arith.cmpf ogt, %select_n3A_945, %select_n3A_898 : vector<16xf32>
    %eq3A_948 = arith.cmpf oeq, %select_n3A_945, %select_n3A_898 : vector<16xf32>
    %lt3A_949 = arith.cmpi slt, %select_n3A_946, %select_n3A_899 : vector<16xi32>
    %and3A_950 = arith.andi %eq3A_948, %lt3A_949 : vector<16xi1>
    %or3A_951 = arith.ori %gt3A_947, %and3A_950 : vector<16xi1>
    %select_n3A_952 = arith.select %or3A_951, %select_n3A_945, %select_n3A_898 : vector<16xi1>, vector<16xf32>
    %select_n3A_953 = arith.select %or3A_951, %select_n3A_946, %select_n3A_899 : vector<16xi1>, vector<16xi32>
    %select_n3A_954 = arith.select %or3A_951, %select_n3A_898, %select_n3A_945 : vector<16xi1>, vector<16xf32>
    %select_n3A_955 = arith.select %or3A_951, %select_n3A_899, %select_n3A_946 : vector<16xi1>, vector<16xi32>
    %gt3A_956 = arith.cmpf ogt, %select_n3A_954, %select_n3A_907 : vector<16xf32>
    %eq3A_957 = arith.cmpf oeq, %select_n3A_954, %select_n3A_907 : vector<16xf32>
    %lt3A_958 = arith.cmpi slt, %select_n3A_955, %select_n3A_908 : vector<16xi32>
    %and3A_959 = arith.andi %eq3A_957, %lt3A_958 : vector<16xi1>
    %or3A_960 = arith.ori %gt3A_956, %and3A_959 : vector<16xi1>
    %select_n3A_961 = arith.select %or3A_960, %select_n3A_954, %select_n3A_907 : vector<16xi1>, vector<16xf32>
    %select_n3A_962 = arith.select %or3A_960, %select_n3A_955, %select_n3A_908 : vector<16xi1>, vector<16xi32>
    %select_n3A_963 = arith.select %or3A_960, %select_n3A_907, %select_n3A_954 : vector<16xi1>, vector<16xf32>
    %select_n3A_964 = arith.select %or3A_960, %select_n3A_908, %select_n3A_955 : vector<16xi1>, vector<16xi32>
    %parallel_loop3A_965 = arith.constant 0 : i32
    %parallel_loop3A_966 = arith.constant 512 : i32
    %parallel_loop3A_967 = arith.constant 1 : i32
    %parallel_loop3A_968 = scf.for %parallel_loop3A_1014 = %parallel_loop3A_965 to %parallel_loop3A_966 step %parallel_loop3A_967 iter_args(%parallel_loop3A_1015 = %broadcast_in_dim3A_20) -> (vector<16xi32>)  : i32 {
      %parallel_loop3A_1016 = arith.constant 16 : i32
      %parallel_loop3A_1017 = arith.muli %parallel_loop3A_1014, %parallel_loop3A_1016 : i32
      %parallel_loop3A_1018 = arith.index_cast %parallel_loop3A_1017 : i32 to index
      %parallel_loop3A_1019 = tpu.vector_load %arg11[%parallel_loop3A_1018] {strides = array<i32>} : memref<8192xi32, #tpu.memory_space<vmem>>, vector<16xi32>,
      %parallel_loop3A_1020 = arith.index_cast %parallel_loop3A_1017 : i32 to index
      %parallel_loop3A_1021 = tpu.vector_load %arg8[%parallel_loop3A_1020] {strides = array<i32>} : memref<8192xi32, #tpu.memory_space<vmem>>, vector<16xi32>,
      %parallel_loop3A_1022 = arith.constant 0 : i32
      %parallel_loop3A_1023 = vector.broadcast %parallel_loop3A_1022 : i32 to vector<16xi32>
      %parallel_loop3A_1024 = arith.cmpi sge, %parallel_loop3A_1019, %parallel_loop3A_1023 : vector<16xi32>
      %parallel_loop3A_1025 = tpu.vector_load_idx %arg10[%parallel_loop3A_1019] masked %parallel_loop3A_1024 : memref<32768xf32, #tpu.memory_space<vmem>>[vector<16xi32>], vector<16xf32>, vector<16xi1>
      %parallel_loop3A_1026 = arith.select %parallel_loop3A_1024, %parallel_loop3A_1025, %broadcast_in_dim3A_22 : vector<16xi1>, vector<16xf32>
      %parallel_loop3A_1027 = arith.cmpf ogt, %parallel_loop3A_1026, %select_n3A_961 : vector<16xf32>
      %parallel_loop3A_1028 = arith.cmpf oeq, %parallel_loop3A_1026, %select_n3A_961 : vector<16xf32>
      %parallel_loop3A_1029 = arith.cmpi sle, %parallel_loop3A_1021, %select_n3A_962 : vector<16xi32>
      %parallel_loop3A_1030 = arith.andi %parallel_loop3A_1028, %parallel_loop3A_1029 : vector<16xi1>
      %parallel_loop3A_1031 = arith.ori %parallel_loop3A_1027, %parallel_loop3A_1030 : vector<16xi1>
      %parallel_loop3A_1032 = arith.constant 16 : i32
      %parallel_loop3A_1033 = vector.broadcast %parallel_loop3A_1032 : i32 to vector<16xi32>
      %parallel_loop3A_1034 = arith.muli %parallel_loop3A_1015, %parallel_loop3A_1033 : vector<16xi32>
      %parallel_loop3A_1035 = arith.addi %parallel_loop3A_1034, %iota3A : vector<16xi32>
      tpu.vector_store_idx %arg13[%parallel_loop3A_1035], %parallel_loop3A_1026 masked %parallel_loop3A_1031 : memref<8192xf32, #tpu.memory_space<vmem>>[vector<16xi32>], vector<16xf32>, vector<16xi1>
      tpu.vector_store_idx %arg14[%parallel_loop3A_1035], %parallel_loop3A_1021 masked %parallel_loop3A_1031 : memref<8192xi32, #tpu.memory_space<vmem>>[vector<16xi32>], vector<16xi32>, vector<16xi1>
      %parallel_loop3A_1036 = arith.constant 1 : i32
      %parallel_loop3A_1037 = arith.constant 0 : i32
      %parallel_loop3A_1038 = vector.broadcast %parallel_loop3A_1036 : i32 to vector<16xi32>
      %parallel_loop3A_1039 = vector.broadcast %parallel_loop3A_1037 : i32 to vector<16xi32>
      %parallel_loop3A_1040 = arith.select %parallel_loop3A_1031, %parallel_loop3A_1038, %parallel_loop3A_1039 : vector<16xi1>, vector<16xi32>
      %parallel_loop3A_1041 = arith.addi %parallel_loop3A_1015, %parallel_loop3A_1040 : vector<16xi32>
      scf.yield %parallel_loop3A_1041 : vector<16xi32>
    } {sc.loop_unroll_factor = 4 : i64, sc.parallel_access}
    %reduce_max3A_969 = arith.constant true
    %reduce_max3A_970 = vector.broadcast %reduce_max3A_969 : i1 to vector<16xi1>
    %reduce_max3A_971 = arith.constant -2147483648 : i32
    %reduce_max3A_972 = vector.broadcast %reduce_max3A_971 : i32 to vector<16xi32>
    %reduce_max3A_973 = arith.xori %parallel_loop3A_968, %reduce_max3A_972 : vector<16xi32>
    %reduce_max3A_974 = tpu.scan <max>, %reduce_max3A_973 masked %reduce_max3A_970 : vector<16xi32>, vector<16xi1> -> vector<16xi32>
    %reduce_max3A_975 = arith.xori %reduce_max3A_974, %reduce_max3A_972 : vector<16xi32>
    %reduce_max3A_976 = vector.extract %reduce_max3A_975[15] : i32 from vector<16xi32>
    %while3A_977 = arith.constant 0 : i32
    %while3A_978 = arith.subi %reduce_max3A_976, %while3A_977 : i32
    %while3A_979 = arith.addi %while3A_977, %while3A_978 : i32
    %while3A_980 = arith.constant 1 : i32
    %while3A_981 = arith.divsi %while3A_978, %while3A_980 : i32
    %while3A_982 = arith.muli %while3A_981, %while3A_980 : i32
    %while3A_983 = arith.addi %while3A_977, %while3A_982 : i32
    %while3A_984 = arith.constant 1 : i32
    %while3A_985:10 = scf.for %while3A_1014 = %while3A_977 to %while3A_983 step %while3A_984 iter_args(%while3A_1015 = %broadcast_in_dim3A_18, %while3A_1016 = %broadcast_in_dim3A_18, %while3A_1017 = %broadcast_in_dim3A_18, %while3A_1018 = %broadcast_in_dim3A_18, %while3A_1019 = %broadcast_in_dim3A_18, %while3A_1020 = %broadcast_in_dim3A_20, %while3A_1021 = %broadcast_in_dim3A_20, %while3A_1022 = %broadcast_in_dim3A_20, %while3A_1023 = %broadcast_in_dim3A_20, %while3A_1024 = %broadcast_in_dim3A_20) -> (vector<16xf32>, vector<16xf32>, vector<16xf32>, vector<16xf32>, vector<16xf32>, vector<16xi32>, vector<16xi32>, vector<16xi32>, vector<16xi32>, vector<16xi32>)  : i32 {
      %broadcast_in_dim3A_1025 = vector.broadcast %while3A_1014 : i32 to vector<16xi32>
      %lt3A_1026 = arith.cmpi slt, %broadcast_in_dim3A_1025, %parallel_loop3A_968 : vector<16xi32>
      %mul3A_1027 = arith.constant 16 : i32
      %mul3A_1028 = vector.broadcast %mul3A_1027 : i32 to vector<16xi32>
      %mul3A_1029 = arith.muli %broadcast_in_dim3A_1025, %mul3A_1028 : vector<16xi32>
      %add3A_1030 = arith.addi %mul3A_1029, %iota3A : vector<16xi32>
      %gather3A_1031 = tpu.vector_load_idx %arg13[%add3A_1030] masked %lt3A_1026 : memref<8192xf32, #tpu.memory_space<vmem>>[vector<16xi32>], vector<16xf32>, vector<16xi1>
      %gather3A_1032 = tpu.vector_load_idx %arg14[%add3A_1030] masked %lt3A_1026 : memref<8192xi32, #tpu.memory_space<vmem>>[vector<16xi32>], vector<16xi32>, vector<16xi1>
      %select_n3A_1033 = arith.select %lt3A_1026, %gather3A_1031, %broadcast_in_dim3A_22 : vector<16xi1>, vector<16xf32>
      %gt3A_1034 = arith.cmpf ogt, %select_n3A_1033, %while3A_1015 : vector<16xf32>
      %eq3A_1035 = arith.cmpf oeq, %select_n3A_1033, %while3A_1015 : vector<16xf32>
      %lt3A_1036 = arith.cmpi slt, %gather3A_1032, %while3A_1020 : vector<16xi32>
      %and3A_1037 = arith.andi %eq3A_1035, %lt3A_1036 : vector<16xi1>
      %or3A_1038 = arith.ori %gt3A_1034, %and3A_1037 : vector<16xi1>
      %select_n3A_1039 = arith.select %or3A_1038, %select_n3A_1033, %while3A_1015 : vector<16xi1>, vector<16xf32>
      %select_n3A_1040 = arith.select %or3A_1038, %gather3A_1032, %while3A_1020 : vector<16xi1>, vector<16xi32>
      %select_n3A_1041 = arith.select %or3A_1038, %while3A_1015, %select_n3A_1033 : vector<16xi1>, vector<16xf32>
      %select_n3A_1042 = arith.select %or3A_1038, %while3A_1020, %gather3A_1032 : vector<16xi1>, vector<16xi32>
      %gt3A_1043 = arith.cmpf ogt, %select_n3A_1041, %while3A_1016 : vector<16xf32>
      %eq3A_1044 = arith.cmpf oeq, %select_n3A_1041, %while3A_1016 : vector<16xf32>
      %lt3A_1045 = arith.cmpi slt, %select_n3A_1042, %while3A_1021 : vector<16xi32>
      %and3A_1046 = arith.andi %eq3A_1044, %lt3A_1045 : vector<16xi1>
      %or3A_1047 = arith.ori %gt3A_1043, %and3A_1046 : vector<16xi1>
      %select_n3A_1048 = arith.select %or3A_1047, %select_n3A_1041, %while3A_1016 : vector<16xi1>, vector<16xf32>
      %select_n3A_1049 = arith.select %or3A_1047, %select_n3A_1042, %while3A_1021 : vector<16xi1>, vector<16xi32>
      %select_n3A_1050 = arith.select %or3A_1047, %while3A_1016, %select_n3A_1041 : vector<16xi1>, vector<16xf32>
      %select_n3A_1051 = arith.select %or3A_1047, %while3A_1021, %select_n3A_1042 : vector<16xi1>, vector<16xi32>
      %gt3A_1052 = arith.cmpf ogt, %select_n3A_1050, %while3A_1017 : vector<16xf32>
      %eq3A_1053 = arith.cmpf oeq, %select_n3A_1050, %while3A_1017 : vector<16xf32>
      %lt3A_1054 = arith.cmpi slt, %select_n3A_1051, %while3A_1022 : vector<16xi32>
      %and3A_1055 = arith.andi %eq3A_1053, %lt3A_1054 : vector<16xi1>
      %or3A_1056 = arith.ori %gt3A_1052, %and3A_1055 : vector<16xi1>
      %select_n3A_1057 = arith.select %or3A_1056, %select_n3A_1050, %while3A_1017 : vector<16xi1>, vector<16xf32>
      %select_n3A_1058 = arith.select %or3A_1056, %select_n3A_1051, %while3A_1022 : vector<16xi1>, vector<16xi32>
      %select_n3A_1059 = arith.select %or3A_1056, %while3A_1017, %select_n3A_1050 : vector<16xi1>, vector<16xf32>
      %select_n3A_1060 = arith.select %or3A_1056, %while3A_1022, %select_n3A_1051 : vector<16xi1>, vector<16xi32>
      %gt3A_1061 = arith.cmpf ogt, %select_n3A_1059, %while3A_1018 : vector<16xf32>
      %eq3A_1062 = arith.cmpf oeq, %select_n3A_1059, %while3A_1018 : vector<16xf32>
      %lt3A_1063 = arith.cmpi slt, %select_n3A_1060, %while3A_1023 : vector<16xi32>
      %and3A_1064 = arith.andi %eq3A_1062, %lt3A_1063 : vector<16xi1>
      %or3A_1065 = arith.ori %gt3A_1061, %and3A_1064 : vector<16xi1>
      %select_n3A_1066 = arith.select %or3A_1065, %select_n3A_1059, %while3A_1018 : vector<16xi1>, vector<16xf32>
      %select_n3A_1067 = arith.select %or3A_1065, %select_n3A_1060, %while3A_1023 : vector<16xi1>, vector<16xi32>
      %select_n3A_1068 = arith.select %or3A_1065, %while3A_1018, %select_n3A_1059 : vector<16xi1>, vector<16xf32>
      %select_n3A_1069 = arith.select %or3A_1065, %while3A_1023, %select_n3A_1060 : vector<16xi1>, vector<16xi32>
      %gt3A_1070 = arith.cmpf ogt, %select_n3A_1068, %while3A_1019 : vector<16xf32>
      %eq3A_1071 = arith.cmpf oeq, %select_n3A_1068, %while3A_1019 : vector<16xf32>
      %lt3A_1072 = arith.cmpi slt, %select_n3A_1069, %while3A_1024 : vector<16xi32>
      %and3A_1073 = arith.andi %eq3A_1071, %lt3A_1072 : vector<16xi1>
      %or3A_1074 = arith.ori %gt3A_1070, %and3A_1073 : vector<16xi1>
      %select_n3A_1075 = arith.select %or3A_1074, %select_n3A_1068, %while3A_1019 : vector<16xi1>, vector<16xf32>
      %select_n3A_1076 = arith.select %or3A_1074, %select_n3A_1069, %while3A_1024 : vector<16xi1>, vector<16xi32>
      %select_n3A_1077 = arith.select %or3A_1074, %while3A_1019, %select_n3A_1068 : vector<16xi1>, vector<16xf32>
      %select_n3A_1078 = arith.select %or3A_1074, %while3A_1024, %select_n3A_1069 : vector<16xi1>, vector<16xi32>
      scf.yield %select_n3A_1039, %select_n3A_1048, %select_n3A_1057, %select_n3A_1066, %select_n3A_1075, %select_n3A_1040, %select_n3A_1049, %select_n3A_1058, %select_n3A_1067, %select_n3A_1076 : vector<16xf32>, vector<16xf32>, vector<16xf32>, vector<16xf32>, vector<16xf32>, vector<16xi32>, vector<16xi32>, vector<16xi32>, vector<16xi32>, vector<16xi32>
    }
    %while3A_986 = arith.constant 1 : i32
    %while3A_987:10 = scf.for %while3A_1014 = %while3A_983 to %while3A_979 step %while3A_986 iter_args(%while3A_1015 = %while3A_985#0, %while3A_1016 = %while3A_985#1, %while3A_1017 = %while3A_985#2, %while3A_1018 = %while3A_985#3, %while3A_1019 = %while3A_985#4, %while3A_1020 = %while3A_985#5, %while3A_1021 = %while3A_985#6, %while3A_1022 = %while3A_985#7, %while3A_1023 = %while3A_985#8, %while3A_1024 = %while3A_985#9) -> (vector<16xf32>, vector<16xf32>, vector<16xf32>, vector<16xf32>, vector<16xf32>, vector<16xi32>, vector<16xi32>, vector<16xi32>, vector<16xi32>, vector<16xi32>)  : i32 {
      %broadcast_in_dim3A_1025 = vector.broadcast %while3A_1014 : i32 to vector<16xi32>
      %lt3A_1026 = arith.cmpi slt, %broadcast_in_dim3A_1025, %parallel_loop3A_968 : vector<16xi32>
      %mul3A_1027 = arith.constant 16 : i32
      %mul3A_1028 = vector.broadcast %mul3A_1027 : i32 to vector<16xi32>
      %mul3A_1029 = arith.muli %broadcast_in_dim3A_1025, %mul3A_1028 : vector<16xi32>
      %add3A_1030 = arith.addi %mul3A_1029, %iota3A : vector<16xi32>
      %gather3A_1031 = tpu.vector_load_idx %arg13[%add3A_1030] masked %lt3A_1026 : memref<8192xf32, #tpu.memory_space<vmem>>[vector<16xi32>], vector<16xf32>, vector<16xi1>
      %gather3A_1032 = tpu.vector_load_idx %arg14[%add3A_1030] masked %lt3A_1026 : memref<8192xi32, #tpu.memory_space<vmem>>[vector<16xi32>], vector<16xi32>, vector<16xi1>
      %select_n3A_1033 = arith.select %lt3A_1026, %gather3A_1031, %broadcast_in_dim3A_22 : vector<16xi1>, vector<16xf32>
      %gt3A_1034 = arith.cmpf ogt, %select_n3A_1033, %while3A_1015 : vector<16xf32>
      %eq3A_1035 = arith.cmpf oeq, %select_n3A_1033, %while3A_1015 : vector<16xf32>
      %lt3A_1036 = arith.cmpi slt, %gather3A_1032, %while3A_1020 : vector<16xi32>
      %and3A_1037 = arith.andi %eq3A_1035, %lt3A_1036 : vector<16xi1>
      %or3A_1038 = arith.ori %gt3A_1034, %and3A_1037 : vector<16xi1>
      %select_n3A_1039 = arith.select %or3A_1038, %select_n3A_1033, %while3A_1015 : vector<16xi1>, vector<16xf32>
      %select_n3A_1040 = arith.select %or3A_1038, %gather3A_1032, %while3A_1020 : vector<16xi1>, vector<16xi32>
      %select_n3A_1041 = arith.select %or3A_1038, %while3A_1015, %select_n3A_1033 : vector<16xi1>, vector<16xf32>
      %select_n3A_1042 = arith.select %or3A_1038, %while3A_1020, %gather3A_1032 : vector<16xi1>, vector<16xi32>
      %gt3A_1043 = arith.cmpf ogt, %select_n3A_1041, %while3A_1016 : vector<16xf32>
      %eq3A_1044 = arith.cmpf oeq, %select_n3A_1041, %while3A_1016 : vector<16xf32>
      %lt3A_1045 = arith.cmpi slt, %select_n3A_1042, %while3A_1021 : vector<16xi32>
      %and3A_1046 = arith.andi %eq3A_1044, %lt3A_1045 : vector<16xi1>
      %or3A_1047 = arith.ori %gt3A_1043, %and3A_1046 : vector<16xi1>
      %select_n3A_1048 = arith.select %or3A_1047, %select_n3A_1041, %while3A_1016 : vector<16xi1>, vector<16xf32>
      %select_n3A_1049 = arith.select %or3A_1047, %select_n3A_1042, %while3A_1021 : vector<16xi1>, vector<16xi32>
      %select_n3A_1050 = arith.select %or3A_1047, %while3A_1016, %select_n3A_1041 : vector<16xi1>, vector<16xf32>
      %select_n3A_1051 = arith.select %or3A_1047, %while3A_1021, %select_n3A_1042 : vector<16xi1>, vector<16xi32>
      %gt3A_1052 = arith.cmpf ogt, %select_n3A_1050, %while3A_1017 : vector<16xf32>
      %eq3A_1053 = arith.cmpf oeq, %select_n3A_1050, %while3A_1017 : vector<16xf32>
      %lt3A_1054 = arith.cmpi slt, %select_n3A_1051, %while3A_1022 : vector<16xi32>
      %and3A_1055 = arith.andi %eq3A_1053, %lt3A_1054 : vector<16xi1>
      %or3A_1056 = arith.ori %gt3A_1052, %and3A_1055 : vector<16xi1>
      %select_n3A_1057 = arith.select %or3A_1056, %select_n3A_1050, %while3A_1017 : vector<16xi1>, vector<16xf32>
      %select_n3A_1058 = arith.select %or3A_1056, %select_n3A_1051, %while3A_1022 : vector<16xi1>, vector<16xi32>
      %select_n3A_1059 = arith.select %or3A_1056, %while3A_1017, %select_n3A_1050 : vector<16xi1>, vector<16xf32>
      %select_n3A_1060 = arith.select %or3A_1056, %while3A_1022, %select_n3A_1051 : vector<16xi1>, vector<16xi32>
      %gt3A_1061 = arith.cmpf ogt, %select_n3A_1059, %while3A_1018 : vector<16xf32>
      %eq3A_1062 = arith.cmpf oeq, %select_n3A_1059, %while3A_1018 : vector<16xf32>
      %lt3A_1063 = arith.cmpi slt, %select_n3A_1060, %while3A_1023 : vector<16xi32>
      %and3A_1064 = arith.andi %eq3A_1062, %lt3A_1063 : vector<16xi1>
      %or3A_1065 = arith.ori %gt3A_1061, %and3A_1064 : vector<16xi1>
      %select_n3A_1066 = arith.select %or3A_1065, %select_n3A_1059, %while3A_1018 : vector<16xi1>, vector<16xf32>
      %select_n3A_1067 = arith.select %or3A_1065, %select_n3A_1060, %while3A_1023 : vector<16xi1>, vector<16xi32>
      %select_n3A_1068 = arith.select %or3A_1065, %while3A_1018, %select_n3A_1059 : vector<16xi1>, vector<16xf32>
      %select_n3A_1069 = arith.select %or3A_1065, %while3A_1023, %select_n3A_1060 : vector<16xi1>, vector<16xi32>
      %gt3A_1070 = arith.cmpf ogt, %select_n3A_1068, %while3A_1019 : vector<16xf32>
      %eq3A_1071 = arith.cmpf oeq, %select_n3A_1068, %while3A_1019 : vector<16xf32>
      %lt3A_1072 = arith.cmpi slt, %select_n3A_1069, %while3A_1024 : vector<16xi32>
      %and3A_1073 = arith.andi %eq3A_1071, %lt3A_1072 : vector<16xi1>
      %or3A_1074 = arith.ori %gt3A_1070, %and3A_1073 : vector<16xi1>
      %select_n3A_1075 = arith.select %or3A_1074, %select_n3A_1068, %while3A_1019 : vector<16xi1>, vector<16xf32>
      %select_n3A_1076 = arith.select %or3A_1074, %select_n3A_1069, %while3A_1024 : vector<16xi1>, vector<16xi32>
      %select_n3A_1077 = arith.select %or3A_1074, %while3A_1019, %select_n3A_1068 : vector<16xi1>, vector<16xf32>
      %select_n3A_1078 = arith.select %or3A_1074, %while3A_1024, %select_n3A_1069 : vector<16xi1>, vector<16xi32>
      scf.yield %select_n3A_1039, %select_n3A_1048, %select_n3A_1057, %select_n3A_1066, %select_n3A_1075, %select_n3A_1040, %select_n3A_1049, %select_n3A_1058, %select_n3A_1067, %select_n3A_1076 : vector<16xf32>, vector<16xf32>, vector<16xf32>, vector<16xf32>, vector<16xf32>, vector<16xi32>, vector<16xi32>, vector<16xi32>, vector<16xi32>, vector<16xi32>
    }
    %get3A_988 = arith.constant 0 : index
    %get3A_989 = tpu.vector_load %arg16[%get3A_988] {strides = array<i32>} : memref<16xi32, #tpu.memory_space<vmem>>, vector<16xi32>,
    %eq3A_990 = arith.constant 1 : i32
    %eq3A_991 = vector.broadcast %eq3A_990 : i32 to vector<16xi32>
    %eq3A_992 = arith.cmpi eq, %get3A_989, %eq3A_991 : vector<16xi32>
    %select_n3A_993 = arith.select %eq3A_992, %while3A_987#6, %while3A_987#5 : vector<16xi1>, vector<16xi32>
    %eq3A_994 = arith.constant 2 : i32
    %eq3A_995 = vector.broadcast %eq3A_994 : i32 to vector<16xi32>
    %eq3A_996 = arith.cmpi eq, %get3A_989, %eq3A_995 : vector<16xi32>
    %select_n3A_997 = arith.select %eq3A_996, %while3A_987#7, %select_n3A_993 : vector<16xi1>, vector<16xi32>
    %eq3A_998 = arith.constant 3 : i32
    %eq3A_999 = vector.broadcast %eq3A_998 : i32 to vector<16xi32>
    %eq3A_1000 = arith.cmpi eq, %get3A_989, %eq3A_999 : vector<16xi32>
    %select_n3A_1001 = arith.select %eq3A_1000, %while3A_987#8, %select_n3A_997 : vector<16xi1>, vector<16xi32>
    %eq3A_1002 = arith.constant 4 : i32
    %eq3A_1003 = vector.broadcast %eq3A_1002 : i32 to vector<16xi32>
    %eq3A_1004 = arith.cmpi eq, %get3A_989, %eq3A_1003 : vector<16xi32>
    %select_n3A_1005 = arith.select %eq3A_1004, %while3A_987#9, %select_n3A_1001 : vector<16xi1>, vector<16xi32>
    %swap3A_1006 = arith.constant 0 : index
    %swap3A_1007 = tpu.vector_load %arg18[%swap3A_1006] {strides = array<i32>} : memref<16xi32, #tpu.memory_space<vmem>>, vector<16xi32>,
    tpu.vector_store %arg18[%swap3A_1006], %select_n3A_1005 {strides = array<i32>} : memref<16xi32, #tpu.memory_space<vmem>>, vector<16xi32>,
    %dma_start3A_1008 = tpu.memref_slice %arg5[%add3A_515] : memref<1024xi32, #tpu.memory_space<hbm>> -> memref<16xi32, #tpu.memory_space<hbm>>
    %dma_start3A_1009 = tpu.memref_slice %arg5[%add3A_515] : memref<1024xi32, #tpu.memory_space<hbm>> -> memref<16xi32, #tpu.memory_space<hbm>>
    tpu.enqueue_dma source(%arg18 : memref<16xi32, #tpu.memory_space<vmem>>) target(%dma_start3A_1009 : memref<16xi32, #tpu.memory_space<hbm>>) target_semaphore(%arg21 : memref<!tpu.dma_semaphore, #tpu.memory_space<semaphore_mem>>)
    %dma_wait3A_1010 = tpu.memref_slice %arg5[%add3A_515] : memref<1024xi32, #tpu.memory_space<hbm>> -> memref<16xi32, #tpu.memory_space<hbm>>
    %dma_wait3A_1011 = tpu.memref_slice %arg5[%add3A_515] : memref<1024xi32, #tpu.memory_space<hbm>> -> memref<16xi32, #tpu.memory_space<hbm>>
    tpu.wait_dma2 semaphore(%arg21 : memref<!tpu.dma_semaphore, #tpu.memory_space<semaphore_mem>>) src(%arg18 : memref<16xi32, #tpu.memory_space<vmem>>) dst(%dma_wait3A_1011 : memref<16xi32, #tpu.memory_space<hbm>>)
    %dma_wait3A_1012 = tpu.memref_slice %arg5[%add3A_28] : memref<1024xi32, #tpu.memory_space<hbm>> -> memref<16xi32, #tpu.memory_space<hbm>>
    %dma_wait3A_1013 = tpu.memref_slice %arg5[%add3A_28] : memref<1024xi32, #tpu.memory_space<hbm>> -> memref<16xi32, #tpu.memory_space<hbm>>
    tpu.wait_dma2 semaphore(%arg21 : memref<!tpu.dma_semaphore, #tpu.memory_space<semaphore_mem>>) src(%arg17 : memref<16xi32, #tpu.memory_space<vmem>>) dst(%dma_wait3A_1013 : memref<16xi32, #tpu.memory_space<hbm>>)
    return
  }
}

</mosaic_0001>

<sc_bundles>
// kernel: kernel.3.cloned.1.call-start
scs
__scs_entry_jumppad:
0x0: {  	(pc) =	sbr.rel $0x88, $3  }
0x1: {  	(tag) =	ssettag $0x0;
	lr =	simm.s32 $0x1  }
0x2: {  	[smem:$0x3F9E] =	sst lr;
	_ =	strace $0xD0000000  }
0x3: {  	_ = 	snop  }
0x4: {  	_ = 	snop  }
0x5: {  	_ = 	snop  }
0x6: {  	_ = 	snop  }
0x7: {  	_ = 	snop  }
__scs_overlays_trampoline_lowered:
0x8: {  	[smem:$0x3FAD] =	sst s0  }
0x9: {  	[smem:$0x3FAE] =	sst s1  }
0xa: {  	[smem:$0x3FAF] =	sst s2  }
0xb: {  	[smem:$0x3FB0] =	sst s3  }
0xc: {  	[smem:$0x3FB1] =	sst s4  }
0xd: {  	[smem:$0x3FB2] =	sst s5  }
0xe: {  	[smem:$0x3FB3] =	sst s6  }
0xf: {  	[smem:$0x3FB4] =	sst s7  }
0x10: {  	[smem:$0x3FB5] =	sst s8  }
0x11: {  	[smem:$0x3FB6] =	sst s9;
	s0 =	simm.s32 @!p0 $0x0  }
0x12: {  	s1 =	sld [smem:$0x3F9C];
	s0 =	simm.s32 @p0 $0x1  }
0x13: {  	[smem:$0x3FB7] =	sst s0;
	s0 =	simm.s32 @!p1 $0x0  }
0x14: {  	s2 =	sld [smem:$0x3F9B];
	s0 =	simm.s32 @p1 $0x1  }
0x15: {  	[smem:$0x3FB8] =	sst s0;
	s0 =	simm.s32 @!p2 $0x0  }
0x16: {  	s3 =	sld [smem:$0x3FDB];
	s0 =	simm.s32 @p2 $0x1  }
0x17: {  	s4 =	simm.s32 $0x1BF5;
	[smem:$0x3FBA] =	sst s0  }
0x18: {  	s0 =	sld [smem:$0x3F9D];
	_ =	swait.ge [sflag:s4], $0x0  }
0x19: {  	s7 =	sld [smem:$0x3F9E]  }
0x1a: {  	s8 =	sadd.s32 $0xFFFFE003, lr  }
0x1b: {  	s9 =	sadd.s32 $0xFFFFFEF7, lr;
	s5 =	simm.s32 $0xFFFFFFFF;
	p2 =	slt.u32 s8, $0xFFFFF086  }
0x1c: {  	p1 =	slt.u32 s9, $0xF7A;
	s5 =	simm.s32 @!p2 $0x0  }
0x1d: {  	s5 =	simm.s32 @p1 $0x1;
	p0 =	seq.s32 s7, s2  }
0x1e: {  	s7 =	smul.u32 @!p0 $0xF7A, s2;
	p2 =	seq.s32 @!p0 s5, $0x0  }
0x1f: {  	s9 =	smul.u32 $0xF7A, s1;
	s8 =	simm.s32 @!p0 $0x1BF5;
	p2 =	por !p2, p0  }
0x20: {  	[sflag:s8] =	ssyncset.s32 @!p0 $0xFFFFF086;
	s6 =	sadd.s32 @!p0 s3, s7;
	s7 =	simm.s32 @!p0 $0x108  }
0x21: {  	s3 =	sadd.s32 s3, s9;
	s6 =	sadd.s32 @!p0 $0x88, s6;
	s7 =	simm.s32 @p2 $0x1082  }
0x22: {  	[simem:s7], [sflag:s8] =	dma.local @!p0 [hbm:s6], $0xF7A  }
0x23: {  	s9 =	sor.u32 $0xD0000000, s2;
	s6 =	simm.s32 $0x108;
	_ =	swait.ge @!p0 [sflag:s8], $0x0  }
0x24: {  	s3 =	sadd.s32 $0x88, s3;
	s6 =	simm.s32 @!p1 $0x1082;
	[sflag:s4] =	ssyncset.s32 $0xFFFFF086  }
0x25: {  	[simem:s6], [sflag:s4] =	dma.local [hbm:s3], $0xF7A  }
0x26: {  	[smem:$0x3F9E] =	sst s1;
	(tag) =	ssettag s2;
	_ =	strace s9  }
0x27: {  	s1 =	sld [smem:$0x3FAE]  }
0x28: {  	s2 =	sld [smem:$0x3FAF]  }
0x29: {  	s4 =	sld [smem:$0x3FB1]  }
0x2a: {  	p0 =	seq.s32 s5, $0x0;
	s5 =	sld [smem:$0x3FB2]  }
0x2b: {  	s6 =	sld [smem:$0x3FB3]  }
0x2c: {  	s7 =	sld [smem:$0x3FB4]  }
0x2d: {  	s3 =	simm.s32 $0x108;
	s8 =	sld [smem:$0x3FB5]  }
0x2e: {  	s3 =	simm.s32 @!p0 $0x1082;
	s9 =	sld [smem:$0x3FB6]  }
0x2f: {  	lr =	sadd.s32 s0, s3;
	s0 =	sld [smem:$0x3FAD]  }
0x30: {  	s3 =	sld [smem:$0x3FB0]  }
0x31: {  	[smem:$0x3FB9] =	sst s10  }
0x32: {  	s10 =	sld [smem:$0x3FB7];
	_ =	sdelay $0x3  }
0x33: {  	p0 =	seq.s32 s10, $0x1;
	s10 =	sld [smem:$0x3FB9];
	_ =	sdelay $0x3  }
0x34: {  	[smem:$0x3FB9] =	sst s10  }
0x35: {  	s10 =	sld [smem:$0x3FB8];
	_ =	sdelay $0x3  }
0x36: {  	p1 =	seq.s32 s10, $0x1;
	s10 =	sld [smem:$0x3FB9];
	_ =	sdelay $0x3  }
0x37: {  	[smem:$0x3FB9] =	sst s10  }
0x38: {  	s10 =	sld [smem:$0x3FBA]  }
0x39: {  	_ = 	snop;
	(pc) =	sbr.ind lr, $3  }
0x3a: {  	_ = 	snop  }
0x3b: {  	_ = 	snop  }
0x3c: {  	p2 =	seq.s32 s10, $0x1;
	s10 =	sld [smem:$0x3FB9]  }
0x3d: {  	_ =	shalt  }
0x3e: {  	_ =	shalt  }
0x3f: {  	_ =	shalt  }
0x40: {  	_ =	shalt  }
0x41: {  	_ =	shalt  }
0x42: {  	_ =	shalt  }
0x43: {  	_ =	shalt  }
0x44: {  	_ =	shalt  }
0x45: {  	_ =	shalt  }
0x46: {  	_ =	shalt  }
0x47: {  	_ =	shalt  }
0x48: {  	_ =	shalt  }
0x49: {  	_ =	shalt  }
0x4a: {  	_ =	shalt  }
0x4b: {  	_ =	shalt  }
0x4c: {  	_ =	shalt  }
0x4d: {  	_ =	shalt  }
0x4e: {  	_ =	shalt  }
0x4f: {  	_ =	shalt  }
0x50: {  	_ =	shalt  }
0x51: {  	_ =	shalt  }
0x52: {  	_ =	shalt  }
0x53: {  	_ =	shalt  }
0x54: {  	_ =	shalt  }
0x55: {  	_ =	shalt  }
0x56: {  	_ =	shalt  }
0x57: {  	_ =	shalt  }
0x58: {  	_ =	shalt  }
0x59: {  	_ =	shalt  }
0x5a: {  	_ =	shalt  }
0x5b: {  	_ =	shalt  }
0x5c: {  	_ =	shalt  }
0x5d: {  	_ =	shalt  }
0x5e: {  	_ =	shalt  }
0x5f: {  	_ =	shalt  }
0x60: {  	_ =	shalt  }
0x61: {  	_ =	shalt  }
0x62: {  	_ =	shalt  }
0x63: {  	_ =	shalt  }
0x64: {  	_ =	shalt  }
0x65: {  	_ =	shalt  }
0x66: {  	_ =	shalt  }
0x67: {  	_ =	shalt  }
0x68: {  	_ =	shalt  }
0x69: {  	_ =	shalt  }
0x6a: {  	_ =	shalt  }
0x6b: {  	_ =	shalt  }
0x6c: {  	_ =	shalt  }
0x6d: {  	_ =	shalt  }
0x6e: {  	_ =	shalt  }
0x6f: {  	_ =	shalt  }
0x70: {  	_ =	shalt  }
0x71: {  	_ =	shalt  }
0x72: {  	_ =	shalt  }
0x73: {  	_ =	shalt  }
0x74: {  	_ =	shalt  }
0x75: {  	_ =	shalt  }
0x76: {  	_ =	shalt  }
0x77: {  	_ =	shalt  }
0x78: {  	_ =	shalt  }
0x79: {  	_ =	shalt  }
0x7a: {  	_ =	shalt  }
0x7b: {  	_ =	shalt  }
0x7c: {  	_ =	shalt  }
0x7d: {  	_ =	shalt  }
0x7e: {  	_ =	shalt  }
0x7f: {  	_ =	shalt  }
0x80: {  	_ =	shalt  }
0x81: {  	_ =	shalt  }
0x82: {  	_ =	shalt  }
0x83: {  	_ =	shalt  }
0x84: {  	_ =	shalt  }
0x85: {  	_ =	shalt  }
0x86: {  	_ =	shalt  }
0x87: {  	_ =	shalt  }
.Lfunc_end0:
.L_simem_size_0:
called_computation_lowered:
.L_overlay_start_0:
0x88: {  	s2 =	sld [smem:$0x3FD9]  }
0x89: {  	s3 =	sld [smem:$0x3FFE];
	_ =	sdelay $0x1  }
0x8a: {  	s1 =	srdreg.scid  }
0x8b: {  	s0 =	sand.u32 $0x1, s1  }
0x8c: {  	s17 =	sshll.u32 s0, $0xA;
	s2 =	sadd.s32 s3, s2  }
0x8d: {  	s2 =	sadd.s32 s2, s17  }
0x8e: {  	[smem:$0x3FC5] =	sst s2  }
0x8f: {  	_ = 	snop  }
0x90: {  	s2 =	sld [smem:$0x3FC9]  }
0x91: {  	s18 =	sld [smem:$0x3FC8]  }
0x92: {  	s4 =	sld [smem:$0x3FD0];
	(tm) =	ssettm $0x1  }
0x93: {  	s5 =	sld [smem:$0x3FFB];
	_ =	sdelay $0x3  }
0x94: {  	_ =	strace s5  }
0x95: {  	s5 =	sld [smem:$0x3FFC];
	_ =	sdelay $0x3  }
0x96: {  	_ =	strace s5  }
0x97: {  	s5 =	sld [smem:$0x3FFD];
	_ =	sdelay $0x3  }
0x98: {  	_ =	strace s5  }
0x99: {  	_ =	strace $0x8FFFFFFF  }
0x9a: {  	s19 =	sld [smem:$0x3FDB];
	_ =	sdelay $0x1  }
0x9b: {  	s6 =	simm.s32 $_scs_section_size  }
0x9c: {  	s7 =	simm.s32 $_size__tile_overlayer_lowered;
	s8 =	simm.s32 $_tile_overlayer_lowered  }
0x9d: {  	s22 =	simm.s32 $0x1BFF;
	s21 =	sshll.u32 s8, $0x1;
	s5 =	sadd.s32 s6, s19  }
0x9e: {  	s9 =	simm.s32 $0x0;
	s20 =	sshll.u32 s7, $0x1;
	s7 =	sadd.s32 s21, s5  }
0x9f: {  	[timem:s9], [sflag:s22] =	dma.local [hbm:s7], s20  }
0xa0: {  	_ =	swait.ge [sflag:s22], s20  }
0xa1: {  	s6 =	ssub.s32 $0x0, s20;
	[sflag:s22] =	ssyncset.done $0x0  }
0xa2: {  	[sflag:s22] =	ssyncadd.s32 s6;
	_ =	sdelay $0x1  }
0xa3: {  	s23 =	simm.s32 $0x1B8B  }
0xa4: {  	_ =	swait.ge [sflag:s23], $0x1  }
0xa5: {  	[sflag:s23] =	ssyncset.done $0x0  }
0xa6: {  	s25 =	simm.s32 $0x1B8E;
	s24 =	sld [smem:$0x3FFE];
	[sflag:s23] =	ssyncadd.s32 $0xFFFFFFFF  }
0xa7: {  	s26 =	simm.s32 $execute0_lowered;
	[smem:$0x3FD2] =	sst s25  }
0xa8: {  	s7 =	sshll.u32 s26, $0x1;
	_ =	strace $0x80000046;
	[dreg:$0x1] =	wrdreg $0xFFFFFFFF  }
0xa9: {  	s28 =	simm.s32 $_size_execute0_lowered;
	s5 =	sadd.s32 s5, s7;
	[dreg:$0x0] =	wrdreg $0x0  }
0xaa: {  	s7 =	sshll.u32 s28, $0x1;
	[dreg:$0x2] =	wrdreg s5  }
0xab: {  	[dreg:$0x3] =	wrdreg s7  }
0xac: {  	[dreg:$0x4] =	wrdreg $0xC0  }
0xad: {  	_ =	task [dreg:s9], $0x5FFFF  }
0xae: {  	[dreg:$0x1] =	wrdreg $0xFFFFFFFF  }
0xaf: {  	[dreg:$0x0] =	wrdreg $0x60  }
0xb0: {  	[dreg:$0x2] =	wrdreg s2  }
0xb1: {  	[dreg:$0x3] =	wrdreg s18  }
0xb2: {  	[dreg:$0x4] =	wrdreg s24  }
0xb3: {  	[dreg:$0x5] =	wrdreg s4  }
0xb4: {  	[dreg:$0x6] =	wrdreg $0x9  }
0xb5: {  	_ =	task.clear_ibuf [dreg:s9], $0x7FFFF;
	_ =	strace $0x90000046  }
0xb6: {  	s29 =	simm.s32 $0x9;
	_ =	strace $0x80000048  }
0xb7: {  	_ =	swait.ge [sflag:s29], $0x1  }
0xb8: {  	[sflag:s29] =	ssyncadd.s32 $0xFFFFFFFF  }
0xb9: {  	_ =	strace $0x90000048  }
0xba: {  	_ =	sfence  }
0xbb: {  	s30 =	sld [smem:$0x0];
	_ =	sdelay $0x2  }
0xbc: {  	s31 =	sshll.u32 s1, $0xD;
	s1 =	sshrl.u32 s1, $0x2  }
0xbd: {  	s3 =	sand.u32 $0x4000, s31;
	s1 =	sadd.s32 s1, s30  }
0xbe: {  	s0 =	sor.u32 s3, s0;
	s1 =	sshll.u32 s1, $0x11  }
0xbf: {  	s0 =	sor.u32 s1, s0  }
0xc0: {  	s0 =	sadd.s32 $0x8F2B, s0  }
0xc1: {  	[sflag:s0] =	ssyncadd.remote.s32 $0x1  }
0xc2: {  	_ =	sfence.sel $0xFFFF  }
0xc3: {  	[dreg:$0x0] =	wrdreg $0xFFFFFFFF;
	(pc) =	sbr.abs _section_cstart, $3  }
0xc4: {  	[dreg:$0x1] =	wrdreg $0xFFFFFFFF  }
0xc5: {  	_ =	task.clear_ibuf [dreg:s9], $0x2FFFF;
	_ =	strace $0x9FFFFFFF  }
0xc6: {  	(tm) =	ssettm $0x7FFFFFFF  }
0xc7: {  	_ =	shalt  }
tec
execute0_lowered:
.L_overlay_start_1:
0x0: {  	(tag) =	ssettag $0x1  }
0x1: {  	v0 =	vimm.s32 $0xFEDCBA9;
	v1 =	vimm.s32 $0x87654321  }
0x2: {  	v4 =	vimm.s32 $0x10FEDCBA;
	v5 =	vimm.s32 $0x98765432;
	v6 =	vimm.s32 $0x210FEDCB  }
0x3: {  	v7 =	vimm.s32 $0xA9876543;
	v20 =	vimm.s32 $0x6543210F;
	v21 =	vimm.s32 $0xFEDCBA98  }
0x4: {  	v22 =	vimm.s32 $0xEDCBA987;
	v23 =	vimm.s32 $0x76543210;
	v0 =	vunpack.c.l.s4.s8 v0  }
0x5: {  	v1 =	vunpack.c.l.s4.s8 v1;
	v4 =	vunpack.c.l.s4.s8 v4;
	v5 =	vunpack.c.l.s4.s8 v5  }
0x6: {  	v6 =	vunpack.c.l.s4.s8 v6;
	v21 =	vunpack.c.l.s4.s8 v21;
	v20 =	vunpack.c.l.s4.s8 v20  }
0x7: {  	v22 =	vunpack.c.l.s4.s8 v22;
	v23 =	vunpack.c.l.s4.s8 v23;
	v10 =	vunpack.c.0.s8.s32 v0  }
0x8: {  	v11 =	vunpack.c.0.s8.s32 v1;
	v0 =	vimm.s32 $0xFFFFFFFF;
	v1 =	vlaneseq.u32  }
0x9: {  	v12 =	vunpack.c.0.s8.s32 v4;
	v4 =	vunpack.c.l.s4.s8 v7;
	v13 =	vunpack.c.0.s8.s32 v5  }
0xa: {  	v14 =	vunpack.c.0.s8.s32 v6;
	v5 =	vimm.s32 $0x3210FEDC;
	v6 =	vimm.s32 $0x43210FED  }
0xb: {  	s0 =	rddreg [dreg:$0x0];
	v7 =	vimm.s32 $0xCBA98765;
	v20 =	vunpack.c.0.s8.s32 v20;
	v61 =	vunpack.c.0.s8.s32 v22  }
0xc: {  	s8 =	rddreg [dreg:$0x1];
	v2 =	vmul.u32 $0x200, v1;
	v6 =	vunpack.c.l.s4.s8 v6;
	v7 =	vunpack.c.l.s4.s8 v7  }
0xd: {  	s3 =	rddreg [dreg:$0x2];
	v3 =	vcombine.low v11, v10;
	v15 =	vunpack.c.0.s8.s32 v4;
	v4 =	vunpack.c.l.s4.s8 v5  }
0xe: {  	s9 =	rddreg [dreg:$0x3];
	s2 =	simm.s32 $0x0;
	v5 =	vimm.s32 $0xBA987654;
	v8 =	vcombine.low v13, v12;
	v26 =	vcombine.low v61, v20  }
0xf: {  	s4 =	srdreg.scid;
	s1 =	stileid.u32;
	s12 =	simm.s32 $0x1E000;
	v11 =	vcombine.low v10, v11;
	v12 =	vcombine.low v12, v13;
	v5 =	vunpack.c.l.s4.s8 v5  }
0x10: {  	s13 =	simm.s32 $0x4;
	s14 =	simm.s32 $0x1;
	s15 =	simm.s32 $0x1E200;
	v18 =	vunpack.c.0.s8.s32 v6;
	v19 =	vunpack.c.0.s8.s32 v7;
	v7 =	vimm.s32 $0x543210FE  }
0x11: {  	s16 =	simm.s32 $0x4000;
	s17 =	simm.s32 $0x6000;
	s18 =	simm.s32 $0xE000;
	v3 =	vand.u32 $0xF, v3;
	v9 =	vcombine.low v15, v14;
	v16 =	vunpack.c.0.s8.s32 v4  }
0x12: {  	s19 =	simm.s32 $0x18000;
	s20 =	simm.s32 $0x16000;
	s21 =	simm.s32 $0x1A000;
	v4 =	vand.u32 $0xF, v8;
	v7 =	vunpack.c.l.s4.s8 v7;
	v10 =	vand.u32 $0xF, v26  }
0x13: {  	s22 =	simm.s32 $0x1C000;
	s23 =	simm.s32 $0x1E280;
	s24 =	simm.s32 $0x2;
	v13 =	vcombine.low v14, v15;
	v11 =	vand.u32 $0xF, v11;
	v12 =	vand.u32 $0xF, v12  }
0x14: {  	s25 =	simm.s32 $0x1E300;
	s28 =	simm.s32 $0x0;
	[smem:$0x7FF] =	sst s2;
	v17 =	vunpack.c.0.s8.s32 v5;
	v8 =	vcombine.low v19, v18;
	v15 =	vcombine.low v18, v19  }
0x15: {  	s4 =	sand.u32 $0x1, s4;
	s5 =	sshll.u32 s1, $0x1;
	s3 =	sadd.s32 $0x400, s3;
	v18 =	vimm.s32 $0x0;
	v5 =	vand.u32 $0xF, v9;
	v9 =	vimm.s32 $0xDCBA9876  }
0x16: {  	_ =	strace $0x80000047;
	s6 =	ssub.s32 $0x2, s4;
	s5 =	sor.u32 s4, s5;
	v19 =	vimm.f32 $0.0e+00;
	v24 =	vunpack.c.0.s8.s32 v7;
	v9 =	vunpack.c.l.s4.s8 v9  }
0x17: {  	s26 =	sshrl.u32 s6, $0x1;
	s7 =	sshll.u32 s5, $0x5;
	s29 =	sshll.u32 s5, $0xB;
	v7 =	vunpack.c.0.s8.s32 v21;
	v13 =	vand.u32 $0xF, v13;
	v6 =	vcombine.low v17, v16  }
.Ltmp0:
0x18: {  	s11 =	sshll.u32 s5, $0x2;
	s10 =	ssub.s32 s6, s26;
	v14 =	vcombine.low v16, v17;
	v17 =	vcombine.low v20, v61;
	v25 =	vunpack.c.0.s8.s32 v9;
	(pc) =	sbr.rel .LBB2_1-.Ltmp0, $4  }
0x19: {  	s7 =	sor.u32 $0x10, s7;
	s4 =	sadd.s32 s0, s29;
	s6 =	sadd.s32 s8, s11;
	v15 =	vand.u32 $0xF, v15;
	v63 =	vand.u32 $0xF, v7;
	v7 =	vand.u32 $0xF, v8  }
0x1a: {  	s26 =	simm.s32 $0x3;
	s30 =	sshll.u32 s7, $0x6;
	s31 =	sshrl.u32 s7, $0x3;
	v9 =	vunpack.c.0.s8.s32 v23;
	v62 =	vcombine.low v25, v24;
	v16 =	vcombine.low v24, v25  }
0x1b: {  	s7 =	sadd.s32 s9, s11;
	s10 =	smax.u32 s10, $0x1;
	s11 =	simm.s32 $0x2000;
	v6 =	vand.u32 $0xF, v6;
	v14 =	vand.u32 $0xF, v14;
	v17 =	vand.u32 $0xF, v17  }
0x1c: {  	s5 =	sadd.s32 s0, s30;
	s8 =	sadd.s32 s8, s31;
	s9 =	sadd.s32 s9, s31;
	v8 =	vcombine.low v63, v9;
	v9 =	vand.u32 $0xF, v62;
	v16 =	vand.u32 $0xF, v16  }
.LBB2_26:
0x1d: {  	v21 =	vimm.s32 $0x0  }
0x1e: {  	v22 =	vimm.s32 $0x0;
	v23 =	vimm.s32 $0x0;
	v24 =	vimm.s32 $0x0  }
.LBB2_43:
0x1f: {  	v25 =	vld [tilespmem:$0x1E200];
	_ =	sdelay $0x4  }
0x20: {  	vm0 =	veq.s32 v25, $0x1  }
0x21: {  	vm13 =	veq.s32 v25, $0x2;
	v20 =	vsel vm0, v21, v20  }
0x22: {  	vm14 =	veq.s32 v25, $0x3;
	v20 =	vsel vm13, v22, v20  }
0x23: {  	vm15 =	veq.s32 v25, $0x4;
	v20 =	vsel vm14, v23, v20  }
0x24: {  	v20 =	vsel vm15, v24, v20  }
0x25: {  	s28 =	sadd.s32 $0x1, s28;
	[tilespmem:$0x1E300] =	vst v20  }
0x26: {  	[hbm4b:s9+s2] =	stream.linear.scatter [tilespmem:s25], [sflag:$0x3], $0x10, $0x38;
	[tilespmem:$0x1E380] =	vst v63  }
0x27: {  	p0 =	sne.s32 s28, s10;
	_ =	swait.ge [sflag:s26], $0x10  }
.Ltmp1:
0x28: {  	[sflag:s26] =	ssyncset.done $0x0;
	(pc) =	sbr.rel @!p0 .LBB2_44-.Ltmp1, $4  }
0x29: {  	[sflag:s26] =	ssyncadd.s32 $0xFFFFFFF0  }
0x2a: {  	_ =	swait.ge [sflag:s26], $0x10  }
0x2b: {  	[sflag:s26] =	ssyncset.done $0x0  }
0x2c: {  	[sflag:s26] =	ssyncadd.s32 $0xFFFFFFF0  }
.LBB2_1:
0x2d: {  	[tilespmem:s2], [sflag:$0x1] =	stream.linear.gather [hbm4b:s4+s2], $0x2000, $0x38;
	[tilespmem:$0x1E380] =	vst v63  }
0x2e: {  	_ = 	snop  }
0x2f: {  	[tilespmem:s11], [sflag:$0x2] =	stream.linear.gather [hbm4b:s5+s2], $0x2000, $0x38;
	[tilespmem:$0x1E380] =	vst v63  }
0x30: {  	_ = 	snop  }
0x31: {  	[tilespmem:s12], [sflag:$0x4] =	stream.linear.gather [hbm4b:s3+s2], $0x200, $0x38;
	[tilespmem:$0x1E380] =	vst v63  }
0x32: {  	_ =	swait.ge [sflag:s13], $0x200  }
0x33: {  	[sflag:s13] =	ssyncset.done $0x0  }
0x34: {  	s29 =	simm.s32 $0x6040;
	[sflag:s13] =	ssyncadd.s32 $0xFFFFFE00  }
0x35: {  	[tilespmem:s29+$0xFFFFFFC0] =	vst v0  }
0x36: {  	[tilespmem:s29+$0x30] =	vst v0  }
0x37: {  	[tilespmem:s29+$0x20] =	vst v0  }
0x38: {  	[tilespmem:s29+$0x10] =	vst v0  }
0x39: {  	[tilespmem:s29+$0x0] =	vst v0  }
0x3a: {  	[tilespmem:s29+$0xFFFFFFF0] =	vst v0  }
0x3b: {  	s0 =	simm.s32 $0x0;
	[tilespmem:s29+$0xFFFFFFE0] =	vst v0  }
.LBB2_2:
0x3c: {  	s0 =	sadd.s32 $0x8, s0;
	[tilespmem:s29+$0xFFFFFFD0] =	vst v0;
	s29 =	sadd.s32 $0x80, s29  }
0x3d: {  	[tilespmem:s29+$0xFFFFFFC0] =	vst v0;
	p0 =	slt.u32 s0, $0x7F8  }
0x3e: {  	[tilespmem:s29+$0x30] =	vst v0  }
.Ltmp2:
0x3f: {  	[tilespmem:s29+$0x20] =	vst v0;
	(pc) =	sbr.rel @p0 .LBB2_2-.Ltmp2, $4  }
0x40: {  	[tilespmem:s29+$0x10] =	vst v0  }
0x41: {  	[tilespmem:s29+$0x0] =	vst v0  }
0x42: {  	[tilespmem:s29+$0xFFFFFFF0] =	vst v0  }
0x43: {  	[tilespmem:s29+$0xFFFFFFE0] =	vst v0  }
0x44: {  	s0 =	simm.s32 $0x0  }
0x45: {  	v20 =	vor.u32 s0, v1  }
0x46: {  	v21 =	vor.u32 s0, v2;
	v22 =	vor.u32 s0, v17;
	v26 =	vor.u32 s0, v3  }
0x47: {  	v29 =	vor.u32 s0, v4;
	v30 =	vor.u32 s0, v5;
	v31 =	vor.u32 s0, v6  }
0x48: {  	v32 =	vor.u32 s0, v7;
	v33 =	vor.u32 s0, v9;
	v34 =	vor.u32 s0, v10  }
0x49: {  	v35 =	vor.u32 s0, v8;
	v36 =	vor.u32 s0, v11;
	v37 =	vor.u32 s0, v12  }
0x4a: {  	v38 =	vor.u32 s0, v13;
	v39 =	vor.u32 s0, v14;
	v40 =	vor.u32 s0, v15  }
0x4b: {  	v41 =	vor.u32 s0, v16;
	v21 =	vand.u32 $0x1F80, v21;
	v23 =	vand.u32 $0x7F, v22  }
0x4c: {  	v24 =	vand.u32 $0x7F, v20;
	v25 =	vand.u32 $0x7F, v26;
	v27 =	vand.u32 $0x7F, v29  }
0x4d: {  	v22 =	vshll.u32 v22, $0x4;
	v28 =	vand.u32 $0x7F, v30;
	v42 =	vand.u32 $0x7F, v31  }
0x4e: {  	[tilespmem:s29+$0xFFFFFFD0] =	vst v0;
	v44 =	vand.u32 $0x7F, v33;
	v45 =	vand.u32 $0x7F, v34;
	v46 =	vand.u32 $0x7F, v35  }
0x4f: {  	_ =	swait.ge [sflag:s14], $0x2000;
	v47 =	vand.u32 $0x7F, v36;
	v48 =	vand.u32 $0x7F, v37;
	v49 =	vand.u32 $0x7F, v38  }
0x50: {  	[sflag:s14] =	ssyncset.done $0x0;
	v50 =	vand.u32 $0x7F, v39;
	v51 =	vand.u32 $0x7F, v40;
	v54 =	vand.u32 $0x7F, v41  }
0x51: {  	v20 =	vshll.u32 v20, $0x4;
	v26 =	vshll.u32 v26, $0x4;
	v23 =	vor.u32 v23, v21;
	[sflag:s14] =	ssyncadd.s32 $0xFFFFE000  }
0x52: {  	v30 =	vshll.u32 v30, $0x4;
	v33 =	vshll.u32 v33, $0x4;
	v52 =	vor.u32 v24, v21;
	[tilespmem:s15], [sflag:$0x4] =	stream.linear.gather [hbm4b:s6+s2], $0x10, $0x38;
	[tilespmem:$0x1E380] =	vst v63  }
0x53: {  	v35 =	vshll.u32 v35, $0x4;
	v61 =	vshll.u32 v40, $0x4;
	v53 =	vor.u32 v25, v21;
	_ =	swait.ge [sflag:s13], $0x10  }
0x54: {  	v43 =	vor.u32 v1, v22;
	v22 =	vand.u32 $0x7F, v32;
	v55 =	vor.u32 v27, v21;
	[sflag:s13] =	ssyncset.done $0x0  }
0x55: {  	s29 =	simm.s32 $0x0;
	v56 =	vor.u32 v28, v21;
	v42 =	vor.u32 v42, v21;
	v44 =	vor.u32 v44, v21;
	[sflag:s13] =	ssyncadd.s32 $0xFFFFFFF0  }
0x56: {  	v58 =	vor.u32 v45, v21;
	v59 =	vor.u32 v46, v21;
	v60 =	vor.u32 v47, v21;
	v63 =	vld.idx.msk [tilespmem:v23+s29+$0x0], $0xffff  }
0x57: {  	v25 =	vor.u32 v48, v21;
	v24 =	vor.u32 v49, v21;
	v46 =	vshll.u32 v29, $0x4;
	v27 =	vld.idx.msk [tilespmem:v52+s29+$0x0], $0xffff  }
0x58: {  	v32 =	vshll.u32 v32, $0x4;
	v48 =	vor.u32 v1, v26;
	v47 =	vshll.u32 v41, $0x4;
	v28 =	vld.idx.msk [tilespmem:v53+s29+$0x0], $0xffff  }
0x59: {  	v26 =	vor.u32 v1, v61;
	v57 =	vor.u32 v22, v21;
	v22 =	vor.u32 v51, v21;
	v29 =	vld.idx.msk [tilespmem:v55+s29+$0x0], $0xffff  }
0x5a: {  	v51 =	vshll.u32 v31, $0x4;
	v49 =	vor.u32 v1, v46;
	v46 =	vor.u32 v1, v30;
	v31 =	vld.idx.msk [tilespmem:v56+s29+$0x0], $0xffff  }
0x5b: {  	v45 =	vor.u32 v1, v51;
	v23 =	vor.u32 v50, v21;
	v52 =	vshll.u32 v34, $0x4;
	v34 =	vld.idx.msk [tilespmem:v42+s29+$0x0], $0xffff  }
0x5c: {  	v21 =	vor.u32 v54, v21;
	v56 =	vshll.u32 v39, $0x4;
	v50 =	vor.u32 v1, v20;
	v39 =	vld.idx.msk [tilespmem:v44+s29+$0x0], $0xffff  }
0x5d: {  	v53 =	vshll.u32 v36, $0x4;
	v54 =	vshll.u32 v37, $0x4;
	v55 =	vshll.u32 v38, $0x4;
	v40 =	vld.idx.msk [tilespmem:v58+s29+$0x0], $0xffff  }
0x5e: {  	v44 =	vor.u32 v1, v32;
	v37 =	vld.idx.msk [tilespmem:v59+s29+$0x0], $0xffff;
	v38 =	vor.u32 v1, v35;
	v42 =	vor.u32 v1, v52  }
0x5f: {  	v41 =	vld.idx.msk [tilespmem:v60+s29+$0x0], $0xffff;
	v35 =	vor.u32 v1, v53;
	v32 =	vor.u32 v1, v54;
	v30 =	vor.u32 v1, v56  }
0x60: {  	s30 =	simm.s32 $0x16020;
	s31 =	simm.s32 $0x4020;
	v36 =	vld.idx.msk [tilespmem:v57+s29+$0x0], $0xffff;
	[tilespmem:v43+s16+$0x0] =	vst.idx.msk $0xffff, v63;
	v43 =	vor.u32 v1, v33;
	v33 =	vor.u32 v1, v55  }
.LBB2_4:
0x61: {  	s0 =	sadd.s32 $0x10, s0;
	v20 =	vimm.s32 $0x0;
	[tilespmem:v50+s16+$0x0] =	vst.idx.msk $0xffff, v27;
	v25 =	vld.idx.msk [tilespmem:v25+s29+$0x0], $0xffff;
	v47 =	vor.u32 v1, v47  }
0x62: {  	v27 =	vor.u32 s0, v1;
	v50 =	vor.u32 s0, v2;
	v51 =	vor.u32 s0, v17;
	p0 =	slt.u32 s0, $0x1F0;
	[tilespmem:v48+s16+$0x0] =	vst.idx.msk $0xffff, v28;
	v24 =	vld.idx.msk [tilespmem:v24+s29+$0x0], $0xffff  }
0x63: {  	v48 =	vor.u32 s0, v3;
	v28 =	vand.u32 $0x1F80, v50;
	v50 =	vand.u32 $0x7F, v51;
	[tilespmem:v49+s16+$0x0] =	vst.idx.msk $0xffff, v29;
	v23 =	vld.idx.msk [tilespmem:v23+s29+$0x0], $0xffff  }
0x64: {  	v29 =	vor.u32 s0, v4;
	v49 =	vor.u32 s0, v5;
	v50 =	vor.u32 v50, v28;
	[tilespmem:v46+s16+$0x0] =	vst.idx.msk $0xffff, v31;
	v22 =	vld.idx.msk [tilespmem:v22+s29+$0x0], $0xffff  }
0x65: {  	v52 =	vor.u32 s0, v9;
	v31 =	vor.u32 s0, v6;
	v46 =	vor.u32 s0, v7;
	[tilespmem:v45+s16+$0x0] =	vst.idx.msk $0xffff, v34;
	v34 =	vld.idx.msk [tilespmem:v21+s29+$0x0], $0xffff  }
0x66: {  	v53 =	vor.u32 s0, v8;
	v54 =	vor.u32 s0, v11;
	v45 =	vor.u32 s0, v10;
	[tilespmem:v44+s16+$0x0] =	vst.idx.msk $0xffff, v36  }
0x67: {  	v55 =	vor.u32 s0, v14;
	v36 =	vor.u32 s0, v12;
	v44 =	vor.u32 s0, v13;
	[tilespmem:v43+s16+$0x0] =	vst.idx.msk $0xffff, v39  }
0x68: {  	v21 =	vand.u32 $0x7F, v27;
	v39 =	vor.u32 s0, v15;
	v43 =	vor.u32 s0, v16;
	[tilespmem:v42+s16+$0x0] =	vst.idx.msk $0xffff, v40  }
0x69: {  	v51 =	vshll.u32 v51, $0x4;
	v40 =	vand.u32 $0x7F, v48;
	v42 =	vand.u32 $0x7F, v29;
	v50 =	vld.idx.msk [tilespmem:v50+s29+$0x0], $0xffff;
	[tilespmem:v38+s16+$0x0] =	vst.idx.msk $0xffff, v37  }
0x6a: {  	v51 =	vor.u32 v1, v51;
	v37 =	vand.u32 $0x7F, v49;
	v38 =	vand.u32 $0x7F, v31;
	[tilespmem:v35+s16+$0x0] =	vst.idx.msk $0xffff, v41  }
0x6b: {  	v56 =	vand.u32 $0x7F, v45;
	v35 =	vand.u32 $0x7F, v46;
	v41 =	vand.u32 $0x7F, v52;
	[tilespmem:v32+s16+$0x0] =	vst.idx.msk $0xffff, v25  }
0x6c: {  	v57 =	vand.u32 $0x7F, v36;
	v25 =	vand.u32 $0x7F, v53;
	v32 =	vand.u32 $0x7F, v54;
	[tilespmem:v33+s16+$0x0] =	vst.idx.msk $0xffff, v24  }
0x6d: {  	v58 =	vand.u32 $0x7F, v39;
	v24 =	vand.u32 $0x7F, v44;
	v33 =	vand.u32 $0x7F, v55;
	[tilespmem:v30+s16+$0x0] =	vst.idx.msk $0xffff, v23  }
0x6e: {  	v21 =	vor.u32 v21, v28;
	v30 =	vor.u32 v40, v28;
	v40 =	vand.u32 $0x7F, v43;
	[tilespmem:v26+s16+$0x0] =	vst.idx.msk $0xffff, v22  }
0x6f: {  	v42 =	vor.u32 v42, v28;
	v37 =	vor.u32 v37, v28;
	v26 =	vshll.u32 v27, $0x4;
	[tilespmem:v51+s16+$0x0] =	vst.idx.msk $0xffff, v50  }
0x70: {  	v38 =	vor.u32 v38, v28;
	v35 =	vor.u32 v35, v28;
	v41 =	vor.u32 v41, v28  }
0x71: {  	v59 =	vor.u32 v32, v28;
	v51 =	vor.u32 v56, v28;
	v56 =	vor.u32 v25, v28  }
0x72: {  	v24 =	vor.u32 v24, v28;
	v23 =	vor.u32 v33, v28;
	v25 =	vor.u32 v57, v28  }
0x73: {  	v32 =	vshll.u32 v48, $0x4;
	v22 =	vor.u32 v58, v28;
	v27 =	vld.idx.msk [tilespmem:v21+s29+$0x0], $0xffff;
	v21 =	vor.u32 v40, v28  }
0x74: {  	v33 =	vshll.u32 v49, $0x4;
	v40 =	vshll.u32 v31, $0x4;
	v28 =	vld.idx.msk [tilespmem:v30+s29+$0x0], $0xffff;
	v30 =	vshll.u32 v29, $0x4;
	[tilespmem:v47+s16+$0x0] =	vst.idx.msk $0xffff, v34  }
0x75: {  	v52 =	vshll.u32 v52, $0x4;
	v57 =	vshll.u32 v45, $0x4;
	v29 =	vld.idx.msk [tilespmem:v42+s29+$0x0], $0xffff;
	v42 =	vshll.u32 v46, $0x4  }
0x76: {  	v53 =	vshll.u32 v53, $0x4;
	v54 =	vshll.u32 v54, $0x4;
	v58 =	vshll.u32 v36, $0x4;
	v31 =	vld.idx.msk [tilespmem:v37+s29+$0x0], $0xffff  }
0x77: {  	v60 =	vshll.u32 v44, $0x4;
	v61 =	vshll.u32 v39, $0x4;
	v55 =	vshll.u32 v55, $0x4;
	v34 =	vld.idx.msk [tilespmem:v38+s29+$0x0], $0xffff  }
.Ltmp3:
0x78: {  	v48 =	vor.u32 v1, v32;
	v50 =	vor.u32 v1, v26;
	v47 =	vshll.u32 v43, $0x4;
	v36 =	vld.idx.msk [tilespmem:v35+s29+$0x0], $0xffff;
	(pc) =	sbr.rel @p0 .LBB2_4-.Ltmp3, $4  }
0x79: {  	v45 =	vor.u32 v1, v40;
	v49 =	vor.u32 v1, v30;
	v46 =	vor.u32 v1, v33;
	v39 =	vld.idx.msk [tilespmem:v41+s29+$0x0], $0xffff  }
0x7a: {  	v43 =	vor.u32 v1, v52;
	v44 =	vor.u32 v1, v42;
	v42 =	vor.u32 v1, v57;
	v40 =	vld.idx.msk [tilespmem:v51+s29+$0x0], $0xffff  }
0x7b: {  	v32 =	vor.u32 v1, v58;
	v38 =	vor.u32 v1, v53;
	v35 =	vor.u32 v1, v54;
	v37 =	vld.idx.msk [tilespmem:v56+s29+$0x0], $0xffff  }
0x7c: {  	v26 =	vor.u32 v1, v61;
	v33 =	vor.u32 v1, v60;
	v30 =	vor.u32 v1, v55;
	v41 =	vld.idx.msk [tilespmem:v59+s29+$0x0], $0xffff  }
0x7d: {  	_ =	sdelay $0x3  }
0x7e: {  	[tilespmem:v50+s16+$0x0] =	vst.idx.msk $0xffff, v27  }
0x7f: {  	[tilespmem:v48+s16+$0x0] =	vst.idx.msk $0xffff, v28  }
0x80: {  	[tilespmem:v49+s16+$0x0] =	vst.idx.msk $0xffff, v29  }
0x81: {  	[tilespmem:v46+s16+$0x0] =	vst.idx.msk $0xffff, v31  }
0x82: {  	[tilespmem:v45+s16+$0x0] =	vst.idx.msk $0xffff, v34  }
0x83: {  	v25 =	vld.idx.msk [tilespmem:v25+s29+$0x0], $0xffff;
	[tilespmem:v44+s16+$0x0] =	vst.idx.msk $0xffff, v36  }
0x84: {  	v24 =	vld.idx.msk [tilespmem:v24+s29+$0x0], $0xffff;
	[tilespmem:v43+s16+$0x0] =	vst.idx.msk $0xffff, v39  }
0x85: {  	v23 =	vld.idx.msk [tilespmem:v23+s29+$0x0], $0xffff;
	[tilespmem:v42+s16+$0x0] =	vst.idx.msk $0xffff, v40  }
0x86: {  	v22 =	vld.idx.msk [tilespmem:v22+s29+$0x0], $0xffff;
	[tilespmem:v38+s16+$0x0] =	vst.idx.msk $0xffff, v37  }
0x87: {  	v63 =	vor.u32 v1, v47;
	v21 =	vld.idx.msk [tilespmem:v21+s29+$0x0], $0xffff;
	[tilespmem:v35+s16+$0x0] =	vst.idx.msk $0xffff, v41  }
0x88: {  	[tilespmem:v32+s16+$0x0] =	vst.idx.msk $0xffff, v25  }
0x89: {  	[tilespmem:v33+s16+$0x0] =	vst.idx.msk $0xffff, v24  }
0x8a: {  	[tilespmem:v30+s16+$0x0] =	vst.idx.msk $0xffff, v23  }
0x8b: {  	[tilespmem:v26+s16+$0x0] =	vst.idx.msk $0xffff, v22  }
0x8c: {  	[tilespmem:v63+s16+$0x0] =	vst.idx.msk $0xffff, v21  }
.LBB2_6:
0x8d: {  	v28 =	vld [tilespmem:s31+$0xFFFFFFE0]  }
0x8e: {  	v27 =	vld [tilespmem:s31+$0xFFFFFFF0]  }
0x8f: {  	v26 =	vld [tilespmem:s31+$0x0]  }
0x90: {  	v25 =	vld [tilespmem:s31+$0x10];
	_ =	sdelay $0x2  }
0x91: {  	v24 =	vmov s29  }
0x92: {  	v59 =	vimm.s32 $0x0;
	v62 =	vimm.s32 $0x0;
	v21 =	vmul.u32 $0x9E3779B9, v28  }
0x93: {  	v31 =	vmul.u32 $0x9E3779B9, v27;
	v36 =	vmul.u32 $0x9E3779B9, v26;
	v39 =	vmul.u32 $0x9E3779B9, v25  }
0x94: {  	vm15 =	veq.s32 v27, v28;
	vm10 =	vne.s32 v27, v28;
	v29 =	vshrl.u32 v21, $0x11  }
0x95: {  	v31 =	vshrl.u32 v31, $0x11;
	v36 =	vshrl.u32 v36, $0x11;
	v39 =	vshrl.u32 v39, $0x11  }
0x96: {  	v30 =	vand.u32 $0x7FF0, v29;
	v47 =	vand.u32 $0x7FF0, v31;
	v29 =	vand.u32 $0x7F80, v29  }
0x97: {  	v48 =	vand.u32 $0x7FF0, v36;
	v31 =	vand.u32 $0x7F80, v31;
	v32 =	vadd.s32 $0x10, v30  }
0x98: {  	v34 =	vor.u32 v1, v30;
	v35 =	vor.u32 v1, v47;
	v30 =	vadd.s32 $0x10, v47  }
0x99: {  	v33 =	vand.u32 $0x7FF0, v32;
	v37 =	vand.u32 $0x7FF0, v30;
	v38 =	vand.u32 $0x7F, v34  }
0x9a: {  	v44 =	vand.u32 $0x7F, v35;
	v33 =	vor.u32 v1, v33;
	v38 =	vor.u32 v29, v38  }
0x9b: {  	v32 =	vand.u32 $0x7F80, v32;
	v31 =	vor.u32 v31, v44;
	v40 =	vand.u32 $0x7F, v33  }
0x9c: {  	v42 =	vand.u32 $0x7FF0, v39;
	v37 =	vor.u32 v1, v37;
	v32 =	vor.u32 v32, v40  }
0x9d: {  	v36 =	vand.u32 $0x7F80, v36;
	v50 =	vand.u32 $0x7F80, v30;
	v46 =	vand.u32 $0x7F, v37  }
0x9e: {  	v41 =	vadd.s32 $0x10, v48;
	v43 =	vor.u32 v1, v48;
	v44 =	vor.u32 v50, v46  }
0x9f: {  	v39 =	vand.u32 $0x7F80, v39;
	v49 =	vand.u32 $0x7FF0, v41;
	v47 =	vand.u32 $0x7F, v43;
	v38 =	vld.idx.msk [tilespmem:v38+s17+$0x0], $0xffff  }
0xa0: {  	v41 =	vand.u32 $0x7F80, v41;
	v29 =	vor.u32 v1, v42;
	v42 =	vadd.s32 $0x10, v42;
	v54 =	vld.idx.msk [tilespmem:v31+s17+$0x0], $0xffff  }
0xa1: {  	v36 =	vor.u32 v36, v47;
	v45 =	vand.u32 $0x7FF0, v42;
	v53 =	vand.u32 $0x7F, v29;
	v32 =	vld.idx.msk [tilespmem:v32+s17+$0x0], $0xffff  }
0xa2: {  	v42 =	vand.u32 $0x7F80, v42;
	v40 =	vor.u32 v1, v49;
	v51 =	vor.u32 v1, v45  }
0xa3: {  	v39 =	vor.u32 v39, v53;
	v52 =	vand.u32 $0x7F, v40;
	v55 =	vand.u32 $0x7F, v51;
	v57 =	vld.idx.msk [tilespmem:v44+s17+$0x0], $0xffff  }
0xa4: {  	v41 =	vor.u32 v41, v52;
	vm0 =	veq.s32 v38, v28;
	vm1 =	veq.s32 v38, $0xFFFFFFFF  }
0xa5: {  	v58 =	vor.u32 v42, v55;
	vm13 =	veq.s32 v54, $0xFFFFFFFF;
	vm2 =	vmor vm0, vm1  }
0xa6: {  	vm14 =	veq.s32 v54, v27;
	vm3 =	veq.s32 v32, $0xFFFFFFFF;
	vm4 =	vmneg vm2  }
0xa7: {  	v56 =	vsel vm2, v34, v33;
	vm11 =	veq.s32 v32, v28;
	vm3 =	vmand vm3, vm4  }
0xa8: {  	v60 =	vld.idx.msk [tilespmem:v36+s17+$0x0], $0xffff;
	vm7 =	veq.s32 v57, v27;
	vm12 =	veq.s32 v35, v56;
	vm1 =	vmor vm1, vm3  }
0xa9: {  	vm9 =	veq.s32 v57, $0xFFFFFFFF;
	vm2 =	vmand vm11, vm4;
	vm3 =	vmand vm1, vm12  }
0xaa: {  	vm5 =	veq.s32 v37, v56;
	vm2 =	vmor vm0, vm2;
	vm3 =	vmneg vm3  }
0xab: {  	v34 =	vsel vm2, $0xFFFFFFFF, v59;
	vm0 =	vmor vm2, vm1;
	vm3 =	vmand vm13, vm3  }
0xac: {  	vm5 =	vmand vm1, vm5;
	vm12 =	veq.s32 v43, v56;
	vm6 =	vmor vm14, vm3  }
0xad: {  	vm13 =	veq.s32 v60, $0xFFFFFFFF;
	vm8 =	vmneg vm3;
	vm5 =	vmor vm5, vm6  }
0xae: {  	v61 =	vld.idx.msk [tilespmem:v41+s17+$0x0], $0xffff;
	vm7 =	vmand vm7, vm8;
	v35 =	vsel vm6, v35, v37;
	vm8 =	veq.s32 v60, v26  }
0xaf: {  	vm6 =	vmand vm1, vm12;
	vm5 =	vmneg vm5;
	vm4 =	vmor vm14, vm7  }
0xb0: {  	vm7 =	vmand vm15, vm0;
	vm5 =	vmand vm9, vm5;
	vm9 =	vmneg vm15  }
0xb1: {  	vm14 =	veq.s32 v40, v56;
	vm3 =	vmor vm3, vm5;
	vm4 =	vmand vm9, vm4  }
0xb2: {  	v63 =	vsel vm7, v56, v35;
	vm11 =	vmor vm7, vm4;
	vm5 =	vmand vm3, vm10  }
0xb3: {  	vm7 =	veq.s32 v43, v63;
	vm10 =	veq.s32 v61, v26;
	vm4 =	vmmov vm0  }
0xb4: {  	v36 =	vsel vm11, $0xFFFFFFFF, v62;
	vm3 =	vmor vm11, vm5;
	vm7 =	vmand vm7, vm5  }
0xb5: {  	vm11 =	veq.s32 v40, v63;
	vm6 =	vmor vm6, vm7;
	vm7 =	vmand vm1, vm14  }
0xb6: {  	v42 =	vld.idx.msk [tilespmem:v39+s17+$0x0], $0xffff;
	vm15 =	vmand vm11, vm5;
	vm11 =	veq.s32 v61, $0xFFFFFFFF;
	vm6 =	vmneg vm6  }
0xb7: {  	vm14 =	veq.s32 v26, v27;
	vm7 =	vmor vm7, vm15;
	vm6 =	vmand vm13, vm6  }
0xb8: {  	vm15 =	veq.s32 v29, v63;
	vm13 =	veq.s32 v26, v28;
	vm9 =	vmor vm8, vm6  }
0xb9: {  	vm12 =	vmneg vm6;
	vm2 =	vmor vm13, vm14;
	vm13 =	vmand vm13, vm0  }
0xba: {  	vm10 =	vmand vm10, vm12;
	vm7 =	vmor vm7, vm9;
	vm2 =	vmneg vm2  }
0xbb: {  	vm12 =	vmand vm14, vm3;
	v43 =	vsel vm9, v43, v40;
	vm9 =	veq.s32 v42, $0xFFFFFFFF  }
0xbc: {  	vm14 =	veq.s32 v29, v56;
	vm8 =	vmor vm8, vm10;
	vm7 =	vmneg vm7  }
0xbd: {  	v44 =	vsel vm13, v56, v43;
	vm10 =	vmand vm1, vm14;
	vm7 =	vmand vm11, vm7  }
0xbe: {  	vm8 =	vmand vm8, vm2;
	v37 =	vsel vm12, v63, v44;
	vm11 =	vmand vm15, vm5  }
0xbf: {  	vm8 =	vmor vm12, vm8;
	vm7 =	vmor vm6, vm7;
	vm0 =	veq.s32 v29, v37  }
0xc0: {  	vm10 =	vmor vm10, vm11;
	vm6 =	vmor vm13, vm8;
	vm7 =	vmand vm7, vm2  }
0xc1: {  	vm8 =	veq.s32 v42, v25;
	vm2 =	vmand vm7, vm0;
	vm0 =	veq.s32 v51, v56  }
0xc2: {  	v32 =	vld.idx.msk [tilespmem:v58+s17+$0x0], $0xffff;
	[tilespmem:$0x1FFE0] =	vst v34;
	vm10 =	vmor vm10, vm2;
	vm11 =	vmand vm1, vm0;
	vm2 =	veq.s32 v51, v63  }
0xc3: {  	v49 =	vld [tilespmem:$0x1FFE0];
	vm0 =	veq.s32 v51, v37;
	vm10 =	vmneg vm10;
	vm14 =	vmand vm2, vm5  }
0xc4: {  	s0 =	sadd.s32 $0x1, s29;
	vm9 =	vmand vm9, vm10;
	vm11 =	vmor vm11, vm14;
	vm10 =	vmand vm7, vm0  }
0xc5: {  	v21 =	vmov s0;
	s0 =	sadd.s32 $0x2, s29;
	vm10 =	vmor vm11, vm10;
	vm11 =	vmor vm8, vm9  }
0xc6: {  	v22 =	vmov s0;
	s0 =	sadd.s32 $0x3, s29;
	vm10 =	vmor vm10, vm11  }
0xc7: {  	v23 =	vmov s0;
	vm12 =	veq.s32 v32, $0xFFFFFFFF;
	vm10 =	vmneg vm10  }
0xc8: {  	v45 =	vld.idx.msk [tilespmem:v24+s12+$0x0], $0xffff;
	[tilespmem:$0x1FFF0] =	vst v36;
	vm10 =	vmand vm12, vm10;
	vm12 =	vnez.u8 v49  }
0xc9: {  	v52 =	vld [tilespmem:$0x1FFF0]  }
0xca: {  	v46 =	vld.idx.msk [tilespmem:v21+s12+$0x0], $0xffff  }
0xcb: {  	v47 =	vld.idx.msk [tilespmem:v22+s12+$0x0], $0xffff  }
0xcc: {  	v48 =	vld.idx.msk [tilespmem:v23+s12+$0x0], $0xffff;
	v55 =	vshll.u32 v20, $0x4;
	v50 =	vnsel vm1, $0xFFFFFFFF, v56;
	[tilespmem:v56+s17+$0x0] =	vst.idx.msk vm1, v28  }
0xcd: {  	[tilespmem:v56+s18+$0x0] =	vst.idx.msk vm1, v45;
	v53 =	vnsel vm5, $0xFFFFFFFF, v35;
	vm15 =	veq.s32 v25, v27;
	vm13 =	veq.s32 v32, v25  }
0xce: {  	vm14 =	veq.s32 v25, v28;
	vm2 =	vmneg vm9;
	[tilespmem:v56+s18+$0x0] =	vst.idx.add.f32.msk vm12, v45;
	vm12 =	vnez.u8 v52  }
0xcf: {  	vm0 =	vmor vm14, vm15;
	vm13 =	vmand vm13, vm2;
	vm2 =	veq.s32 v25, v26  }
0xd0: {  	v29 =	vsel vm11, v29, v51;
	vm11 =	vmor vm6, vm7;
	vm8 =	vmor vm8, vm13  }
0xd1: {  	vm0 =	vmor vm2, vm0;
	vm13 =	vmand vm15, vm3;
	vm15 =	vmmov vm4;
	[tilespmem:s30+$0xFFFFFFE0] =	vst v50  }
0xd2: {  	vm4 =	vmand vm14, vm4;
	vm2 =	vmand vm2, vm11;
	vm0 =	vmneg vm0;
	[tilespmem:v63+s17+$0x0] =	vst.idx.msk vm5, v27  }
0xd3: {  	v51 =	vsel vm4, v56, v29;
	vm9 =	vmor vm9, vm10;
	vm8 =	vmand vm8, vm0;
	[tilespmem:v63+s18+$0x0] =	vst.idx.msk vm5, v46  }
0xd4: {  	vm1 =	vmand vm9, vm0;
	vm8 =	vmor vm13, vm8;
	v27 =	vsel vm13, v63, v51;
	[tilespmem:v63+s18+$0x0] =	vst.idx.add.f32.msk vm12, v46  }
0xd5: {  	v54 =	vnsel vm7, $0xFFFFFFFF, v43;
	vm8 =	vmor vm4, vm8;
	v27 =	vsel vm2, v37, v27;
	[tilespmem:s30+$0xFFFFFFF0] =	vst v53  }
0xd6: {  	v28 =	vor.u32 v1, v55;
	vm14 =	vmneg vm15;
	vm13 =	vmor vm2, vm8;
	[tilespmem:v37+s17+$0x0] =	vst.idx.msk vm7, v26  }
0xd7: {  	vm3 =	vmneg vm3;
	vm0 =	vmneg vm11;
	v56 =	vsel vm14, $0x1, v18;
	[tilespmem:v37+s18+$0x0] =	vst.idx.msk vm7, v47  }
0xd8: {  	v57 =	vsel vm3, $0x1, v18;
	v59 =	vsel vm0, $0x1, v18;
	v20 =	vadd.s32 v56, v20;
	[tilespmem:v37+s18+$0x0] =	vst.idx.add.f32.msk vm6, v47  }
0xd9: {  	v58 =	vshll.u32 v20, $0x4;
	v20 =	vadd.s32 v57, v20;
	vm15 =	vmor vm1, vm13;
	[tilespmem:s30+$0x0] =	vst v54  }
0xda: {  	v60 =	vor.u32 v1, v58;
	v61 =	vshll.u32 v20, $0x4;
	v20 =	vadd.s32 v59, v20;
	[tilespmem:v27+s17+$0x0] =	vst.idx.msk vm1, v25  }
0xdb: {  	vm5 =	vmneg vm15;
	v30 =	vshll.u32 v20, $0x4;
	v26 =	vor.u32 v1, v61;
	[tilespmem:v27+s18+$0x0] =	vst.idx.msk vm1, v48  }
0xdc: {  	p0 =	seq.s32 s29, $0x1FC;
	v62 =	vnsel vm1, $0xFFFFFFFF, v29;
	v63 =	vor.u32 v1, v30;
	[tilespmem:v27+s18+$0x0] =	vst.idx.add.f32.msk vm13, v48  }
.Ltmp4:
0xdd: {  	[tilespmem:s30+$0x10] =	vst v62;
	(pc) =	sbr.rel @!p0 .LBB2_6-.Ltmp4, $4  }
0xde: {  	[tilespmem:v28+s19+$0x0] =	vst.idx.msk vm14, v24  }
0xdf: {  	[tilespmem:v60+s19+$0x0] =	vst.idx.msk vm3, v21  }
0xe0: {  	v21 =	vsel vm5, $0x1, v18;
	[tilespmem:v26+s19+$0x0] =	vst.idx.msk vm0, v22  }
0xe1: {  	s31 =	sadd.s32 $0x40, s31;
	s29 =	sadd.s32 $0x4, s29;
	s30 =	sadd.s32 $0x40, s30;
	v20 =	vadd.s32 v21, v20;
	[tilespmem:v63+s19+$0x0] =	vst.idx.msk vm5, v23  }
0xe2: {  	vm0 =	vgt.s32 v20, $0x0  }
0xe3: {  	v21 =	vsel vm0, $0x3F800000, v19  }
0xe4: {  	(xrf0) =	vmax.scan.msk.f32 $0xffff, v21;
	_ =	sdelay $0x5  }
0xe5: {  	v21, _, _ =	vpop (xrf0)  }
0xe6: {  	(v2sf) =	vpush v21, $0xF;
	_ =	sdelay $0xe  }
0xe7: {  	s0 =	spop (v2sf)  }
0xe8: {  	p0 =	sgt.f32 s0, $0.0e+00  }
.Ltmp5:
0xe9: {  	_ = 	snop;
	(pc) =	sbr.rel @!p0 .LBB2_10-.Ltmp5, $1  }
0xea: {  	_ =	sdelay $0x3  }
0xeb: {  	v22 =	vimm.s32 $0x0;
	vm1 =	vmmov $0xffff;
	v21 =	vimm.s32 $0x0  }
.LBB2_9:
0xec: {  	v23 =	vshll.u32 v21, $0x4  }
0xed: {  	v23 =	vor.u32 v1, v23;
	_ =	sdelay $0x4  }
0xee: {  	v23 =	vld.idx.msk [tilespmem:v23+s19+$0x0], vm0;
	_ =	sdelay $0x4  }
0xef: {  	v24 =	vshll.u32 v23, $0x4  }
0xf0: {  	v24 =	vor.u32 v1, v24;
	_ =	sdelay $0x4  }
0xf1: {  	v25 =	vld.idx.msk [tilespmem:v24+s16+$0x0], vm0;
	_ =	sdelay $0x4  }
0xf2: {  	v26 =	vmul.u32 $0x9E3779B9, v25;
	_ =	sdelay $0x1  }
0xf3: {  	v26 =	vshrl.u32 v26, $0x15  }
0xf4: {  	v22 =	vsel vm1, v26, v22  }
0xf5: {  	v26 =	vshll.u32 v22, $0x4  }
0xf6: {  	v26 =	vor.u32 v1, v26;
	_ =	sdelay $0x4  }
0xf7: {  	v27 =	vld.idx.msk [tilespmem:v26+s17+$0x0], vm0;
	_ =	sdelay $0x4  }
0xf8: {  	vm1 =	veq.s32 v27, v25;
	vm2 =	veq.s32 v27, $0xFFFFFFFF  }
0xf9: {  	vm3 =	vmand vm0, vm1;
	vm2 =	vmand vm0, vm2  }
0xfa: {  	vm1 =	vmor vm3, vm2  }
0xfb: {  	v61 =	vsel vm1, $0x1, v18  }
0xfc: {  	v21 =	vadd.s32 v61, v21  }
0xfd: {  	v23 =	vld.idx.msk [tilespmem:v23+s12+$0x0], vm0;
	vm0 =	vlt.s32 v21, v20  }
0xfe: {  	v62 =	vsel vm0, $0x3F800000, v19  }
0xff: {  	(xrf0) =	vmax.scan.msk.f32 $0xffff, v62;
	_ =	sdelay $0x5  }
0x100: {  	v27, _, _ =	vpop (xrf0)  }
0x101: {  	(v2sf) =	vpush v27, $0xF;
	_ =	sdelay $0xe  }
0x102: {  	s0 =	spop (v2sf)  }
0x103: {  	p0 =	sgt.f32 s0, $0.0e+00  }
.Ltmp6:
0x104: {  	_ = 	snop;
	(pc) =	sbr.rel @p0 .LBB2_9-.Ltmp6, $4  }
0x105: {  	[tilespmem:v26+s17+$0x0] =	vst.idx.msk vm2, v25  }
0x106: {  	v63 =	vadd.s32 $0x1, v22;
	[tilespmem:v26+s18+$0x0] =	vst.idx.msk vm2, v23  }
0x107: {  	[tilespmem:v26+s18+$0x0] =	vst.idx.add.f32.msk vm3, v23;
	v23 =	vand.u32 $0x7FF, v63  }
0x108: {  	[tilespmem:v24+s20+$0x0] =	vst.idx.msk vm2, v26;
	v22 =	vsel vm1, v22, v23  }
.LBB2_10:
0x109: {  	v20 =	vld [tilespmem:$0x16000];
	_ =	sdelay $0x4  }
0x10a: {  	vm0 =	vgt.s32 v20, $0xFFFFFFFF;
	_ =	sdelay $0x5  }
0x10b: {  	v20 =	vld.idx.msk [tilespmem:v20+s18+$0x0], vm0  }
0x10c: {  	v21 =	vld [tilespmem:$0x4000];
	_ =	sdelay $0x1  }
0x10d: {  	v22 =	vld [tilespmem:$0x16010];
	_ =	sdelay $0x1  }
0x10e: {  	v20 =	vnsel vm0, $0xBF800000, v20  }
0x10f: {  	vm1 =	vlt.s32 v21, $0x0;
	vm0 =	veq.f32 v20, $0.0e+00  }
0x110: {  	vm2 =	vgt.f32 v20, $0.0e+00;
	vm0 =	vmand vm1, vm0  }
0x111: {  	vm1 =	vgt.s32 v22, $0xFFFFFFFF;
	vm0 =	vmor vm2, vm0  }
0x112: {  	v23 =	vsel vm0, $0x0, v20;
	v24 =	vsel vm0, $0x0, v21  }
0x113: {  	vm2 =	veq.f32 v23, $0.0e+00;
	vm3 =	vlt.s32 v24, $0x0  }
0x114: {  	vm4 =	vgt.f32 v23, $0.0e+00;
	vm2 =	vmand vm2, vm3  }
0x115: {  	vm2 =	vmor vm4, vm2  }
0x116: {  	v25 =	vsel vm2, $0x0, v23;
	v26 =	vsel vm2, $0x0, v24  }
0x117: {  	v22 =	vld.idx.msk [tilespmem:v22+s18+$0x0], vm1;
	vm3 =	veq.f32 v25, $0.0e+00;
	vm4 =	vlt.s32 v26, $0x0  }
0x118: {  	v27 =	vld [tilespmem:$0x4010];
	v20 =	vnsel vm0, $0x0, v20;
	vm5 =	vgt.f32 v25, $0.0e+00;
	vm3 =	vmand vm3, vm4  }
0x119: {  	v21 =	vnsel vm0, $0x0, v21;
	v23 =	vnsel vm2, $0x0, v23;
	vm0 =	vmor vm5, vm3  }
0x11a: {  	v24 =	vnsel vm2, $0x0, v24;
	v28 =	vnsel vm0, $0x0, v25;
	v25 =	vsel vm0, $0x0, v25  }
0x11b: {  	v30 =	vld [tilespmem:$0x16800];
	v29 =	vnsel vm0, $0x0, v26;
	v26 =	vsel vm0, $0x0, v26;
	vm0 =	vgt.f32 v25, $0.0e+00  }
0x11c: {  	vm2 =	veq.f32 v25, $0.0e+00;
	vm3 =	vlt.s32 v26, $0x0;
	v22 =	vnsel vm1, $0xBF800000, v22  }
0x11d: {  	vm1 =	vmand vm2, vm3;
	vm2 =	veq.f32 v22, v20;
	vm3 =	vlt.s32 v27, v21  }
0x11e: {  	vm1 =	vmor vm0, vm1;
	vm0 =	vgt.f32 v22, v20;
	vm2 =	vmand vm2, vm3  }
0x11f: {  	v31 =	vnsel vm1, $0x0, v25;
	v32 =	vnsel vm1, $0x0, v26;
	vm2 =	vmor vm0, vm2  }
0x120: {  	v25 =	vsel vm1, $0x0, v25;
	vm0 =	vgt.s32 v30, $0xFFFFFFFF;
	v26 =	vsel vm1, $0x0, v26  }
0x121: {  	v33 =	vsel vm2, v20, v22;
	v34 =	vsel vm2, v21, v27;
	vm5 =	veq.f32 v25, $0.0e+00  }
0x122: {  	v20 =	vsel vm2, v22, v20;
	vm3 =	veq.f32 v33, v23;
	vm4 =	vlt.s32 v34, v24  }
0x123: {  	v21 =	vsel vm2, v27, v21;
	vm1 =	vgt.f32 v33, v23;
	vm3 =	vmand vm3, vm4  }
0x124: {  	vm4 =	vgt.f32 v25, $0.0e+00;
	vm1 =	vmor vm1, vm3;
	vm3 =	vlt.s32 v26, $0x0  }
0x125: {  	v35 =	vsel vm1, v23, v33;
	v36 =	vsel vm1, v24, v34;
	vm3 =	vmand vm5, vm3  }
0x126: {  	v23 =	vsel vm1, v33, v23;
	vm5 =	veq.f32 v35, v28;
	vm6 =	vlt.s32 v36, v29;
	v30 =	vld.idx.msk [tilespmem:v30+s18+$0x0], vm0  }
0x127: {  	vm3 =	vmor vm4, vm3;
	vm4 =	vgt.f32 v35, v28;
	vm5 =	vmand vm5, vm6  }
0x128: {  	v38 =	vld [tilespmem:$0x4800];
	v25 =	vnsel vm3, $0x0, v25;
	v26 =	vnsel vm3, $0x0, v26;
	vm3 =	vmor vm4, vm5  }
0x129: {  	v24 =	vsel vm1, v34, v24;
	v22 =	vsel vm3, v28, v35;
	v37 =	vsel vm3, v29, v36  }
0x12a: {  	v27 =	vld [tilespmem:$0x16810];
	v28 =	vsel vm3, v35, v28;
	vm2 =	veq.f32 v22, v31;
	vm4 =	vlt.s32 v37, v32  }
0x12b: {  	vm5 =	vgt.f32 v22, v31;
	vm2 =	vmand vm2, vm4;
	v30 =	vnsel vm0, $0xBF800000, v30  }
0x12c: {  	v29 =	vsel vm3, v36, v29;
	vm1 =	vmor vm5, vm2;
	vm0 =	veq.f32 v30, v20  }
0x12d: {  	vm2 =	vlt.s32 v38, v21;
	vm3 =	vgt.f32 v30, v20;
	v47 =	vsel vm1, v22, v31  }
0x12e: {  	v22 =	vsel vm1, v31, v22;
	v31 =	vsel vm1, v32, v37;
	vm0 =	vmand vm0, vm2  }
0x12f: {  	vm2 =	vgt.f32 v22, v25;
	vm3 =	vmor vm3, vm0;
	vm0 =	vgt.s32 v27, $0xFFFFFFFF  }
0x130: {  	vm4 =	veq.f32 v22, v25;
	v48 =	vsel vm3, v20, v30;
	v49 =	vsel vm3, v21, v38  }
0x131: {  	vm5 =	vlt.s32 v31, v26;
	vm6 =	veq.f32 v48, v23;
	vm7 =	vlt.s32 v49, v24  }
0x132: {  	vm4 =	vmand vm4, vm5;
	vm5 =	vgt.f32 v48, v23;
	vm6 =	vmand vm6, vm7  }
0x133: {  	v32 =	vsel vm1, v37, v32;
	vm1 =	vmor vm2, vm4;
	vm2 =	vmor vm5, vm6  }
0x134: {  	v22 =	vsel vm1, v22, v25;
	v25 =	vsel vm2, v23, v48;
	v50 =	vsel vm2, v24, v49  }
0x135: {  	v26 =	vsel vm1, v31, v26;
	vm1 =	veq.f32 v25, v28;
	vm4 =	vlt.s32 v50, v29;
	v27 =	vld.idx.msk [tilespmem:v27+s18+$0x0], vm0  }
0x136: {  	v20 =	vsel vm3, v30, v20;
	v30 =	vld [tilespmem:$0x4810];
	vm5 =	vgt.f32 v25, v28;
	vm1 =	vmand vm1, vm4  }
0x137: {  	v21 =	vsel vm3, v38, v21;
	v23 =	vsel vm2, v48, v23;
	vm1 =	vmor vm5, vm1  }
0x138: {  	v24 =	vsel vm2, v49, v24;
	v31 =	vsel vm1, v25, v28;
	v25 =	vsel vm1, v28, v25  }
0x139: {  	v28 =	vsel vm1, v50, v29;
	v29 =	vsel vm1, v29, v50;
	vm1 =	vgt.f32 v25, v47  }
0x13a: {  	v51 =	vld [tilespmem:$0x17000];
	vm2 =	veq.f32 v25, v47;
	vm3 =	vlt.s32 v29, v32;
	v27 =	vnsel vm0, $0xBF800000, v27  }
0x13b: {  	vm0 =	vmand vm2, vm3;
	vm3 =	vlt.s32 v30, v21;
	vm2 =	veq.f32 v27, v20  }
0x13c: {  	vm1 =	vmor vm1, vm0;
	vm0 =	vgt.f32 v27, v20;
	vm2 =	vmand vm2, vm3  }
0x13d: {  	v52 =	vsel vm1, v25, v47;
	v36 =	vsel vm1, v29, v32;
	vm2 =	vmor vm0, vm2  }
0x13e: {  	v25 =	vsel vm1, v47, v25;
	v53 =	vsel vm2, v20, v27;
	v54 =	vsel vm2, v21, v30  }
0x13f: {  	vm0 =	vgt.s32 v51, $0xFFFFFFFF;
	vm3 =	veq.f32 v53, v23;
	vm4 =	vlt.s32 v54, v24  }
0x140: {  	v29 =	vsel vm1, v32, v29;
	vm1 =	vgt.f32 v53, v23;
	vm3 =	vmand vm3, vm4  }
0x141: {  	vm5 =	veq.f32 v25, v22;
	v20 =	vsel vm2, v27, v20;
	vm1 =	vmor vm1, vm3  }
0x142: {  	vm4 =	vgt.f32 v25, v22;
	vm3 =	vlt.s32 v29, v26;
	v55 =	vsel vm1, v23, v53  }
0x143: {  	v56 =	vsel vm1, v24, v54;
	vm3 =	vmand vm5, vm3;
	vm5 =	veq.f32 v55, v31  }
0x144: {  	v57 =	vld [tilespmem:$0x5000];
	vm6 =	vlt.s32 v56, v28;
	vm3 =	vmor vm4, vm3;
	vm4 =	vgt.f32 v55, v31  }
0x145: {  	vm5 =	vmand vm5, vm6;
	v22 =	vsel vm3, v25, v22;
	v25 =	vsel vm3, v29, v26;
	v26 =	vld.idx.msk [tilespmem:v51+s18+$0x0], vm0  }
0x146: {  	v21 =	vsel vm2, v30, v21;
	v23 =	vsel vm1, v53, v23;
	vm3 =	vmor vm4, vm5  }
0x147: {  	v24 =	vsel vm1, v54, v24;
	v27 =	vsel vm3, v31, v55;
	v29 =	vsel vm3, v28, v56  }
0x148: {  	v31 =	vsel vm3, v55, v31;
	vm2 =	veq.f32 v27, v52;
	vm4 =	vlt.s32 v29, v36  }
0x149: {  	v30 =	vld [tilespmem:$0x17010];
	v28 =	vsel vm3, v56, v28;
	vm5 =	vgt.f32 v27, v52;
	vm2 =	vmand vm2, vm4  }
0x14a: {  	vm1 =	vmor vm5, vm2;
	v26 =	vnsel vm0, $0xBF800000, v26;
	vm2 =	vlt.s32 v57, v21  }
0x14b: {  	v58 =	vsel vm1, v27, v52;
	v27 =	vsel vm1, v52, v27;
	vm0 =	veq.f32 v26, v20  }
0x14c: {  	v59 =	vsel vm1, v36, v29;
	vm3 =	vgt.f32 v26, v20;
	vm0 =	vmand vm0, vm2  }
0x14d: {  	vm2 =	vgt.f32 v27, v22;
	vm4 =	veq.f32 v27, v22;
	vm3 =	vmor vm3, vm0  }
0x14e: {  	vm0 =	vgt.s32 v30, $0xFFFFFFFF;
	v60 =	vsel vm3, v20, v26;
	v61 =	vsel vm3, v21, v57  }
0x14f: {  	vm5 =	vlt.s32 v59, v25;
	vm6 =	veq.f32 v60, v23;
	vm7 =	vlt.s32 v61, v24  }
0x150: {  	vm4 =	vmand vm4, vm5;
	vm5 =	vgt.f32 v60, v23;
	vm6 =	vmand vm6, vm7  }
0x151: {  	v29 =	vsel vm1, v29, v36;
	vm1 =	vmor vm2, vm4;
	vm2 =	vmor vm5, vm6  }
0x152: {  	v22 =	vsel vm1, v27, v22;
	v27 =	vsel vm2, v23, v60;
	v62 =	vsel vm2, v24, v61  }
0x153: {  	v25 =	vsel vm1, v59, v25;
	vm1 =	veq.f32 v27, v31;
	vm4 =	vlt.s32 v62, v28  }
0x154: {  	v30 =	vld.idx.msk [tilespmem:v30+s18+$0x0], vm0;
	vm5 =	vgt.f32 v27, v31;
	vm1 =	vmand vm1, vm4  }
0x155: {  	v20 =	vsel vm3, v26, v20;
	v26 =	vld [tilespmem:$0x5010];
	vm1 =	vmor vm5, vm1  }
0x156: {  	v21 =	vsel vm3, v57, v21;
	v23 =	vsel vm2, v60, v23;
	v63 =	vsel vm1, v27, v31  }
0x157: {  	v27 =	vsel vm1, v31, v27;
	v31 =	vsel vm1, v62, v28;
	v28 =	vsel vm1, v28, v62  }
0x158: {  	v24 =	vsel vm2, v61, v24;
	vm2 =	veq.f32 v27, v58;
	vm3 =	vlt.s32 v28, v29  }
0x159: {  	v40 =	vld [tilespmem:$0x17800];
	vm1 =	vgt.f32 v27, v58;
	v30 =	vnsel vm0, $0xBF800000, v30;
	vm0 =	vmand vm2, vm3  }
0x15a: {  	vm3 =	vlt.s32 v26, v21;
	vm2 =	veq.f32 v30, v20;
	vm1 =	vmor vm1, vm0  }
0x15b: {  	vm0 =	vgt.f32 v30, v20;
	vm2 =	vmand vm2, vm3;
	v41 =	vsel vm1, v27, v58  }
0x15c: {  	v36 =	vsel vm1, v28, v29;
	v27 =	vsel vm1, v58, v27;
	vm2 =	vmor vm0, vm2  }
0x15d: {  	v28 =	vsel vm1, v29, v28;
	v42 =	vsel vm2, v20, v30;
	v43 =	vsel vm2, v21, v26  }
0x15e: {  	vm0 =	vgt.s32 v40, $0xFFFFFFFF;
	vm3 =	veq.f32 v42, v23;
	vm4 =	vlt.s32 v43, v24  }
0x15f: {  	vm5 =	veq.f32 v27, v22;
	vm1 =	vgt.f32 v42, v23;
	vm3 =	vmand vm3, vm4  }
0x160: {  	v20 =	vsel vm2, v30, v20;
	vm4 =	vgt.f32 v27, v22;
	vm1 =	vmor vm1, vm3  }
0x161: {  	vm3 =	vlt.s32 v28, v25;
	v29 =	vsel vm1, v23, v42;
	v44 =	vsel vm1, v24, v43  }
0x162: {  	vm3 =	vmand vm5, vm3;
	vm5 =	veq.f32 v29, v63;
	vm6 =	vlt.s32 v44, v31  }
0x163: {  	v45 =	vld [tilespmem:$0x5800];
	vm3 =	vmor vm4, vm3;
	vm4 =	vgt.f32 v29, v63;
	vm5 =	vmand vm5, vm6  }
0x164: {  	v22 =	vsel vm3, v27, v22;
	v25 =	vsel vm3, v28, v25;
	v27 =	vld.idx.msk [tilespmem:v40+s18+$0x0], vm0;
	vm3 =	vmor vm4, vm5  }
0x165: {  	v21 =	vsel vm2, v26, v21;
	v28 =	vsel vm3, v63, v29;
	v30 =	vsel vm3, v31, v44  }
0x166: {  	v26 =	vld [tilespmem:$0x17810];
	v23 =	vsel vm1, v42, v23;
	vm2 =	veq.f32 v28, v41;
	vm4 =	vlt.s32 v30, v36  }
0x167: {  	v24 =	vsel vm1, v43, v24;
	vm5 =	vgt.f32 v28, v41;
	vm2 =	vmand vm2, vm4  }
0x168: {  	v29 =	vsel vm3, v29, v63;
	v31 =	vsel vm3, v44, v31;
	vm1 =	vmor vm5, vm2  }
0x169: {  	v27 =	vnsel vm0, $0xBF800000, v27;
	vm2 =	vlt.s32 v45, v21;
	v46 =	vsel vm1, v28, v41  }
0x16a: {  	v28 =	vsel vm1, v41, v28;
	vm0 =	veq.f32 v27, v20;
	vm3 =	vgt.f32 v27, v20  }
0x16b: {  	v47 =	vsel vm1, v36, v30;
	vm2 =	vmand vm0, vm2;
	vm0 =	vgt.s32 v26, $0xFFFFFFFF  }
0x16c: {  	v30 =	vsel vm1, v30, v36;
	vm4 =	vgt.f32 v28, v22;
	vm2 =	vmor vm3, vm2  }
0x16d: {  	vm5 =	vlt.s32 v47, v25;
	v48 =	vsel vm2, v20, v27;
	v49 =	vsel vm2, v21, v45  }
0x16e: {  	vm3 =	veq.f32 v28, v22;
	vm6 =	veq.f32 v48, v23;
	vm7 =	vlt.s32 v49, v24  }
0x16f: {  	v51 =	vld [tilespmem:$0x5810];
	vm3 =	vmand vm3, vm5;
	vm5 =	vgt.f32 v48, v23;
	vm6 =	vmand vm6, vm7  }
0x170: {  	v20 =	vsel vm2, v27, v20;
	vm1 =	vmor vm4, vm3;
	vm3 =	vmor vm5, vm6  }
0x171: {  	v22 =	vsel vm1, v28, v22;
	v28 =	vsel vm3, v23, v48;
	v50 =	vsel vm3, v24, v49;
	v26 =	vld.idx.msk [tilespmem:v26+s18+$0x0], vm0  }
0x172: {  	v25 =	vsel vm1, v47, v25;
	vm1 =	veq.f32 v28, v29;
	vm4 =	vlt.s32 v50, v31  }
0x173: {  	v21 =	vsel vm2, v45, v21;
	vm5 =	vgt.f32 v28, v29;
	vm1 =	vmand vm1, vm4  }
0x174: {  	v45 =	vimm.s32 $0x0;
	vm2 =	vlt.s32 v51, v21;
	vm1 =	vmor vm5, vm1  }
0x175: {  	v23 =	vsel vm3, v48, v23;
	v24 =	vsel vm3, v49, v24;
	v27 =	vsel vm1, v28, v29  }
0x176: {  	v52 =	vsel vm1, v50, v31;
	v28 =	vsel vm1, v29, v28;
	v26 =	vnsel vm0, $0xBF800000, v26  }
0x177: {  	v29 =	vsel vm1, v31, v50;
	vm0 =	veq.f32 v28, v46;
	vm1 =	veq.f32 v26, v20  }
0x178: {  	vm3 =	vlt.s32 v29, v30;
	vm4 =	vgt.f32 v26, v20;
	vm1 =	vmand vm1, vm2  }
0x179: {  	vm0 =	vmand vm0, vm3;
	vm2 =	vgt.f32 v28, v46;
	vm1 =	vmor vm4, vm1  }
0x17a: {  	vm0 =	vmor vm2, vm0;
	v20 =	vsel vm1, v20, v26;
	v21 =	vsel vm1, v21, v51  }
0x17b: {  	s29 =	simm.s32 $0x4020;
	v26 =	vsel vm0, v28, v46;
	vm1 =	veq.f32 v20, v23;
	vm2 =	vlt.s32 v21, v24  }
0x17c: {  	s0 =	simm.s32 $0x16020;
	v39 =	vld [tilespmem:s29+$0x10];
	v28 =	vsel vm0, v46, v28;
	vm3 =	vgt.f32 v20, v23;
	vm1 =	vmand vm1, vm2  }
0x17d: {  	v54 =	vld [tilespmem:s0+$0x0];
	v53 =	vsel vm0, v30, v29;
	vm2 =	vgt.f32 v28, v22;
	vm1 =	vmor vm3, vm1  }
0x17e: {  	v31 =	vld [tilespmem:s0+$0x10];
	vm3 =	veq.f32 v28, v22;
	v20 =	vsel vm1, v23, v20;
	v23 =	vsel vm1, v24, v21  }
0x17f: {  	v55 =	vld [tilespmem:s0+$0xFFFFFFE0];
	vm1 =	vlt.s32 v53, v25;
	vm4 =	veq.f32 v20, v27;
	vm5 =	vlt.s32 v23, v52  }
0x180: {  	v24 =	vld [tilespmem:s0+$0xFFFFFFF0];
	vm1 =	vmand vm3, vm1;
	vm3 =	vgt.f32 v20, v27;
	vm4 =	vmand vm4, vm5  }
0x181: {  	s31 =	simm.s32 $0x16060;
	v56 =	vld [tilespmem:s29+$0xFFFFFFE0];
	v29 =	vsel vm0, v29, v30;
	vm1 =	vmor vm2, vm1;
	vm0 =	vmor vm3, vm4  }
0x182: {  	v57 =	vld [tilespmem:s31+$0x0];
	vm4 =	vgt.s32 v54, $0xFFFFFFFF;
	v27 =	vsel vm0, v27, v20;
	v23 =	vsel vm0, v52, v23  }
0x183: {  	v59 =	vld [tilespmem:s31+$0xFFFFFFE0];
	vm0 =	vgt.s32 v31, $0xFFFFFFFF;
	vm2 =	veq.f32 v27, v26;
	vm3 =	vlt.s32 v23, v29  }
0x184: {  	v58 =	vld [tilespmem:s31+$0xFFFFFFF0];
	v22 =	vsel vm1, v28, v22;
	vm5 =	vgt.f32 v27, v26;
	vm2 =	vmand vm2, vm3  }
0x185: {  	v30 =	vld [tilespmem:s31+$0x10];
	v28 =	vsel vm1, v53, v25;
	vm3 =	vgt.s32 v24, $0xFFFFFFFF;
	vm2 =	vmor vm5, vm2  }
0x186: {  	v21 =	vld [tilespmem:s29+$0x0];
	vm5 =	vgt.s32 v55, $0xFFFFFFFF;
	v25 =	vsel vm2, v26, v27;
	v23 =	vsel vm2, v29, v23  }
0x187: {  	v20 =	vld [tilespmem:s29+$0xFFFFFFF0];
	vm7 =	vmmov vm0;
	vm1 =	veq.f32 v25, v22;
	vm2 =	vlt.s32 v23, v28  }
0x188: {  	vm8 =	vmmov vm3;
	vm6 =	vgt.f32 v25, v22;
	v27 =	vld.idx.msk [tilespmem:v54+s18+$0x0], vm4;
	vm1 =	vmand vm1, vm2  }
0x189: {  	v26 =	vld.idx.msk [tilespmem:v31+s18+$0x0], vm0;
	v31 =	vimm.s32 $0x0;
	vm2 =	vgt.s32 v59, $0xFFFFFFFF;
	vm1 =	vmor vm6, vm1  }
0x18a: {  	vm6 =	vmmov vm4;
	vm4 =	vgt.s32 v30, $0xFFFFFFFF;
	v25 =	vsel vm1, v25, v22  }
0x18b: {  	v28 =	vsel vm1, v23, v28;
	v23 =	vld.idx.msk [tilespmem:v24+s18+$0x0], vm3;
	v22 =	vshll.u32 v31, $0x4;
	vm1 =	vgt.s32 v57, $0xFFFFFFFF  }
0x18c: {  	vm3 =	vgt.s32 v58, $0xFFFFFFFF;
	v24 =	vld.idx.msk [tilespmem:v55+s18+$0x0], vm5;
	v41 =	vor.u32 v1, v22;
	vm5 =	vmmov vm5  }
0x18d: {  	vm9 =	vle.s32 v20, v28;
	vm0 =	vle.s32 v21, v28;
	vm10 =	vle.s32 v39, v28  }
0x18e: {  	vm11 =	vle.s32 v56, v28;
	v27 =	vnsel vm6, $0xBF800000, v27;
	v43 =	vnsel vm7, $0xBF800000, v26  }
0x18f: {  	vm6 =	vgt.f32 v27, v25;
	vm14 =	veq.f32 v27, v25;
	vm7 =	vmmov vm1  }
0x190: {  	s31 =	simm.s32 $0x4060;
	vm12 =	veq.f32 v43, v25;
	vm0 =	vmand vm0, vm14;
	vm14 =	vmmov vm3  }
0x191: {  	v29 =	vld [tilespmem:s31+$0xFFFFFFE0];
	v26 =	vnsel vm8, $0xBF800000, v23;
	vm8 =	vgt.f32 v43, v25;
	vm10 =	vmand vm10, vm12  }
0x192: {  	v23 =	vld [tilespmem:s31+$0xFFFFFFF0];
	vm0 =	vmor vm6, vm0;
	vm12 =	vmmov vm2;
	v42 =	vnsel vm5, $0xBF800000, v24  }
0x193: {  	v22 =	vld [tilespmem:s31+$0x10];
	vm13 =	vgt.f32 v26, v25;
	v45 =	vsel vm0, $0xFFFFFFFF, v45;
	v60 =	vsel vm0, $0x1, v18  }
0x194: {  	v24 =	vld [tilespmem:s31+$0x0];
	s31 =	simm.s32 $0x160A0;
	vm10 =	vmor vm8, vm10;
	vm5 =	veq.f32 v42, v25;
	vm15 =	vgt.f32 v42, v25  }
0x195: {  	v35 =	vld [tilespmem:s31+$0x10];
	v61 =	vsel vm10, $0x1, v18;
	vm5 =	vmand vm11, vm5;
	vm11 =	veq.f32 v26, v25  }
0x196: {  	v33 =	vld [tilespmem:s31+$0x0];
	vm5 =	vmor vm15, vm5;
	vm9 =	vmand vm9, vm11;
	vm11 =	vmmov vm4  }
0x197: {  	v36 =	vld [tilespmem:s31+$0xFFFFFFF0];
	v40 =	vsel vm5, $0x1, v18;
	vm9 =	vmor vm13, vm9;
	vm8 =	vle.s32 v23, v28  }
0x198: {  	vm13 =	vle.s32 v29, v28;
	v31 =	vadd.s32 v40, v31;
	v44 =	vsel vm9, $0x1, v18;
	v40 =	vld [tilespmem:s31+$0xFFFFFFE0];
	[tilespmem:$0x1FFC0] =	vst v45  }
0x199: {  	vm0 =	vmmov vm9;
	vm6 =	vle.s32 v24, v28;
	v44 =	vadd.s32 v44, v31;
	v46 =	vld.idx.msk [tilespmem:v30+s18+$0x0], vm4  }
0x19a: {  	vm9 =	vle.s32 v22, v28;
	v47 =	vld.idx.msk [tilespmem:v57+s18+$0x0], vm1;
	v31 =	vshll.u32 v31, $0x4;
	v30 =	vadd.s32 v60, v44  }
0x19b: {  	v49 =	vld.idx.msk [tilespmem:v59+s18+$0x0], vm2;
	v62 =	vshll.u32 v44, $0x4;
	v32 =	vor.u32 v1, v31;
	v48 =	vshll.u32 v30, $0x4  }
0x19c: {  	v63 =	vld.idx.msk [tilespmem:v58+s18+$0x0], vm3;
	v31 =	vimm.s32 $0x0;
	v44 =	vadd.s32 v61, v30;
	v48 =	vor.u32 v1, v48  }
0x19d: {  	vm4 =	vgt.s32 v33, $0xFFFFFFFF;
	v31 =	vsel vm0, $0xFFFFFFFF, v31;
	v30 =	vshll.u32 v44, $0x4;
	[tilespmem:v41+s21+$0x0] =	vst.idx.msk vm5, v42  }
0x19e: {  	s0 =	simm.s32 $0x40A0;
	vm2 =	vgt.s32 v36, $0xFFFFFFFF;
	v38 =	vor.u32 v1, v62;
	v30 =	vor.u32 v1, v30;
	[tilespmem:$0x1FFD0] =	vst v31  }
0x19f: {  	vm3 =	vgt.s32 v40, $0xFFFFFFFF;
	v42 =	vld [tilespmem:s0+$0x10];
	v31 =	vnsel vm11, $0xBF800000, v46;
	v45 =	vnsel vm7, $0xBF800000, v47  }
0x1a0: {  	[tilespmem:v41+s22+$0x0] =	vst.idx.msk vm5, v56;
	v41 =	vld [tilespmem:s0+$0x0];
	v37 =	vnsel vm12, $0xBF800000, v49;
	vm12 =	vgt.f32 v45, v25;
	vm11 =	vgt.f32 v31, v25  }
0x1a1: {  	v34 =	vld [tilespmem:s0+$0xFFFFFFE0];
	vm7 =	veq.f32 v45, v25;
	[tilespmem:v48+s21+$0x0] =	vst.idx.msk vm10, v43;
	v43 =	vnsel vm14, $0xBF800000, v63;
	vm14 =	veq.f32 v31, v25  }
0x1a2: {  	s30 =	simm.s32 $0x160E0;
	s29 =	simm.s32 $0x8;
	vm5 =	vgt.s32 v35, $0xFFFFFFFF;
	[tilespmem:v48+s22+$0x0] =	vst.idx.msk vm10, v39;
	v39 =	vld [tilespmem:s0+$0xFFFFFFF0];
	vm10 =	veq.f32 v37, v25;
	vm15 =	vgt.f32 v43, v25  }
.LBB2_11:
0x1a3: {  	v47 =	vld [tilespmem:$0x1FFC0];
	_ =	sdelay $0x3  }
0x1a4: {  	v46 =	vimm.s32 $0x0  }
0x1a5: {  	v46 =	vsel vm2, $0xFFFFFFFF, v46;
	vm2 =	vnez.u8 v47;
	_ =	sdelay $0x5  }
0x1a6: {  	[tilespmem:v38+s21+$0x0] =	vst.idx.msk vm2, v27  }
0x1a7: {  	v60 =	vld [tilespmem:s30+$0x0]  }
0x1a8: {  	[tilespmem:v38+s22+$0x0] =	vst.idx.msk vm2, v21;
	v21 =	vmov v24;
	v24 =	vld [tilespmem:$0x1FFD0];
	_ =	sdelay $0x4  }
0x1a9: {  	vm2 =	vnez.u8 v24  }
0x1aa: {  	vm0 =	vgt.f32 v37, v25;
	vm13 =	vmand vm13, vm10;
	vm1 =	veq.f32 v43, v25;
	[tilespmem:$0x1FFA0] =	vst v46  }
0x1ab: {  	vm10 =	vmmov vm4;
	v59 =	vimm.s32 $0x0;
	v49 =	vimm.s32 $0x0;
	v56 =	vld [tilespmem:$0x1FFA0]  }
0x1ac: {  	v58 =	vld [tilespmem:s30+$0x10];
	vm13 =	vmor vm0, vm13;
	vm0 =	vmand vm8, vm1;
	vm1 =	vmand vm9, vm14  }
0x1ad: {  	v61 =	vsel vm13, $0x1, v18;
	vm8 =	vmor vm15, vm0;
	vm0 =	vmand vm6, vm7  }
0x1ae: {  	v48 =	vld.idx.msk [tilespmem:v35+s18+$0x0], vm5;
	vm11 =	vmor vm11, vm1;
	v62 =	vsel vm8, $0x1, v18;
	vm0 =	vmor vm12, vm0  }
0x1af: {  	v50 =	vsel vm11, $0x1, v18;
	v52 =	vsel vm0, $0xFFFFFFFF, v49;
	v53 =	vsel vm0, $0x1, v18;
	v47 =	vmovc v42;
	v42 =	vld [tilespmem:s30+$0xFFFFFFF0];
	[tilespmem:v32+s21+$0x0] =	vst.idx.msk vm2, v26  }
0x1b0: {  	vm0 =	vmmov vm8;
	v27 =	vmovc v45;
	v45 =	vsel vm10, $0xFFFFFFFF, v59;
	v59 =	vld.idx.msk [tilespmem:v40+s18+$0x0], vm3;
	[tilespmem:v32+s22+$0x0] =	vst.idx.msk vm2, v20;
	vm2 =	vnez.u8 v56  }
0x1b1: {  	v35 =	vmovc v58;
	vm9 =	vle.s32 v47, v28;
	vm10 =	vmmov vm5;
	v38 =	vadd.s32 v61, v44;
	v24 =	vmovc v41;
	v41 =	vld [tilespmem:s30+$0xFFFFFFE0]  }
0x1b2: {  	vm5 =	vgt.s32 v35, $0xFFFFFFFF;
	[tilespmem:$0x1FFB0] =	vst v45;
	v63 =	vadd.s32 v62, v38;
	v54 =	vld.idx.msk [tilespmem:v33+s18+$0x0], vm4;
	v58 =	vshll.u32 v38, $0x4  }
0x1b3: {  	v62 =	vimm.s32 $0x0;
	v55 =	vshll.u32 v63, $0x4;
	[tilespmem:v30+s21+$0x0] =	vst.idx.msk vm13, v37;
	v32 =	vadd.s32 v53, v63;
	v63 =	vld [tilespmem:$0x1FFB0]  }
0x1b4: {  	v38 =	vor.u32 v1, v55;
	[tilespmem:v30+s22+$0x0] =	vst.idx.msk vm13, v29;
	v29 =	vmovc v34;
	v34 =	vsel vm0, $0xFFFFFFFF, v62;
	v51 =	vshll.u32 v32, $0x4  }
0x1b5: {  	v33 =	vmovc v60;
	vm0 =	vmmov vm3;
	vm6 =	vle.s32 v24, v28;
	v60 =	vor.u32 v1, v51  }
0x1b6: {  	s29 =	sadd.s32 $0x4, s29;
	vm4 =	vgt.s32 v33, $0xFFFFFFFF;
	vm13 =	vle.s32 v29, v28;
	v37 =	vnsel vm0, $0xBF800000, v59;
	v40 =	vmovc v41;
	v57 =	vld.idx.msk [tilespmem:v36+s18+$0x0], vm2  }
0x1b7: {  	p0 =	slt.u32 s29, $0x1FC;
	[tilespmem:$0x1FFC0] =	vst v52;
	vm3 =	vgt.s32 v40, $0xFFFFFFFF;
	v20 =	vmovc v23;
	v23 =	vmovc v39;
	v44 =	vadd.s32 v50, v32;
	vm1 =	vmmov vm2  }
.Ltmp7:
0x1b8: {  	s0 =	sadd.s32 $0x40, s0;
	[tilespmem:$0x1FFD0] =	vst v34;
	vm8 =	vle.s32 v23, v28;
	v32 =	vshll.u32 v44, $0x4;
	vm0 =	vnez.u8 v63;
	(pc) =	sbr.rel @p0 .LBB2_11-.Ltmp7, $4  }
0x1b9: {  	v34 =	vld [tilespmem:s0+$0xFFFFFFE0];
	v26 =	vmovc v43;
	v61 =	vor.u32 v1, v32;
	v32 =	vor.u32 v1, v58;
	v36 =	vmovc v42;
	v45 =	vnsel vm0, $0xBF800000, v54  }
0x1ba: {  	v30 =	vmovc v61;
	v42 =	vld [tilespmem:s0+$0x10];
	vm2 =	vgt.s32 v36, $0xFFFFFFFF;
	[tilespmem:v60+s21+$0x0] =	vst.idx.msk vm11, v31;
	v31 =	vnsel vm10, $0xBF800000, v48;
	vm12 =	vgt.f32 v45, v25  }
0x1bb: {  	v41 =	vld [tilespmem:s0+$0x0];
	vm10 =	veq.f32 v37, v25;
	vm7 =	veq.f32 v45, v25;
	[tilespmem:v60+s22+$0x0] =	vst.idx.msk vm11, v22;
	v43 =	vnsel vm1, $0xBF800000, v57  }
0x1bc: {  	s30 =	sadd.s32 $0x40, s30;
	v39 =	vld [tilespmem:s0+$0xFFFFFFF0];
	v22 =	vmovc v47;
	vm11 =	vgt.f32 v31, v25;
	vm14 =	veq.f32 v31, v25;
	vm15 =	vgt.f32 v43, v25  }
0x1bd: {  	_ =	sdelay $0x3  }
0x1be: {  	vm0 =	vmand vm13, vm10  }
0x1bf: {  	vm1 =	vgt.f32 v37, v25;
	vm13 =	veq.f32 v43, v25;
	vm14 =	vmand vm9, vm14;
	v35 =	vld.idx.msk [tilespmem:v35+s18+$0x0], vm5  }
0x1c0: {  	vm7 =	vmand vm6, vm7;
	v40 =	vld.idx.msk [tilespmem:v40+s18+$0x0], vm3;
	vm9 =	vmmov vm5;
	vm10 =	vmor vm1, vm0  }
0x1c1: {  	v36 =	vld.idx.msk [tilespmem:v36+s18+$0x0], vm2;
	vm13 =	vmand vm8, vm13;
	vm6 =	vmor vm12, vm7;
	vm0 =	vmmov vm4  }
0x1c2: {  	v33 =	vld.idx.msk [tilespmem:v33+s18+$0x0], vm4;
	vm4 =	vmor vm11, vm14;
	vm11 =	vmmov vm3;
	vm12 =	vmmov vm2  }
0x1c3: {  	vm8 =	vmor vm15, vm13;
	v46 =	vsel vm10, $0x1, v18;
	v47 =	vsel vm6, $0x1, v18  }
0x1c4: {  	vm14 =	vle.s32 v42, v28;
	v44 =	vadd.s32 v46, v44;
	v60 =	vsel vm8, $0x1, v18  }
0x1c5: {  	vm15 =	vle.s32 v34, v28;
	v61 =	vsel vm4, $0x1, v18;
	v46 =	vadd.s32 v60, v44  }
0x1c6: {  	vm13 =	vle.s32 v39, v28;
	v47 =	vadd.s32 v47, v46;
	v35 =	vnsel vm9, $0xBF800000, v35  }
0x1c7: {  	v62 =	vld [tilespmem:$0x1FFC0];
	v40 =	vnsel vm11, $0xBF800000, v40;
	v36 =	vnsel vm12, $0xBF800000, v36;
	v33 =	vnsel vm0, $0xBF800000, v33  }
0x1c8: {  	vm7 =	veq.f32 v40, v25;
	vm9 =	vgt.f32 v40, v25;
	vm12 =	veq.f32 v36, v25  }
0x1c9: {  	vm11 =	veq.f32 v35, v25;
	vm1 =	vmand vm15, vm7;
	vm0 =	vmand vm13, vm12  }
0x1ca: {  	vm13 =	vgt.f32 v36, v25;
	vm7 =	vmand vm14, vm11;
	vm14 =	vle.s32 v41, v28  }
0x1cb: {  	vm15 =	veq.f32 v33, v25;
	v28 =	vadd.s32 v61, v47;
	vm11 =	vgt.f32 v35, v25  }
0x1cc: {  	vm2 =	vmor vm9, vm1;
	vm3 =	vmor vm13, vm0;
	vm13 =	vnez.u8 v62  }
0x1cd: {  	vm0 =	vmand vm14, vm15;
	vm9 =	vgt.f32 v33, v25;
	v48 =	vsel vm2, $0x1, v18  }
0x1ce: {  	vm5 =	vmor vm9, vm0;
	v25 =	vsel vm3, $0x1, v18;
	v48 =	vadd.s32 v48, v28  }
0x1cf: {  	vm12 =	vmor vm11, vm7;
	v49 =	vadd.s32 v25, v48;
	v25 =	vsel vm5, $0x1, v18  }
0x1d0: {  	v50 =	vadd.s32 v25, v49;
	v25 =	vsel vm12, $0x1, v18  }
0x1d1: {  	v25 =	vadd.s32 v25, v50  }
0x1d2: {  	v51 =	vxor.u32 $0x80000000, v25;
	[tilespmem:v38+s21+$0x0] =	vst.idx.msk vm13, v27  }
0x1d3: {  	v27 =	vshll.u32 v47, $0x4;
	(xrf0) =	vmax.scan.msk.u32 $0xffff, v51;
	[tilespmem:v38+s22+$0x0] =	vst.idx.msk vm13, v21  }
0x1d4: {  	v21 =	vor.u32 v1, v27;
	v27 =	vld [tilespmem:$0x1FFD0];
	_ =	sdelay $0x4  }
0x1d5: {  	v63, _, _ =	vpop (xrf0);
	vm14 =	vnez.u8 v27  }
0x1d6: {  	(v2sf) =	vpush v63, $0xF;
	_ =	sdelay $0x4  }
0x1d7: {  	[tilespmem:v32+s21+$0x0] =	vst.idx.msk vm14, v26;
	v26 =	vshll.u32 v46, $0x4  }
0x1d8: {  	[tilespmem:v32+s22+$0x0] =	vst.idx.msk vm14, v20;
	v20 =	vor.u32 v1, v26  }
0x1d9: {  	[tilespmem:v21+s21+$0x0] =	vst.idx.msk vm4, v31;
	v27 =	vshll.u32 v28, $0x4  }
0x1da: {  	[tilespmem:v21+s22+$0x0] =	vst.idx.msk vm4, v22;
	v21 =	vor.u32 v1, v27;
	v26 =	vshll.u32 v44, $0x4  }
0x1db: {  	[tilespmem:v30+s21+$0x0] =	vst.idx.msk vm10, v37;
	v26 =	vor.u32 v1, v26  }
0x1dc: {  	[tilespmem:v30+s22+$0x0] =	vst.idx.msk vm10, v29  }
0x1dd: {  	v22 =	vshll.u32 v50, $0x4;
	[tilespmem:v20+s21+$0x0] =	vst.idx.msk vm6, v45  }
0x1de: {  	[tilespmem:v20+s22+$0x0] =	vst.idx.msk vm6, v24;
	v20 =	vor.u32 v1, v22  }
0x1df: {  	[tilespmem:v21+s21+$0x0] =	vst.idx.msk vm2, v40;
	v22 =	vshll.u32 v49, $0x4  }
0x1e0: {  	[tilespmem:v26+s21+$0x0] =	vst.idx.msk vm8, v43;
	v22 =	vor.u32 v1, v22  }
0x1e1: {  	[tilespmem:v26+s22+$0x0] =	vst.idx.msk vm8, v23;
	v23 =	vshll.u32 v48, $0x4;
	s0 =	spop (v2sf)  }
0x1e2: {  	[tilespmem:v21+s22+$0x0] =	vst.idx.msk vm2, v34;
	v21 =	vor.u32 v1, v23;
	s0 =	sxor.u32 $0x80000000, s0  }
0x1e3: {  	[tilespmem:v20+s21+$0x0] =	vst.idx.msk vm12, v35;
	p0 =	sgt.s32 s0, $0x0  }
.Ltmp8:
0x1e4: {  	[tilespmem:v20+s22+$0x0] =	vst.idx.msk vm12, v42;
	(pc) =	sbr.rel @!p0 .LBB2_13-.Ltmp8, $4  }
0x1e5: {  	[tilespmem:v22+s21+$0x0] =	vst.idx.msk vm5, v33  }
0x1e6: {  	[tilespmem:v22+s22+$0x0] =	vst.idx.msk vm5, v41  }
0x1e7: {  	[tilespmem:v21+s21+$0x0] =	vst.idx.msk vm3, v36  }
0x1e8: {  	vm15 =	vmmov vm8;
	vm0 =	vmmov vm3;
	v20 =	vimm.s32 $0x0;
	[tilespmem:v21+s22+$0x0] =	vst.idx.msk vm3, v39  }
0x1e9: {  	p2 =	seq.s32 s0, $0x1  }
.Ltmp9:
0x1ea: {  	_ = 	snop;
	(pc) =	sbr.rel @p2 .LBB2_28-.Ltmp9, $3  }
0x1eb: {  	_ =	sdelay $0x1  }
0x1ec: {  	s29 =	simm.s32 $0x0  }
0x1ed: {  	v21 =	vimm.f32 $0.0e+00;
	s30 =	simm.s32 $0x1;
	p0 =	por $0x0, $0x0;
	p1 =	por $0x0, $0x0;
	v39 =	vmov s29  }
0x1ee: {  	vm0 =	vlt.s32 v39, v25;
	v22 =	vshll.u32 v39, $0x4  }
0x1ef: {  	v22 =	vor.u32 v1, v22;
	_ =	sdelay $0x4  }
0x1f0: {  	v24 =	vld.idx.msk [tilespmem:v22+s21+$0x0], vm0  }
0x1f1: {  	v23 =	vld.idx.msk [tilespmem:v22+s22+$0x0], vm0;
	_ =	sdelay $0x1  }
0x1f2: {  	p2 =	seq.s32 s0, $0x2  }
.Ltmp10:
0x1f3: {  	_ = 	snop;
	(pc) =	sbr.rel @p2 .LBB2_30-.Ltmp10, $4  }
0x1f4: {  	v22 =	vnsel vm0, $0xBF800000, v24  }
0x1f5: {  	vm1 =	vlt.s32 v23, v20;
	vm0 =	veq.f32 v22, v21  }
0x1f6: {  	vm2 =	vgt.f32 v22, v21;
	vm0 =	vmand vm0, vm1  }
0x1f7: {  	s29 =	simm.s32 $0x2;
	v39 =	vmov s30;
	p0 =	por $0x1, $0x1;
	vm0 =	vmor vm2, vm0  }
0x1f8: {  	vm1 =	vlt.s32 v39, v25;
	v24 =	vshll.u32 v39, $0x4  }
0x1f9: {  	v27 =	vsel vm0, v20, v23;
	v26 =	vsel vm0, v21, v22;
	v24 =	vor.u32 v1, v24  }
0x1fa: {  	vm2 =	vlt.s32 v27, v20;
	vm3 =	veq.f32 v26, v21  }
0x1fb: {  	v29 =	vsel vm0, v23, v20;
	vm4 =	vgt.f32 v26, v21;
	vm2 =	vmand vm3, vm2  }
0x1fc: {  	v39 =	vmov s29;
	v36 =	vimm.s32 $0x0;
	vm2 =	vmor vm4, vm2  }
0x1fd: {  	v33 =	vimm.s32 $0x0;
	v30 =	vsel vm2, v21, v26;
	v31 =	vsel vm2, v20, v27  }
0x1fe: {  	v37 =	vimm.f32 $0.0e+00;
	vm3 =	veq.f32 v30, v21;
	vm14 =	vlt.s32 v31, v20;
	v32 =	vld.idx.msk [tilespmem:v24+s21+$0x0], vm1  }
0x1ff: {  	v28 =	vsel vm2, v26, v21;
	vm5 =	vgt.f32 v30, v21;
	vm3 =	vmand vm3, vm14;
	v23 =	vld.idx.msk [tilespmem:v24+s22+$0x0], vm1  }
0x200: {  	v26 =	vsel vm0, v22, v21;
	v27 =	vsel vm2, v27, v20;
	vm3 =	vmor vm5, vm3  }
0x201: {  	p2 =	seq.s32 s0, $0x3;
	v34 =	vsel vm3, v21, v30;
	v30 =	vsel vm3, v30, v21;
	v38 =	vsel vm3, v20, v31  }
.Ltmp11:
0x202: {  	v31 =	vsel vm3, v31, v20;
	vm2 =	veq.f32 v34, v21;
	vm15 =	vlt.s32 v38, v20;
	(pc) =	sbr.rel @p2 .LBB2_32-.Ltmp11, $4  }
0x203: {  	vm0 =	vgt.f32 v34, v21;
	v22 =	vnsel vm1, $0xBF800000, v32;
	vm1 =	vmand vm2, vm15  }
0x204: {  	vm3 =	vlt.s32 v23, v29;
	v32 =	vimm.f32 $0.0e+00;
	vm2 =	veq.f32 v22, v26  }
0x205: {  	vm1 =	vmor vm0, vm1;
	vm0 =	vgt.f32 v22, v26;
	vm2 =	vmand vm2, vm3  }
0x206: {  	s29 =	simm.s32 $0x3;
	p1 =	por $0x1, $0x1;
	v35 =	vsel vm1, v21, v34;
	v24 =	vsel vm1, v38, v20;
	vm0 =	vmor vm0, vm2  }
.LBB2_33:
0x207: {  	vm2 =	vlt.s32 v39, v25;
	v39 =	vshll.u32 v39, $0x4;
	vm3 =	veq.f32 v35, v32;
	s30 =	smov.u32 s29;
	s29 =	sadd.s32 $0x1, s29  }
0x208: {  	v40 =	vsel vm0, v29, v23;
	v38 =	vsel vm1, v36, v38;
	v36 =	vmovc v24;
	p2 =	seq.s32 s0, s29;
	v39 =	vor.u32 v1, v39  }
0x209: {  	v41 =	vsel vm0, v26, v22;
	vm5 =	vgt.f32 v35, v32;
	vm4 =	vlt.s32 v40, v27  }
0x20a: {  	vm6 =	vgt.f32 v41, v28;
	vm7 =	veq.f32 v41, v28;
	vm8 =	vlt.s32 v38, v33  }
0x20b: {  	v37 =	vsel vm1, v34, v37;
	vm4 =	vmand vm7, vm4;
	vm1 =	vmand vm3, vm8  }
0x20c: {  	v29 =	vsel vm0, v23, v29;
	vm3 =	vmor vm6, vm4;
	vm1 =	vmor vm5, vm1  }
0x20d: {  	v43 =	vsel vm3, v28, v41;
	v44 =	vsel vm3, v27, v40;
	v32 =	vsel vm1, v35, v32;
	v42 =	vld.idx.msk [tilespmem:v39+s21+$0x0], vm2  }
0x20e: {  	v33 =	vsel vm1, v38, v33;
	vm4 =	veq.f32 v43, v30;
	vm5 =	vlt.s32 v44, v31;
	v23 =	vld.idx.msk [tilespmem:v39+s22+$0x0], vm2  }
0x20f: {  	v28 =	vsel vm3, v41, v28;
	vm1 =	vgt.f32 v43, v30;
	vm4 =	vmand vm4, vm5  }
0x210: {  	v26 =	vsel vm0, v22, v26;
	v27 =	vsel vm3, v40, v27;
	vm0 =	vmor vm1, vm4  }
0x211: {  	v34 =	vsel vm0, v30, v43;
	v30 =	vsel vm0, v43, v30;
	v38 =	vsel vm0, v31, v44  }
.Ltmp12:
0x212: {  	vm1 =	vgt.f32 v34, v37;
	vm3 =	veq.f32 v34, v37;
	vm4 =	vlt.s32 v38, v24;
	(pc) =	sbr.rel @!p2 .LBB2_33-.Ltmp12, $4  }
0x213: {  	v31 =	vsel vm0, v44, v31;
	vm0 =	vmand vm3, vm4;
	v22 =	vnsel vm2, $0xBF800000, v42  }
0x214: {  	vm1 =	vmor vm1, vm0;
	vm2 =	veq.f32 v22, v26;
	vm3 =	vlt.s32 v23, v29  }
0x215: {  	vm0 =	vgt.f32 v22, v26;
	v35 =	vsel vm1, v37, v34;
	vm2 =	vmand vm2, vm3  }
0x216: {  	v39 =	vmov s30;
	v24 =	vsel vm1, v38, v24;
	vm0 =	vmor vm0, vm2  }
.LBB2_34:
0x217: {  	vm2 =	vlt.s32 v39, v25  }
0x218: {  	v25 =	vshll.u32 v39, $0x4;
	vm3 =	veq.f32 @p1 v35, v32;
	v39 =	vsel @p0 vm0, v29, v23  }
0x219: {  	v36 =	vsel @p1 vm1, v36, v38;
	v38 =	vsel @p0 vm0, v26, v22;
	vm5 =	vgt.f32 @p1 v35, v32  }
0x21a: {  	v34 =	vsel @p1 vm1, v34, v37;
	v23 =	vsel @p0 vm0, v23, v29;
	v22 =	vsel @p0 vm0, v22, v26  }
0x21b: {  	v25 =	vor.u32 v1, v25;
	vm4 =	vlt.s32 @p0 v39, v27;
	vm6 =	vgt.f32 @p0 v38, v28  }
0x21c: {  	vm7 =	veq.f32 @p0 v38, v28;
	vm8 =	vlt.s32 @p1 v36, v33;
	v34 =	vpsel p1, v34, v21  }
0x21d: {  	v22 =	vpsel p0, v22, v21;
	vm4 =	vmand @p0 vm7, vm4;
	vm1 =	vmand @p1 vm3, vm8  }
0x21e: {  	v23 =	vpsel p0, v23, v20;
	vm3 =	vmor @p0 vm6, vm4;
	vm1 =	vmor @p1 vm5, vm1  }
0x21f: {  	v29 =	vsel @p0 vm3, v28, v38;
	v37 =	vsel @p0 vm3, v27, v39;
	v32 =	vsel @p1 vm1, v35, v32  }
0x220: {  	v33 =	vsel @p1 vm1, v36, v33;
	v28 =	vsel @p0 vm3, v38, v28;
	v26 =	vsel @p0 vm3, v39, v27  }
0x221: {  	vm4 =	veq.f32 @p0 v29, v30;
	vm5 =	vlt.s32 @p0 v37, v31;
	vm1 =	vgt.f32 @p0 v29, v30;
	v40 =	vld.idx.msk [tilespmem:v25+s21+$0x0], vm2  }
0x222: {  	v32 =	vpsel p1, v32, v21;
	v26 =	vpsel p0, v26, v20;
	vm4 =	vmand @p0 vm4, vm5;
	v25 =	vld.idx.msk [tilespmem:v25+s22+$0x0], vm2  }
0x223: {  	v28 =	vpsel p0, v28, v21;
	v33 =	vpsel p1, v33, v20;
	vm0 =	vmor @p0 vm1, vm4  }
0x224: {  	v27 =	vsel @p0 vm0, v30, v29;
	v29 =	vsel @p0 vm0, v29, v30;
	v30 =	vsel @p0 vm0, v31, v37  }
0x225: {  	v31 =	vsel @p0 vm0, v37, v31;
	vm1 =	vgt.f32 @p0 v27, v34;
	vm3 =	veq.f32 @p0 v27, v34  }
0x226: {  	vm4 =	vlt.s32 @p0 v30, v24;
	v29 =	vpsel p0, v29, v21;
	v31 =	vpsel p0, v31, v20  }
0x227: {  	vm0 =	vmand @p0 vm3, vm4;
	v59 =	vnsel vm2, $0xBF800000, v40;
	vm8 =	vlt.s32 v25, v23  }
0x228: {  	vm1 =	vmor @p0 vm1, vm0;
	vm2 =	veq.f32 v59, v22;
	vm9 =	vgt.f32 v59, v22  }
0x229: {  	v36 =	vsel @p0 vm1, v34, v27;
	v37 =	vsel @p0 vm1, v30, v24;
	vm2 =	vmand vm2, vm8  }
0x22a: {  	v24 =	vpsel p0, v24, v0;
	v30 =	vpsel p0, v30, v0;
	vm0 =	vmor vm9, vm2  }
0x22b: {  	v27 =	vpsel p0, v27, v0;
	v60 =	vsel vm0, v23, v25;
	v22 =	vsel vm0, v22, v59  }
0x22c: {  	v36 =	vpsel p0, v36, v0;
	vm10 =	vlt.s32 v60, v26;
	vm11 =	veq.f32 v22, v28  }
0x22d: {  	vm2 =	vmmov @p0 vm1;
	vm12 =	vgt.f32 v22, v28;
	vm1 =	vmand vm11, vm10  }
0x22e: {  	v61 =	vpsel p0, v37, v20;
	vm3 =	veq.f32 @p0 v36, v32;
	vm1 =	vmor vm12, vm1  }
0x22f: {  	vm5 =	vgt.f32 @p0 v36, v32;
	v22 =	vsel vm1, v28, v22;
	v62 =	vsel vm1, v26, v60  }
0x230: {  	v24 =	vsel @p0 vm2, v24, v30;
	vm13 =	veq.f32 v22, v29;
	vm14 =	vlt.s32 v62, v31  }
0x231: {  	v27 =	vsel @p0 vm2, v27, v34;
	vm15 =	vgt.f32 v22, v29;
	vm4 =	vmand vm13, vm14  }
0x232: {  	v27 =	vpsel p0, v27, v21;
	vm2 =	vmor vm15, vm4;
	vm4 =	vlt.s32 @p0 v24, v33  }
0x233: {  	v22 =	vsel vm2, v29, v22;
	v63 =	vsel vm2, v31, v62;
	vm3 =	vmand @p0 vm3, vm4  }
0x234: {  	vm9 =	veq.f32 v22, v27;
	vm10 =	vlt.s32 v63, v61;
	vm3 =	vmor @p0 vm5, vm3  }
0x235: {  	vm11 =	vgt.f32 v22, v27;
	vm6 =	vmand vm9, vm10;
	v30 =	vsel @p0 vm3, v36, v32  }
0x236: {  	v24 =	vsel @p0 vm3, v24, v33;
	vm4 =	vmor vm11, vm6;
	v21 =	vpsel p0, v30, v21  }
.Ltmp13:
0x237: {  	v20 =	vpsel p0, v24, v20;
	v22 =	vsel vm4, v27, v22;
	v24 =	vsel vm4, v61, v63;
	(pc) =	sbr.rel .LBB2_14-.Ltmp13, $4  }
0x238: {  	vm12 =	veq.f32 v22, v21;
	vm13 =	vlt.s32 v24, v20  }
0x239: {  	vm14 =	vgt.f32 v22, v21;
	vm3 =	vmand vm12, vm13  }
0x23a: {  	v25 =	vsel vm0, v25, v23;
	v23 =	vsel vm4, v63, v61;
	vm15 =	vmor vm14, vm3  }
0x23b: {  	v21 =	vsel vm1, v60, v26;
	v22 =	vsel vm2, v62, v31;
	v24 =	vsel vm15, v24, v20;
	v20 =	vmovc v25  }
.LBB2_13:
0x23c: {  	v21 =	vimm.s32 $0x0  }
0x23d: {  	v22 =	vimm.s32 $0x0;
	v23 =	vimm.s32 $0x0;
	v24 =	vimm.s32 $0x0  }
.LBB2_14:
0x23e: {  	s29 =	simm.s32 $0x16020  }
0x23f: {  	v25 =	vld [tilespmem:s29+$0x10]  }
0x240: {  	v26 =	vld [tilespmem:s29+$0xFFFFFFF0]  }
0x241: {  	v28 =	vld [tilespmem:s29+$0x0]  }
0x242: {  	v27 =	vld [tilespmem:s29+$0xFFFFFFE0];
	_ =	sdelay $0x1  }
0x243: {  	vm0 =	vgt.s32 v25, $0xFFFFFFFF  }
0x244: {  	vm1 =	vgt.s32 v26, $0xFFFFFFFF  }
0x245: {  	s0 =	simm.s32 $0x0;
	s29 =	simm.s32 $0x16060;
	vm2 =	vgt.s32 v28, $0xFFFFFFFF  }
.LBB2_15:
0x246: {  	v29 =	vld [tilespmem:s29+$0x10];
	s0 =	sadd.s32 $0x4, s0;
	vm3 =	vgt.s32 v27, $0xFFFFFFFF;
	v30 =	vmov v27  }
0x247: {  	v31 =	vld [tilespmem:s29+$0xFFFFFFF0];
	p0 =	slt.u32 s0, $0x1FC  }
0x248: {  	v32 =	vld [tilespmem:s29+$0x0]  }
.Ltmp14:
0x249: {  	v27 =	vld [tilespmem:s29+$0xFFFFFFE0];
	[tilespmem:v25+s17+$0x0] =	vst.idx.msk vm0, v0;
	(pc) =	sbr.rel @p0 .LBB2_15-.Ltmp14, $4  }
0x24a: {  	[tilespmem:v26+s17+$0x0] =	vst.idx.msk vm1, v0  }
0x24b: {  	vm0 =	vgt.s32 v29, $0xFFFFFFFF;
	[tilespmem:v28+s17+$0x0] =	vst.idx.msk vm2, v0;
	v25 =	vmov v29  }
0x24c: {  	vm1 =	vgt.s32 v31, $0xFFFFFFFF;
	[tilespmem:v30+s17+$0x0] =	vst.idx.msk vm3, v0;
	v26 =	vmov v31  }
0x24d: {  	s29 =	sadd.s32 $0x40, s29;
	vm2 =	vgt.s32 v32, $0xFFFFFFFF;
	v28 =	vmov v32  }
0x24e: {  	_ =	sdelay $0x1  }
0x24f: {  	vm3 =	vgt.s32 v27, $0xFFFFFFFF;
	_ =	sdelay $0x2  }
0x250: {  	[tilespmem:v25+s17+$0x0] =	vst.idx.msk vm0, v0  }
0x251: {  	[tilespmem:v26+s17+$0x0] =	vst.idx.msk vm1, v0  }
0x252: {  	[tilespmem:v28+s17+$0x0] =	vst.idx.msk vm2, v0  }
0x253: {  	s0 =	simm.s32 $0x0;
	[tilespmem:v27+s17+$0x0] =	vst.idx.msk vm3, v0  }
0x254: {  	v29 =	vor.u32 s0, v4;
	v30 =	vor.u32 s0, v5;
	v31 =	vor.u32 s0, v6;
	v25 =	vld [tilespmem:$0x1E200]  }
0x255: {  	v32 =	vor.u32 s0, v7;
	v33 =	vor.u32 s0, v9;
	v34 =	vor.u32 s0, v10  }
0x256: {  	v35 =	vor.u32 s0, v8;
	v36 =	vor.u32 s0, v11;
	v37 =	vor.u32 s0, v12  }
0x257: {  	v38 =	vor.u32 s0, v13;
	v39 =	vor.u32 s0, v14;
	v40 =	vor.u32 s0, v15  }
0x258: {  	v41 =	vor.u32 s0, v16;
	v28 =	vand.u32 $0x7F, v30;
	v42 =	vand.u32 $0x7F, v31  }
0x259: {  	v44 =	vand.u32 $0x7F, v33;
	v45 =	vand.u32 $0x7F, v34;
	vm12 =	veq.s32 v25, $0x1  }
0x25a: {  	v46 =	vand.u32 $0x7F, v35;
	vm13 =	veq.s32 v25, $0x2;
	v20 =	vsel vm12, v21, v20  }
0x25b: {  	v47 =	vand.u32 $0x7F, v36;
	vm14 =	veq.s32 v25, $0x3;
	v20 =	vsel vm13, v22, v20  }
0x25c: {  	v48 =	vand.u32 $0x7F, v37;
	vm15 =	veq.s32 v25, $0x4;
	v20 =	vsel vm14, v23, v20  }
0x25d: {  	v49 =	vand.u32 $0x7F, v38;
	v50 =	vand.u32 $0x7F, v39;
	v20 =	vsel vm15, v24, v20  }
0x25e: {  	v51 =	vand.u32 $0x7F, v40;
	v53 =	vand.u32 $0x7F, v41;
	v33 =	vshll.u32 v33, $0x4;
	[tilespmem:$0x1E280] =	vst v20  }
0x25f: {  	v35 =	vshll.u32 v35, $0x4;
	v61 =	vshll.u32 v40, $0x4;
	v27 =	vand.u32 $0x7F, v29;
	[hbm4b:s7+s2] =	stream.linear.scatter [tilespmem:s23], [sflag:$0x3], $0x10, $0x38;
	[tilespmem:$0x1E380] =	vst v63  }
0x260: {  	v21 =	vor.u32 s0, v1;
	v22 =	vor.u32 s0, v2;
	v23 =	vor.u32 s0, v17;
	_ =	swait.ge [sflag:s24], $0x2000  }
0x261: {  	v25 =	vand.u32 $0x7F, v21;
	v26 =	vand.u32 $0x1F80, v22;
	v24 =	vand.u32 $0x7F, v23;
	[sflag:s24] =	ssyncset.done $0x0  }
0x262: {  	v54 =	vshll.u32 v21, $0x4;
	v22 =	vor.u32 s0, v3;
	v24 =	vor.u32 v24, v26;
	[sflag:s24] =	ssyncadd.s32 $0xFFFFE000  }
0x263: {  	v23 =	vshll.u32 v23, $0x4;
	v52 =	vor.u32 v25, v26;
	v20 =	vand.u32 $0x7F, v22;
	[tilespmem:s15], [sflag:$0x4] =	stream.linear.gather [hbm4b:s8+s2], $0x10, $0x38;
	[tilespmem:$0x1E380] =	vst v63  }
0x264: {  	v55 =	vor.u32 v27, v26;
	v56 =	vor.u32 v28, v26;
	v20 =	vor.u32 v20, v26;
	_ =	swait.ge [sflag:s13], $0x10  }
0x265: {  	v42 =	vor.u32 v42, v26;
	v44 =	vor.u32 v44, v26;
	v58 =	vor.u32 v45, v26;
	[sflag:s13] =	ssyncset.done $0x0  }
0x266: {  	v59 =	vor.u32 v46, v26;
	v60 =	vor.u32 v47, v26;
	v25 =	vor.u32 v48, v26;
	[sflag:s13] =	ssyncadd.s32 $0xFFFFFFF0  }
0x267: {  	v46 =	vshll.u32 v22, $0x4;
	v21 =	vor.u32 v53, v26;
	v53 =	vshll.u32 v37, $0x4;
	v63 =	vld.idx.msk [tilespmem:v24+s11+$0x0], $0xffff  }
0x268: {  	v47 =	vshll.u32 v41, $0x4;
	v43 =	vor.u32 v1, v23;
	v23 =	vand.u32 $0x7F, v32;
	v27 =	vld.idx.msk [tilespmem:v52+s11+$0x0], $0xffff  }
0x269: {  	v22 =	vor.u32 v51, v26;
	v32 =	vshll.u32 v32, $0x4;
	v57 =	vor.u32 v23, v26;
	v28 =	vld.idx.msk [tilespmem:v20+s11+$0x0], $0xffff  }
0x26a: {  	v23 =	vor.u32 v50, v26;
	v24 =	vor.u32 v49, v26;
	v26 =	vshll.u32 v30, $0x4;
	v30 =	vld.idx.msk [tilespmem:v55+s11+$0x0], $0xffff  }
0x26b: {  	v51 =	vshll.u32 v34, $0x4;
	v20 =	vshll.u32 v29, $0x4;
	v29 =	vshll.u32 v31, $0x4;
	v31 =	vld.idx.msk [tilespmem:v56+s11+$0x0], $0xffff  }
0x26c: {  	v48 =	vor.u32 v1, v46;
	v50 =	vor.u32 v1, v54;
	v52 =	vshll.u32 v36, $0x4;
	v34 =	vld.idx.msk [tilespmem:v42+s11+$0x0], $0xffff  }
0x26d: {  	v55 =	vshll.u32 v38, $0x4;
	v56 =	vshll.u32 v39, $0x4;
	v40 =	vld.idx.msk [tilespmem:v44+s11+$0x0], $0xffff;
	v44 =	vor.u32 v1, v32  }
0x26e: {  	v36 =	vld.idx.msk [tilespmem:v57+s11+$0x0], $0xffff;
	v42 =	vor.u32 v1, v51;
	v39 =	vor.u32 v1, v35;
	v49 =	vor.u32 v1, v20  }
0x26f: {  	v41 =	vld.idx.msk [tilespmem:v58+s11+$0x0], $0xffff;
	v46 =	vor.u32 v1, v26;
	v45 =	vor.u32 v1, v29;
	v35 =	vor.u32 v1, v52  }
0x270: {  	v37 =	vld.idx.msk [tilespmem:v59+s11+$0x0], $0xffff;
	v32 =	vor.u32 v1, v55;
	v29 =	vor.u32 v1, v56;
	v26 =	vor.u32 v1, v61  }
0x271: {  	v38 =	vld.idx.msk [tilespmem:v60+s11+$0x0], $0xffff;
	[tilespmem:v43+s16+$0x0] =	vst.idx.msk $0xffff, v63;
	v43 =	vor.u32 v1, v33;
	v33 =	vor.u32 v1, v53  }
.LBB2_17:
0x272: {  	s0 =	sadd.s32 $0x10, s0;
	v20 =	vimm.s32 $0x0;
	[tilespmem:v50+s16+$0x0] =	vst.idx.msk $0xffff, v27;
	v25 =	vld.idx.msk [tilespmem:v25+s11+$0x0], $0xffff;
	v47 =	vor.u32 v1, v47  }
0x273: {  	v27 =	vor.u32 s0, v1;
	v50 =	vor.u32 s0, v2;
	v51 =	vor.u32 s0, v17;
	p0 =	slt.u32 s0, $0x1F0;
	[tilespmem:v48+s16+$0x0] =	vst.idx.msk $0xffff, v28;
	v24 =	vld.idx.msk [tilespmem:v24+s11+$0x0], $0xffff  }
0x274: {  	v48 =	vor.u32 s0, v3;
	v28 =	vand.u32 $0x1F80, v50;
	v50 =	vand.u32 $0x7F, v51;
	[tilespmem:v49+s16+$0x0] =	vst.idx.msk $0xffff, v30;
	v23 =	vld.idx.msk [tilespmem:v23+s11+$0x0], $0xffff  }
0x275: {  	v30 =	vor.u32 s0, v4;
	v49 =	vor.u32 s0, v5;
	v50 =	vor.u32 v50, v28;
	[tilespmem:v46+s16+$0x0] =	vst.idx.msk $0xffff, v31;
	v22 =	vld.idx.msk [tilespmem:v22+s11+$0x0], $0xffff  }
0x276: {  	v52 =	vor.u32 s0, v9;
	v31 =	vor.u32 s0, v6;
	v46 =	vor.u32 s0, v7;
	[tilespmem:v45+s16+$0x0] =	vst.idx.msk $0xffff, v34;
	v34 =	vld.idx.msk [tilespmem:v21+s11+$0x0], $0xffff  }
0x277: {  	v53 =	vor.u32 s0, v8;
	v54 =	vor.u32 s0, v11;
	v45 =	vor.u32 s0, v10;
	[tilespmem:v44+s16+$0x0] =	vst.idx.msk $0xffff, v36  }
0x278: {  	v55 =	vor.u32 s0, v14;
	v36 =	vor.u32 s0, v12;
	v44 =	vor.u32 s0, v13;
	[tilespmem:v43+s16+$0x0] =	vst.idx.msk $0xffff, v40  }
0x279: {  	v21 =	vand.u32 $0x7F, v27;
	v40 =	vor.u32 s0, v15;
	v43 =	vor.u32 s0, v16;
	[tilespmem:v42+s16+$0x0] =	vst.idx.msk $0xffff, v41  }
0x27a: {  	v51 =	vshll.u32 v51, $0x4;
	v41 =	vand.u32 $0x7F, v48;
	v42 =	vand.u32 $0x7F, v30;
	v50 =	vld.idx.msk [tilespmem:v50+s11+$0x0], $0xffff;
	[tilespmem:v39+s16+$0x0] =	vst.idx.msk $0xffff, v37  }
0x27b: {  	v51 =	vor.u32 v1, v51;
	v37 =	vand.u32 $0x7F, v49;
	v39 =	vand.u32 $0x7F, v31;
	[tilespmem:v35+s16+$0x0] =	vst.idx.msk $0xffff, v38  }
0x27c: {  	v56 =	vand.u32 $0x7F, v45;
	v35 =	vand.u32 $0x7F, v46;
	v38 =	vand.u32 $0x7F, v52;
	[tilespmem:v33+s16+$0x0] =	vst.idx.msk $0xffff, v25  }
0x27d: {  	v57 =	vand.u32 $0x7F, v36;
	v25 =	vand.u32 $0x7F, v53;
	v33 =	vand.u32 $0x7F, v54;
	[tilespmem:v32+s16+$0x0] =	vst.idx.msk $0xffff, v24  }
0x27e: {  	v58 =	vand.u32 $0x7F, v40;
	v24 =	vand.u32 $0x7F, v44;
	v32 =	vand.u32 $0x7F, v55;
	[tilespmem:v29+s16+$0x0] =	vst.idx.msk $0xffff, v23  }
0x27f: {  	v21 =	vor.u32 v21, v28;
	v29 =	vor.u32 v41, v28;
	v41 =	vand.u32 $0x7F, v43;
	[tilespmem:v26+s16+$0x0] =	vst.idx.msk $0xffff, v22  }
0x280: {  	s29 =	simm.s32 $0x0;
	s30 =	simm.s32 $0x16020;
	s31 =	simm.s32 $0x4020;
	v42 =	vor.u32 v42, v28;
	v37 =	vor.u32 v37, v28;
	v26 =	vshll.u32 v27, $0x4;
	[tilespmem:v51+s16+$0x0] =	vst.idx.msk $0xffff, v50  }
0x281: {  	v39 =	vor.u32 v39, v28;
	v35 =	vor.u32 v35, v28;
	v38 =	vor.u32 v38, v28  }
0x282: {  	v59 =	vor.u32 v33, v28;
	v51 =	vor.u32 v56, v28;
	v56 =	vor.u32 v25, v28  }
0x283: {  	v24 =	vor.u32 v24, v28;
	v23 =	vor.u32 v32, v28;
	v25 =	vor.u32 v57, v28  }
0x284: {  	v32 =	vshll.u32 v48, $0x4;
	v22 =	vor.u32 v58, v28;
	v27 =	vld.idx.msk [tilespmem:v21+s11+$0x0], $0xffff;
	v21 =	vor.u32 v41, v28  }
0x285: {  	v33 =	vshll.u32 v49, $0x4;
	v41 =	vshll.u32 v31, $0x4;
	v28 =	vld.idx.msk [tilespmem:v29+s11+$0x0], $0xffff;
	v29 =	vshll.u32 v30, $0x4;
	[tilespmem:v47+s16+$0x0] =	vst.idx.msk $0xffff, v34  }
0x286: {  	v52 =	vshll.u32 v52, $0x4;
	v57 =	vshll.u32 v45, $0x4;
	v30 =	vld.idx.msk [tilespmem:v42+s11+$0x0], $0xffff;
	v42 =	vshll.u32 v46, $0x4  }
0x287: {  	v53 =	vshll.u32 v53, $0x4;
	v54 =	vshll.u32 v54, $0x4;
	v58 =	vshll.u32 v36, $0x4;
	v31 =	vld.idx.msk [tilespmem:v37+s11+$0x0], $0xffff  }
0x288: {  	v60 =	vshll.u32 v44, $0x4;
	v61 =	vshll.u32 v40, $0x4;
	v55 =	vshll.u32 v55, $0x4;
	v34 =	vld.idx.msk [tilespmem:v39+s11+$0x0], $0xffff  }
.Ltmp15:
0x289: {  	v48 =	vor.u32 v1, v32;
	v50 =	vor.u32 v1, v26;
	v47 =	vshll.u32 v43, $0x4;
	v36 =	vld.idx.msk [tilespmem:v35+s11+$0x0], $0xffff;
	(pc) =	sbr.rel @p0 .LBB2_17-.Ltmp15, $4  }
0x28a: {  	v45 =	vor.u32 v1, v41;
	v49 =	vor.u32 v1, v29;
	v46 =	vor.u32 v1, v33;
	v40 =	vld.idx.msk [tilespmem:v38+s11+$0x0], $0xffff  }
0x28b: {  	v43 =	vor.u32 v1, v52;
	v44 =	vor.u32 v1, v42;
	v42 =	vor.u32 v1, v57;
	v41 =	vld.idx.msk [tilespmem:v51+s11+$0x0], $0xffff  }
0x28c: {  	v33 =	vor.u32 v1, v58;
	v39 =	vor.u32 v1, v53;
	v35 =	vor.u32 v1, v54;
	v37 =	vld.idx.msk [tilespmem:v56+s11+$0x0], $0xffff  }
0x28d: {  	v32 =	vor.u32 v1, v60;
	v26 =	vor.u32 v1, v61;
	v29 =	vor.u32 v1, v55;
	v38 =	vld.idx.msk [tilespmem:v59+s11+$0x0], $0xffff  }
0x28e: {  	_ =	sdelay $0x3  }
0x28f: {  	[tilespmem:v50+s16+$0x0] =	vst.idx.msk $0xffff, v27  }
0x290: {  	[tilespmem:v48+s16+$0x0] =	vst.idx.msk $0xffff, v28  }
0x291: {  	[tilespmem:v49+s16+$0x0] =	vst.idx.msk $0xffff, v30  }
0x292: {  	[tilespmem:v46+s16+$0x0] =	vst.idx.msk $0xffff, v31  }
0x293: {  	[tilespmem:v45+s16+$0x0] =	vst.idx.msk $0xffff, v34  }
0x294: {  	v25 =	vld.idx.msk [tilespmem:v25+s11+$0x0], $0xffff;
	[tilespmem:v44+s16+$0x0] =	vst.idx.msk $0xffff, v36  }
0x295: {  	v24 =	vld.idx.msk [tilespmem:v24+s11+$0x0], $0xffff;
	[tilespmem:v43+s16+$0x0] =	vst.idx.msk $0xffff, v40  }
0x296: {  	v23 =	vld.idx.msk [tilespmem:v23+s11+$0x0], $0xffff;
	[tilespmem:v42+s16+$0x0] =	vst.idx.msk $0xffff, v41  }
0x297: {  	v22 =	vld.idx.msk [tilespmem:v22+s11+$0x0], $0xffff;
	[tilespmem:v39+s16+$0x0] =	vst.idx.msk $0xffff, v37  }
0x298: {  	v63 =	vor.u32 v1, v47;
	v21 =	vld.idx.msk [tilespmem:v21+s11+$0x0], $0xffff;
	[tilespmem:v35+s16+$0x0] =	vst.idx.msk $0xffff, v38  }
0x299: {  	[tilespmem:v33+s16+$0x0] =	vst.idx.msk $0xffff, v25  }
0x29a: {  	[tilespmem:v32+s16+$0x0] =	vst.idx.msk $0xffff, v24  }
0x29b: {  	[tilespmem:v29+s16+$0x0] =	vst.idx.msk $0xffff, v23  }
0x29c: {  	[tilespmem:v26+s16+$0x0] =	vst.idx.msk $0xffff, v22  }
0x29d: {  	[tilespmem:v63+s16+$0x0] =	vst.idx.msk $0xffff, v21  }
.LBB2_19:
0x29e: {  	v28 =	vld [tilespmem:s31+$0xFFFFFFE0]  }
0x29f: {  	v27 =	vld [tilespmem:s31+$0xFFFFFFF0]  }
0x2a0: {  	v26 =	vld [tilespmem:s31+$0x0]  }
0x2a1: {  	v25 =	vld [tilespmem:s31+$0x10];
	_ =	sdelay $0x2  }
0x2a2: {  	v24 =	vmov s29  }
0x2a3: {  	v59 =	vimm.s32 $0x0;
	v62 =	vimm.s32 $0x0;
	v21 =	vmul.u32 $0x9E3779B9, v28  }
0x2a4: {  	v31 =	vmul.u32 $0x9E3779B9, v27;
	v36 =	vmul.u32 $0x9E3779B9, v26;
	v39 =	vmul.u32 $0x9E3779B9, v25  }
0x2a5: {  	vm15 =	veq.s32 v27, v28;
	vm10 =	vne.s32 v27, v28;
	v29 =	vshrl.u32 v21, $0x11  }
0x2a6: {  	v31 =	vshrl.u32 v31, $0x11;
	v36 =	vshrl.u32 v36, $0x11;
	v39 =	vshrl.u32 v39, $0x11  }
0x2a7: {  	v30 =	vand.u32 $0x7FF0, v29;
	v47 =	vand.u32 $0x7FF0, v31;
	v29 =	vand.u32 $0x7F80, v29  }
0x2a8: {  	v48 =	vand.u32 $0x7FF0, v36;
	v31 =	vand.u32 $0x7F80, v31;
	v32 =	vadd.s32 $0x10, v30  }
0x2a9: {  	v34 =	vor.u32 v1, v30;
	v35 =	vor.u32 v1, v47;
	v30 =	vadd.s32 $0x10, v47  }
0x2aa: {  	v33 =	vand.u32 $0x7FF0, v32;
	v37 =	vand.u32 $0x7FF0, v30;
	v38 =	vand.u32 $0x7F, v34  }
0x2ab: {  	v44 =	vand.u32 $0x7F, v35;
	v33 =	vor.u32 v1, v33;
	v38 =	vor.u32 v29, v38  }
0x2ac: {  	v32 =	vand.u32 $0x7F80, v32;
	v31 =	vor.u32 v31, v44;
	v40 =	vand.u32 $0x7F, v33  }
0x2ad: {  	v42 =	vand.u32 $0x7FF0, v39;
	v37 =	vor.u32 v1, v37;
	v32 =	vor.u32 v32, v40  }
0x2ae: {  	v36 =	vand.u32 $0x7F80, v36;
	v50 =	vand.u32 $0x7F80, v30;
	v46 =	vand.u32 $0x7F, v37  }
0x2af: {  	v41 =	vadd.s32 $0x10, v48;
	v43 =	vor.u32 v1, v48;
	v44 =	vor.u32 v50, v46  }
0x2b0: {  	v39 =	vand.u32 $0x7F80, v39;
	v49 =	vand.u32 $0x7FF0, v41;
	v47 =	vand.u32 $0x7F, v43;
	v38 =	vld.idx.msk [tilespmem:v38+s17+$0x0], $0xffff  }
0x2b1: {  	v41 =	vand.u32 $0x7F80, v41;
	v29 =	vor.u32 v1, v42;
	v42 =	vadd.s32 $0x10, v42;
	v54 =	vld.idx.msk [tilespmem:v31+s17+$0x0], $0xffff  }
0x2b2: {  	v36 =	vor.u32 v36, v47;
	v45 =	vand.u32 $0x7FF0, v42;
	v53 =	vand.u32 $0x7F, v29;
	v32 =	vld.idx.msk [tilespmem:v32+s17+$0x0], $0xffff  }
0x2b3: {  	v42 =	vand.u32 $0x7F80, v42;
	v40 =	vor.u32 v1, v49;
	v51 =	vor.u32 v1, v45  }
0x2b4: {  	v39 =	vor.u32 v39, v53;
	v52 =	vand.u32 $0x7F, v40;
	v55 =	vand.u32 $0x7F, v51;
	v57 =	vld.idx.msk [tilespmem:v44+s17+$0x0], $0xffff  }
0x2b5: {  	v41 =	vor.u32 v41, v52;
	vm0 =	veq.s32 v38, v28;
	vm1 =	veq.s32 v38, $0xFFFFFFFF  }
0x2b6: {  	v58 =	vor.u32 v42, v55;
	vm13 =	veq.s32 v54, $0xFFFFFFFF;
	vm2 =	vmor vm0, vm1  }
0x2b7: {  	vm14 =	veq.s32 v54, v27;
	vm3 =	veq.s32 v32, $0xFFFFFFFF;
	vm4 =	vmneg vm2  }
0x2b8: {  	v56 =	vsel vm2, v34, v33;
	vm11 =	veq.s32 v32, v28;
	vm3 =	vmand vm3, vm4  }
0x2b9: {  	v60 =	vld.idx.msk [tilespmem:v36+s17+$0x0], $0xffff;
	vm7 =	veq.s32 v57, v27;
	vm12 =	veq.s32 v35, v56;
	vm1 =	vmor vm1, vm3  }
0x2ba: {  	vm9 =	veq.s32 v57, $0xFFFFFFFF;
	vm2 =	vmand vm11, vm4;
	vm3 =	vmand vm1, vm12  }
0x2bb: {  	vm5 =	veq.s32 v37, v56;
	vm2 =	vmor vm0, vm2;
	vm3 =	vmneg vm3  }
0x2bc: {  	v34 =	vsel vm2, $0xFFFFFFFF, v59;
	vm0 =	vmor vm2, vm1;
	vm3 =	vmand vm13, vm3  }
0x2bd: {  	vm5 =	vmand vm1, vm5;
	vm12 =	veq.s32 v43, v56;
	vm6 =	vmor vm14, vm3  }
0x2be: {  	vm13 =	veq.s32 v60, $0xFFFFFFFF;
	vm8 =	vmneg vm3;
	vm5 =	vmor vm5, vm6  }
0x2bf: {  	v61 =	vld.idx.msk [tilespmem:v41+s17+$0x0], $0xffff;
	vm7 =	vmand vm7, vm8;
	v35 =	vsel vm6, v35, v37;
	vm8 =	veq.s32 v60, v26  }
0x2c0: {  	vm6 =	vmand vm1, vm12;
	vm5 =	vmneg vm5;
	vm4 =	vmor vm14, vm7  }
0x2c1: {  	vm7 =	vmand vm15, vm0;
	vm5 =	vmand vm9, vm5;
	vm9 =	vmneg vm15  }
0x2c2: {  	vm14 =	veq.s32 v40, v56;
	vm3 =	vmor vm3, vm5;
	vm4 =	vmand vm9, vm4  }
0x2c3: {  	v63 =	vsel vm7, v56, v35;
	vm11 =	vmor vm7, vm4;
	vm5 =	vmand vm3, vm10  }
0x2c4: {  	vm7 =	veq.s32 v43, v63;
	vm10 =	veq.s32 v61, v26;
	vm4 =	vmmov vm0  }
0x2c5: {  	v36 =	vsel vm11, $0xFFFFFFFF, v62;
	vm3 =	vmor vm11, vm5;
	vm7 =	vmand vm7, vm5  }
0x2c6: {  	vm11 =	veq.s32 v40, v63;
	vm6 =	vmor vm6, vm7;
	vm7 =	vmand vm1, vm14  }
0x2c7: {  	v42 =	vld.idx.msk [tilespmem:v39+s17+$0x0], $0xffff;
	vm15 =	vmand vm11, vm5;
	vm11 =	veq.s32 v61, $0xFFFFFFFF;
	vm6 =	vmneg vm6  }
0x2c8: {  	vm14 =	veq.s32 v26, v27;
	vm7 =	vmor vm7, vm15;
	vm6 =	vmand vm13, vm6  }
0x2c9: {  	vm15 =	veq.s32 v29, v63;
	vm13 =	veq.s32 v26, v28;
	vm9 =	vmor vm8, vm6  }
0x2ca: {  	vm12 =	vmneg vm6;
	vm2 =	vmor vm13, vm14;
	vm13 =	vmand vm13, vm0  }
0x2cb: {  	vm10 =	vmand vm10, vm12;
	vm7 =	vmor vm7, vm9;
	vm2 =	vmneg vm2  }
0x2cc: {  	vm12 =	vmand vm14, vm3;
	v43 =	vsel vm9, v43, v40;
	vm9 =	veq.s32 v42, $0xFFFFFFFF  }
0x2cd: {  	vm14 =	veq.s32 v29, v56;
	vm8 =	vmor vm8, vm10;
	vm7 =	vmneg vm7  }
0x2ce: {  	v44 =	vsel vm13, v56, v43;
	vm10 =	vmand vm1, vm14;
	vm7 =	vmand vm11, vm7  }
0x2cf: {  	vm8 =	vmand vm8, vm2;
	v37 =	vsel vm12, v63, v44;
	vm11 =	vmand vm15, vm5  }
0x2d0: {  	vm8 =	vmor vm12, vm8;
	vm7 =	vmor vm6, vm7;
	vm0 =	veq.s32 v29, v37  }
0x2d1: {  	vm10 =	vmor vm10, vm11;
	vm6 =	vmor vm13, vm8;
	vm7 =	vmand vm7, vm2  }
0x2d2: {  	vm8 =	veq.s32 v42, v25;
	vm2 =	vmand vm7, vm0;
	vm0 =	veq.s32 v51, v56  }
0x2d3: {  	v32 =	vld.idx.msk [tilespmem:v58+s17+$0x0], $0xffff;
	[tilespmem:$0x1FF80] =	vst v34;
	vm10 =	vmor vm10, vm2;
	vm11 =	vmand vm1, vm0;
	vm2 =	veq.s32 v51, v63  }
0x2d4: {  	v49 =	vld [tilespmem:$0x1FF80];
	vm0 =	veq.s32 v51, v37;
	vm10 =	vmneg vm10;
	vm14 =	vmand vm2, vm5  }
0x2d5: {  	s0 =	sadd.s32 $0x1, s29;
	vm9 =	vmand vm9, vm10;
	vm11 =	vmor vm11, vm14;
	vm10 =	vmand vm7, vm0  }
0x2d6: {  	v21 =	vmov s0;
	s0 =	sadd.s32 $0x2, s29;
	vm10 =	vmor vm11, vm10;
	vm11 =	vmor vm8, vm9  }
0x2d7: {  	v22 =	vmov s0;
	s0 =	sadd.s32 $0x3, s29;
	vm10 =	vmor vm10, vm11  }
0x2d8: {  	v23 =	vmov s0;
	vm12 =	veq.s32 v32, $0xFFFFFFFF;
	vm10 =	vmneg vm10  }
0x2d9: {  	v45 =	vld.idx.msk [tilespmem:v24+s12+$0x0], $0xffff;
	[tilespmem:$0x1FF90] =	vst v36;
	vm10 =	vmand vm12, vm10;
	vm12 =	vnez.u8 v49  }
0x2da: {  	v52 =	vld [tilespmem:$0x1FF90]  }
0x2db: {  	v46 =	vld.idx.msk [tilespmem:v21+s12+$0x0], $0xffff  }
0x2dc: {  	v47 =	vld.idx.msk [tilespmem:v22+s12+$0x0], $0xffff  }
0x2dd: {  	v48 =	vld.idx.msk [tilespmem:v23+s12+$0x0], $0xffff;
	v55 =	vshll.u32 v20, $0x4;
	v50 =	vnsel vm1, $0xFFFFFFFF, v56;
	[tilespmem:v56+s17+$0x0] =	vst.idx.msk vm1, v28  }
0x2de: {  	[tilespmem:v56+s18+$0x0] =	vst.idx.msk vm1, v45;
	v53 =	vnsel vm5, $0xFFFFFFFF, v35;
	vm15 =	veq.s32 v25, v27;
	vm13 =	veq.s32 v32, v25  }
0x2df: {  	vm14 =	veq.s32 v25, v28;
	vm2 =	vmneg vm9;
	[tilespmem:v56+s18+$0x0] =	vst.idx.add.f32.msk vm12, v45;
	vm12 =	vnez.u8 v52  }
0x2e0: {  	vm0 =	vmor vm14, vm15;
	vm13 =	vmand vm13, vm2;
	vm2 =	veq.s32 v25, v26  }
0x2e1: {  	v29 =	vsel vm11, v29, v51;
	vm11 =	vmor vm6, vm7;
	vm8 =	vmor vm8, vm13  }
0x2e2: {  	vm0 =	vmor vm2, vm0;
	vm13 =	vmand vm15, vm3;
	vm15 =	vmmov vm4;
	[tilespmem:s30+$0xFFFFFFE0] =	vst v50  }
0x2e3: {  	vm4 =	vmand vm14, vm4;
	vm2 =	vmand vm2, vm11;
	vm0 =	vmneg vm0;
	[tilespmem:v63+s17+$0x0] =	vst.idx.msk vm5, v27  }
0x2e4: {  	v51 =	vsel vm4, v56, v29;
	vm9 =	vmor vm9, vm10;
	vm8 =	vmand vm8, vm0;
	[tilespmem:v63+s18+$0x0] =	vst.idx.msk vm5, v46  }
0x2e5: {  	vm1 =	vmand vm9, vm0;
	vm8 =	vmor vm13, vm8;
	v27 =	vsel vm13, v63, v51;
	[tilespmem:v63+s18+$0x0] =	vst.idx.add.f32.msk vm12, v46  }
0x2e6: {  	v54 =	vnsel vm7, $0xFFFFFFFF, v43;
	vm8 =	vmor vm4, vm8;
	v27 =	vsel vm2, v37, v27;
	[tilespmem:s30+$0xFFFFFFF0] =	vst v53  }
0x2e7: {  	v28 =	vor.u32 v1, v55;
	vm14 =	vmneg vm15;
	vm13 =	vmor vm2, vm8;
	[tilespmem:v37+s17+$0x0] =	vst.idx.msk vm7, v26  }
0x2e8: {  	vm3 =	vmneg vm3;
	vm0 =	vmneg vm11;
	v56 =	vsel vm14, $0x1, v18;
	[tilespmem:v37+s18+$0x0] =	vst.idx.msk vm7, v47  }
0x2e9: {  	v57 =	vsel vm3, $0x1, v18;
	v59 =	vsel vm0, $0x1, v18;
	v20 =	vadd.s32 v56, v20;
	[tilespmem:v37+s18+$0x0] =	vst.idx.add.f32.msk vm6, v47  }
0x2ea: {  	v58 =	vshll.u32 v20, $0x4;
	v20 =	vadd.s32 v57, v20;
	vm15 =	vmor vm1, vm13;
	[tilespmem:s30+$0x0] =	vst v54  }
0x2eb: {  	v60 =	vor.u32 v1, v58;
	v61 =	vshll.u32 v20, $0x4;
	v20 =	vadd.s32 v59, v20;
	[tilespmem:v27+s17+$0x0] =	vst.idx.msk vm1, v25  }
0x2ec: {  	vm5 =	vmneg vm15;
	v30 =	vshll.u32 v20, $0x4;
	v26 =	vor.u32 v1, v61;
	[tilespmem:v27+s18+$0x0] =	vst.idx.msk vm1, v48  }
0x2ed: {  	p0 =	seq.s32 s29, $0x1FC;
	v62 =	vnsel vm1, $0xFFFFFFFF, v29;
	v63 =	vor.u32 v1, v30;
	[tilespmem:v27+s18+$0x0] =	vst.idx.add.f32.msk vm13, v48  }
.Ltmp16:
0x2ee: {  	[tilespmem:s30+$0x10] =	vst v62;
	(pc) =	sbr.rel @!p0 .LBB2_19-.Ltmp16, $4  }
0x2ef: {  	[tilespmem:v28+s19+$0x0] =	vst.idx.msk vm14, v24  }
0x2f0: {  	[tilespmem:v60+s19+$0x0] =	vst.idx.msk vm3, v21  }
0x2f1: {  	v21 =	vsel vm5, $0x1, v18;
	[tilespmem:v26+s19+$0x0] =	vst.idx.msk vm0, v22  }
0x2f2: {  	s31 =	sadd.s32 $0x40, s31;
	s29 =	sadd.s32 $0x4, s29;
	s30 =	sadd.s32 $0x40, s30;
	v20 =	vadd.s32 v21, v20;
	[tilespmem:v63+s19+$0x0] =	vst.idx.msk vm5, v23  }
0x2f3: {  	vm0 =	vgt.s32 v20, $0x0  }
0x2f4: {  	v21 =	vsel vm0, $0x3F800000, v19  }
0x2f5: {  	(xrf0) =	vmax.scan.msk.f32 $0xffff, v21;
	_ =	sdelay $0x5  }
0x2f6: {  	v21, _, _ =	vpop (xrf0)  }
0x2f7: {  	(v2sf) =	vpush v21, $0xF;
	_ =	sdelay $0xe  }
0x2f8: {  	s0 =	spop (v2sf)  }
0x2f9: {  	p0 =	sgt.f32 s0, $0.0e+00  }
.Ltmp17:
0x2fa: {  	_ = 	snop;
	(pc) =	sbr.rel @!p0 .LBB2_23-.Ltmp17, $1  }
0x2fb: {  	_ =	sdelay $0x3  }
0x2fc: {  	v22 =	vimm.s32 $0x0;
	vm1 =	vmmov $0xffff;
	v21 =	vimm.s32 $0x0  }
.LBB2_22:
0x2fd: {  	v23 =	vshll.u32 v21, $0x4  }
0x2fe: {  	v23 =	vor.u32 v1, v23;
	_ =	sdelay $0x4  }
0x2ff: {  	v23 =	vld.idx.msk [tilespmem:v23+s19+$0x0], vm0;
	_ =	sdelay $0x4  }
0x300: {  	v24 =	vshll.u32 v23, $0x4  }
0x301: {  	v24 =	vor.u32 v1, v24;
	_ =	sdelay $0x4  }
0x302: {  	v25 =	vld.idx.msk [tilespmem:v24+s16+$0x0], vm0;
	_ =	sdelay $0x4  }
0x303: {  	v26 =	vmul.u32 $0x9E3779B9, v25;
	_ =	sdelay $0x1  }
0x304: {  	v26 =	vshrl.u32 v26, $0x15  }
0x305: {  	v22 =	vsel vm1, v26, v22  }
0x306: {  	v26 =	vshll.u32 v22, $0x4  }
0x307: {  	v26 =	vor.u32 v1, v26;
	_ =	sdelay $0x4  }
0x308: {  	v27 =	vld.idx.msk [tilespmem:v26+s17+$0x0], vm0;
	_ =	sdelay $0x4  }
0x309: {  	vm1 =	veq.s32 v27, v25;
	vm2 =	veq.s32 v27, $0xFFFFFFFF  }
0x30a: {  	vm3 =	vmand vm0, vm1;
	vm2 =	vmand vm0, vm2  }
0x30b: {  	vm1 =	vmor vm3, vm2  }
0x30c: {  	v61 =	vsel vm1, $0x1, v18  }
0x30d: {  	v21 =	vadd.s32 v61, v21  }
0x30e: {  	v23 =	vld.idx.msk [tilespmem:v23+s12+$0x0], vm0;
	vm0 =	vlt.s32 v21, v20  }
0x30f: {  	v62 =	vsel vm0, $0x3F800000, v19  }
0x310: {  	(xrf0) =	vmax.scan.msk.f32 $0xffff, v62;
	_ =	sdelay $0x5  }
0x311: {  	v27, _, _ =	vpop (xrf0)  }
0x312: {  	(v2sf) =	vpush v27, $0xF;
	_ =	sdelay $0xe  }
0x313: {  	s0 =	spop (v2sf)  }
0x314: {  	p0 =	sgt.f32 s0, $0.0e+00  }
.Ltmp18:
0x315: {  	_ = 	snop;
	(pc) =	sbr.rel @p0 .LBB2_22-.Ltmp18, $4  }
0x316: {  	[tilespmem:v26+s17+$0x0] =	vst.idx.msk vm2, v25  }
0x317: {  	v63 =	vadd.s32 $0x1, v22;
	[tilespmem:v26+s18+$0x0] =	vst.idx.msk vm2, v23  }
0x318: {  	[tilespmem:v26+s18+$0x0] =	vst.idx.add.f32.msk vm3, v23;
	v23 =	vand.u32 $0x7FF, v63  }
0x319: {  	[tilespmem:v24+s20+$0x0] =	vst.idx.msk vm2, v26;
	v22 =	vsel vm1, v22, v23  }
.LBB2_23:
0x31a: {  	v20 =	vld [tilespmem:$0x16000];
	_ =	sdelay $0x4  }
0x31b: {  	vm0 =	vgt.s32 v20, $0xFFFFFFFF;
	_ =	sdelay $0x5  }
0x31c: {  	v20 =	vld.idx.msk [tilespmem:v20+s18+$0x0], vm0  }
0x31d: {  	v21 =	vld [tilespmem:$0x4000];
	_ =	sdelay $0x1  }
0x31e: {  	v22 =	vld [tilespmem:$0x16010];
	_ =	sdelay $0x1  }
0x31f: {  	v20 =	vnsel vm0, $0xBF800000, v20  }
0x320: {  	vm1 =	vlt.s32 v21, $0x0;
	vm0 =	veq.f32 v20, $0.0e+00  }
0x321: {  	vm2 =	vgt.f32 v20, $0.0e+00;
	vm0 =	vmand vm1, vm0  }
0x322: {  	vm1 =	vgt.s32 v22, $0xFFFFFFFF;
	vm0 =	vmor vm2, vm0  }
0x323: {  	v23 =	vsel vm0, $0x0, v20;
	v24 =	vsel vm0, $0x0, v21  }
0x324: {  	vm2 =	veq.f32 v23, $0.0e+00;
	vm3 =	vlt.s32 v24, $0x0  }
0x325: {  	vm4 =	vgt.f32 v23, $0.0e+00;
	vm2 =	vmand vm2, vm3  }
0x326: {  	vm2 =	vmor vm4, vm2  }
0x327: {  	v25 =	vsel vm2, $0x0, v23;
	v26 =	vsel vm2, $0x0, v24  }
0x328: {  	v22 =	vld.idx.msk [tilespmem:v22+s18+$0x0], vm1;
	vm3 =	veq.f32 v25, $0.0e+00;
	vm4 =	vlt.s32 v26, $0x0  }
0x329: {  	v27 =	vld [tilespmem:$0x4010];
	v20 =	vnsel vm0, $0x0, v20;
	vm5 =	vgt.f32 v25, $0.0e+00;
	vm3 =	vmand vm3, vm4  }
0x32a: {  	v21 =	vnsel vm0, $0x0, v21;
	v23 =	vnsel vm2, $0x0, v23;
	vm0 =	vmor vm5, vm3  }
0x32b: {  	v24 =	vnsel vm2, $0x0, v24;
	v28 =	vnsel vm0, $0x0, v25;
	v25 =	vsel vm0, $0x0, v25  }
0x32c: {  	v30 =	vld [tilespmem:$0x16800];
	v29 =	vnsel vm0, $0x0, v26;
	v26 =	vsel vm0, $0x0, v26;
	vm0 =	vgt.f32 v25, $0.0e+00  }
0x32d: {  	vm2 =	veq.f32 v25, $0.0e+00;
	vm3 =	vlt.s32 v26, $0x0;
	v22 =	vnsel vm1, $0xBF800000, v22  }
0x32e: {  	vm1 =	vmand vm2, vm3;
	vm2 =	veq.f32 v22, v20;
	vm3 =	vlt.s32 v27, v21  }
0x32f: {  	vm1 =	vmor vm0, vm1;
	vm0 =	vgt.f32 v22, v20;
	vm2 =	vmand vm2, vm3  }
0x330: {  	v31 =	vnsel vm1, $0x0, v25;
	v32 =	vnsel vm1, $0x0, v26;
	vm2 =	vmor vm0, vm2  }
0x331: {  	v25 =	vsel vm1, $0x0, v25;
	vm0 =	vgt.s32 v30, $0xFFFFFFFF;
	v26 =	vsel vm1, $0x0, v26  }
0x332: {  	v33 =	vsel vm2, v20, v22;
	v34 =	vsel vm2, v21, v27;
	vm5 =	veq.f32 v25, $0.0e+00  }
0x333: {  	v20 =	vsel vm2, v22, v20;
	vm3 =	veq.f32 v33, v23;
	vm4 =	vlt.s32 v34, v24  }
0x334: {  	v21 =	vsel vm2, v27, v21;
	vm1 =	vgt.f32 v33, v23;
	vm3 =	vmand vm3, vm4  }
0x335: {  	vm4 =	vgt.f32 v25, $0.0e+00;
	vm1 =	vmor vm1, vm3;
	vm3 =	vlt.s32 v26, $0x0  }
0x336: {  	v35 =	vsel vm1, v23, v33;
	v36 =	vsel vm1, v24, v34;
	vm3 =	vmand vm5, vm3  }
0x337: {  	v23 =	vsel vm1, v33, v23;
	vm5 =	veq.f32 v35, v28;
	vm6 =	vlt.s32 v36, v29;
	v30 =	vld.idx.msk [tilespmem:v30+s18+$0x0], vm0  }
0x338: {  	vm3 =	vmor vm4, vm3;
	vm4 =	vgt.f32 v35, v28;
	vm5 =	vmand vm5, vm6  }
0x339: {  	v38 =	vld [tilespmem:$0x4800];
	v25 =	vnsel vm3, $0x0, v25;
	v26 =	vnsel vm3, $0x0, v26;
	vm3 =	vmor vm4, vm5  }
0x33a: {  	v24 =	vsel vm1, v34, v24;
	v22 =	vsel vm3, v28, v35;
	v37 =	vsel vm3, v29, v36  }
0x33b: {  	v27 =	vld [tilespmem:$0x16810];
	v28 =	vsel vm3, v35, v28;
	vm2 =	veq.f32 v22, v31;
	vm4 =	vlt.s32 v37, v32  }
0x33c: {  	vm5 =	vgt.f32 v22, v31;
	vm2 =	vmand vm2, vm4;
	v30 =	vnsel vm0, $0xBF800000, v30  }
0x33d: {  	v29 =	vsel vm3, v36, v29;
	vm1 =	vmor vm5, vm2;
	vm0 =	veq.f32 v30, v20  }
0x33e: {  	vm2 =	vlt.s32 v38, v21;
	vm3 =	vgt.f32 v30, v20;
	v47 =	vsel vm1, v22, v31  }
0x33f: {  	v22 =	vsel vm1, v31, v22;
	v31 =	vsel vm1, v32, v37;
	vm0 =	vmand vm0, vm2  }
0x340: {  	vm2 =	vgt.f32 v22, v25;
	vm3 =	vmor vm3, vm0;
	vm0 =	vgt.s32 v27, $0xFFFFFFFF  }
0x341: {  	vm4 =	veq.f32 v22, v25;
	v48 =	vsel vm3, v20, v30;
	v49 =	vsel vm3, v21, v38  }
0x342: {  	vm5 =	vlt.s32 v31, v26;
	vm6 =	veq.f32 v48, v23;
	vm7 =	vlt.s32 v49, v24  }
0x343: {  	vm4 =	vmand vm4, vm5;
	vm5 =	vgt.f32 v48, v23;
	vm6 =	vmand vm6, vm7  }
0x344: {  	v32 =	vsel vm1, v37, v32;
	vm1 =	vmor vm2, vm4;
	vm2 =	vmor vm5, vm6  }
0x345: {  	v22 =	vsel vm1, v22, v25;
	v25 =	vsel vm2, v23, v48;
	v50 =	vsel vm2, v24, v49  }
0x346: {  	v26 =	vsel vm1, v31, v26;
	vm1 =	veq.f32 v25, v28;
	vm4 =	vlt.s32 v50, v29;
	v27 =	vld.idx.msk [tilespmem:v27+s18+$0x0], vm0  }
0x347: {  	v20 =	vsel vm3, v30, v20;
	v30 =	vld [tilespmem:$0x4810];
	vm5 =	vgt.f32 v25, v28;
	vm1 =	vmand vm1, vm4  }
0x348: {  	v21 =	vsel vm3, v38, v21;
	v23 =	vsel vm2, v48, v23;
	vm1 =	vmor vm5, vm1  }
0x349: {  	v24 =	vsel vm2, v49, v24;
	v31 =	vsel vm1, v25, v28;
	v25 =	vsel vm1, v28, v25  }
0x34a: {  	v28 =	vsel vm1, v50, v29;
	v29 =	vsel vm1, v29, v50;
	vm1 =	vgt.f32 v25, v47  }
0x34b: {  	v51 =	vld [tilespmem:$0x17000];
	vm2 =	veq.f32 v25, v47;
	vm3 =	vlt.s32 v29, v32;
	v27 =	vnsel vm0, $0xBF800000, v27  }
0x34c: {  	vm0 =	vmand vm2, vm3;
	vm3 =	vlt.s32 v30, v21;
	vm2 =	veq.f32 v27, v20  }
0x34d: {  	vm1 =	vmor vm1, vm0;
	vm0 =	vgt.f32 v27, v20;
	vm2 =	vmand vm2, vm3  }
0x34e: {  	v52 =	vsel vm1, v25, v47;
	v36 =	vsel vm1, v29, v32;
	vm2 =	vmor vm0, vm2  }
0x34f: {  	v25 =	vsel vm1, v47, v25;
	v53 =	vsel vm2, v20, v27;
	v54 =	vsel vm2, v21, v30  }
0x350: {  	vm0 =	vgt.s32 v51, $0xFFFFFFFF;
	vm3 =	veq.f32 v53, v23;
	vm4 =	vlt.s32 v54, v24  }
0x351: {  	v29 =	vsel vm1, v32, v29;
	vm1 =	vgt.f32 v53, v23;
	vm3 =	vmand vm3, vm4  }
0x352: {  	vm5 =	veq.f32 v25, v22;
	v20 =	vsel vm2, v27, v20;
	vm1 =	vmor vm1, vm3  }
0x353: {  	vm4 =	vgt.f32 v25, v22;
	vm3 =	vlt.s32 v29, v26;
	v55 =	vsel vm1, v23, v53  }
0x354: {  	v56 =	vsel vm1, v24, v54;
	vm3 =	vmand vm5, vm3;
	vm5 =	veq.f32 v55, v31  }
0x355: {  	v57 =	vld [tilespmem:$0x5000];
	vm6 =	vlt.s32 v56, v28;
	vm3 =	vmor vm4, vm3;
	vm4 =	vgt.f32 v55, v31  }
0x356: {  	vm5 =	vmand vm5, vm6;
	v22 =	vsel vm3, v25, v22;
	v25 =	vsel vm3, v29, v26;
	v26 =	vld.idx.msk [tilespmem:v51+s18+$0x0], vm0  }
0x357: {  	v21 =	vsel vm2, v30, v21;
	v23 =	vsel vm1, v53, v23;
	vm3 =	vmor vm4, vm5  }
0x358: {  	v24 =	vsel vm1, v54, v24;
	v27 =	vsel vm3, v31, v55;
	v29 =	vsel vm3, v28, v56  }
0x359: {  	v31 =	vsel vm3, v55, v31;
	vm2 =	veq.f32 v27, v52;
	vm4 =	vlt.s32 v29, v36  }
0x35a: {  	v30 =	vld [tilespmem:$0x17010];
	v28 =	vsel vm3, v56, v28;
	vm5 =	vgt.f32 v27, v52;
	vm2 =	vmand vm2, vm4  }
0x35b: {  	vm1 =	vmor vm5, vm2;
	v26 =	vnsel vm0, $0xBF800000, v26;
	vm2 =	vlt.s32 v57, v21  }
0x35c: {  	v58 =	vsel vm1, v27, v52;
	v27 =	vsel vm1, v52, v27;
	vm0 =	veq.f32 v26, v20  }
0x35d: {  	v59 =	vsel vm1, v36, v29;
	vm3 =	vgt.f32 v26, v20;
	vm0 =	vmand vm0, vm2  }
0x35e: {  	vm2 =	vgt.f32 v27, v22;
	vm4 =	veq.f32 v27, v22;
	vm3 =	vmor vm3, vm0  }
0x35f: {  	vm0 =	vgt.s32 v30, $0xFFFFFFFF;
	v60 =	vsel vm3, v20, v26;
	v61 =	vsel vm3, v21, v57  }
0x360: {  	vm5 =	vlt.s32 v59, v25;
	vm6 =	veq.f32 v60, v23;
	vm7 =	vlt.s32 v61, v24  }
0x361: {  	vm4 =	vmand vm4, vm5;
	vm5 =	vgt.f32 v60, v23;
	vm6 =	vmand vm6, vm7  }
0x362: {  	v29 =	vsel vm1, v29, v36;
	vm1 =	vmor vm2, vm4;
	vm2 =	vmor vm5, vm6  }
0x363: {  	v22 =	vsel vm1, v27, v22;
	v27 =	vsel vm2, v23, v60;
	v62 =	vsel vm2, v24, v61  }
0x364: {  	v25 =	vsel vm1, v59, v25;
	vm1 =	veq.f32 v27, v31;
	vm4 =	vlt.s32 v62, v28  }
0x365: {  	v30 =	vld.idx.msk [tilespmem:v30+s18+$0x0], vm0;
	vm5 =	vgt.f32 v27, v31;
	vm1 =	vmand vm1, vm4  }
0x366: {  	v20 =	vsel vm3, v26, v20;
	v26 =	vld [tilespmem:$0x5010];
	vm1 =	vmor vm5, vm1  }
0x367: {  	v21 =	vsel vm3, v57, v21;
	v23 =	vsel vm2, v60, v23;
	v63 =	vsel vm1, v27, v31  }
0x368: {  	v27 =	vsel vm1, v31, v27;
	v31 =	vsel vm1, v62, v28;
	v28 =	vsel vm1, v28, v62  }
0x369: {  	v24 =	vsel vm2, v61, v24;
	vm2 =	veq.f32 v27, v58;
	vm3 =	vlt.s32 v28, v29  }
0x36a: {  	v40 =	vld [tilespmem:$0x17800];
	vm1 =	vgt.f32 v27, v58;
	v30 =	vnsel vm0, $0xBF800000, v30;
	vm0 =	vmand vm2, vm3  }
0x36b: {  	vm3 =	vlt.s32 v26, v21;
	vm2 =	veq.f32 v30, v20;
	vm1 =	vmor vm1, vm0  }
0x36c: {  	vm0 =	vgt.f32 v30, v20;
	vm2 =	vmand vm2, vm3;
	v41 =	vsel vm1, v27, v58  }
0x36d: {  	v36 =	vsel vm1, v28, v29;
	v27 =	vsel vm1, v58, v27;
	vm2 =	vmor vm0, vm2  }
0x36e: {  	v28 =	vsel vm1, v29, v28;
	v42 =	vsel vm2, v20, v30;
	v43 =	vsel vm2, v21, v26  }
0x36f: {  	vm0 =	vgt.s32 v40, $0xFFFFFFFF;
	vm3 =	veq.f32 v42, v23;
	vm4 =	vlt.s32 v43, v24  }
0x370: {  	vm5 =	veq.f32 v27, v22;
	vm1 =	vgt.f32 v42, v23;
	vm3 =	vmand vm3, vm4  }
0x371: {  	v20 =	vsel vm2, v30, v20;
	vm4 =	vgt.f32 v27, v22;
	vm1 =	vmor vm1, vm3  }
0x372: {  	vm3 =	vlt.s32 v28, v25;
	v29 =	vsel vm1, v23, v42;
	v44 =	vsel vm1, v24, v43  }
0x373: {  	vm3 =	vmand vm5, vm3;
	vm5 =	veq.f32 v29, v63;
	vm6 =	vlt.s32 v44, v31  }
0x374: {  	v45 =	vld [tilespmem:$0x5800];
	vm3 =	vmor vm4, vm3;
	vm4 =	vgt.f32 v29, v63;
	vm5 =	vmand vm5, vm6  }
0x375: {  	v22 =	vsel vm3, v27, v22;
	v25 =	vsel vm3, v28, v25;
	v27 =	vld.idx.msk [tilespmem:v40+s18+$0x0], vm0;
	vm3 =	vmor vm4, vm5  }
0x376: {  	v21 =	vsel vm2, v26, v21;
	v28 =	vsel vm3, v63, v29;
	v30 =	vsel vm3, v31, v44  }
0x377: {  	v26 =	vld [tilespmem:$0x17810];
	v23 =	vsel vm1, v42, v23;
	vm2 =	veq.f32 v28, v41;
	vm4 =	vlt.s32 v30, v36  }
0x378: {  	v24 =	vsel vm1, v43, v24;
	vm5 =	vgt.f32 v28, v41;
	vm2 =	vmand vm2, vm4  }
0x379: {  	v29 =	vsel vm3, v29, v63;
	v31 =	vsel vm3, v44, v31;
	vm1 =	vmor vm5, vm2  }
0x37a: {  	v27 =	vnsel vm0, $0xBF800000, v27;
	vm2 =	vlt.s32 v45, v21;
	v46 =	vsel vm1, v28, v41  }
0x37b: {  	v28 =	vsel vm1, v41, v28;
	vm0 =	veq.f32 v27, v20;
	vm3 =	vgt.f32 v27, v20  }
0x37c: {  	v47 =	vsel vm1, v36, v30;
	vm2 =	vmand vm0, vm2;
	vm0 =	vgt.s32 v26, $0xFFFFFFFF  }
0x37d: {  	v30 =	vsel vm1, v30, v36;
	vm4 =	vgt.f32 v28, v22;
	vm2 =	vmor vm3, vm2  }
0x37e: {  	vm5 =	vlt.s32 v47, v25;
	v48 =	vsel vm2, v20, v27;
	v49 =	vsel vm2, v21, v45  }
0x37f: {  	vm3 =	veq.f32 v28, v22;
	vm6 =	veq.f32 v48, v23;
	vm7 =	vlt.s32 v49, v24  }
0x380: {  	v51 =	vld [tilespmem:$0x5810];
	vm3 =	vmand vm3, vm5;
	vm5 =	vgt.f32 v48, v23;
	vm6 =	vmand vm6, vm7  }
0x381: {  	v20 =	vsel vm2, v27, v20;
	vm1 =	vmor vm4, vm3;
	vm3 =	vmor vm5, vm6  }
0x382: {  	v22 =	vsel vm1, v28, v22;
	v28 =	vsel vm3, v23, v48;
	v50 =	vsel vm3, v24, v49;
	v26 =	vld.idx.msk [tilespmem:v26+s18+$0x0], vm0  }
0x383: {  	v25 =	vsel vm1, v47, v25;
	vm1 =	veq.f32 v28, v29;
	vm4 =	vlt.s32 v50, v31  }
0x384: {  	v21 =	vsel vm2, v45, v21;
	vm5 =	vgt.f32 v28, v29;
	vm1 =	vmand vm1, vm4  }
0x385: {  	v45 =	vimm.s32 $0x0;
	vm2 =	vlt.s32 v51, v21;
	vm1 =	vmor vm5, vm1  }
0x386: {  	v23 =	vsel vm3, v48, v23;
	v24 =	vsel vm3, v49, v24;
	v27 =	vsel vm1, v28, v29  }
0x387: {  	v52 =	vsel vm1, v50, v31;
	v28 =	vsel vm1, v29, v28;
	v26 =	vnsel vm0, $0xBF800000, v26  }
0x388: {  	v29 =	vsel vm1, v31, v50;
	vm0 =	veq.f32 v28, v46;
	vm1 =	veq.f32 v26, v20  }
0x389: {  	vm3 =	vlt.s32 v29, v30;
	vm4 =	vgt.f32 v26, v20;
	vm1 =	vmand vm1, vm2  }
0x38a: {  	vm0 =	vmand vm0, vm3;
	vm2 =	vgt.f32 v28, v46;
	vm1 =	vmor vm4, vm1  }
0x38b: {  	vm0 =	vmor vm2, vm0;
	v20 =	vsel vm1, v20, v26;
	v21 =	vsel vm1, v21, v51  }
0x38c: {  	s29 =	simm.s32 $0x4020;
	v26 =	vsel vm0, v28, v46;
	vm1 =	veq.f32 v20, v23;
	vm2 =	vlt.s32 v21, v24  }
0x38d: {  	s0 =	simm.s32 $0x16020;
	v39 =	vld [tilespmem:s29+$0x10];
	v28 =	vsel vm0, v46, v28;
	vm3 =	vgt.f32 v20, v23;
	vm1 =	vmand vm1, vm2  }
0x38e: {  	v54 =	vld [tilespmem:s0+$0x0];
	v53 =	vsel vm0, v30, v29;
	vm2 =	vgt.f32 v28, v22;
	vm1 =	vmor vm3, vm1  }
0x38f: {  	v31 =	vld [tilespmem:s0+$0x10];
	vm3 =	veq.f32 v28, v22;
	v20 =	vsel vm1, v23, v20;
	v23 =	vsel vm1, v24, v21  }
0x390: {  	v55 =	vld [tilespmem:s0+$0xFFFFFFE0];
	vm1 =	vlt.s32 v53, v25;
	vm4 =	veq.f32 v20, v27;
	vm5 =	vlt.s32 v23, v52  }
0x391: {  	v24 =	vld [tilespmem:s0+$0xFFFFFFF0];
	vm1 =	vmand vm3, vm1;
	vm3 =	vgt.f32 v20, v27;
	vm4 =	vmand vm4, vm5  }
0x392: {  	s31 =	simm.s32 $0x16060;
	v56 =	vld [tilespmem:s29+$0xFFFFFFE0];
	v29 =	vsel vm0, v29, v30;
	vm1 =	vmor vm2, vm1;
	vm0 =	vmor vm3, vm4  }
0x393: {  	v57 =	vld [tilespmem:s31+$0x0];
	vm4 =	vgt.s32 v54, $0xFFFFFFFF;
	v27 =	vsel vm0, v27, v20;
	v23 =	vsel vm0, v52, v23  }
0x394: {  	v59 =	vld [tilespmem:s31+$0xFFFFFFE0];
	vm0 =	vgt.s32 v31, $0xFFFFFFFF;
	vm2 =	veq.f32 v27, v26;
	vm3 =	vlt.s32 v23, v29  }
0x395: {  	v58 =	vld [tilespmem:s31+$0xFFFFFFF0];
	v22 =	vsel vm1, v28, v22;
	vm5 =	vgt.f32 v27, v26;
	vm2 =	vmand vm2, vm3  }
0x396: {  	v30 =	vld [tilespmem:s31+$0x10];
	v28 =	vsel vm1, v53, v25;
	vm3 =	vgt.s32 v24, $0xFFFFFFFF;
	vm2 =	vmor vm5, vm2  }
0x397: {  	v21 =	vld [tilespmem:s29+$0x0];
	vm5 =	vgt.s32 v55, $0xFFFFFFFF;
	v25 =	vsel vm2, v26, v27;
	v23 =	vsel vm2, v29, v23  }
0x398: {  	v20 =	vld [tilespmem:s29+$0xFFFFFFF0];
	vm7 =	vmmov vm0;
	vm1 =	veq.f32 v25, v22;
	vm2 =	vlt.s32 v23, v28  }
0x399: {  	vm8 =	vmmov vm3;
	vm6 =	vgt.f32 v25, v22;
	v27 =	vld.idx.msk [tilespmem:v54+s18+$0x0], vm4;
	vm1 =	vmand vm1, vm2  }
0x39a: {  	v26 =	vld.idx.msk [tilespmem:v31+s18+$0x0], vm0;
	v31 =	vimm.s32 $0x0;
	vm2 =	vgt.s32 v59, $0xFFFFFFFF;
	vm1 =	vmor vm6, vm1  }
0x39b: {  	vm6 =	vmmov vm4;
	vm4 =	vgt.s32 v30, $0xFFFFFFFF;
	v25 =	vsel vm1, v25, v22  }
0x39c: {  	v28 =	vsel vm1, v23, v28;
	v23 =	vld.idx.msk [tilespmem:v24+s18+$0x0], vm3;
	v22 =	vshll.u32 v31, $0x4;
	vm1 =	vgt.s32 v57, $0xFFFFFFFF  }
0x39d: {  	vm3 =	vgt.s32 v58, $0xFFFFFFFF;
	v24 =	vld.idx.msk [tilespmem:v55+s18+$0x0], vm5;
	v41 =	vor.u32 v1, v22;
	vm5 =	vmmov vm5  }
0x39e: {  	vm9 =	vle.s32 v20, v28;
	vm0 =	vle.s32 v21, v28;
	vm10 =	vle.s32 v39, v28  }
0x39f: {  	vm11 =	vle.s32 v56, v28;
	v27 =	vnsel vm6, $0xBF800000, v27;
	v43 =	vnsel vm7, $0xBF800000, v26  }
0x3a0: {  	vm6 =	vgt.f32 v27, v25;
	vm14 =	veq.f32 v27, v25;
	vm7 =	vmmov vm1  }
0x3a1: {  	s31 =	simm.s32 $0x4060;
	vm12 =	veq.f32 v43, v25;
	vm0 =	vmand vm0, vm14;
	vm14 =	vmmov vm3  }
0x3a2: {  	v29 =	vld [tilespmem:s31+$0xFFFFFFE0];
	v26 =	vnsel vm8, $0xBF800000, v23;
	vm8 =	vgt.f32 v43, v25;
	vm10 =	vmand vm10, vm12  }
0x3a3: {  	v23 =	vld [tilespmem:s31+$0xFFFFFFF0];
	vm0 =	vmor vm6, vm0;
	vm12 =	vmmov vm2;
	v42 =	vnsel vm5, $0xBF800000, v24  }
0x3a4: {  	v22 =	vld [tilespmem:s31+$0x10];
	vm13 =	vgt.f32 v26, v25;
	v45 =	vsel vm0, $0xFFFFFFFF, v45;
	v60 =	vsel vm0, $0x1, v18  }
0x3a5: {  	v24 =	vld [tilespmem:s31+$0x0];
	s31 =	simm.s32 $0x160A0;
	vm10 =	vmor vm8, vm10;
	vm5 =	veq.f32 v42, v25;
	vm15 =	vgt.f32 v42, v25  }
0x3a6: {  	v35 =	vld [tilespmem:s31+$0x10];
	v61 =	vsel vm10, $0x1, v18;
	vm5 =	vmand vm11, vm5;
	vm11 =	veq.f32 v26, v25  }
0x3a7: {  	v33 =	vld [tilespmem:s31+$0x0];
	vm5 =	vmor vm15, vm5;
	vm9 =	vmand vm9, vm11;
	vm11 =	vmmov vm4  }
0x3a8: {  	v36 =	vld [tilespmem:s31+$0xFFFFFFF0];
	v40 =	vsel vm5, $0x1, v18;
	vm9 =	vmor vm13, vm9;
	vm8 =	vle.s32 v23, v28  }
0x3a9: {  	vm13 =	vle.s32 v29, v28;
	v31 =	vadd.s32 v40, v31;
	v44 =	vsel vm9, $0x1, v18;
	v40 =	vld [tilespmem:s31+$0xFFFFFFE0];
	[tilespmem:$0x1FF60] =	vst v45  }
0x3aa: {  	vm0 =	vmmov vm9;
	vm6 =	vle.s32 v24, v28;
	v44 =	vadd.s32 v44, v31;
	v46 =	vld.idx.msk [tilespmem:v30+s18+$0x0], vm4  }
0x3ab: {  	vm9 =	vle.s32 v22, v28;
	v47 =	vld.idx.msk [tilespmem:v57+s18+$0x0], vm1;
	v31 =	vshll.u32 v31, $0x4;
	v30 =	vadd.s32 v60, v44  }
0x3ac: {  	v49 =	vld.idx.msk [tilespmem:v59+s18+$0x0], vm2;
	v62 =	vshll.u32 v44, $0x4;
	v32 =	vor.u32 v1, v31;
	v48 =	vshll.u32 v30, $0x4  }
0x3ad: {  	v63 =	vld.idx.msk [tilespmem:v58+s18+$0x0], vm3;
	v31 =	vimm.s32 $0x0;
	v44 =	vadd.s32 v61, v30;
	v48 =	vor.u32 v1, v48  }
0x3ae: {  	vm4 =	vgt.s32 v33, $0xFFFFFFFF;
	v31 =	vsel vm0, $0xFFFFFFFF, v31;
	v30 =	vshll.u32 v44, $0x4;
	[tilespmem:v41+s21+$0x0] =	vst.idx.msk vm5, v42  }
0x3af: {  	s0 =	simm.s32 $0x40A0;
	vm2 =	vgt.s32 v36, $0xFFFFFFFF;
	v38 =	vor.u32 v1, v62;
	v30 =	vor.u32 v1, v30;
	[tilespmem:$0x1FF70] =	vst v31  }
0x3b0: {  	vm3 =	vgt.s32 v40, $0xFFFFFFFF;
	v42 =	vld [tilespmem:s0+$0x10];
	v31 =	vnsel vm11, $0xBF800000, v46;
	v45 =	vnsel vm7, $0xBF800000, v47  }
0x3b1: {  	[tilespmem:v41+s22+$0x0] =	vst.idx.msk vm5, v56;
	v41 =	vld [tilespmem:s0+$0x0];
	v37 =	vnsel vm12, $0xBF800000, v49;
	vm12 =	vgt.f32 v45, v25;
	vm11 =	vgt.f32 v31, v25  }
0x3b2: {  	v34 =	vld [tilespmem:s0+$0xFFFFFFE0];
	vm7 =	veq.f32 v45, v25;
	[tilespmem:v48+s21+$0x0] =	vst.idx.msk vm10, v43;
	v43 =	vnsel vm14, $0xBF800000, v63;
	vm14 =	veq.f32 v31, v25  }
0x3b3: {  	s30 =	simm.s32 $0x160E0;
	s29 =	simm.s32 $0x8;
	vm5 =	vgt.s32 v35, $0xFFFFFFFF;
	[tilespmem:v48+s22+$0x0] =	vst.idx.msk vm10, v39;
	v39 =	vld [tilespmem:s0+$0xFFFFFFF0];
	vm10 =	veq.f32 v37, v25;
	vm15 =	vgt.f32 v43, v25  }
.LBB2_24:
0x3b4: {  	v47 =	vld [tilespmem:$0x1FF60];
	_ =	sdelay $0x3  }
0x3b5: {  	v46 =	vimm.s32 $0x0  }
0x3b6: {  	v46 =	vsel vm2, $0xFFFFFFFF, v46;
	vm2 =	vnez.u8 v47;
	_ =	sdelay $0x5  }
0x3b7: {  	[tilespmem:v38+s21+$0x0] =	vst.idx.msk vm2, v27  }
0x3b8: {  	v60 =	vld [tilespmem:s30+$0x0]  }
0x3b9: {  	[tilespmem:v38+s22+$0x0] =	vst.idx.msk vm2, v21;
	v21 =	vmov v24;
	v24 =	vld [tilespmem:$0x1FF70];
	_ =	sdelay $0x4  }
0x3ba: {  	vm2 =	vnez.u8 v24  }
0x3bb: {  	vm0 =	vgt.f32 v37, v25;
	vm13 =	vmand vm13, vm10;
	vm1 =	veq.f32 v43, v25;
	[tilespmem:$0x1FF40] =	vst v46  }
0x3bc: {  	vm10 =	vmmov vm4;
	v59 =	vimm.s32 $0x0;
	v49 =	vimm.s32 $0x0;
	v56 =	vld [tilespmem:$0x1FF40]  }
0x3bd: {  	v58 =	vld [tilespmem:s30+$0x10];
	vm13 =	vmor vm0, vm13;
	vm0 =	vmand vm8, vm1;
	vm1 =	vmand vm9, vm14  }
0x3be: {  	v61 =	vsel vm13, $0x1, v18;
	vm8 =	vmor vm15, vm0;
	vm0 =	vmand vm6, vm7  }
0x3bf: {  	v48 =	vld.idx.msk [tilespmem:v35+s18+$0x0], vm5;
	vm11 =	vmor vm11, vm1;
	v62 =	vsel vm8, $0x1, v18;
	vm0 =	vmor vm12, vm0  }
0x3c0: {  	v50 =	vsel vm11, $0x1, v18;
	v52 =	vsel vm0, $0xFFFFFFFF, v49;
	v53 =	vsel vm0, $0x1, v18;
	v47 =	vmovc v42;
	v42 =	vld [tilespmem:s30+$0xFFFFFFF0];
	[tilespmem:v32+s21+$0x0] =	vst.idx.msk vm2, v26  }
0x3c1: {  	vm0 =	vmmov vm8;
	v27 =	vmovc v45;
	v45 =	vsel vm10, $0xFFFFFFFF, v59;
	v59 =	vld.idx.msk [tilespmem:v40+s18+$0x0], vm3;
	[tilespmem:v32+s22+$0x0] =	vst.idx.msk vm2, v20;
	vm2 =	vnez.u8 v56  }
0x3c2: {  	v35 =	vmovc v58;
	vm9 =	vle.s32 v47, v28;
	vm10 =	vmmov vm5;
	v38 =	vadd.s32 v61, v44;
	v24 =	vmovc v41;
	v41 =	vld [tilespmem:s30+$0xFFFFFFE0]  }
0x3c3: {  	vm5 =	vgt.s32 v35, $0xFFFFFFFF;
	[tilespmem:$0x1FF50] =	vst v45;
	v63 =	vadd.s32 v62, v38;
	v54 =	vld.idx.msk [tilespmem:v33+s18+$0x0], vm4;
	v58 =	vshll.u32 v38, $0x4  }
0x3c4: {  	v62 =	vimm.s32 $0x0;
	v55 =	vshll.u32 v63, $0x4;
	[tilespmem:v30+s21+$0x0] =	vst.idx.msk vm13, v37;
	v32 =	vadd.s32 v53, v63;
	v63 =	vld [tilespmem:$0x1FF50]  }
0x3c5: {  	v38 =	vor.u32 v1, v55;
	[tilespmem:v30+s22+$0x0] =	vst.idx.msk vm13, v29;
	v29 =	vmovc v34;
	v34 =	vsel vm0, $0xFFFFFFFF, v62;
	v51 =	vshll.u32 v32, $0x4  }
0x3c6: {  	v33 =	vmovc v60;
	vm0 =	vmmov vm3;
	vm6 =	vle.s32 v24, v28;
	v60 =	vor.u32 v1, v51  }
0x3c7: {  	s29 =	sadd.s32 $0x4, s29;
	vm4 =	vgt.s32 v33, $0xFFFFFFFF;
	vm13 =	vle.s32 v29, v28;
	v37 =	vnsel vm0, $0xBF800000, v59;
	v40 =	vmovc v41;
	v57 =	vld.idx.msk [tilespmem:v36+s18+$0x0], vm2  }
0x3c8: {  	p0 =	slt.u32 s29, $0x1FC;
	[tilespmem:$0x1FF60] =	vst v52;
	vm3 =	vgt.s32 v40, $0xFFFFFFFF;
	v20 =	vmovc v23;
	v23 =	vmovc v39;
	v44 =	vadd.s32 v50, v32;
	vm1 =	vmmov vm2  }
.Ltmp19:
0x3c9: {  	s0 =	sadd.s32 $0x40, s0;
	[tilespmem:$0x1FF70] =	vst v34;
	vm8 =	vle.s32 v23, v28;
	v32 =	vshll.u32 v44, $0x4;
	vm0 =	vnez.u8 v63;
	(pc) =	sbr.rel @p0 .LBB2_24-.Ltmp19, $4  }
0x3ca: {  	v34 =	vld [tilespmem:s0+$0xFFFFFFE0];
	v26 =	vmovc v43;
	v61 =	vor.u32 v1, v32;
	v32 =	vor.u32 v1, v58;
	v36 =	vmovc v42;
	v45 =	vnsel vm0, $0xBF800000, v54  }
0x3cb: {  	v30 =	vmovc v61;
	v42 =	vld [tilespmem:s0+$0x10];
	vm2 =	vgt.s32 v36, $0xFFFFFFFF;
	[tilespmem:v60+s21+$0x0] =	vst.idx.msk vm11, v31;
	v31 =	vnsel vm10, $0xBF800000, v48;
	vm12 =	vgt.f32 v45, v25  }
0x3cc: {  	v41 =	vld [tilespmem:s0+$0x0];
	vm10 =	veq.f32 v37, v25;
	vm7 =	veq.f32 v45, v25;
	[tilespmem:v60+s22+$0x0] =	vst.idx.msk vm11, v22;
	v43 =	vnsel vm1, $0xBF800000, v57  }
0x3cd: {  	s30 =	sadd.s32 $0x40, s30;
	v39 =	vld [tilespmem:s0+$0xFFFFFFF0];
	v22 =	vmovc v47;
	vm11 =	vgt.f32 v31, v25;
	vm14 =	veq.f32 v31, v25;
	vm15 =	vgt.f32 v43, v25  }
0x3ce: {  	_ =	sdelay $0x3  }
0x3cf: {  	vm0 =	vmand vm13, vm10  }
0x3d0: {  	vm1 =	vgt.f32 v37, v25;
	vm13 =	veq.f32 v43, v25;
	vm14 =	vmand vm9, vm14;
	v35 =	vld.idx.msk [tilespmem:v35+s18+$0x0], vm5  }
0x3d1: {  	vm7 =	vmand vm6, vm7;
	v40 =	vld.idx.msk [tilespmem:v40+s18+$0x0], vm3;
	vm9 =	vmmov vm5;
	vm10 =	vmor vm1, vm0  }
0x3d2: {  	v36 =	vld.idx.msk [tilespmem:v36+s18+$0x0], vm2;
	vm13 =	vmand vm8, vm13;
	vm6 =	vmor vm12, vm7;
	vm0 =	vmmov vm4  }
0x3d3: {  	v33 =	vld.idx.msk [tilespmem:v33+s18+$0x0], vm4;
	vm4 =	vmor vm11, vm14;
	vm11 =	vmmov vm3;
	vm12 =	vmmov vm2  }
0x3d4: {  	vm8 =	vmor vm15, vm13;
	v46 =	vsel vm10, $0x1, v18;
	v47 =	vsel vm6, $0x1, v18  }
0x3d5: {  	vm14 =	vle.s32 v42, v28;
	v44 =	vadd.s32 v46, v44;
	v60 =	vsel vm8, $0x1, v18  }
0x3d6: {  	vm15 =	vle.s32 v34, v28;
	v61 =	vsel vm4, $0x1, v18;
	v46 =	vadd.s32 v60, v44  }
0x3d7: {  	vm13 =	vle.s32 v39, v28;
	v47 =	vadd.s32 v47, v46;
	v35 =	vnsel vm9, $0xBF800000, v35  }
0x3d8: {  	v62 =	vld [tilespmem:$0x1FF60];
	v40 =	vnsel vm11, $0xBF800000, v40;
	v36 =	vnsel vm12, $0xBF800000, v36;
	v33 =	vnsel vm0, $0xBF800000, v33  }
0x3d9: {  	vm7 =	veq.f32 v40, v25;
	vm9 =	vgt.f32 v40, v25;
	vm12 =	veq.f32 v36, v25  }
0x3da: {  	vm11 =	veq.f32 v35, v25;
	vm1 =	vmand vm15, vm7;
	vm0 =	vmand vm13, vm12  }
0x3db: {  	vm13 =	vgt.f32 v36, v25;
	vm7 =	vmand vm14, vm11;
	vm14 =	vle.s32 v41, v28  }
0x3dc: {  	vm15 =	veq.f32 v33, v25;
	v28 =	vadd.s32 v61, v47;
	vm11 =	vgt.f32 v35, v25  }
0x3dd: {  	vm2 =	vmor vm9, vm1;
	vm3 =	vmor vm13, vm0;
	vm13 =	vnez.u8 v62  }
0x3de: {  	vm0 =	vmand vm14, vm15;
	vm9 =	vgt.f32 v33, v25;
	v48 =	vsel vm2, $0x1, v18  }
0x3df: {  	vm5 =	vmor vm9, vm0;
	v25 =	vsel vm3, $0x1, v18;
	v48 =	vadd.s32 v48, v28  }
0x3e0: {  	vm12 =	vmor vm11, vm7;
	v49 =	vadd.s32 v25, v48;
	v25 =	vsel vm5, $0x1, v18  }
0x3e1: {  	v50 =	vadd.s32 v25, v49;
	v25 =	vsel vm12, $0x1, v18  }
0x3e2: {  	v25 =	vadd.s32 v25, v50  }
0x3e3: {  	v51 =	vxor.u32 $0x80000000, v25;
	[tilespmem:v38+s21+$0x0] =	vst.idx.msk vm13, v27  }
0x3e4: {  	v27 =	vshll.u32 v47, $0x4;
	(xrf0) =	vmax.scan.msk.u32 $0xffff, v51;
	[tilespmem:v38+s22+$0x0] =	vst.idx.msk vm13, v21  }
0x3e5: {  	v21 =	vor.u32 v1, v27;
	v27 =	vld [tilespmem:$0x1FF70];
	_ =	sdelay $0x4  }
0x3e6: {  	v63, _, _ =	vpop (xrf0);
	vm14 =	vnez.u8 v27  }
0x3e7: {  	(v2sf) =	vpush v63, $0xF;
	_ =	sdelay $0x4  }
0x3e8: {  	[tilespmem:v32+s21+$0x0] =	vst.idx.msk vm14, v26;
	v26 =	vshll.u32 v46, $0x4  }
0x3e9: {  	[tilespmem:v32+s22+$0x0] =	vst.idx.msk vm14, v20;
	v20 =	vor.u32 v1, v26  }
0x3ea: {  	[tilespmem:v21+s21+$0x0] =	vst.idx.msk vm4, v31;
	v27 =	vshll.u32 v28, $0x4  }
0x3eb: {  	[tilespmem:v21+s22+$0x0] =	vst.idx.msk vm4, v22;
	v21 =	vor.u32 v1, v27;
	v26 =	vshll.u32 v44, $0x4  }
0x3ec: {  	[tilespmem:v30+s21+$0x0] =	vst.idx.msk vm10, v37;
	v26 =	vor.u32 v1, v26  }
0x3ed: {  	[tilespmem:v30+s22+$0x0] =	vst.idx.msk vm10, v29  }
0x3ee: {  	v22 =	vshll.u32 v50, $0x4;
	[tilespmem:v20+s21+$0x0] =	vst.idx.msk vm6, v45  }
0x3ef: {  	[tilespmem:v20+s22+$0x0] =	vst.idx.msk vm6, v24;
	v20 =	vor.u32 v1, v22  }
0x3f0: {  	[tilespmem:v21+s21+$0x0] =	vst.idx.msk vm2, v40;
	v22 =	vshll.u32 v49, $0x4  }
0x3f1: {  	[tilespmem:v26+s21+$0x0] =	vst.idx.msk vm8, v43;
	v22 =	vor.u32 v1, v22  }
0x3f2: {  	[tilespmem:v26+s22+$0x0] =	vst.idx.msk vm8, v23;
	v23 =	vshll.u32 v48, $0x4;
	s0 =	spop (v2sf)  }
0x3f3: {  	[tilespmem:v21+s22+$0x0] =	vst.idx.msk vm2, v34;
	v21 =	vor.u32 v1, v23;
	s0 =	sxor.u32 $0x80000000, s0  }
0x3f4: {  	[tilespmem:v20+s21+$0x0] =	vst.idx.msk vm12, v35;
	p0 =	slt.s32 s0, $0x1  }
.Ltmp20:
0x3f5: {  	[tilespmem:v20+s22+$0x0] =	vst.idx.msk vm12, v42;
	(pc) =	sbr.rel @p0 .LBB2_26-.Ltmp20, $4  }
0x3f6: {  	[tilespmem:v22+s21+$0x0] =	vst.idx.msk vm5, v33  }
0x3f7: {  	[tilespmem:v22+s22+$0x0] =	vst.idx.msk vm5, v41  }
0x3f8: {  	[tilespmem:v21+s21+$0x0] =	vst.idx.msk vm3, v36  }
0x3f9: {  	vm15 =	vmmov vm8;
	vm0 =	vmmov vm3;
	v20 =	vimm.s32 $0x0;
	[tilespmem:v21+s22+$0x0] =	vst.idx.msk vm3, v39  }
0x3fa: {  	p2 =	sne.s32 s0, $0x1  }
.Ltmp21:
0x3fb: {  	_ = 	snop;
	(pc) =	sbr.rel @!p2 .LBB2_36-.Ltmp21, $3  }
0x3fc: {  	_ =	sdelay $0x1  }
0x3fd: {  	s29 =	simm.s32 $0x0  }
0x3fe: {  	v21 =	vimm.f32 $0.0e+00;
	s30 =	simm.s32 $0x1;
	p0 =	por $0x0, $0x0;
	p1 =	por $0x0, $0x0;
	v39 =	vmov s29  }
0x3ff: {  	vm0 =	vlt.s32 v39, v25;
	v22 =	vshll.u32 v39, $0x4  }
0x400: {  	v22 =	vor.u32 v1, v22;
	_ =	sdelay $0x4  }
0x401: {  	v24 =	vld.idx.msk [tilespmem:v22+s21+$0x0], vm0  }
0x402: {  	v23 =	vld.idx.msk [tilespmem:v22+s22+$0x0], vm0;
	_ =	sdelay $0x1  }
0x403: {  	p2 =	sne.s32 s0, $0x2  }
.Ltmp22:
0x404: {  	_ = 	snop;
	(pc) =	sbr.rel @!p2 .LBB2_38-.Ltmp22, $4  }
0x405: {  	v22 =	vnsel vm0, $0xBF800000, v24  }
0x406: {  	vm1 =	vlt.s32 v23, v20;
	vm0 =	veq.f32 v22, v21  }
0x407: {  	vm2 =	vgt.f32 v22, v21;
	vm0 =	vmand vm0, vm1  }
0x408: {  	s29 =	simm.s32 $0x2;
	v39 =	vmov s30;
	p0 =	por $0x1, $0x1;
	vm0 =	vmor vm2, vm0  }
0x409: {  	vm1 =	vlt.s32 v39, v25;
	v24 =	vshll.u32 v39, $0x4  }
0x40a: {  	v27 =	vsel vm0, v20, v23;
	v26 =	vsel vm0, v21, v22;
	v24 =	vor.u32 v1, v24  }
0x40b: {  	vm2 =	vlt.s32 v27, v20;
	vm3 =	veq.f32 v26, v21  }
0x40c: {  	v29 =	vsel vm0, v23, v20;
	vm4 =	vgt.f32 v26, v21;
	vm2 =	vmand vm3, vm2  }
0x40d: {  	v39 =	vmov s29;
	v36 =	vimm.s32 $0x0;
	vm2 =	vmor vm4, vm2  }
0x40e: {  	v33 =	vimm.s32 $0x0;
	v30 =	vsel vm2, v21, v26;
	v31 =	vsel vm2, v20, v27  }
0x40f: {  	v37 =	vimm.f32 $0.0e+00;
	vm3 =	veq.f32 v30, v21;
	vm14 =	vlt.s32 v31, v20;
	v32 =	vld.idx.msk [tilespmem:v24+s21+$0x0], vm1  }
0x410: {  	v28 =	vsel vm2, v26, v21;
	vm5 =	vgt.f32 v30, v21;
	vm3 =	vmand vm3, vm14;
	v23 =	vld.idx.msk [tilespmem:v24+s22+$0x0], vm1  }
0x411: {  	v26 =	vsel vm0, v22, v21;
	v27 =	vsel vm2, v27, v20;
	vm3 =	vmor vm5, vm3  }
0x412: {  	p2 =	sne.s32 s0, $0x3;
	v34 =	vsel vm3, v21, v30;
	v30 =	vsel vm3, v30, v21;
	v38 =	vsel vm3, v20, v31  }
.Ltmp23:
0x413: {  	v31 =	vsel vm3, v31, v20;
	vm2 =	veq.f32 v34, v21;
	vm15 =	vlt.s32 v38, v20;
	(pc) =	sbr.rel @!p2 .LBB2_40-.Ltmp23, $4  }
0x414: {  	vm0 =	vgt.f32 v34, v21;
	v22 =	vnsel vm1, $0xBF800000, v32;
	vm1 =	vmand vm2, vm15  }
0x415: {  	vm3 =	vlt.s32 v23, v29;
	v32 =	vimm.f32 $0.0e+00;
	vm2 =	veq.f32 v22, v26  }
0x416: {  	vm1 =	vmor vm0, vm1;
	vm0 =	vgt.f32 v22, v26;
	vm2 =	vmand vm2, vm3  }
0x417: {  	s29 =	simm.s32 $0x3;
	p1 =	por $0x1, $0x1;
	v35 =	vsel vm1, v21, v34;
	v24 =	vsel vm1, v38, v20;
	vm0 =	vmor vm0, vm2  }
.LBB2_41:
0x418: {  	vm2 =	vlt.s32 v39, v25;
	v39 =	vshll.u32 v39, $0x4;
	vm3 =	veq.f32 v35, v32;
	s30 =	smov.u32 s29;
	s29 =	sadd.s32 $0x1, s29  }
0x419: {  	v40 =	vsel vm0, v29, v23;
	v38 =	vsel vm1, v36, v38;
	v36 =	vmovc v24;
	p2 =	sne.s32 s0, s29;
	v39 =	vor.u32 v1, v39  }
0x41a: {  	v41 =	vsel vm0, v26, v22;
	vm5 =	vgt.f32 v35, v32;
	vm4 =	vlt.s32 v40, v27  }
0x41b: {  	vm6 =	vgt.f32 v41, v28;
	vm7 =	veq.f32 v41, v28;
	vm8 =	vlt.s32 v38, v33  }
0x41c: {  	v37 =	vsel vm1, v34, v37;
	vm4 =	vmand vm7, vm4;
	vm1 =	vmand vm3, vm8  }
0x41d: {  	v29 =	vsel vm0, v23, v29;
	vm3 =	vmor vm6, vm4;
	vm1 =	vmor vm5, vm1  }
0x41e: {  	v43 =	vsel vm3, v28, v41;
	v44 =	vsel vm3, v27, v40;
	v32 =	vsel vm1, v35, v32;
	v42 =	vld.idx.msk [tilespmem:v39+s21+$0x0], vm2  }
0x41f: {  	v33 =	vsel vm1, v38, v33;
	vm4 =	veq.f32 v43, v30;
	vm5 =	vlt.s32 v44, v31;
	v23 =	vld.idx.msk [tilespmem:v39+s22+$0x0], vm2  }
0x420: {  	v28 =	vsel vm3, v41, v28;
	vm1 =	vgt.f32 v43, v30;
	vm4 =	vmand vm4, vm5  }
0x421: {  	v26 =	vsel vm0, v22, v26;
	v27 =	vsel vm3, v40, v27;
	vm0 =	vmor vm1, vm4  }
0x422: {  	v34 =	vsel vm0, v30, v43;
	v30 =	vsel vm0, v43, v30;
	v38 =	vsel vm0, v31, v44  }
.Ltmp24:
0x423: {  	vm1 =	vgt.f32 v34, v37;
	vm3 =	veq.f32 v34, v37;
	vm4 =	vlt.s32 v38, v24;
	(pc) =	sbr.rel @p2 .LBB2_41-.Ltmp24, $4  }
0x424: {  	v31 =	vsel vm0, v44, v31;
	vm0 =	vmand vm3, vm4;
	v22 =	vnsel vm2, $0xBF800000, v42  }
0x425: {  	vm1 =	vmor vm1, vm0;
	vm2 =	veq.f32 v22, v26;
	vm3 =	vlt.s32 v23, v29  }
0x426: {  	vm0 =	vgt.f32 v22, v26;
	v35 =	vsel vm1, v37, v34;
	vm2 =	vmand vm2, vm3  }
0x427: {  	v39 =	vmov s30;
	v24 =	vsel vm1, v38, v24;
	vm0 =	vmor vm0, vm2  }
.LBB2_42:
0x428: {  	vm2 =	vlt.s32 v39, v25  }
0x429: {  	v25 =	vshll.u32 v39, $0x4;
	vm3 =	veq.f32 @p1 v35, v32;
	v39 =	vsel @p0 vm0, v29, v23  }
0x42a: {  	v36 =	vsel @p1 vm1, v36, v38;
	v38 =	vsel @p0 vm0, v26, v22;
	vm5 =	vgt.f32 @p1 v35, v32  }
0x42b: {  	v34 =	vsel @p1 vm1, v34, v37;
	v23 =	vsel @p0 vm0, v23, v29;
	v22 =	vsel @p0 vm0, v22, v26  }
0x42c: {  	v25 =	vor.u32 v1, v25;
	vm4 =	vlt.s32 @p0 v39, v27;
	vm6 =	vgt.f32 @p0 v38, v28  }
0x42d: {  	vm7 =	veq.f32 @p0 v38, v28;
	vm8 =	vlt.s32 @p1 v36, v33;
	v34 =	vpsel p1, v34, v21  }
0x42e: {  	v22 =	vpsel p0, v22, v21;
	vm4 =	vmand @p0 vm7, vm4;
	vm1 =	vmand @p1 vm3, vm8  }
0x42f: {  	v23 =	vpsel p0, v23, v20;
	vm3 =	vmor @p0 vm6, vm4;
	vm1 =	vmor @p1 vm5, vm1  }
0x430: {  	v29 =	vsel @p0 vm3, v28, v38;
	v37 =	vsel @p0 vm3, v27, v39;
	v32 =	vsel @p1 vm1, v35, v32  }
0x431: {  	v33 =	vsel @p1 vm1, v36, v33;
	v28 =	vsel @p0 vm3, v38, v28;
	v26 =	vsel @p0 vm3, v39, v27  }
0x432: {  	vm4 =	veq.f32 @p0 v29, v30;
	vm5 =	vlt.s32 @p0 v37, v31;
	vm1 =	vgt.f32 @p0 v29, v30;
	v40 =	vld.idx.msk [tilespmem:v25+s21+$0x0], vm2  }
0x433: {  	v32 =	vpsel p1, v32, v21;
	v26 =	vpsel p0, v26, v20;
	vm4 =	vmand @p0 vm4, vm5;
	v25 =	vld.idx.msk [tilespmem:v25+s22+$0x0], vm2  }
0x434: {  	v28 =	vpsel p0, v28, v21;
	v33 =	vpsel p1, v33, v20;
	vm0 =	vmor @p0 vm1, vm4  }
0x435: {  	v27 =	vsel @p0 vm0, v30, v29;
	v29 =	vsel @p0 vm0, v29, v30;
	v30 =	vsel @p0 vm0, v31, v37  }
0x436: {  	v31 =	vsel @p0 vm0, v37, v31;
	vm1 =	vgt.f32 @p0 v27, v34;
	vm3 =	veq.f32 @p0 v27, v34  }
0x437: {  	vm4 =	vlt.s32 @p0 v30, v24;
	v29 =	vpsel p0, v29, v21;
	v31 =	vpsel p0, v31, v20  }
0x438: {  	vm0 =	vmand @p0 vm3, vm4;
	v59 =	vnsel vm2, $0xBF800000, v40;
	vm8 =	vlt.s32 v25, v23  }
0x439: {  	vm1 =	vmor @p0 vm1, vm0;
	vm2 =	veq.f32 v59, v22;
	vm9 =	vgt.f32 v59, v22  }
0x43a: {  	v36 =	vsel @p0 vm1, v34, v27;
	v37 =	vsel @p0 vm1, v30, v24;
	vm2 =	vmand vm2, vm8  }
0x43b: {  	v24 =	vpsel p0, v24, v0;
	v30 =	vpsel p0, v30, v0;
	vm0 =	vmor vm9, vm2  }
0x43c: {  	v27 =	vpsel p0, v27, v0;
	v60 =	vsel vm0, v23, v25;
	v22 =	vsel vm0, v22, v59  }
0x43d: {  	v36 =	vpsel p0, v36, v0;
	vm10 =	vlt.s32 v60, v26;
	vm11 =	veq.f32 v22, v28  }
0x43e: {  	vm2 =	vmmov @p0 vm1;
	vm12 =	vgt.f32 v22, v28;
	vm1 =	vmand vm11, vm10  }
0x43f: {  	v61 =	vpsel p0, v37, v20;
	vm3 =	veq.f32 @p0 v36, v32;
	vm1 =	vmor vm12, vm1  }
0x440: {  	vm5 =	vgt.f32 @p0 v36, v32;
	v22 =	vsel vm1, v28, v22;
	v62 =	vsel vm1, v26, v60  }
0x441: {  	v24 =	vsel @p0 vm2, v24, v30;
	vm13 =	veq.f32 v22, v29;
	vm14 =	vlt.s32 v62, v31  }
0x442: {  	v27 =	vsel @p0 vm2, v27, v34;
	vm15 =	vgt.f32 v22, v29;
	vm4 =	vmand vm13, vm14  }
0x443: {  	v27 =	vpsel p0, v27, v21;
	vm2 =	vmor vm15, vm4;
	vm4 =	vlt.s32 @p0 v24, v33  }
0x444: {  	v22 =	vsel vm2, v29, v22;
	v63 =	vsel vm2, v31, v62;
	vm3 =	vmand @p0 vm3, vm4  }
0x445: {  	vm9 =	veq.f32 v22, v27;
	vm10 =	vlt.s32 v63, v61;
	vm3 =	vmor @p0 vm5, vm3  }
0x446: {  	vm11 =	vgt.f32 v22, v27;
	vm6 =	vmand vm9, vm10;
	v30 =	vsel @p0 vm3, v36, v32  }
0x447: {  	v24 =	vsel @p0 vm3, v24, v33;
	vm4 =	vmor vm11, vm6;
	v21 =	vpsel p0, v30, v21  }
.Ltmp25:
0x448: {  	v20 =	vpsel p0, v24, v20;
	v22 =	vsel vm4, v27, v22;
	v24 =	vsel vm4, v61, v63;
	(pc) =	sbr.rel .LBB2_43-.Ltmp25, $4  }
0x449: {  	vm12 =	veq.f32 v22, v21;
	vm13 =	vlt.s32 v24, v20  }
0x44a: {  	vm14 =	vgt.f32 v22, v21;
	vm3 =	vmand vm12, vm13  }
0x44b: {  	v25 =	vsel vm0, v25, v23;
	v23 =	vsel vm4, v63, v61;
	vm15 =	vmor vm14, vm3  }
0x44c: {  	v21 =	vsel vm1, v60, v26;
	v22 =	vsel vm2, v62, v31;
	v24 =	vsel vm15, v24, v20;
	v20 =	vmovc v25  }
.LBB2_28:
.Ltmp26:
0x44d: {  	(pc) =	sbr.rel .LBB2_34-.Ltmp26, $4  }
0x44e: {  	v32 =	vimm.f32 $0.0e+00  }
0x44f: {  	v29 =	vimm.s32 $0x0;
	v24 =	vimm.s32 $0x0;
	v26 =	vimm.f32 $0.0e+00  }
0x450: {  	v27 =	vimm.s32 $0x0;
	v28 =	vimm.f32 $0.0e+00;
	v33 =	vimm.s32 $0x0  }
0x451: {  	v37 =	vimm.f32 $0.0e+00;
	v30 =	vimm.f32 $0.0e+00;
	v31 =	vimm.s32 $0x0  }
.LBB2_36:
.Ltmp27:
0x452: {  	(pc) =	sbr.rel .LBB2_42-.Ltmp27, $4  }
0x453: {  	v32 =	vimm.f32 $0.0e+00  }
0x454: {  	v29 =	vimm.s32 $0x0;
	v24 =	vimm.s32 $0x0;
	v26 =	vimm.f32 $0.0e+00  }
0x455: {  	v27 =	vimm.s32 $0x0;
	v28 =	vimm.f32 $0.0e+00;
	v33 =	vimm.s32 $0x0  }
0x456: {  	v37 =	vimm.f32 $0.0e+00;
	v30 =	vimm.f32 $0.0e+00;
	v31 =	vimm.s32 $0x0  }
.LBB2_30:
.Ltmp28:
0x457: {  	(pc) =	sbr.rel .LBB2_34-.Ltmp28, $4  }
0x458: {  	v32 =	vimm.f32 $0.0e+00  }
0x459: {  	v29 =	vimm.s32 $0x0;
	v24 =	vimm.s32 $0x0;
	v26 =	vimm.f32 $0.0e+00  }
0x45a: {  	v27 =	vimm.s32 $0x0;
	v28 =	vimm.f32 $0.0e+00;
	v33 =	vimm.s32 $0x0  }
0x45b: {  	v37 =	vimm.f32 $0.0e+00;
	v30 =	vimm.f32 $0.0e+00;
	v31 =	vimm.s32 $0x0  }
.LBB2_38:
.Ltmp29:
0x45c: {  	(pc) =	sbr.rel .LBB2_42-.Ltmp29, $4  }
0x45d: {  	v32 =	vimm.f32 $0.0e+00  }
0x45e: {  	v29 =	vimm.s32 $0x0;
	v24 =	vimm.s32 $0x0;
	v26 =	vimm.f32 $0.0e+00  }
0x45f: {  	v27 =	vimm.s32 $0x0;
	v28 =	vimm.f32 $0.0e+00;
	v33 =	vimm.s32 $0x0  }
0x460: {  	v37 =	vimm.f32 $0.0e+00;
	v30 =	vimm.f32 $0.0e+00;
	v31 =	vimm.s32 $0x0  }
.LBB2_32:
.Ltmp30:
0x461: {  	(pc) =	sbr.rel .LBB2_34-.Ltmp30, $3  }
0x462: {  	_ =	sdelay $0x1  }
0x463: {  	v32 =	vimm.f32 $0.0e+00  }
0x464: {  	v36 =	vimm.s32 $0x0;
	v33 =	vimm.s32 $0x0;
	v37 =	vimm.f32 $0.0e+00  }
.LBB2_40:
.Ltmp31:
0x465: {  	(pc) =	sbr.rel .LBB2_42-.Ltmp31, $3  }
0x466: {  	_ =	sdelay $0x1  }
0x467: {  	v32 =	vimm.f32 $0.0e+00  }
0x468: {  	v36 =	vimm.s32 $0x0;
	v33 =	vimm.s32 $0x0;
	v37 =	vimm.f32 $0.0e+00  }
.LBB2_44:
0x469: {  	_ =	sfence.sel $0x180000  }
0x46a: {  	[bflag:$0x0] =	sbarrier.arrive $0xFFFF  }
0x46b: {  	_ =	strace $0x90000047  }
0x46c: {  	[bflag:$0x2] =	sbarrier.arrive $0xFFFF  }
0x46d: {  	p0 =	sne.s32 s1, $0x0;
	s0 =	rddreg [dreg:$0x4]  }
0x46e: {  	s0 =	sadd.s32 @!p0 $0x100000, s0  }
0x46f: {  	[sflag:s0] =	ssyncadd.tile.s32 @!p0 $0x1;
	_ =	shalt  }
.Lfunc_end2:
_tile_overlayer_lowered:
.L_overlay_start_2:
0x470: {  	(tag) =	ssettag $0x2  }
0x471: {  	s0 =	rddreg [dreg:$0x0];
	s2 =	stileid.u32  }
0x472: {  	s1 =	rddreg [dreg:$0x1];
	p0 =	sne.s32 s2, $0x0  }
0x473: {  	s3 =	rddreg [dreg:$0x2];
	[bflag:$0x3] =	sbarrier.arrive $0xFFFF;
	s2 =	simm.s32 @!p0 $0x1C04  }
0x474: {  	[timem:s3], [sflag:s2] =	dma.local @!p0 [hbm:s0], s1  }
0x475: {  	s0 =	simm.s32 @!p0 $0x4  }
0x476: {  	_ =	swait.ge @!p0 [sflag:s0], s1  }
0x477: {  	s1 =	ssub.s32 @!p0 $0x0, s1;
	[sflag:s0] =	ssyncset.done @!p0 $0x0  }
0x478: {  	[sflag:s0] =	ssyncadd.s32 @!p0 s1  }
0x479: {  	[bflag:$0x3] =	sbarrier.arrive $0xFFFF  }
0x47a: {  	_ =	shalt  }

</sc_bundles>
